<compile_context>
chip_gen: v7x
topology: tpu7x:2x2x1
jax: 0.10.2.dev20260603
libtpu: 0.0.44.dev20260713+nightly
codegen_flags: <defaults>
</compile_context>

<pallas_src>
import dataclasses
import functools

import numpy as np
import jax
import jax.numpy as jnp
from jax import lax
from jax.experimental import pallas as pl
from jax.experimental.pallas import tpu as pltpu
from jax.experimental.pallas import tpu_sc as plsc

N_USERS = 50000
N_ITEMS = 50000
N = N_USERS + N_ITEMS
DIM = 32
H = DIM // 2
E = 1600000
B = 4096
N_LAYERS = 3

NC = 2
NS = 16
LANES = 16

CH = 800
EDGES_PER_SUB = E // NS
CHUNKS = EDGES_PER_SUB // CH
NCHUNKS_N = N // CH

_MESH = plsc.VectorSubcoreMesh(core_axis_name="c", subcore_axis_name="s")

_CP = pltpu.CompilerParams(
    needs_layout_passes=False,
    use_tc_tiling_on_sc=False,
)

def _scale_rows(rows_v, ev_v):
    zero16 = lax.iota(jnp.int32, LANES) * 0

    @pl.loop(0, CH, step=LANES)
    def _(g):
        for t in range(LANES):
            bt = plsc.load_gather(ev_v, [zero16 + (g + t)])
            rows_v[g + t, :] = rows_v[g + t, :] * bt


@functools.partial(
    pl.kernel,
    out_type=(
        jax.ShapeDtypeStruct((N, H), jnp.float32),
        jax.ShapeDtypeStruct((N, H), jnp.float32),
    ),
    mesh=_MESH,
    scratch_types=[
        pltpu.VMEM((CH,), jnp.int32),
        pltpu.VMEM((CH,), jnp.int32),
        pltpu.VMEM((CH,), jnp.float32),
        pltpu.VMEM((CH, H), jnp.float32),
        pltpu.SemaphoreType.DMA,
        pltpu.VMEM_SHARED((N, H), jnp.float32),
    ],
    compiler_params=_CP,
)
def _layer(tl, tr, src, dst, ev, out_l, out_r, src_v, dst_v, ev_v, rows_v,
           sem0, acc):
    c = lax.axis_index("c")
    s = lax.axis_index("s")

    k_lo = (s * NCHUNKS_N) // NS
    k_hi = ((s + 1) * NCHUNKS_N) // NS

    @pl.loop(0, CH)
    def _(i):
        rows_v[i, :] = jnp.zeros((LANES,), jnp.float32)

    @pl.loop(k_lo, k_hi)
    def _(k):
        pltpu.sync_copy(rows_v, acc.at[pl.ds(k * CH, CH)])

    plsc.subcore_barrier()

    def do_core(table_ref, out_ref):
        base_e = s * EDGES_PER_SUB

        def idx_in(ci, sv, dv, vv):
            e0 = base_e + ci * CH
            pltpu.sync_copy(src.at[pl.ds(e0, CH)], sv)
            pltpu.sync_copy(dst.at[pl.ds(e0, CH)], dv)
            pltpu.sync_copy(ev.at[pl.ds(e0, CH)], vv)

        @pl.loop(0, CHUNKS)
        def _(g):
            idx_in(g, src_v, dst_v, ev_v)
            pltpu.async_copy(table_ref.at[src_v], rows_v, sem0).wait()
            _scale_rows(rows_v, ev_v)
            pltpu.sync_copy(rows_v, acc.at[dst_v], add=True)

        plsc.subcore_barrier()

        @pl.loop(k_lo, k_hi)
        def _(k):
            pltpu.sync_copy(acc.at[pl.ds(k * CH, CH)], out_ref.at[pl.ds(k * CH, CH)])

    @pl.when(c == 0)
    def _():
        do_core(tl, out_l)

    @pl.when(c == 1)
    def _():
        do_core(tr, out_r)


NB = 3 * B
RPS = NB // NS


@functools.partial(
    pl.kernel,
    out_type=(
        jax.ShapeDtypeStruct((NB, H), jnp.float32),
        jax.ShapeDtypeStruct((NB, H), jnp.float32),
        jax.ShapeDtypeStruct((NB, H), jnp.float32),
        jax.ShapeDtypeStruct((NB, H), jnp.float32),
    ),
    mesh=_MESH,
    scratch_types=[
        pltpu.VMEM((RPS,), jnp.int32),
        pltpu.VMEM((RPS, H), jnp.float32),
        pltpu.VMEM((RPS, H), jnp.float32),
        pltpu.VMEM((RPS, H), jnp.float32),
        pltpu.VMEM((RPS, H), jnp.float32),
    ],
    compiler_params=_CP,
)
def _final(t0l, t0r, t1l, t1r, t2l, t2r, t3l, t3r, idx,
           mean_l, mean_r, init_l, init_r, idx_v, g0, g1, g2, g3):
    c = lax.axis_index("c")
    s = lax.axis_index("s")
    base = s * RPS
    pltpu.sync_copy(idx.at[pl.ds(base, RPS)], idx_v)

    def do_core(T0, T1, T2, T3, mean_out, init_out):
        pltpu.sync_copy(T0.at[idx_v], g0)
        pltpu.sync_copy(T1.at[idx_v], g1)
        pltpu.sync_copy(T2.at[idx_v], g2)
        pltpu.sync_copy(T3.at[idx_v], g3)
        pltpu.sync_copy(g0, init_out.at[pl.ds(base, RPS)])

        @pl.loop(0, RPS)
        def _(i):
            m = (g0[i, :] + g1[i, :]) + (g2[i, :] + g3[i, :])
            g0[i, :] = m * jnp.float32(0.25)

        pltpu.sync_copy(g0, mean_out.at[pl.ds(base, RPS)])

    @pl.when(c == 0)
    def _():
        do_core(t0l, t1l, t2l, t3l, mean_l, init_l)

    @pl.when(c == 1)
    def _():
        do_core(t0r, t1r, t2r, t3r, mean_r, init_r)


def kernel(users, pos_items, neg_items, edge_index, edge_values, user_emb, item_emb):
    all0 = jnp.concatenate([user_emb, item_emb], axis=0)
    tl = all0[:, :H] + jnp.float32(0.0)
    tr = all0[:, H:] + jnp.float32(0.0)
    src = edge_index[0].astype(jnp.int32)
    dst = edge_index[1].astype(jnp.int32)
    ev = edge_values.astype(jnp.float32)

    tabs = [(tl, tr)]
    for _ in range(N_LAYERS):
        tl, tr = _layer(tl, tr, src, dst, ev)
        tabs.append((tl, tr))

    idx_all = jnp.concatenate([
        users.astype(jnp.int32),
        pos_items.astype(jnp.int32) + N_USERS,
        neg_items.astype(jnp.int32) + N_USERS,
    ])

    mean_l, mean_r, init_l, init_r = _final(
        tabs[0][0], tabs[0][1], tabs[1][0], tabs[1][1],
        tabs[2][0], tabs[2][1], tabs[3][0], tabs[3][1], idx_all,
    )

    mean = jnp.concatenate([mean_l, mean_r], axis=1)
    init = jnp.concatenate([init_l, init_r], axis=1)
    return (
        mean[:B], mean[B:2 * B], mean[2 * B:],
        init[:B], init[B:2 * B], init[2 * B:],
    )

# --- scband reference (transcript-rebuilt; emitter-appended) ---
"""Pipeline reference for scband-light-gcn-22909355557570 (READ-ONLY COPY).

The authoritative reference and input builder live on the scoring server;
editing this copy changes nothing except your own understanding.
"""

import jax, jax.numpy as jnp
import numpy as np

N_USERS = 50000
N_ITEMS = 50000
DIM = 32
N_LAYERS = 3
E = 1600000
N = N_USERS + N_ITEMS
B = 4096


def setup_inputs(seed: int = 0) -> dict:
    key = jax.random.key(seed)
    ks = jax.random.split(key, 7)
    users = jax.random.randint(ks[0], (B,), 0, N_USERS, dtype=jnp.int64 if jax.config.jax_enable_x64 else jnp.int32)
    pos_items = jax.random.randint(ks[1], (B,), 0, N_ITEMS)
    neg_items = jax.random.randint(ks[2], (B,), 0, N_ITEMS)
    edge_index = jax.random.randint(ks[3], (2, E), 0, N)
    edge_values = jax.random.uniform(ks[4], (E,), dtype=jnp.float32) / 16.0
    user_emb = jax.random.normal(ks[5], (N_USERS, DIM), dtype=jnp.float32) * 0.1
    item_emb = jax.random.normal(ks[6], (N_ITEMS, DIM), dtype=jnp.float32) * 0.1
    return {
        "users": users,
        "pos_items": pos_items,
        "neg_items": neg_items,
        "edge_index": edge_index,
        "edge_values": edge_values,
        "user_emb": user_emb,
        "item_emb": item_emb,
    }


def reference(users, pos_items, neg_items, edge_index, edge_values, user_emb, item_emb):
    # computer(): propagate embeddings through the (sparse) normalized adjacency
    all_emb = jnp.concatenate([user_emb, item_emb], axis=0)
    embs = [all_emb]
    src = edge_index[0]
    dst = edge_index[1]
    for _ in range(N_LAYERS):
        # sparse.mm(graph, all_emb): gather from src, weight, scatter-add to dst
        msg = all_emb[src] * edge_values[:, None]
        all_emb = jax.ops.segment_sum(msg, dst, num_segments=N)
        embs.append(all_emb)
    stacked = jnp.stack(embs, axis=1)
    light_out = jnp.mean(stacked, axis=1)
    all_users = light_out[:N_USERS]
    all_items = light_out[N_USERS:]
    users_emb = all_users[users]
    pos_emb = all_items[pos_items]
    neg_emb = all_items[neg_items]
    users_emb_initial = user_emb[users]
    pos_emb_initial = item_emb[pos_items]
    neg_emb_initial = item_emb[neg_items]
    return (users_emb, pos_emb, neg_emb, users_emb_initial, pos_emb_initial, neg_emb_initial)

if __name__ == "__main__":
    import jax
    _d = setup_inputs()
    print(jax.jit(kernel)(*tuple(_d.values())))

</pallas_src>

<mosaic_0001>
#map = affine_map<(d0, d1) -> (0, 0)>
#map1 = affine_map<(d0, d1) -> (0)>
module attributes {stable_mosaic.version = 14 : i64} {
  func.func @_layer(%arg0: i32, %arg1: i32, %arg2: memref<100000x16xf32, #tpu.memory_space<hbm>>, %arg3: memref<100000x16xf32, #tpu.memory_space<hbm>>, %arg4: memref<1600000xi32, #tpu.memory_space<hbm>>, %arg5: memref<1600000xi32, #tpu.memory_space<hbm>>, %arg6: memref<1600000xf32, #tpu.memory_space<hbm>>, %arg7: memref<100000x16xf32, #tpu.memory_space<hbm>>, %arg8: memref<100000x16xf32, #tpu.memory_space<hbm>>, %arg9: memref<800xi32, #tpu.memory_space<vmem>>, %arg10: memref<800xi32, #tpu.memory_space<vmem>>, %arg11: memref<800xf32, #tpu.memory_space<vmem>>, %arg12: memref<800x16xf32, #tpu.memory_space<vmem>>, %arg13: memref<!tpu.dma_semaphore, #tpu.memory_space<semaphore_mem>>, %arg14: memref<100000x16xf32, #tpu.memory_space<vmem_shared>>) attributes {dimension_semantics = [#tpu.dimension_semantics<core_parallel>, #tpu.dimension_semantics<subcore_parallel>], iteration_bounds = array<i64: 2, 16>, scalar_prefetch = 0 : i64, scratch_operands = 6 : i64, tpu.core_type = #tpu.core_type<sc_vector_subcore>, window_params = [{transform_indices = #map}, {transform_indices = #map}, {transform_indices = #map1}, {transform_indices = #map1}, {transform_indices = #map1}, {transform_indices = #map}, {transform_indices = #map}]} {
    %mul3A = arith.constant 125 : i32
    %mul3A_0 = arith.muli %arg1, %mul3A : i32
    %jit3A = arith.constant 16 : i32
    %div3A = arith.divsi %mul3A_0, %jit3A : i32
    %sign3A = arith.constant 0 : i32
    %sign3A_1 = arith.cmpi sgt, %mul3A_0, %sign3A : i32
    %sign3A_2 = arith.extui %sign3A_1 : i1 to i32
    %sign3A_3 = arith.constant 0 : i32
    %sign3A_4 = arith.cmpi slt, %mul3A_0, %sign3A_3 : i32
    %sign3A_5 = arith.extui %sign3A_4 : i1 to i32
    %sign3A_6 = arith.subi %sign3A_2, %sign3A_5 : i32
    %sign3A_7 = arith.constant 0 : i32
    %sign3A_8 = arith.cmpi sgt, %jit3A, %sign3A_7 : i32
    %sign3A_9 = arith.extui %sign3A_8 : i1 to i32
    %sign3A_10 = arith.constant 0 : i32
    %sign3A_11 = arith.cmpi slt, %jit3A, %sign3A_10 : i32
    %sign3A_12 = arith.extui %sign3A_11 : i1 to i32
    %sign3A_13 = arith.subi %sign3A_9, %sign3A_12 : i32
    %ne3A = arith.cmpi ne, %sign3A_6, %sign3A_13 : i32
    %rem3A = arith.remsi %mul3A_0, %jit3A : i32
    %ne3A_14 = arith.constant 0 : i32
    %ne3A_15 = arith.cmpi ne, %rem3A, %ne3A_14 : i32
    %and3A = arith.andi %ne3A, %ne3A_15 : i1
    %sub3A = arith.constant 1 : i32
    %sub3A_16 = arith.subi %div3A, %sub3A : i32
    %select_n3A = arith.select %and3A, %sub3A_16, %div3A : i32
    %add3A = arith.constant 1 : i32
    %add3A_17 = arith.addi %arg1, %add3A : i32
    %mul3A_18 = arith.constant 125 : i32
    %mul3A_19 = arith.muli %add3A_17, %mul3A_18 : i32
    %jit3A_20 = arith.constant 16 : i32
    %div3A_21 = arith.divsi %mul3A_19, %jit3A_20 : i32
    %sign3A_22 = arith.constant 0 : i32
    %sign3A_23 = arith.cmpi sgt, %mul3A_19, %sign3A_22 : i32
    %sign3A_24 = arith.extui %sign3A_23 : i1 to i32
    %sign3A_25 = arith.constant 0 : i32
    %sign3A_26 = arith.cmpi slt, %mul3A_19, %sign3A_25 : i32
    %sign3A_27 = arith.extui %sign3A_26 : i1 to i32
    %sign3A_28 = arith.subi %sign3A_24, %sign3A_27 : i32
    %sign3A_29 = arith.constant 0 : i32
    %sign3A_30 = arith.cmpi sgt, %jit3A_20, %sign3A_29 : i32
    %sign3A_31 = arith.extui %sign3A_30 : i1 to i32
    %sign3A_32 = arith.constant 0 : i32
    %sign3A_33 = arith.cmpi slt, %jit3A_20, %sign3A_32 : i32
    %sign3A_34 = arith.extui %sign3A_33 : i1 to i32
    %sign3A_35 = arith.subi %sign3A_31, %sign3A_34 : i32
    %ne3A_36 = arith.cmpi ne, %sign3A_28, %sign3A_35 : i32
    %rem3A_37 = arith.remsi %mul3A_19, %jit3A_20 : i32
    %ne3A_38 = arith.constant 0 : i32
    %ne3A_39 = arith.cmpi ne, %rem3A_37, %ne3A_38 : i32
    %and3A_40 = arith.andi %ne3A_36, %ne3A_39 : i1
    %sub3A_41 = arith.constant 1 : i32
    %sub3A_42 = arith.subi %div3A_21, %sub3A_41 : i32
    %select_n3A_43 = arith.select %and3A_40, %sub3A_42, %div3A_21 : i32
    %scan3A = arith.constant 0 : i32
    %scan3A_44 = arith.constant 800 : i32
    %scan3A_45 = arith.addi %scan3A, %scan3A_44 : i32
    %scan3A_46 = arith.constant 1 : i32
    scf.for %scan3A_71 = %scan3A to %scan3A_45 step %scan3A_46  : i32 {
      %mul3A_72 = arith.constant 1 : i32
      %mul3A_73 = arith.muli %scan3A_71, %mul3A_72 : i32
      %add3A_74 = arith.constant 0 : i32
      %add3A_75 = arith.addi %add3A_74, %mul3A_73 : i32
      %broadcast_in_dim3A = arith.constant 0.000000e+00 : f32
      %broadcast_in_dim3A_76 = vector.broadcast %broadcast_in_dim3A : f32 to vector<16xf32>
      %swap3A = arith.index_cast %add3A_75 : i32 to index
      %swap3A_77 = arith.constant 0 : index
      %swap3A_78 = tpu.vector_load %arg12[%swap3A, %swap3A_77] {strides = array<i32>} : memref<800x16xf32, #tpu.memory_space<vmem>>, vector<16xf32>,
      tpu.vector_store %arg12[%swap3A, %swap3A_77], %broadcast_in_dim3A_76 {strides = array<i32>} : memref<800x16xf32, #tpu.memory_space<vmem>>, vector<16xf32>,
    }
    %scan3A_47 = arith.constant 800 : i32
    %sub3A_48 = arith.subi %select_n3A_43, %select_n3A : i32
    %sub3A_49 = arith.constant 1 : i32
    %sub3A_50 = arith.constant 1 : i32
    %sub3A_51 = arith.subi %sub3A_49, %sub3A_50 : i32
    %add3A_52 = arith.addi %sub3A_48, %sub3A_51 : i32
    %div3A_53 = arith.constant 1 : i32
    %div3A_54 = arith.divsi %add3A_52, %div3A_53 : i32
    %while3A = arith.constant 1 : i32
    %while3A_55 = arith.constant 0 : i32
    %while3A_56 = arith.subi %div3A_54, %while3A_55 : i32
    %while3A_57 = arith.addi %while3A_55, %while3A_56 : i32
    %while3A_58 = arith.constant 1 : i32
    %while3A_59 = arith.divsi %while3A_56, %while3A_58 : i32
    %while3A_60 = arith.muli %while3A_59, %while3A_58 : i32
    %while3A_61 = arith.addi %while3A_55, %while3A_60 : i32
    %while3A_62 = arith.constant 1 : i32
    scf.for %while3A_71 = %while3A_55 to %while3A_61 step %while3A_62  : i32 {
      %mul3A_72 = arith.muli %while3A_71, %while3A : i32
      %add3A_73 = arith.addi %select_n3A, %mul3A_72 : i32
      %mul3A_74 = arith.constant 800 : i32
      %mul3A_75 = arith.muli %add3A_73, %mul3A_74 : i32
      "tpu.region"() ({
        %run_scoped3A = tpu.sem_alloc : memref<!tpu.dma_semaphore, #tpu.memory_space<semaphore_mem>>
        %dma_start3A = arith.constant 0 : i32
        %dma_start3A_76 = tpu.memref_slice %arg14[%mul3A_75, %dma_start3A] : memref<100000x16xf32, #tpu.memory_space<vmem_shared>> -> memref<800x16xf32, #tpu.memory_space<vmem_shared>>
        %dma_start3A_77 = arith.constant 0 : i32
        %dma_start3A_78 = tpu.memref_slice %arg14[%mul3A_75, %dma_start3A_77] : memref<100000x16xf32, #tpu.memory_space<vmem_shared>> -> memref<800x16xf32, #tpu.memory_space<vmem_shared>>
        tpu.enqueue_dma source(%arg12 : memref<800x16xf32, #tpu.memory_space<vmem>>) target(%dma_start3A_78 : memref<800x16xf32, #tpu.memory_space<vmem_shared>>) target_semaphore(%run_scoped3A : memref<!tpu.dma_semaphore, #tpu.memory_space<semaphore_mem>>)
        %dma_wait3A = arith.constant 0 : i32
        %dma_wait3A_79 = tpu.memref_slice %arg14[%mul3A_75, %dma_wait3A] : memref<100000x16xf32, #tpu.memory_space<vmem_shared>> -> memref<800x16xf32, #tpu.memory_space<vmem_shared>>
        %dma_wait3A_80 = arith.constant 0 : i32
        %dma_wait3A_81 = tpu.memref_slice %arg14[%mul3A_75, %dma_wait3A_80] : memref<100000x16xf32, #tpu.memory_space<vmem_shared>> -> memref<800x16xf32, #tpu.memory_space<vmem_shared>>
        tpu.wait_dma2 semaphore(%run_scoped3A : memref<!tpu.dma_semaphore, #tpu.memory_space<semaphore_mem>>) src(%arg12 : memref<800x16xf32, #tpu.memory_space<vmem>>) dst(%dma_wait3A_81 : memref<800x16xf32, #tpu.memory_space<vmem_shared>>)
        tpu.yield
      }) : () -> ()
    }
    %while3A_63 = arith.constant 1 : i32
    scf.for %while3A_71 = %while3A_61 to %while3A_57 step %while3A_63  : i32 {
      %mul3A_72 = arith.muli %while3A_71, %while3A : i32
      %add3A_73 = arith.addi %select_n3A, %mul3A_72 : i32
      %mul3A_74 = arith.constant 800 : i32
      %mul3A_75 = arith.muli %add3A_73, %mul3A_74 : i32
      "tpu.region"() ({
        %run_scoped3A = tpu.sem_alloc : memref<!tpu.dma_semaphore, #tpu.memory_space<semaphore_mem>>
        %dma_start3A = arith.constant 0 : i32
        %dma_start3A_76 = tpu.memref_slice %arg14[%mul3A_75, %dma_start3A] : memref<100000x16xf32, #tpu.memory_space<vmem_shared>> -> memref<800x16xf32, #tpu.memory_space<vmem_shared>>
        %dma_start3A_77 = arith.constant 0 : i32
        %dma_start3A_78 = tpu.memref_slice %arg14[%mul3A_75, %dma_start3A_77] : memref<100000x16xf32, #tpu.memory_space<vmem_shared>> -> memref<800x16xf32, #tpu.memory_space<vmem_shared>>
        tpu.enqueue_dma source(%arg12 : memref<800x16xf32, #tpu.memory_space<vmem>>) target(%dma_start3A_78 : memref<800x16xf32, #tpu.memory_space<vmem_shared>>) target_semaphore(%run_scoped3A : memref<!tpu.dma_semaphore, #tpu.memory_space<semaphore_mem>>)
        %dma_wait3A = arith.constant 0 : i32
        %dma_wait3A_79 = tpu.memref_slice %arg14[%mul3A_75, %dma_wait3A] : memref<100000x16xf32, #tpu.memory_space<vmem_shared>> -> memref<800x16xf32, #tpu.memory_space<vmem_shared>>
        %dma_wait3A_80 = arith.constant 0 : i32
        %dma_wait3A_81 = tpu.memref_slice %arg14[%mul3A_75, %dma_wait3A_80] : memref<100000x16xf32, #tpu.memory_space<vmem_shared>> -> memref<800x16xf32, #tpu.memory_space<vmem_shared>>
        tpu.wait_dma2 semaphore(%run_scoped3A : memref<!tpu.dma_semaphore, #tpu.memory_space<semaphore_mem>>) src(%arg12 : memref<800x16xf32, #tpu.memory_space<vmem>>) dst(%dma_wait3A_81 : memref<800x16xf32, #tpu.memory_space<vmem_shared>>)
        tpu.yield
      }) : () -> ()
    }
    %barrier3A = arith.constant 0 : index
    tpu.barrier barrier_id(%barrier3A)
    %eq3A = arith.constant 0 : i32
    %eq3A_64 = arith.cmpi eq, %arg0, %eq3A : i32
    %convert_element_type3A = arith.extui %eq3A_64 : i1 to i32
    %cond3A = arith.constant 0 : i32
    %cond3A_65 = arith.cmpi ne, %convert_element_type3A, %cond3A : i32
    scf.if %cond3A_65 {
      %mul3A_71 = arith.constant 100000 : i32
      %mul3A_72 = arith.muli %arg1, %mul3A_71 : i32
      %scan3A_73 = arith.constant 0 : i32
      %scan3A_74 = arith.constant 125 : i32
      %scan3A_75 = arith.addi %scan3A_73, %scan3A_74 : i32
      %scan3A_76 = arith.constant 1 : i32
      scf.for %scan3A_96 = %scan3A_73 to %scan3A_75 step %scan3A_76  : i32 {
        %mul3A_97 = arith.constant 1 : i32
        %mul3A_98 = arith.muli %scan3A_96, %mul3A_97 : i32
        %add3A_99 = arith.constant 0 : i32
        %add3A_100 = arith.addi %add3A_99, %mul3A_98 : i32
        %mul3A_101 = arith.constant 800 : i32
        %mul3A_102 = arith.muli %add3A_100, %mul3A_101 : i32
        %add3A_103 = arith.addi %mul3A_72, %mul3A_102 : i32
        "tpu.region"() ({
          %run_scoped3A = tpu.sem_alloc : memref<!tpu.dma_semaphore, #tpu.memory_space<semaphore_mem>>
          %dma_start3A_116 = tpu.memref_slice %arg4[%add3A_103] : memref<1600000xi32, #tpu.memory_space<hbm>> -> memref<800xi32, #tpu.memory_space<hbm>>
          %dma_start3A_117 = tpu.memref_slice %arg4[%add3A_103] : memref<1600000xi32, #tpu.memory_space<hbm>> -> memref<800xi32, #tpu.memory_space<hbm>>
          tpu.enqueue_dma source(%dma_start3A_117 : memref<800xi32, #tpu.memory_space<hbm>>) target(%arg9 : memref<800xi32, #tpu.memory_space<vmem>>) target_semaphore(%run_scoped3A : memref<!tpu.dma_semaphore, #tpu.memory_space<semaphore_mem>>)
          %dma_wait3A_118 = tpu.memref_slice %arg4[%add3A_103] : memref<1600000xi32, #tpu.memory_space<hbm>> -> memref<800xi32, #tpu.memory_space<hbm>>
          %dma_wait3A_119 = tpu.memref_slice %arg4[%add3A_103] : memref<1600000xi32, #tpu.memory_space<hbm>> -> memref<800xi32, #tpu.memory_space<hbm>>
          tpu.wait_dma2 semaphore(%run_scoped3A : memref<!tpu.dma_semaphore, #tpu.memory_space<semaphore_mem>>) src(%dma_wait3A_119 : memref<800xi32, #tpu.memory_space<hbm>>) dst(%arg9 : memref<800xi32, #tpu.memory_space<vmem>>)
          tpu.yield
        }) : () -> ()
        "tpu.region"() ({
          %run_scoped3A = tpu.sem_alloc : memref<!tpu.dma_semaphore, #tpu.memory_space<semaphore_mem>>
          %dma_start3A_116 = tpu.memref_slice %arg5[%add3A_103] : memref<1600000xi32, #tpu.memory_space<hbm>> -> memref<800xi32, #tpu.memory_space<hbm>>
          %dma_start3A_117 = tpu.memref_slice %arg5[%add3A_103] : memref<1600000xi32, #tpu.memory_space<hbm>> -> memref<800xi32, #tpu.memory_space<hbm>>
          tpu.enqueue_dma source(%dma_start3A_117 : memref<800xi32, #tpu.memory_space<hbm>>) target(%arg10 : memref<800xi32, #tpu.memory_space<vmem>>) target_semaphore(%run_scoped3A : memref<!tpu.dma_semaphore, #tpu.memory_space<semaphore_mem>>)
          %dma_wait3A_118 = tpu.memref_slice %arg5[%add3A_103] : memref<1600000xi32, #tpu.memory_space<hbm>> -> memref<800xi32, #tpu.memory_space<hbm>>
          %dma_wait3A_119 = tpu.memref_slice %arg5[%add3A_103] : memref<1600000xi32, #tpu.memory_space<hbm>> -> memref<800xi32, #tpu.memory_space<hbm>>
          tpu.wait_dma2 semaphore(%run_scoped3A : memref<!tpu.dma_semaphore, #tpu.memory_space<semaphore_mem>>) src(%dma_wait3A_119 : memref<800xi32, #tpu.memory_space<hbm>>) dst(%arg10 : memref<800xi32, #tpu.memory_space<vmem>>)
          tpu.yield
        }) : () -> ()
        "tpu.region"() ({
          %run_scoped3A = tpu.sem_alloc : memref<!tpu.dma_semaphore, #tpu.memory_space<semaphore_mem>>
          %dma_start3A_116 = tpu.memref_slice %arg6[%add3A_103] : memref<1600000xf32, #tpu.memory_space<hbm>> -> memref<800xf32, #tpu.memory_space<hbm>>
          %dma_start3A_117 = tpu.memref_slice %arg6[%add3A_103] : memref<1600000xf32, #tpu.memory_space<hbm>> -> memref<800xf32, #tpu.memory_space<hbm>>
          tpu.enqueue_dma source(%dma_start3A_117 : memref<800xf32, #tpu.memory_space<hbm>>) target(%arg11 : memref<800xf32, #tpu.memory_space<vmem>>) target_semaphore(%run_scoped3A : memref<!tpu.dma_semaphore, #tpu.memory_space<semaphore_mem>>)
          %dma_wait3A_118 = tpu.memref_slice %arg6[%add3A_103] : memref<1600000xf32, #tpu.memory_space<hbm>> -> memref<800xf32, #tpu.memory_space<hbm>>
          %dma_wait3A_119 = tpu.memref_slice %arg6[%add3A_103] : memref<1600000xf32, #tpu.memory_space<hbm>> -> memref<800xf32, #tpu.memory_space<hbm>>
          tpu.wait_dma2 semaphore(%run_scoped3A : memref<!tpu.dma_semaphore, #tpu.memory_space<semaphore_mem>>) src(%dma_wait3A_119 : memref<800xf32, #tpu.memory_space<hbm>>) dst(%arg11 : memref<800xf32, #tpu.memory_space<vmem>>)
          tpu.yield
        }) : () -> ()
        %dma_start3A = arith.constant 0 : i32
        %dma_start3A_104 = arith.constant 0 : i32
        %dma_start3A_105 = tpu.memref_slice %arg2[%dma_start3A, %dma_start3A_104] : memref<100000x16xf32, #tpu.memory_space<hbm>> -> memref<100000x16xf32, #tpu.memory_space<hbm>>
        tpu.enqueue_indirect_dma source(%dma_start3A_105 : memref<100000x16xf32, #tpu.memory_space<hbm>>) target(%arg12 : memref<800x16xf32, #tpu.memory_space<vmem>>) offsets(%arg9 : memref<800xi32, #tpu.memory_space<vmem>>) semaphore(%arg13 : memref<!tpu.dma_semaphore, #tpu.memory_space<semaphore_mem>>)
        %dma_wait3A = arith.constant 0 : i32
        %dma_wait3A_106 = arith.constant 0 : i32
        %dma_wait3A_107 = tpu.memref_slice %arg2[%dma_wait3A, %dma_wait3A_106] : memref<100000x16xf32, #tpu.memory_space<hbm>> -> memref<100000x16xf32, #tpu.memory_space<hbm>>
        tpu.wait_indirect_dma semaphore(%arg13 : memref<!tpu.dma_semaphore, #tpu.memory_space<semaphore_mem>>) src(%dma_wait3A_107 : memref<100000x16xf32, #tpu.memory_space<hbm>>) dst(%arg12 : memref<800x16xf32, #tpu.memory_space<vmem>>)
        %iota3A = tpu.iota {dimensions = array<i32: 0>} : vector<16xi32>
        %mul3A_108 = arith.constant 0 : i32
        %mul3A_109 = vector.broadcast %mul3A_108 : i32 to vector<16xi32>
        %mul3A_110 = arith.muli %iota3A, %mul3A_109 : vector<16xi32>
        %scan3A_111 = arith.constant 0 : i32
        %scan3A_112 = arith.constant 50 : i32
        %scan3A_113 = arith.addi %scan3A_111, %scan3A_112 : i32
        %scan3A_114 = arith.constant 1 : i32
        scf.for %scan3A_116 = %scan3A_111 to %scan3A_113 step %scan3A_114  : i32 {
          %mul3A_117 = arith.constant 16 : i32
          %mul3A_118 = arith.muli %scan3A_116, %mul3A_117 : i32
          %add3A_119 = arith.constant 0 : i32
          %add3A_120 = arith.addi %add3A_119, %mul3A_118 : i32
          %add3A_121 = arith.constant 0 : i32
          %add3A_122 = arith.addi %add3A_120, %add3A_121 : i32
          %add3A_123 = vector.broadcast %add3A_122 : i32 to vector<16xi32>
          %add3A_124 = arith.addi %mul3A_110, %add3A_123 : vector<16xi32>
          %gather3A = tpu.vector_load_idx %arg11[%add3A_124] : memref<800xf32, #tpu.memory_space<vmem>>[vector<16xi32>], vector<16xf32>,
          %add3A_125 = arith.constant 0 : i32
          %add3A_126 = arith.addi %add3A_120, %add3A_125 : i32
          %get3A = arith.index_cast %add3A_126 : i32 to index
          %get3A_127 = arith.constant 0 : index
          %get3A_128 = tpu.vector_load %arg12[%get3A, %get3A_127] {strides = array<i32>} : memref<800x16xf32, #tpu.memory_space<vmem>>, vector<16xf32>,
          %mul3A_129 = arith.mulf %get3A_128, %gather3A : vector<16xf32>
          %add3A_130 = arith.constant 0 : i32
          %add3A_131 = arith.addi %add3A_120, %add3A_130 : i32
          %swap3A = arith.index_cast %add3A_131 : i32 to index
          %swap3A_132 = arith.constant 0 : index
          %swap3A_133 = tpu.vector_load %arg12[%swap3A, %swap3A_132] {strides = array<i32>} : memref<800x16xf32, #tpu.memory_space<vmem>>, vector<16xf32>,
          tpu.vector_store %arg12[%swap3A, %swap3A_132], %mul3A_129 {strides = array<i32>} : memref<800x16xf32, #tpu.memory_space<vmem>>, vector<16xf32>,
          %add3A_134 = arith.constant 1 : i32
          %add3A_135 = arith.addi %add3A_120, %add3A_134 : i32
          %add3A_136 = vector.broadcast %add3A_135 : i32 to vector<16xi32>
          %add3A_137 = arith.addi %mul3A_110, %add3A_136 : vector<16xi32>
          %gather3A_138 = tpu.vector_load_idx %arg11[%add3A_137] : memref<800xf32, #tpu.memory_space<vmem>>[vector<16xi32>], vector<16xf32>,
          %add3A_139 = arith.constant 1 : i32
          %add3A_140 = arith.addi %add3A_120, %add3A_139 : i32
          %get3A_141 = arith.index_cast %add3A_140 : i32 to index
          %get3A_142 = arith.constant 0 : index
          %get3A_143 = tpu.vector_load %arg12[%get3A_141, %get3A_142] {strides = array<i32>} : memref<800x16xf32, #tpu.memory_space<vmem>>, vector<16xf32>,
          %mul3A_144 = arith.mulf %get3A_143, %gather3A_138 : vector<16xf32>
          %add3A_145 = arith.constant 1 : i32
          %add3A_146 = arith.addi %add3A_120, %add3A_145 : i32
          %swap3A_147 = arith.index_cast %add3A_146 : i32 to index
          %swap3A_148 = arith.constant 0 : index
          %swap3A_149 = tpu.vector_load %arg12[%swap3A_147, %swap3A_148] {strides = array<i32>} : memref<800x16xf32, #tpu.memory_space<vmem>>, vector<16xf32>,
          tpu.vector_store %arg12[%swap3A_147, %swap3A_148], %mul3A_144 {strides = array<i32>} : memref<800x16xf32, #tpu.memory_space<vmem>>, vector<16xf32>,
          %add3A_150 = arith.constant 2 : i32
          %add3A_151 = arith.addi %add3A_120, %add3A_150 : i32
          %add3A_152 = vector.broadcast %add3A_151 : i32 to vector<16xi32>
          %add3A_153 = arith.addi %mul3A_110, %add3A_152 : vector<16xi32>
          %gather3A_154 = tpu.vector_load_idx %arg11[%add3A_153] : memref<800xf32, #tpu.memory_space<vmem>>[vector<16xi32>], vector<16xf32>,
          %add3A_155 = arith.constant 2 : i32
          %add3A_156 = arith.addi %add3A_120, %add3A_155 : i32
          %get3A_157 = arith.index_cast %add3A_156 : i32 to index
          %get3A_158 = arith.constant 0 : index
          %get3A_159 = tpu.vector_load %arg12[%get3A_157, %get3A_158] {strides = array<i32>} : memref<800x16xf32, #tpu.memory_space<vmem>>, vector<16xf32>,
          %mul3A_160 = arith.mulf %get3A_159, %gather3A_154 : vector<16xf32>
          %add3A_161 = arith.constant 2 : i32
          %add3A_162 = arith.addi %add3A_120, %add3A_161 : i32
          %swap3A_163 = arith.index_cast %add3A_162 : i32 to index
          %swap3A_164 = arith.constant 0 : index
          %swap3A_165 = tpu.vector_load %arg12[%swap3A_163, %swap3A_164] {strides = array<i32>} : memref<800x16xf32, #tpu.memory_space<vmem>>, vector<16xf32>,
          tpu.vector_store %arg12[%swap3A_163, %swap3A_164], %mul3A_160 {strides = array<i32>} : memref<800x16xf32, #tpu.memory_space<vmem>>, vector<16xf32>,
          %add3A_166 = arith.constant 3 : i32
          %add3A_167 = arith.addi %add3A_120, %add3A_166 : i32
          %add3A_168 = vector.broadcast %add3A_167 : i32 to vector<16xi32>
          %add3A_169 = arith.addi %mul3A_110, %add3A_168 : vector<16xi32>
          %gather3A_170 = tpu.vector_load_idx %arg11[%add3A_169] : memref<800xf32, #tpu.memory_space<vmem>>[vector<16xi32>], vector<16xf32>,
          %add3A_171 = arith.constant 3 : i32
          %add3A_172 = arith.addi %add3A_120, %add3A_171 : i32
          %get3A_173 = arith.index_cast %add3A_172 : i32 to index
          %get3A_174 = arith.constant 0 : index
          %get3A_175 = tpu.vector_load %arg12[%get3A_173, %get3A_174] {strides = array<i32>} : memref<800x16xf32, #tpu.memory_space<vmem>>, vector<16xf32>,
          %mul3A_176 = arith.mulf %get3A_175, %gather3A_170 : vector<16xf32>
          %add3A_177 = arith.constant 3 : i32
          %add3A_178 = arith.addi %add3A_120, %add3A_177 : i32
          %swap3A_179 = arith.index_cast %add3A_178 : i32 to index
          %swap3A_180 = arith.constant 0 : index
          %swap3A_181 = tpu.vector_load %arg12[%swap3A_179, %swap3A_180] {strides = array<i32>} : memref<800x16xf32, #tpu.memory_space<vmem>>, vector<16xf32>,
          tpu.vector_store %arg12[%swap3A_179, %swap3A_180], %mul3A_176 {strides = array<i32>} : memref<800x16xf32, #tpu.memory_space<vmem>>, vector<16xf32>,
          %add3A_182 = arith.constant 4 : i32
          %add3A_183 = arith.addi %add3A_120, %add3A_182 : i32
          %add3A_184 = vector.broadcast %add3A_183 : i32 to vector<16xi32>
          %add3A_185 = arith.addi %mul3A_110, %add3A_184 : vector<16xi32>
          %gather3A_186 = tpu.vector_load_idx %arg11[%add3A_185] : memref<800xf32, #tpu.memory_space<vmem>>[vector<16xi32>], vector<16xf32>,
          %add3A_187 = arith.constant 4 : i32
          %add3A_188 = arith.addi %add3A_120, %add3A_187 : i32
          %get3A_189 = arith.index_cast %add3A_188 : i32 to index
          %get3A_190 = arith.constant 0 : index
          %get3A_191 = tpu.vector_load %arg12[%get3A_189, %get3A_190] {strides = array<i32>} : memref<800x16xf32, #tpu.memory_space<vmem>>, vector<16xf32>,
          %mul3A_192 = arith.mulf %get3A_191, %gather3A_186 : vector<16xf32>
          %add3A_193 = arith.constant 4 : i32
          %add3A_194 = arith.addi %add3A_120, %add3A_193 : i32
          %swap3A_195 = arith.index_cast %add3A_194 : i32 to index
          %swap3A_196 = arith.constant 0 : index
          %swap3A_197 = tpu.vector_load %arg12[%swap3A_195, %swap3A_196] {strides = array<i32>} : memref<800x16xf32, #tpu.memory_space<vmem>>, vector<16xf32>,
          tpu.vector_store %arg12[%swap3A_195, %swap3A_196], %mul3A_192 {strides = array<i32>} : memref<800x16xf32, #tpu.memory_space<vmem>>, vector<16xf32>,
          %add3A_198 = arith.constant 5 : i32
          %add3A_199 = arith.addi %add3A_120, %add3A_198 : i32
          %add3A_200 = vector.broadcast %add3A_199 : i32 to vector<16xi32>
          %add3A_201 = arith.addi %mul3A_110, %add3A_200 : vector<16xi32>
          %gather3A_202 = tpu.vector_load_idx %arg11[%add3A_201] : memref<800xf32, #tpu.memory_space<vmem>>[vector<16xi32>], vector<16xf32>,
          %add3A_203 = arith.constant 5 : i32
          %add3A_204 = arith.addi %add3A_120, %add3A_203 : i32
          %get3A_205 = arith.index_cast %add3A_204 : i32 to index
          %get3A_206 = arith.constant 0 : index
          %get3A_207 = tpu.vector_load %arg12[%get3A_205, %get3A_206] {strides = array<i32>} : memref<800x16xf32, #tpu.memory_space<vmem>>, vector<16xf32>,
          %mul3A_208 = arith.mulf %get3A_207, %gather3A_202 : vector<16xf32>
          %add3A_209 = arith.constant 5 : i32
          %add3A_210 = arith.addi %add3A_120, %add3A_209 : i32
          %swap3A_211 = arith.index_cast %add3A_210 : i32 to index
          %swap3A_212 = arith.constant 0 : index
          %swap3A_213 = tpu.vector_load %arg12[%swap3A_211, %swap3A_212] {strides = array<i32>} : memref<800x16xf32, #tpu.memory_space<vmem>>, vector<16xf32>,
          tpu.vector_store %arg12[%swap3A_211, %swap3A_212], %mul3A_208 {strides = array<i32>} : memref<800x16xf32, #tpu.memory_space<vmem>>, vector<16xf32>,
          %add3A_214 = arith.constant 6 : i32
          %add3A_215 = arith.addi %add3A_120, %add3A_214 : i32
          %add3A_216 = vector.broadcast %add3A_215 : i32 to vector<16xi32>
          %add3A_217 = arith.addi %mul3A_110, %add3A_216 : vector<16xi32>
          %gather3A_218 = tpu.vector_load_idx %arg11[%add3A_217] : memref<800xf32, #tpu.memory_space<vmem>>[vector<16xi32>], vector<16xf32>,
          %add3A_219 = arith.constant 6 : i32
          %add3A_220 = arith.addi %add3A_120, %add3A_219 : i32
          %get3A_221 = arith.index_cast %add3A_220 : i32 to index
          %get3A_222 = arith.constant 0 : index
          %get3A_223 = tpu.vector_load %arg12[%get3A_221, %get3A_222] {strides = array<i32>} : memref<800x16xf32, #tpu.memory_space<vmem>>, vector<16xf32>,
          %mul3A_224 = arith.mulf %get3A_223, %gather3A_218 : vector<16xf32>
          %add3A_225 = arith.constant 6 : i32
          %add3A_226 = arith.addi %add3A_120, %add3A_225 : i32
          %swap3A_227 = arith.index_cast %add3A_226 : i32 to index
          %swap3A_228 = arith.constant 0 : index
          %swap3A_229 = tpu.vector_load %arg12[%swap3A_227, %swap3A_228] {strides = array<i32>} : memref<800x16xf32, #tpu.memory_space<vmem>>, vector<16xf32>,
          tpu.vector_store %arg12[%swap3A_227, %swap3A_228], %mul3A_224 {strides = array<i32>} : memref<800x16xf32, #tpu.memory_space<vmem>>, vector<16xf32>,
          %add3A_230 = arith.constant 7 : i32
          %add3A_231 = arith.addi %add3A_120, %add3A_230 : i32
          %add3A_232 = vector.broadcast %add3A_231 : i32 to vector<16xi32>
          %add3A_233 = arith.addi %mul3A_110, %add3A_232 : vector<16xi32>
          %gather3A_234 = tpu.vector_load_idx %arg11[%add3A_233] : memref<800xf32, #tpu.memory_space<vmem>>[vector<16xi32>], vector<16xf32>,
          %add3A_235 = arith.constant 7 : i32
          %add3A_236 = arith.addi %add3A_120, %add3A_235 : i32
          %get3A_237 = arith.index_cast %add3A_236 : i32 to index
          %get3A_238 = arith.constant 0 : index
          %get3A_239 = tpu.vector_load %arg12[%get3A_237, %get3A_238] {strides = array<i32>} : memref<800x16xf32, #tpu.memory_space<vmem>>, vector<16xf32>,
          %mul3A_240 = arith.mulf %get3A_239, %gather3A_234 : vector<16xf32>
          %add3A_241 = arith.constant 7 : i32
          %add3A_242 = arith.addi %add3A_120, %add3A_241 : i32
          %swap3A_243 = arith.index_cast %add3A_242 : i32 to index
          %swap3A_244 = arith.constant 0 : index
          %swap3A_245 = tpu.vector_load %arg12[%swap3A_243, %swap3A_244] {strides = array<i32>} : memref<800x16xf32, #tpu.memory_space<vmem>>, vector<16xf32>,
          tpu.vector_store %arg12[%swap3A_243, %swap3A_244], %mul3A_240 {strides = array<i32>} : memref<800x16xf32, #tpu.memory_space<vmem>>, vector<16xf32>,
          %add3A_246 = arith.constant 8 : i32
          %add3A_247 = arith.addi %add3A_120, %add3A_246 : i32
          %add3A_248 = vector.broadcast %add3A_247 : i32 to vector<16xi32>
          %add3A_249 = arith.addi %mul3A_110, %add3A_248 : vector<16xi32>
          %gather3A_250 = tpu.vector_load_idx %arg11[%add3A_249] : memref<800xf32, #tpu.memory_space<vmem>>[vector<16xi32>], vector<16xf32>,
          %add3A_251 = arith.constant 8 : i32
          %add3A_252 = arith.addi %add3A_120, %add3A_251 : i32
          %get3A_253 = arith.index_cast %add3A_252 : i32 to index
          %get3A_254 = arith.constant 0 : index
          %get3A_255 = tpu.vector_load %arg12[%get3A_253, %get3A_254] {strides = array<i32>} : memref<800x16xf32, #tpu.memory_space<vmem>>, vector<16xf32>,
          %mul3A_256 = arith.mulf %get3A_255, %gather3A_250 : vector<16xf32>
          %add3A_257 = arith.constant 8 : i32
          %add3A_258 = arith.addi %add3A_120, %add3A_257 : i32
          %swap3A_259 = arith.index_cast %add3A_258 : i32 to index
          %swap3A_260 = arith.constant 0 : index
          %swap3A_261 = tpu.vector_load %arg12[%swap3A_259, %swap3A_260] {strides = array<i32>} : memref<800x16xf32, #tpu.memory_space<vmem>>, vector<16xf32>,
          tpu.vector_store %arg12[%swap3A_259, %swap3A_260], %mul3A_256 {strides = array<i32>} : memref<800x16xf32, #tpu.memory_space<vmem>>, vector<16xf32>,
          %add3A_262 = arith.constant 9 : i32
          %add3A_263 = arith.addi %add3A_120, %add3A_262 : i32
          %add3A_264 = vector.broadcast %add3A_263 : i32 to vector<16xi32>
          %add3A_265 = arith.addi %mul3A_110, %add3A_264 : vector<16xi32>
          %gather3A_266 = tpu.vector_load_idx %arg11[%add3A_265] : memref<800xf32, #tpu.memory_space<vmem>>[vector<16xi32>], vector<16xf32>,
          %add3A_267 = arith.constant 9 : i32
          %add3A_268 = arith.addi %add3A_120, %add3A_267 : i32
          %get3A_269 = arith.index_cast %add3A_268 : i32 to index
          %get3A_270 = arith.constant 0 : index
          %get3A_271 = tpu.vector_load %arg12[%get3A_269, %get3A_270] {strides = array<i32>} : memref<800x16xf32, #tpu.memory_space<vmem>>, vector<16xf32>,
          %mul3A_272 = arith.mulf %get3A_271, %gather3A_266 : vector<16xf32>
          %add3A_273 = arith.constant 9 : i32
          %add3A_274 = arith.addi %add3A_120, %add3A_273 : i32
          %swap3A_275 = arith.index_cast %add3A_274 : i32 to index
          %swap3A_276 = arith.constant 0 : index
          %swap3A_277 = tpu.vector_load %arg12[%swap3A_275, %swap3A_276] {strides = array<i32>} : memref<800x16xf32, #tpu.memory_space<vmem>>, vector<16xf32>,
          tpu.vector_store %arg12[%swap3A_275, %swap3A_276], %mul3A_272 {strides = array<i32>} : memref<800x16xf32, #tpu.memory_space<vmem>>, vector<16xf32>,
          %add3A_278 = arith.constant 10 : i32
          %add3A_279 = arith.addi %add3A_120, %add3A_278 : i32
          %add3A_280 = vector.broadcast %add3A_279 : i32 to vector<16xi32>
          %add3A_281 = arith.addi %mul3A_110, %add3A_280 : vector<16xi32>
          %gather3A_282 = tpu.vector_load_idx %arg11[%add3A_281] : memref<800xf32, #tpu.memory_space<vmem>>[vector<16xi32>], vector<16xf32>,
          %add3A_283 = arith.constant 10 : i32
          %add3A_284 = arith.addi %add3A_120, %add3A_283 : i32
          %get3A_285 = arith.index_cast %add3A_284 : i32 to index
          %get3A_286 = arith.constant 0 : index
          %get3A_287 = tpu.vector_load %arg12[%get3A_285, %get3A_286] {strides = array<i32>} : memref<800x16xf32, #tpu.memory_space<vmem>>, vector<16xf32>,
          %mul3A_288 = arith.mulf %get3A_287, %gather3A_282 : vector<16xf32>
          %add3A_289 = arith.constant 10 : i32
          %add3A_290 = arith.addi %add3A_120, %add3A_289 : i32
          %swap3A_291 = arith.index_cast %add3A_290 : i32 to index
          %swap3A_292 = arith.constant 0 : index
          %swap3A_293 = tpu.vector_load %arg12[%swap3A_291, %swap3A_292] {strides = array<i32>} : memref<800x16xf32, #tpu.memory_space<vmem>>, vector<16xf32>,
          tpu.vector_store %arg12[%swap3A_291, %swap3A_292], %mul3A_288 {strides = array<i32>} : memref<800x16xf32, #tpu.memory_space<vmem>>, vector<16xf32>,
          %add3A_294 = arith.constant 11 : i32
          %add3A_295 = arith.addi %add3A_120, %add3A_294 : i32
          %add3A_296 = vector.broadcast %add3A_295 : i32 to vector<16xi32>
          %add3A_297 = arith.addi %mul3A_110, %add3A_296 : vector<16xi32>
          %gather3A_298 = tpu.vector_load_idx %arg11[%add3A_297] : memref<800xf32, #tpu.memory_space<vmem>>[vector<16xi32>], vector<16xf32>,
          %add3A_299 = arith.constant 11 : i32
          %add3A_300 = arith.addi %add3A_120, %add3A_299 : i32
          %get3A_301 = arith.index_cast %add3A_300 : i32 to index
          %get3A_302 = arith.constant 0 : index
          %get3A_303 = tpu.vector_load %arg12[%get3A_301, %get3A_302] {strides = array<i32>} : memref<800x16xf32, #tpu.memory_space<vmem>>, vector<16xf32>,
          %mul3A_304 = arith.mulf %get3A_303, %gather3A_298 : vector<16xf32>
          %add3A_305 = arith.constant 11 : i32
          %add3A_306 = arith.addi %add3A_120, %add3A_305 : i32
          %swap3A_307 = arith.index_cast %add3A_306 : i32 to index
          %swap3A_308 = arith.constant 0 : index
          %swap3A_309 = tpu.vector_load %arg12[%swap3A_307, %swap3A_308] {strides = array<i32>} : memref<800x16xf32, #tpu.memory_space<vmem>>, vector<16xf32>,
          tpu.vector_store %arg12[%swap3A_307, %swap3A_308], %mul3A_304 {strides = array<i32>} : memref<800x16xf32, #tpu.memory_space<vmem>>, vector<16xf32>,
          %add3A_310 = arith.constant 12 : i32
          %add3A_311 = arith.addi %add3A_120, %add3A_310 : i32
          %add3A_312 = vector.broadcast %add3A_311 : i32 to vector<16xi32>
          %add3A_313 = arith.addi %mul3A_110, %add3A_312 : vector<16xi32>
          %gather3A_314 = tpu.vector_load_idx %arg11[%add3A_313] : memref<800xf32, #tpu.memory_space<vmem>>[vector<16xi32>], vector<16xf32>,
          %add3A_315 = arith.constant 12 : i32
          %add3A_316 = arith.addi %add3A_120, %add3A_315 : i32
          %get3A_317 = arith.index_cast %add3A_316 : i32 to index
          %get3A_318 = arith.constant 0 : index
          %get3A_319 = tpu.vector_load %arg12[%get3A_317, %get3A_318] {strides = array<i32>} : memref<800x16xf32, #tpu.memory_space<vmem>>, vector<16xf32>,
          %mul3A_320 = arith.mulf %get3A_319, %gather3A_314 : vector<16xf32>
          %add3A_321 = arith.constant 12 : i32
          %add3A_322 = arith.addi %add3A_120, %add3A_321 : i32
          %swap3A_323 = arith.index_cast %add3A_322 : i32 to index
          %swap3A_324 = arith.constant 0 : index
          %swap3A_325 = tpu.vector_load %arg12[%swap3A_323, %swap3A_324] {strides = array<i32>} : memref<800x16xf32, #tpu.memory_space<vmem>>, vector<16xf32>,
          tpu.vector_store %arg12[%swap3A_323, %swap3A_324], %mul3A_320 {strides = array<i32>} : memref<800x16xf32, #tpu.memory_space<vmem>>, vector<16xf32>,
          %add3A_326 = arith.constant 13 : i32
          %add3A_327 = arith.addi %add3A_120, %add3A_326 : i32
          %add3A_328 = vector.broadcast %add3A_327 : i32 to vector<16xi32>
          %add3A_329 = arith.addi %mul3A_110, %add3A_328 : vector<16xi32>
          %gather3A_330 = tpu.vector_load_idx %arg11[%add3A_329] : memref<800xf32, #tpu.memory_space<vmem>>[vector<16xi32>], vector<16xf32>,
          %add3A_331 = arith.constant 13 : i32
          %add3A_332 = arith.addi %add3A_120, %add3A_331 : i32
          %get3A_333 = arith.index_cast %add3A_332 : i32 to index
          %get3A_334 = arith.constant 0 : index
          %get3A_335 = tpu.vector_load %arg12[%get3A_333, %get3A_334] {strides = array<i32>} : memref<800x16xf32, #tpu.memory_space<vmem>>, vector<16xf32>,
          %mul3A_336 = arith.mulf %get3A_335, %gather3A_330 : vector<16xf32>
          %add3A_337 = arith.constant 13 : i32
          %add3A_338 = arith.addi %add3A_120, %add3A_337 : i32
          %swap3A_339 = arith.index_cast %add3A_338 : i32 to index
          %swap3A_340 = arith.constant 0 : index
          %swap3A_341 = tpu.vector_load %arg12[%swap3A_339, %swap3A_340] {strides = array<i32>} : memref<800x16xf32, #tpu.memory_space<vmem>>, vector<16xf32>,
          tpu.vector_store %arg12[%swap3A_339, %swap3A_340], %mul3A_336 {strides = array<i32>} : memref<800x16xf32, #tpu.memory_space<vmem>>, vector<16xf32>,
          %add3A_342 = arith.constant 14 : i32
          %add3A_343 = arith.addi %add3A_120, %add3A_342 : i32
          %add3A_344 = vector.broadcast %add3A_343 : i32 to vector<16xi32>
          %add3A_345 = arith.addi %mul3A_110, %add3A_344 : vector<16xi32>
          %gather3A_346 = tpu.vector_load_idx %arg11[%add3A_345] : memref<800xf32, #tpu.memory_space<vmem>>[vector<16xi32>], vector<16xf32>,
          %add3A_347 = arith.constant 14 : i32
          %add3A_348 = arith.addi %add3A_120, %add3A_347 : i32
          %get3A_349 = arith.index_cast %add3A_348 : i32 to index
          %get3A_350 = arith.constant 0 : index
          %get3A_351 = tpu.vector_load %arg12[%get3A_349, %get3A_350] {strides = array<i32>} : memref<800x16xf32, #tpu.memory_space<vmem>>, vector<16xf32>,
          %mul3A_352 = arith.mulf %get3A_351, %gather3A_346 : vector<16xf32>
          %add3A_353 = arith.constant 14 : i32
          %add3A_354 = arith.addi %add3A_120, %add3A_353 : i32
          %swap3A_355 = arith.index_cast %add3A_354 : i32 to index
          %swap3A_356 = arith.constant 0 : index
          %swap3A_357 = tpu.vector_load %arg12[%swap3A_355, %swap3A_356] {strides = array<i32>} : memref<800x16xf32, #tpu.memory_space<vmem>>, vector<16xf32>,
          tpu.vector_store %arg12[%swap3A_355, %swap3A_356], %mul3A_352 {strides = array<i32>} : memref<800x16xf32, #tpu.memory_space<vmem>>, vector<16xf32>,
          %add3A_358 = arith.constant 15 : i32
          %add3A_359 = arith.addi %add3A_120, %add3A_358 : i32
          %add3A_360 = vector.broadcast %add3A_359 : i32 to vector<16xi32>
          %add3A_361 = arith.addi %mul3A_110, %add3A_360 : vector<16xi32>
          %gather3A_362 = tpu.vector_load_idx %arg11[%add3A_361] : memref<800xf32, #tpu.memory_space<vmem>>[vector<16xi32>], vector<16xf32>,
          %add3A_363 = arith.constant 15 : i32
          %add3A_364 = arith.addi %add3A_120, %add3A_363 : i32
          %get3A_365 = arith.index_cast %add3A_364 : i32 to index
          %get3A_366 = arith.constant 0 : index
          %get3A_367 = tpu.vector_load %arg12[%get3A_365, %get3A_366] {strides = array<i32>} : memref<800x16xf32, #tpu.memory_space<vmem>>, vector<16xf32>,
          %mul3A_368 = arith.mulf %get3A_367, %gather3A_362 : vector<16xf32>
          %add3A_369 = arith.constant 15 : i32
          %add3A_370 = arith.addi %add3A_120, %add3A_369 : i32
          %swap3A_371 = arith.index_cast %add3A_370 : i32 to index
          %swap3A_372 = arith.constant 0 : index
          %swap3A_373 = tpu.vector_load %arg12[%swap3A_371, %swap3A_372] {strides = array<i32>} : memref<800x16xf32, #tpu.memory_space<vmem>>, vector<16xf32>,
          tpu.vector_store %arg12[%swap3A_371, %swap3A_372], %mul3A_368 {strides = array<i32>} : memref<800x16xf32, #tpu.memory_space<vmem>>, vector<16xf32>,
        }
        %scan3A_115 = arith.constant 50 : i32
        "tpu.region"() ({
          %run_scoped3A = tpu.sem_alloc : memref<!tpu.dma_semaphore, #tpu.memory_space<semaphore_mem>>
          %dma_start3A_116 = arith.constant 0 : i32
          %dma_start3A_117 = arith.constant 0 : i32
          %dma_start3A_118 = tpu.memref_slice %arg14[%dma_start3A_116, %dma_start3A_117] : memref<100000x16xf32, #tpu.memory_space<vmem_shared>> -> memref<100000x16xf32, #tpu.memory_space<vmem_shared>>
          tpu.enqueue_indirect_dma source(%arg12 : memref<800x16xf32, #tpu.memory_space<vmem>>) target(%dma_start3A_118 : memref<100000x16xf32, #tpu.memory_space<vmem_shared>>) offsets(%arg10 : memref<800xi32, #tpu.memory_space<vmem>>) semaphore(%run_scoped3A : memref<!tpu.dma_semaphore, #tpu.memory_space<semaphore_mem>>) {add = true}
          %dma_wait3A_119 = arith.constant 0 : i32
          %dma_wait3A_120 = arith.constant 0 : i32
          %dma_wait3A_121 = tpu.memref_slice %arg14[%dma_wait3A_119, %dma_wait3A_120] : memref<100000x16xf32, #tpu.memory_space<vmem_shared>> -> memref<100000x16xf32, #tpu.memory_space<vmem_shared>>
          tpu.wait_indirect_dma semaphore(%run_scoped3A : memref<!tpu.dma_semaphore, #tpu.memory_space<semaphore_mem>>) src(%arg12 : memref<800x16xf32, #tpu.memory_space<vmem>>) dst(%dma_wait3A_121 : memref<100000x16xf32, #tpu.memory_space<vmem_shared>>)
          tpu.yield
        }) : () -> ()
      }
      %scan3A_77 = arith.constant 125 : i32
      %barrier3A_78 = arith.constant 0 : index
      tpu.barrier barrier_id(%barrier3A_78)
      %sub3A_79 = arith.subi %select_n3A_43, %select_n3A : i32
      %sub3A_80 = arith.constant 1 : i32
      %sub3A_81 = arith.constant 1 : i32
      %sub3A_82 = arith.subi %sub3A_80, %sub3A_81 : i32
      %add3A_83 = arith.addi %sub3A_79, %sub3A_82 : i32
      %div3A_84 = arith.constant 1 : i32
      %div3A_85 = arith.divsi %add3A_83, %div3A_84 : i32
      %while3A_86 = arith.constant 1 : i32
      %while3A_87 = arith.constant 0 : i32
      %while3A_88 = arith.subi %div3A_85, %while3A_87 : i32
      %while3A_89 = arith.addi %while3A_87, %while3A_88 : i32
      %while3A_90 = arith.constant 1 : i32
      %while3A_91 = arith.divsi %while3A_88, %while3A_90 : i32
      %while3A_92 = arith.muli %while3A_91, %while3A_90 : i32
      %while3A_93 = arith.addi %while3A_87, %while3A_92 : i32
      %while3A_94 = arith.constant 1 : i32
      scf.for %while3A_96 = %while3A_87 to %while3A_93 step %while3A_94  : i32 {
        %mul3A_97 = arith.muli %while3A_96, %while3A_86 : i32
        %add3A_98 = arith.addi %select_n3A, %mul3A_97 : i32
        %mul3A_99 = arith.constant 800 : i32
        %mul3A_100 = arith.muli %add3A_98, %mul3A_99 : i32
        %mul3A_101 = arith.constant 800 : i32
        %mul3A_102 = arith.muli %add3A_98, %mul3A_101 : i32
        "tpu.region"() ({
          %run_scoped3A = tpu.sem_alloc : memref<!tpu.dma_semaphore, #tpu.memory_space<semaphore_mem>>
          %dma_start3A = arith.constant 0 : i32
          %dma_start3A_103 = tpu.memref_slice %arg7[%mul3A_102, %dma_start3A] : memref<100000x16xf32, #tpu.memory_space<hbm>> -> memref<800x16xf32, #tpu.memory_space<hbm>>
          %dma_start3A_104 = arith.constant 0 : i32
          %dma_start3A_105 = tpu.memref_slice %arg14[%mul3A_100, %dma_start3A_104] : memref<100000x16xf32, #tpu.memory_space<vmem_shared>> -> memref<800x16xf32, #tpu.memory_space<vmem_shared>>
          tpu.enqueue_dma source(%dma_start3A_105 : memref<800x16xf32, #tpu.memory_space<vmem_shared>>) target(%dma_start3A_103 : memref<800x16xf32, #tpu.memory_space<hbm>>) target_semaphore(%run_scoped3A : memref<!tpu.dma_semaphore, #tpu.memory_space<semaphore_mem>>)
          %dma_wait3A = arith.constant 0 : i32
          %dma_wait3A_106 = tpu.memref_slice %arg7[%mul3A_102, %dma_wait3A] : memref<100000x16xf32, #tpu.memory_space<hbm>> -> memref<800x16xf32, #tpu.memory_space<hbm>>
          %dma_wait3A_107 = arith.constant 0 : i32
          %dma_wait3A_108 = tpu.memref_slice %arg14[%mul3A_100, %dma_wait3A_107] : memref<100000x16xf32, #tpu.memory_space<vmem_shared>> -> memref<800x16xf32, #tpu.memory_space<vmem_shared>>
          tpu.wait_dma2 semaphore(%run_scoped3A : memref<!tpu.dma_semaphore, #tpu.memory_space<semaphore_mem>>) src(%dma_wait3A_108 : memref<800x16xf32, #tpu.memory_space<vmem_shared>>) dst(%dma_wait3A_106 : memref<800x16xf32, #tpu.memory_space<hbm>>)
          tpu.yield
        }) : () -> ()
      }
      %while3A_95 = arith.constant 1 : i32
      scf.for %while3A_96 = %while3A_93 to %while3A_89 step %while3A_95  : i32 {
        %mul3A_97 = arith.muli %while3A_96, %while3A_86 : i32
        %add3A_98 = arith.addi %select_n3A, %mul3A_97 : i32
        %mul3A_99 = arith.constant 800 : i32
        %mul3A_100 = arith.muli %add3A_98, %mul3A_99 : i32
        %mul3A_101 = arith.constant 800 : i32
        %mul3A_102 = arith.muli %add3A_98, %mul3A_101 : i32
        "tpu.region"() ({
          %run_scoped3A = tpu.sem_alloc : memref<!tpu.dma_semaphore, #tpu.memory_space<semaphore_mem>>
          %dma_start3A = arith.constant 0 : i32
          %dma_start3A_103 = tpu.memref_slice %arg7[%mul3A_102, %dma_start3A] : memref<100000x16xf32, #tpu.memory_space<hbm>> -> memref<800x16xf32, #tpu.memory_space<hbm>>
          %dma_start3A_104 = arith.constant 0 : i32
          %dma_start3A_105 = tpu.memref_slice %arg14[%mul3A_100, %dma_start3A_104] : memref<100000x16xf32, #tpu.memory_space<vmem_shared>> -> memref<800x16xf32, #tpu.memory_space<vmem_shared>>
          tpu.enqueue_dma source(%dma_start3A_105 : memref<800x16xf32, #tpu.memory_space<vmem_shared>>) target(%dma_start3A_103 : memref<800x16xf32, #tpu.memory_space<hbm>>) target_semaphore(%run_scoped3A : memref<!tpu.dma_semaphore, #tpu.memory_space<semaphore_mem>>)
          %dma_wait3A = arith.constant 0 : i32
          %dma_wait3A_106 = tpu.memref_slice %arg7[%mul3A_102, %dma_wait3A] : memref<100000x16xf32, #tpu.memory_space<hbm>> -> memref<800x16xf32, #tpu.memory_space<hbm>>
          %dma_wait3A_107 = arith.constant 0 : i32
          %dma_wait3A_108 = tpu.memref_slice %arg14[%mul3A_100, %dma_wait3A_107] : memref<100000x16xf32, #tpu.memory_space<vmem_shared>> -> memref<800x16xf32, #tpu.memory_space<vmem_shared>>
          tpu.wait_dma2 semaphore(%run_scoped3A : memref<!tpu.dma_semaphore, #tpu.memory_space<semaphore_mem>>) src(%dma_wait3A_108 : memref<800x16xf32, #tpu.memory_space<vmem_shared>>) dst(%dma_wait3A_106 : memref<800x16xf32, #tpu.memory_space<hbm>>)
          tpu.yield
        }) : () -> ()
      }
    } else {
    }
    %eq3A_66 = arith.constant 1 : i32
    %eq3A_67 = arith.cmpi eq, %arg0, %eq3A_66 : i32
    %convert_element_type3A_68 = arith.extui %eq3A_67 : i1 to i32
    %cond3A_69 = arith.constant 0 : i32
    %cond3A_70 = arith.cmpi ne, %convert_element_type3A_68, %cond3A_69 : i32
    scf.if %cond3A_70 {
      %mul3A_71 = arith.constant 100000 : i32
      %mul3A_72 = arith.muli %arg1, %mul3A_71 : i32
      %scan3A_73 = arith.constant 0 : i32
      %scan3A_74 = arith.constant 125 : i32
      %scan3A_75 = arith.addi %scan3A_73, %scan3A_74 : i32
      %scan3A_76 = arith.constant 1 : i32
      scf.for %scan3A_96 = %scan3A_73 to %scan3A_75 step %scan3A_76  : i32 {
        %mul3A_97 = arith.constant 1 : i32
        %mul3A_98 = arith.muli %scan3A_96, %mul3A_97 : i32
        %add3A_99 = arith.constant 0 : i32
        %add3A_100 = arith.addi %add3A_99, %mul3A_98 : i32
        %mul3A_101 = arith.constant 800 : i32
        %mul3A_102 = arith.muli %add3A_100, %mul3A_101 : i32
        %add3A_103 = arith.addi %mul3A_72, %mul3A_102 : i32
        "tpu.region"() ({
          %run_scoped3A = tpu.sem_alloc : memref<!tpu.dma_semaphore, #tpu.memory_space<semaphore_mem>>
          %dma_start3A_116 = tpu.memref_slice %arg4[%add3A_103] : memref<1600000xi32, #tpu.memory_space<hbm>> -> memref<800xi32, #tpu.memory_space<hbm>>
          %dma_start3A_117 = tpu.memref_slice %arg4[%add3A_103] : memref<1600000xi32, #tpu.memory_space<hbm>> -> memref<800xi32, #tpu.memory_space<hbm>>
          tpu.enqueue_dma source(%dma_start3A_117 : memref<800xi32, #tpu.memory_space<hbm>>) target(%arg9 : memref<800xi32, #tpu.memory_space<vmem>>) target_semaphore(%run_scoped3A : memref<!tpu.dma_semaphore, #tpu.memory_space<semaphore_mem>>)
          %dma_wait3A_118 = tpu.memref_slice %arg4[%add3A_103] : memref<1600000xi32, #tpu.memory_space<hbm>> -> memref<800xi32, #tpu.memory_space<hbm>>
          %dma_wait3A_119 = tpu.memref_slice %arg4[%add3A_103] : memref<1600000xi32, #tpu.memory_space<hbm>> -> memref<800xi32, #tpu.memory_space<hbm>>
          tpu.wait_dma2 semaphore(%run_scoped3A : memref<!tpu.dma_semaphore, #tpu.memory_space<semaphore_mem>>) src(%dma_wait3A_119 : memref<800xi32, #tpu.memory_space<hbm>>) dst(%arg9 : memref<800xi32, #tpu.memory_space<vmem>>)
          tpu.yield
        }) : () -> ()
        "tpu.region"() ({
          %run_scoped3A = tpu.sem_alloc : memref<!tpu.dma_semaphore, #tpu.memory_space<semaphore_mem>>
          %dma_start3A_116 = tpu.memref_slice %arg5[%add3A_103] : memref<1600000xi32, #tpu.memory_space<hbm>> -> memref<800xi32, #tpu.memory_space<hbm>>
          %dma_start3A_117 = tpu.memref_slice %arg5[%add3A_103] : memref<1600000xi32, #tpu.memory_space<hbm>> -> memref<800xi32, #tpu.memory_space<hbm>>
          tpu.enqueue_dma source(%dma_start3A_117 : memref<800xi32, #tpu.memory_space<hbm>>) target(%arg10 : memref<800xi32, #tpu.memory_space<vmem>>) target_semaphore(%run_scoped3A : memref<!tpu.dma_semaphore, #tpu.memory_space<semaphore_mem>>)
          %dma_wait3A_118 = tpu.memref_slice %arg5[%add3A_103] : memref<1600000xi32, #tpu.memory_space<hbm>> -> memref<800xi32, #tpu.memory_space<hbm>>
          %dma_wait3A_119 = tpu.memref_slice %arg5[%add3A_103] : memref<1600000xi32, #tpu.memory_space<hbm>> -> memref<800xi32, #tpu.memory_space<hbm>>
          tpu.wait_dma2 semaphore(%run_scoped3A : memref<!tpu.dma_semaphore, #tpu.memory_space<semaphore_mem>>) src(%dma_wait3A_119 : memref<800xi32, #tpu.memory_space<hbm>>) dst(%arg10 : memref<800xi32, #tpu.memory_space<vmem>>)
          tpu.yield
        }) : () -> ()
        "tpu.region"() ({
          %run_scoped3A = tpu.sem_alloc : memref<!tpu.dma_semaphore, #tpu.memory_space<semaphore_mem>>
          %dma_start3A_116 = tpu.memref_slice %arg6[%add3A_103] : memref<1600000xf32, #tpu.memory_space<hbm>> -> memref<800xf32, #tpu.memory_space<hbm>>
          %dma_start3A_117 = tpu.memref_slice %arg6[%add3A_103] : memref<1600000xf32, #tpu.memory_space<hbm>> -> memref<800xf32, #tpu.memory_space<hbm>>
          tpu.enqueue_dma source(%dma_start3A_117 : memref<800xf32, #tpu.memory_space<hbm>>) target(%arg11 : memref<800xf32, #tpu.memory_space<vmem>>) target_semaphore(%run_scoped3A : memref<!tpu.dma_semaphore, #tpu.memory_space<semaphore_mem>>)
          %dma_wait3A_118 = tpu.memref_slice %arg6[%add3A_103] : memref<1600000xf32, #tpu.memory_space<hbm>> -> memref<800xf32, #tpu.memory_space<hbm>>
          %dma_wait3A_119 = tpu.memref_slice %arg6[%add3A_103] : memref<1600000xf32, #tpu.memory_space<hbm>> -> memref<800xf32, #tpu.memory_space<hbm>>
          tpu.wait_dma2 semaphore(%run_scoped3A : memref<!tpu.dma_semaphore, #tpu.memory_space<semaphore_mem>>) src(%dma_wait3A_119 : memref<800xf32, #tpu.memory_space<hbm>>) dst(%arg11 : memref<800xf32, #tpu.memory_space<vmem>>)
          tpu.yield
        }) : () -> ()
        %dma_start3A = arith.constant 0 : i32
        %dma_start3A_104 = arith.constant 0 : i32
        %dma_start3A_105 = tpu.memref_slice %arg3[%dma_start3A, %dma_start3A_104] : memref<100000x16xf32, #tpu.memory_space<hbm>> -> memref<100000x16xf32, #tpu.memory_space<hbm>>
        tpu.enqueue_indirect_dma source(%dma_start3A_105 : memref<100000x16xf32, #tpu.memory_space<hbm>>) target(%arg12 : memref<800x16xf32, #tpu.memory_space<vmem>>) offsets(%arg9 : memref<800xi32, #tpu.memory_space<vmem>>) semaphore(%arg13 : memref<!tpu.dma_semaphore, #tpu.memory_space<semaphore_mem>>)
        %dma_wait3A = arith.constant 0 : i32
        %dma_wait3A_106 = arith.constant 0 : i32
        %dma_wait3A_107 = tpu.memref_slice %arg3[%dma_wait3A, %dma_wait3A_106] : memref<100000x16xf32, #tpu.memory_space<hbm>> -> memref<100000x16xf32, #tpu.memory_space<hbm>>
        tpu.wait_indirect_dma semaphore(%arg13 : memref<!tpu.dma_semaphore, #tpu.memory_space<semaphore_mem>>) src(%dma_wait3A_107 : memref<100000x16xf32, #tpu.memory_space<hbm>>) dst(%arg12 : memref<800x16xf32, #tpu.memory_space<vmem>>)
        %iota3A = tpu.iota {dimensions = array<i32: 0>} : vector<16xi32>
        %mul3A_108 = arith.constant 0 : i32
        %mul3A_109 = vector.broadcast %mul3A_108 : i32 to vector<16xi32>
        %mul3A_110 = arith.muli %iota3A, %mul3A_109 : vector<16xi32>
        %scan3A_111 = arith.constant 0 : i32
        %scan3A_112 = arith.constant 50 : i32
        %scan3A_113 = arith.addi %scan3A_111, %scan3A_112 : i32
        %scan3A_114 = arith.constant 1 : i32
        scf.for %scan3A_116 = %scan3A_111 to %scan3A_113 step %scan3A_114  : i32 {
          %mul3A_117 = arith.constant 16 : i32
          %mul3A_118 = arith.muli %scan3A_116, %mul3A_117 : i32
          %add3A_119 = arith.constant 0 : i32
          %add3A_120 = arith.addi %add3A_119, %mul3A_118 : i32
          %add3A_121 = arith.constant 0 : i32
          %add3A_122 = arith.addi %add3A_120, %add3A_121 : i32
          %add3A_123 = vector.broadcast %add3A_122 : i32 to vector<16xi32>
          %add3A_124 = arith.addi %mul3A_110, %add3A_123 : vector<16xi32>
          %gather3A = tpu.vector_load_idx %arg11[%add3A_124] : memref<800xf32, #tpu.memory_space<vmem>>[vector<16xi32>], vector<16xf32>,
          %add3A_125 = arith.constant 0 : i32
          %add3A_126 = arith.addi %add3A_120, %add3A_125 : i32
          %get3A = arith.index_cast %add3A_126 : i32 to index
          %get3A_127 = arith.constant 0 : index
          %get3A_128 = tpu.vector_load %arg12[%get3A, %get3A_127] {strides = array<i32>} : memref<800x16xf32, #tpu.memory_space<vmem>>, vector<16xf32>,
          %mul3A_129 = arith.mulf %get3A_128, %gather3A : vector<16xf32>
          %add3A_130 = arith.constant 0 : i32
          %add3A_131 = arith.addi %add3A_120, %add3A_130 : i32
          %swap3A = arith.index_cast %add3A_131 : i32 to index
          %swap3A_132 = arith.constant 0 : index
          %swap3A_133 = tpu.vector_load %arg12[%swap3A, %swap3A_132] {strides = array<i32>} : memref<800x16xf32, #tpu.memory_space<vmem>>, vector<16xf32>,
          tpu.vector_store %arg12[%swap3A, %swap3A_132], %mul3A_129 {strides = array<i32>} : memref<800x16xf32, #tpu.memory_space<vmem>>, vector<16xf32>,
          %add3A_134 = arith.constant 1 : i32
          %add3A_135 = arith.addi %add3A_120, %add3A_134 : i32
          %add3A_136 = vector.broadcast %add3A_135 : i32 to vector<16xi32>
          %add3A_137 = arith.addi %mul3A_110, %add3A_136 : vector<16xi32>
          %gather3A_138 = tpu.vector_load_idx %arg11[%add3A_137] : memref<800xf32, #tpu.memory_space<vmem>>[vector<16xi32>], vector<16xf32>,
          %add3A_139 = arith.constant 1 : i32
          %add3A_140 = arith.addi %add3A_120, %add3A_139 : i32
          %get3A_141 = arith.index_cast %add3A_140 : i32 to index
          %get3A_142 = arith.constant 0 : index
          %get3A_143 = tpu.vector_load %arg12[%get3A_141, %get3A_142] {strides = array<i32>} : memref<800x16xf32, #tpu.memory_space<vmem>>, vector<16xf32>,
          %mul3A_144 = arith.mulf %get3A_143, %gather3A_138 : vector<16xf32>
          %add3A_145 = arith.constant 1 : i32
          %add3A_146 = arith.addi %add3A_120, %add3A_145 : i32
          %swap3A_147 = arith.index_cast %add3A_146 : i32 to index
          %swap3A_148 = arith.constant 0 : index
          %swap3A_149 = tpu.vector_load %arg12[%swap3A_147, %swap3A_148] {strides = array<i32>} : memref<800x16xf32, #tpu.memory_space<vmem>>, vector<16xf32>,
          tpu.vector_store %arg12[%swap3A_147, %swap3A_148], %mul3A_144 {strides = array<i32>} : memref<800x16xf32, #tpu.memory_space<vmem>>, vector<16xf32>,
          %add3A_150 = arith.constant 2 : i32
          %add3A_151 = arith.addi %add3A_120, %add3A_150 : i32
          %add3A_152 = vector.broadcast %add3A_151 : i32 to vector<16xi32>
          %add3A_153 = arith.addi %mul3A_110, %add3A_152 : vector<16xi32>
          %gather3A_154 = tpu.vector_load_idx %arg11[%add3A_153] : memref<800xf32, #tpu.memory_space<vmem>>[vector<16xi32>], vector<16xf32>,
          %add3A_155 = arith.constant 2 : i32
          %add3A_156 = arith.addi %add3A_120, %add3A_155 : i32
          %get3A_157 = arith.index_cast %add3A_156 : i32 to index
          %get3A_158 = arith.constant 0 : index
          %get3A_159 = tpu.vector_load %arg12[%get3A_157, %get3A_158] {strides = array<i32>} : memref<800x16xf32, #tpu.memory_space<vmem>>, vector<16xf32>,
          %mul3A_160 = arith.mulf %get3A_159, %gather3A_154 : vector<16xf32>
          %add3A_161 = arith.constant 2 : i32
          %add3A_162 = arith.addi %add3A_120, %add3A_161 : i32
          %swap3A_163 = arith.index_cast %add3A_162 : i32 to index
          %swap3A_164 = arith.constant 0 : index
          %swap3A_165 = tpu.vector_load %arg12[%swap3A_163, %swap3A_164] {strides = array<i32>} : memref<800x16xf32, #tpu.memory_space<vmem>>, vector<16xf32>,
          tpu.vector_store %arg12[%swap3A_163, %swap3A_164], %mul3A_160 {strides = array<i32>} : memref<800x16xf32, #tpu.memory_space<vmem>>, vector<16xf32>,
          %add3A_166 = arith.constant 3 : i32
          %add3A_167 = arith.addi %add3A_120, %add3A_166 : i32
          %add3A_168 = vector.broadcast %add3A_167 : i32 to vector<16xi32>
          %add3A_169 = arith.addi %mul3A_110, %add3A_168 : vector<16xi32>
          %gather3A_170 = tpu.vector_load_idx %arg11[%add3A_169] : memref<800xf32, #tpu.memory_space<vmem>>[vector<16xi32>], vector<16xf32>,
          %add3A_171 = arith.constant 3 : i32
          %add3A_172 = arith.addi %add3A_120, %add3A_171 : i32
          %get3A_173 = arith.index_cast %add3A_172 : i32 to index
          %get3A_174 = arith.constant 0 : index
          %get3A_175 = tpu.vector_load %arg12[%get3A_173, %get3A_174] {strides = array<i32>} : memref<800x16xf32, #tpu.memory_space<vmem>>, vector<16xf32>,
          %mul3A_176 = arith.mulf %get3A_175, %gather3A_170 : vector<16xf32>
          %add3A_177 = arith.constant 3 : i32
          %add3A_178 = arith.addi %add3A_120, %add3A_177 : i32
          %swap3A_179 = arith.index_cast %add3A_178 : i32 to index
          %swap3A_180 = arith.constant 0 : index
          %swap3A_181 = tpu.vector_load %arg12[%swap3A_179, %swap3A_180] {strides = array<i32>} : memref<800x16xf32, #tpu.memory_space<vmem>>, vector<16xf32>,
          tpu.vector_store %arg12[%swap3A_179, %swap3A_180], %mul3A_176 {strides = array<i32>} : memref<800x16xf32, #tpu.memory_space<vmem>>, vector<16xf32>,
          %add3A_182 = arith.constant 4 : i32
          %add3A_183 = arith.addi %add3A_120, %add3A_182 : i32
          %add3A_184 = vector.broadcast %add3A_183 : i32 to vector<16xi32>
          %add3A_185 = arith.addi %mul3A_110, %add3A_184 : vector<16xi32>
          %gather3A_186 = tpu.vector_load_idx %arg11[%add3A_185] : memref<800xf32, #tpu.memory_space<vmem>>[vector<16xi32>], vector<16xf32>,
          %add3A_187 = arith.constant 4 : i32
          %add3A_188 = arith.addi %add3A_120, %add3A_187 : i32
          %get3A_189 = arith.index_cast %add3A_188 : i32 to index
          %get3A_190 = arith.constant 0 : index
          %get3A_191 = tpu.vector_load %arg12[%get3A_189, %get3A_190] {strides = array<i32>} : memref<800x16xf32, #tpu.memory_space<vmem>>, vector<16xf32>,
          %mul3A_192 = arith.mulf %get3A_191, %gather3A_186 : vector<16xf32>
          %add3A_193 = arith.constant 4 : i32
          %add3A_194 = arith.addi %add3A_120, %add3A_193 : i32
          %swap3A_195 = arith.index_cast %add3A_194 : i32 to index
          %swap3A_196 = arith.constant 0 : index
          %swap3A_197 = tpu.vector_load %arg12[%swap3A_195, %swap3A_196] {strides = array<i32>} : memref<800x16xf32, #tpu.memory_space<vmem>>, vector<16xf32>,
          tpu.vector_store %arg12[%swap3A_195, %swap3A_196], %mul3A_192 {strides = array<i32>} : memref<800x16xf32, #tpu.memory_space<vmem>>, vector<16xf32>,
          %add3A_198 = arith.constant 5 : i32
          %add3A_199 = arith.addi %add3A_120, %add3A_198 : i32
          %add3A_200 = vector.broadcast %add3A_199 : i32 to vector<16xi32>
          %add3A_201 = arith.addi %mul3A_110, %add3A_200 : vector<16xi32>
          %gather3A_202 = tpu.vector_load_idx %arg11[%add3A_201] : memref<800xf32, #tpu.memory_space<vmem>>[vector<16xi32>], vector<16xf32>,
          %add3A_203 = arith.constant 5 : i32
          %add3A_204 = arith.addi %add3A_120, %add3A_203 : i32
          %get3A_205 = arith.index_cast %add3A_204 : i32 to index
          %get3A_206 = arith.constant 0 : index
          %get3A_207 = tpu.vector_load %arg12[%get3A_205, %get3A_206] {strides = array<i32>} : memref<800x16xf32, #tpu.memory_space<vmem>>, vector<16xf32>,
          %mul3A_208 = arith.mulf %get3A_207, %gather3A_202 : vector<16xf32>
          %add3A_209 = arith.constant 5 : i32
          %add3A_210 = arith.addi %add3A_120, %add3A_209 : i32
          %swap3A_211 = arith.index_cast %add3A_210 : i32 to index
          %swap3A_212 = arith.constant 0 : index
          %swap3A_213 = tpu.vector_load %arg12[%swap3A_211, %swap3A_212] {strides = array<i32>} : memref<800x16xf32, #tpu.memory_space<vmem>>, vector<16xf32>,
          tpu.vector_store %arg12[%swap3A_211, %swap3A_212], %mul3A_208 {strides = array<i32>} : memref<800x16xf32, #tpu.memory_space<vmem>>, vector<16xf32>,
          %add3A_214 = arith.constant 6 : i32
          %add3A_215 = arith.addi %add3A_120, %add3A_214 : i32
          %add3A_216 = vector.broadcast %add3A_215 : i32 to vector<16xi32>
          %add3A_217 = arith.addi %mul3A_110, %add3A_216 : vector<16xi32>
          %gather3A_218 = tpu.vector_load_idx %arg11[%add3A_217] : memref<800xf32, #tpu.memory_space<vmem>>[vector<16xi32>], vector<16xf32>,
          %add3A_219 = arith.constant 6 : i32
          %add3A_220 = arith.addi %add3A_120, %add3A_219 : i32
          %get3A_221 = arith.index_cast %add3A_220 : i32 to index
          %get3A_222 = arith.constant 0 : index
          %get3A_223 = tpu.vector_load %arg12[%get3A_221, %get3A_222] {strides = array<i32>} : memref<800x16xf32, #tpu.memory_space<vmem>>, vector<16xf32>,
          %mul3A_224 = arith.mulf %get3A_223, %gather3A_218 : vector<16xf32>
          %add3A_225 = arith.constant 6 : i32
          %add3A_226 = arith.addi %add3A_120, %add3A_225 : i32
          %swap3A_227 = arith.index_cast %add3A_226 : i32 to index
          %swap3A_228 = arith.constant 0 : index
          %swap3A_229 = tpu.vector_load %arg12[%swap3A_227, %swap3A_228] {strides = array<i32>} : memref<800x16xf32, #tpu.memory_space<vmem>>, vector<16xf32>,
          tpu.vector_store %arg12[%swap3A_227, %swap3A_228], %mul3A_224 {strides = array<i32>} : memref<800x16xf32, #tpu.memory_space<vmem>>, vector<16xf32>,
          %add3A_230 = arith.constant 7 : i32
          %add3A_231 = arith.addi %add3A_120, %add3A_230 : i32
          %add3A_232 = vector.broadcast %add3A_231 : i32 to vector<16xi32>
          %add3A_233 = arith.addi %mul3A_110, %add3A_232 : vector<16xi32>
          %gather3A_234 = tpu.vector_load_idx %arg11[%add3A_233] : memref<800xf32, #tpu.memory_space<vmem>>[vector<16xi32>], vector<16xf32>,
          %add3A_235 = arith.constant 7 : i32
          %add3A_236 = arith.addi %add3A_120, %add3A_235 : i32
          %get3A_237 = arith.index_cast %add3A_236 : i32 to index
          %get3A_238 = arith.constant 0 : index
          %get3A_239 = tpu.vector_load %arg12[%get3A_237, %get3A_238] {strides = array<i32>} : memref<800x16xf32, #tpu.memory_space<vmem>>, vector<16xf32>,
          %mul3A_240 = arith.mulf %get3A_239, %gather3A_234 : vector<16xf32>
          %add3A_241 = arith.constant 7 : i32
          %add3A_242 = arith.addi %add3A_120, %add3A_241 : i32
          %swap3A_243 = arith.index_cast %add3A_242 : i32 to index
          %swap3A_244 = arith.constant 0 : index
          %swap3A_245 = tpu.vector_load %arg12[%swap3A_243, %swap3A_244] {strides = array<i32>} : memref<800x16xf32, #tpu.memory_space<vmem>>, vector<16xf32>,
          tpu.vector_store %arg12[%swap3A_243, %swap3A_244], %mul3A_240 {strides = array<i32>} : memref<800x16xf32, #tpu.memory_space<vmem>>, vector<16xf32>,
          %add3A_246 = arith.constant 8 : i32
          %add3A_247 = arith.addi %add3A_120, %add3A_246 : i32
          %add3A_248 = vector.broadcast %add3A_247 : i32 to vector<16xi32>
          %add3A_249 = arith.addi %mul3A_110, %add3A_248 : vector<16xi32>
          %gather3A_250 = tpu.vector_load_idx %arg11[%add3A_249] : memref<800xf32, #tpu.memory_space<vmem>>[vector<16xi32>], vector<16xf32>,
          %add3A_251 = arith.constant 8 : i32
          %add3A_252 = arith.addi %add3A_120, %add3A_251 : i32
          %get3A_253 = arith.index_cast %add3A_252 : i32 to index
          %get3A_254 = arith.constant 0 : index
          %get3A_255 = tpu.vector_load %arg12[%get3A_253, %get3A_254] {strides = array<i32>} : memref<800x16xf32, #tpu.memory_space<vmem>>, vector<16xf32>,
          %mul3A_256 = arith.mulf %get3A_255, %gather3A_250 : vector<16xf32>
          %add3A_257 = arith.constant 8 : i32
          %add3A_258 = arith.addi %add3A_120, %add3A_257 : i32
          %swap3A_259 = arith.index_cast %add3A_258 : i32 to index
          %swap3A_260 = arith.constant 0 : index
          %swap3A_261 = tpu.vector_load %arg12[%swap3A_259, %swap3A_260] {strides = array<i32>} : memref<800x16xf32, #tpu.memory_space<vmem>>, vector<16xf32>,
          tpu.vector_store %arg12[%swap3A_259, %swap3A_260], %mul3A_256 {strides = array<i32>} : memref<800x16xf32, #tpu.memory_space<vmem>>, vector<16xf32>,
          %add3A_262 = arith.constant 9 : i32
          %add3A_263 = arith.addi %add3A_120, %add3A_262 : i32
          %add3A_264 = vector.broadcast %add3A_263 : i32 to vector<16xi32>
          %add3A_265 = arith.addi %mul3A_110, %add3A_264 : vector<16xi32>
          %gather3A_266 = tpu.vector_load_idx %arg11[%add3A_265] : memref<800xf32, #tpu.memory_space<vmem>>[vector<16xi32>], vector<16xf32>,
          %add3A_267 = arith.constant 9 : i32
          %add3A_268 = arith.addi %add3A_120, %add3A_267 : i32
          %get3A_269 = arith.index_cast %add3A_268 : i32 to index
          %get3A_270 = arith.constant 0 : index
          %get3A_271 = tpu.vector_load %arg12[%get3A_269, %get3A_270] {strides = array<i32>} : memref<800x16xf32, #tpu.memory_space<vmem>>, vector<16xf32>,
          %mul3A_272 = arith.mulf %get3A_271, %gather3A_266 : vector<16xf32>
          %add3A_273 = arith.constant 9 : i32
          %add3A_274 = arith.addi %add3A_120, %add3A_273 : i32
          %swap3A_275 = arith.index_cast %add3A_274 : i32 to index
          %swap3A_276 = arith.constant 0 : index
          %swap3A_277 = tpu.vector_load %arg12[%swap3A_275, %swap3A_276] {strides = array<i32>} : memref<800x16xf32, #tpu.memory_space<vmem>>, vector<16xf32>,
          tpu.vector_store %arg12[%swap3A_275, %swap3A_276], %mul3A_272 {strides = array<i32>} : memref<800x16xf32, #tpu.memory_space<vmem>>, vector<16xf32>,
          %add3A_278 = arith.constant 10 : i32
          %add3A_279 = arith.addi %add3A_120, %add3A_278 : i32
          %add3A_280 = vector.broadcast %add3A_279 : i32 to vector<16xi32>
          %add3A_281 = arith.addi %mul3A_110, %add3A_280 : vector<16xi32>
          %gather3A_282 = tpu.vector_load_idx %arg11[%add3A_281] : memref<800xf32, #tpu.memory_space<vmem>>[vector<16xi32>], vector<16xf32>,
          %add3A_283 = arith.constant 10 : i32
          %add3A_284 = arith.addi %add3A_120, %add3A_283 : i32
          %get3A_285 = arith.index_cast %add3A_284 : i32 to index
          %get3A_286 = arith.constant 0 : index
          %get3A_287 = tpu.vector_load %arg12[%get3A_285, %get3A_286] {strides = array<i32>} : memref<800x16xf32, #tpu.memory_space<vmem>>, vector<16xf32>,
          %mul3A_288 = arith.mulf %get3A_287, %gather3A_282 : vector<16xf32>
          %add3A_289 = arith.constant 10 : i32
          %add3A_290 = arith.addi %add3A_120, %add3A_289 : i32
          %swap3A_291 = arith.index_cast %add3A_290 : i32 to index
          %swap3A_292 = arith.constant 0 : index
          %swap3A_293 = tpu.vector_load %arg12[%swap3A_291, %swap3A_292] {strides = array<i32>} : memref<800x16xf32, #tpu.memory_space<vmem>>, vector<16xf32>,
          tpu.vector_store %arg12[%swap3A_291, %swap3A_292], %mul3A_288 {strides = array<i32>} : memref<800x16xf32, #tpu.memory_space<vmem>>, vector<16xf32>,
          %add3A_294 = arith.constant 11 : i32
          %add3A_295 = arith.addi %add3A_120, %add3A_294 : i32
          %add3A_296 = vector.broadcast %add3A_295 : i32 to vector<16xi32>
          %add3A_297 = arith.addi %mul3A_110, %add3A_296 : vector<16xi32>
          %gather3A_298 = tpu.vector_load_idx %arg11[%add3A_297] : memref<800xf32, #tpu.memory_space<vmem>>[vector<16xi32>], vector<16xf32>,
          %add3A_299 = arith.constant 11 : i32
          %add3A_300 = arith.addi %add3A_120, %add3A_299 : i32
          %get3A_301 = arith.index_cast %add3A_300 : i32 to index
          %get3A_302 = arith.constant 0 : index
          %get3A_303 = tpu.vector_load %arg12[%get3A_301, %get3A_302] {strides = array<i32>} : memref<800x16xf32, #tpu.memory_space<vmem>>, vector<16xf32>,
          %mul3A_304 = arith.mulf %get3A_303, %gather3A_298 : vector<16xf32>
          %add3A_305 = arith.constant 11 : i32
          %add3A_306 = arith.addi %add3A_120, %add3A_305 : i32
          %swap3A_307 = arith.index_cast %add3A_306 : i32 to index
          %swap3A_308 = arith.constant 0 : index
          %swap3A_309 = tpu.vector_load %arg12[%swap3A_307, %swap3A_308] {strides = array<i32>} : memref<800x16xf32, #tpu.memory_space<vmem>>, vector<16xf32>,
          tpu.vector_store %arg12[%swap3A_307, %swap3A_308], %mul3A_304 {strides = array<i32>} : memref<800x16xf32, #tpu.memory_space<vmem>>, vector<16xf32>,
          %add3A_310 = arith.constant 12 : i32
          %add3A_311 = arith.addi %add3A_120, %add3A_310 : i32
          %add3A_312 = vector.broadcast %add3A_311 : i32 to vector<16xi32>
          %add3A_313 = arith.addi %mul3A_110, %add3A_312 : vector<16xi32>
          %gather3A_314 = tpu.vector_load_idx %arg11[%add3A_313] : memref<800xf32, #tpu.memory_space<vmem>>[vector<16xi32>], vector<16xf32>,
          %add3A_315 = arith.constant 12 : i32
          %add3A_316 = arith.addi %add3A_120, %add3A_315 : i32
          %get3A_317 = arith.index_cast %add3A_316 : i32 to index
          %get3A_318 = arith.constant 0 : index
          %get3A_319 = tpu.vector_load %arg12[%get3A_317, %get3A_318] {strides = array<i32>} : memref<800x16xf32, #tpu.memory_space<vmem>>, vector<16xf32>,
          %mul3A_320 = arith.mulf %get3A_319, %gather3A_314 : vector<16xf32>
          %add3A_321 = arith.constant 12 : i32
          %add3A_322 = arith.addi %add3A_120, %add3A_321 : i32
          %swap3A_323 = arith.index_cast %add3A_322 : i32 to index
          %swap3A_324 = arith.constant 0 : index
          %swap3A_325 = tpu.vector_load %arg12[%swap3A_323, %swap3A_324] {strides = array<i32>} : memref<800x16xf32, #tpu.memory_space<vmem>>, vector<16xf32>,
          tpu.vector_store %arg12[%swap3A_323, %swap3A_324], %mul3A_320 {strides = array<i32>} : memref<800x16xf32, #tpu.memory_space<vmem>>, vector<16xf32>,
          %add3A_326 = arith.constant 13 : i32
          %add3A_327 = arith.addi %add3A_120, %add3A_326 : i32
          %add3A_328 = vector.broadcast %add3A_327 : i32 to vector<16xi32>
          %add3A_329 = arith.addi %mul3A_110, %add3A_328 : vector<16xi32>
          %gather3A_330 = tpu.vector_load_idx %arg11[%add3A_329] : memref<800xf32, #tpu.memory_space<vmem>>[vector<16xi32>], vector<16xf32>,
          %add3A_331 = arith.constant 13 : i32
          %add3A_332 = arith.addi %add3A_120, %add3A_331 : i32
          %get3A_333 = arith.index_cast %add3A_332 : i32 to index
          %get3A_334 = arith.constant 0 : index
          %get3A_335 = tpu.vector_load %arg12[%get3A_333, %get3A_334] {strides = array<i32>} : memref<800x16xf32, #tpu.memory_space<vmem>>, vector<16xf32>,
          %mul3A_336 = arith.mulf %get3A_335, %gather3A_330 : vector<16xf32>
          %add3A_337 = arith.constant 13 : i32
          %add3A_338 = arith.addi %add3A_120, %add3A_337 : i32
          %swap3A_339 = arith.index_cast %add3A_338 : i32 to index
          %swap3A_340 = arith.constant 0 : index
          %swap3A_341 = tpu.vector_load %arg12[%swap3A_339, %swap3A_340] {strides = array<i32>} : memref<800x16xf32, #tpu.memory_space<vmem>>, vector<16xf32>,
          tpu.vector_store %arg12[%swap3A_339, %swap3A_340], %mul3A_336 {strides = array<i32>} : memref<800x16xf32, #tpu.memory_space<vmem>>, vector<16xf32>,
          %add3A_342 = arith.constant 14 : i32
          %add3A_343 = arith.addi %add3A_120, %add3A_342 : i32
          %add3A_344 = vector.broadcast %add3A_343 : i32 to vector<16xi32>
          %add3A_345 = arith.addi %mul3A_110, %add3A_344 : vector<16xi32>
          %gather3A_346 = tpu.vector_load_idx %arg11[%add3A_345] : memref<800xf32, #tpu.memory_space<vmem>>[vector<16xi32>], vector<16xf32>,
          %add3A_347 = arith.constant 14 : i32
          %add3A_348 = arith.addi %add3A_120, %add3A_347 : i32
          %get3A_349 = arith.index_cast %add3A_348 : i32 to index
          %get3A_350 = arith.constant 0 : index
          %get3A_351 = tpu.vector_load %arg12[%get3A_349, %get3A_350] {strides = array<i32>} : memref<800x16xf32, #tpu.memory_space<vmem>>, vector<16xf32>,
          %mul3A_352 = arith.mulf %get3A_351, %gather3A_346 : vector<16xf32>
          %add3A_353 = arith.constant 14 : i32
          %add3A_354 = arith.addi %add3A_120, %add3A_353 : i32
          %swap3A_355 = arith.index_cast %add3A_354 : i32 to index
          %swap3A_356 = arith.constant 0 : index
          %swap3A_357 = tpu.vector_load %arg12[%swap3A_355, %swap3A_356] {strides = array<i32>} : memref<800x16xf32, #tpu.memory_space<vmem>>, vector<16xf32>,
          tpu.vector_store %arg12[%swap3A_355, %swap3A_356], %mul3A_352 {strides = array<i32>} : memref<800x16xf32, #tpu.memory_space<vmem>>, vector<16xf32>,
          %add3A_358 = arith.constant 15 : i32
          %add3A_359 = arith.addi %add3A_120, %add3A_358 : i32
          %add3A_360 = vector.broadcast %add3A_359 : i32 to vector<16xi32>
          %add3A_361 = arith.addi %mul3A_110, %add3A_360 : vector<16xi32>
          %gather3A_362 = tpu.vector_load_idx %arg11[%add3A_361] : memref<800xf32, #tpu.memory_space<vmem>>[vector<16xi32>], vector<16xf32>,
          %add3A_363 = arith.constant 15 : i32
          %add3A_364 = arith.addi %add3A_120, %add3A_363 : i32
          %get3A_365 = arith.index_cast %add3A_364 : i32 to index
          %get3A_366 = arith.constant 0 : index
          %get3A_367 = tpu.vector_load %arg12[%get3A_365, %get3A_366] {strides = array<i32>} : memref<800x16xf32, #tpu.memory_space<vmem>>, vector<16xf32>,
          %mul3A_368 = arith.mulf %get3A_367, %gather3A_362 : vector<16xf32>
          %add3A_369 = arith.constant 15 : i32
          %add3A_370 = arith.addi %add3A_120, %add3A_369 : i32
          %swap3A_371 = arith.index_cast %add3A_370 : i32 to index
          %swap3A_372 = arith.constant 0 : index
          %swap3A_373 = tpu.vector_load %arg12[%swap3A_371, %swap3A_372] {strides = array<i32>} : memref<800x16xf32, #tpu.memory_space<vmem>>, vector<16xf32>,
          tpu.vector_store %arg12[%swap3A_371, %swap3A_372], %mul3A_368 {strides = array<i32>} : memref<800x16xf32, #tpu.memory_space<vmem>>, vector<16xf32>,
        }
        %scan3A_115 = arith.constant 50 : i32
        "tpu.region"() ({
          %run_scoped3A = tpu.sem_alloc : memref<!tpu.dma_semaphore, #tpu.memory_space<semaphore_mem>>
          %dma_start3A_116 = arith.constant 0 : i32
          %dma_start3A_117 = arith.constant 0 : i32
          %dma_start3A_118 = tpu.memref_slice %arg14[%dma_start3A_116, %dma_start3A_117] : memref<100000x16xf32, #tpu.memory_space<vmem_shared>> -> memref<100000x16xf32, #tpu.memory_space<vmem_shared>>
          tpu.enqueue_indirect_dma source(%arg12 : memref<800x16xf32, #tpu.memory_space<vmem>>) target(%dma_start3A_118 : memref<100000x16xf32, #tpu.memory_space<vmem_shared>>) offsets(%arg10 : memref<800xi32, #tpu.memory_space<vmem>>) semaphore(%run_scoped3A : memref<!tpu.dma_semaphore, #tpu.memory_space<semaphore_mem>>) {add = true}
          %dma_wait3A_119 = arith.constant 0 : i32
          %dma_wait3A_120 = arith.constant 0 : i32
          %dma_wait3A_121 = tpu.memref_slice %arg14[%dma_wait3A_119, %dma_wait3A_120] : memref<100000x16xf32, #tpu.memory_space<vmem_shared>> -> memref<100000x16xf32, #tpu.memory_space<vmem_shared>>
          tpu.wait_indirect_dma semaphore(%run_scoped3A : memref<!tpu.dma_semaphore, #tpu.memory_space<semaphore_mem>>) src(%arg12 : memref<800x16xf32, #tpu.memory_space<vmem>>) dst(%dma_wait3A_121 : memref<100000x16xf32, #tpu.memory_space<vmem_shared>>)
          tpu.yield
        }) : () -> ()
      }
      %scan3A_77 = arith.constant 125 : i32
      %barrier3A_78 = arith.constant 0 : index
      tpu.barrier barrier_id(%barrier3A_78)
      %sub3A_79 = arith.subi %select_n3A_43, %select_n3A : i32
      %sub3A_80 = arith.constant 1 : i32
      %sub3A_81 = arith.constant 1 : i32
      %sub3A_82 = arith.subi %sub3A_80, %sub3A_81 : i32
      %add3A_83 = arith.addi %sub3A_79, %sub3A_82 : i32
      %div3A_84 = arith.constant 1 : i32
      %div3A_85 = arith.divsi %add3A_83, %div3A_84 : i32
      %while3A_86 = arith.constant 1 : i32
      %while3A_87 = arith.constant 0 : i32
      %while3A_88 = arith.subi %div3A_85, %while3A_87 : i32
      %while3A_89 = arith.addi %while3A_87, %while3A_88 : i32
      %while3A_90 = arith.constant 1 : i32
      %while3A_91 = arith.divsi %while3A_88, %while3A_90 : i32
      %while3A_92 = arith.muli %while3A_91, %while3A_90 : i32
      %while3A_93 = arith.addi %while3A_87, %while3A_92 : i32
      %while3A_94 = arith.constant 1 : i32
      scf.for %while3A_96 = %while3A_87 to %while3A_93 step %while3A_94  : i32 {
        %mul3A_97 = arith.muli %while3A_96, %while3A_86 : i32
        %add3A_98 = arith.addi %select_n3A, %mul3A_97 : i32
        %mul3A_99 = arith.constant 800 : i32
        %mul3A_100 = arith.muli %add3A_98, %mul3A_99 : i32
        %mul3A_101 = arith.constant 800 : i32
        %mul3A_102 = arith.muli %add3A_98, %mul3A_101 : i32
        "tpu.region"() ({
          %run_scoped3A = tpu.sem_alloc : memref<!tpu.dma_semaphore, #tpu.memory_space<semaphore_mem>>
          %dma_start3A = arith.constant 0 : i32
          %dma_start3A_103 = tpu.memref_slice %arg8[%mul3A_102, %dma_start3A] : memref<100000x16xf32, #tpu.memory_space<hbm>> -> memref<800x16xf32, #tpu.memory_space<hbm>>
          %dma_start3A_104 = arith.constant 0 : i32
          %dma_start3A_105 = tpu.memref_slice %arg14[%mul3A_100, %dma_start3A_104] : memref<100000x16xf32, #tpu.memory_space<vmem_shared>> -> memref<800x16xf32, #tpu.memory_space<vmem_shared>>
          tpu.enqueue_dma source(%dma_start3A_105 : memref<800x16xf32, #tpu.memory_space<vmem_shared>>) target(%dma_start3A_103 : memref<800x16xf32, #tpu.memory_space<hbm>>) target_semaphore(%run_scoped3A : memref<!tpu.dma_semaphore, #tpu.memory_space<semaphore_mem>>)
          %dma_wait3A = arith.constant 0 : i32
          %dma_wait3A_106 = tpu.memref_slice %arg8[%mul3A_102, %dma_wait3A] : memref<100000x16xf32, #tpu.memory_space<hbm>> -> memref<800x16xf32, #tpu.memory_space<hbm>>
          %dma_wait3A_107 = arith.constant 0 : i32
          %dma_wait3A_108 = tpu.memref_slice %arg14[%mul3A_100, %dma_wait3A_107] : memref<100000x16xf32, #tpu.memory_space<vmem_shared>> -> memref<800x16xf32, #tpu.memory_space<vmem_shared>>
          tpu.wait_dma2 semaphore(%run_scoped3A : memref<!tpu.dma_semaphore, #tpu.memory_space<semaphore_mem>>) src(%dma_wait3A_108 : memref<800x16xf32, #tpu.memory_space<vmem_shared>>) dst(%dma_wait3A_106 : memref<800x16xf32, #tpu.memory_space<hbm>>)
          tpu.yield
        }) : () -> ()
      }
      %while3A_95 = arith.constant 1 : i32
      scf.for %while3A_96 = %while3A_93 to %while3A_89 step %while3A_95  : i32 {
        %mul3A_97 = arith.muli %while3A_96, %while3A_86 : i32
        %add3A_98 = arith.addi %select_n3A, %mul3A_97 : i32
        %mul3A_99 = arith.constant 800 : i32
        %mul3A_100 = arith.muli %add3A_98, %mul3A_99 : i32
        %mul3A_101 = arith.constant 800 : i32
        %mul3A_102 = arith.muli %add3A_98, %mul3A_101 : i32
        "tpu.region"() ({
          %run_scoped3A = tpu.sem_alloc : memref<!tpu.dma_semaphore, #tpu.memory_space<semaphore_mem>>
          %dma_start3A = arith.constant 0 : i32
          %dma_start3A_103 = tpu.memref_slice %arg8[%mul3A_102, %dma_start3A] : memref<100000x16xf32, #tpu.memory_space<hbm>> -> memref<800x16xf32, #tpu.memory_space<hbm>>
          %dma_start3A_104 = arith.constant 0 : i32
          %dma_start3A_105 = tpu.memref_slice %arg14[%mul3A_100, %dma_start3A_104] : memref<100000x16xf32, #tpu.memory_space<vmem_shared>> -> memref<800x16xf32, #tpu.memory_space<vmem_shared>>
          tpu.enqueue_dma source(%dma_start3A_105 : memref<800x16xf32, #tpu.memory_space<vmem_shared>>) target(%dma_start3A_103 : memref<800x16xf32, #tpu.memory_space<hbm>>) target_semaphore(%run_scoped3A : memref<!tpu.dma_semaphore, #tpu.memory_space<semaphore_mem>>)
          %dma_wait3A = arith.constant 0 : i32
          %dma_wait3A_106 = tpu.memref_slice %arg8[%mul3A_102, %dma_wait3A] : memref<100000x16xf32, #tpu.memory_space<hbm>> -> memref<800x16xf32, #tpu.memory_space<hbm>>
          %dma_wait3A_107 = arith.constant 0 : i32
          %dma_wait3A_108 = tpu.memref_slice %arg14[%mul3A_100, %dma_wait3A_107] : memref<100000x16xf32, #tpu.memory_space<vmem_shared>> -> memref<800x16xf32, #tpu.memory_space<vmem_shared>>
          tpu.wait_dma2 semaphore(%run_scoped3A : memref<!tpu.dma_semaphore, #tpu.memory_space<semaphore_mem>>) src(%dma_wait3A_108 : memref<800x16xf32, #tpu.memory_space<vmem_shared>>) dst(%dma_wait3A_106 : memref<800x16xf32, #tpu.memory_space<hbm>>)
          tpu.yield
        }) : () -> ()
      }
    } else {
    }
    return
  }
}

#map = affine_map<(d0, d1) -> (0, 0)>
#map1 = affine_map<(d0, d1) -> (0)>
module attributes {stable_mosaic.version = 14 : i64} {
  func.func @_layer(%arg0: i32, %arg1: i32, %arg2: memref<100000x16xf32, #tpu.memory_space<hbm>>, %arg3: memref<100000x16xf32, #tpu.memory_space<hbm>>, %arg4: memref<1600000xi32, #tpu.memory_space<hbm>>, %arg5: memref<1600000xi32, #tpu.memory_space<hbm>>, %arg6: memref<1600000xf32, #tpu.memory_space<hbm>>, %arg7: memref<100000x16xf32, #tpu.memory_space<hbm>>, %arg8: memref<100000x16xf32, #tpu.memory_space<hbm>>, %arg9: memref<800xi32, #tpu.memory_space<vmem>>, %arg10: memref<800xi32, #tpu.memory_space<vmem>>, %arg11: memref<800xf32, #tpu.memory_space<vmem>>, %arg12: memref<800x16xf32, #tpu.memory_space<vmem>>, %arg13: memref<!tpu.dma_semaphore, #tpu.memory_space<semaphore_mem>>, %arg14: memref<100000x16xf32, #tpu.memory_space<vmem_shared>>) attributes {dimension_semantics = [#tpu.dimension_semantics<core_parallel>, #tpu.dimension_semantics<subcore_parallel>], iteration_bounds = array<i64: 2, 16>, scalar_prefetch = 0 : i64, scratch_operands = 6 : i64, tpu.core_type = #tpu.core_type<sc_vector_subcore>, window_params = [{transform_indices = #map}, {transform_indices = #map}, {transform_indices = #map1}, {transform_indices = #map1}, {transform_indices = #map1}, {transform_indices = #map}, {transform_indices = #map}]} {
    %mul3A = arith.constant 125 : i32
    %mul3A_0 = arith.muli %arg1, %mul3A : i32
    %jit3A = arith.constant 16 : i32
    %div3A = arith.divsi %mul3A_0, %jit3A : i32
    %sign3A = arith.constant 0 : i32
    %sign3A_1 = arith.cmpi sgt, %mul3A_0, %sign3A : i32
    %sign3A_2 = arith.extui %sign3A_1 : i1 to i32
    %sign3A_3 = arith.constant 0 : i32
    %sign3A_4 = arith.cmpi slt, %mul3A_0, %sign3A_3 : i32
    %sign3A_5 = arith.extui %sign3A_4 : i1 to i32
    %sign3A_6 = arith.subi %sign3A_2, %sign3A_5 : i32
    %sign3A_7 = arith.constant 0 : i32
    %sign3A_8 = arith.cmpi sgt, %jit3A, %sign3A_7 : i32
    %sign3A_9 = arith.extui %sign3A_8 : i1 to i32
    %sign3A_10 = arith.constant 0 : i32
    %sign3A_11 = arith.cmpi slt, %jit3A, %sign3A_10 : i32
    %sign3A_12 = arith.extui %sign3A_11 : i1 to i32
    %sign3A_13 = arith.subi %sign3A_9, %sign3A_12 : i32
    %ne3A = arith.cmpi ne, %sign3A_6, %sign3A_13 : i32
    %rem3A = arith.remsi %mul3A_0, %jit3A : i32
    %ne3A_14 = arith.constant 0 : i32
    %ne3A_15 = arith.cmpi ne, %rem3A, %ne3A_14 : i32
    %and3A = arith.andi %ne3A, %ne3A_15 : i1
    %sub3A = arith.constant 1 : i32
    %sub3A_16 = arith.subi %div3A, %sub3A : i32
    %select_n3A = arith.select %and3A, %sub3A_16, %div3A : i32
    %add3A = arith.constant 1 : i32
    %add3A_17 = arith.addi %arg1, %add3A : i32
    %mul3A_18 = arith.constant 125 : i32
    %mul3A_19 = arith.muli %add3A_17, %mul3A_18 : i32
    %jit3A_20 = arith.constant 16 : i32
    %div3A_21 = arith.divsi %mul3A_19, %jit3A_20 : i32
    %sign3A_22 = arith.constant 0 : i32
    %sign3A_23 = arith.cmpi sgt, %mul3A_19, %sign3A_22 : i32
    %sign3A_24 = arith.extui %sign3A_23 : i1 to i32
    %sign3A_25 = arith.constant 0 : i32
    %sign3A_26 = arith.cmpi slt, %mul3A_19, %sign3A_25 : i32
    %sign3A_27 = arith.extui %sign3A_26 : i1 to i32
    %sign3A_28 = arith.subi %sign3A_24, %sign3A_27 : i32
    %sign3A_29 = arith.constant 0 : i32
    %sign3A_30 = arith.cmpi sgt, %jit3A_20, %sign3A_29 : i32
    %sign3A_31 = arith.extui %sign3A_30 : i1 to i32
    %sign3A_32 = arith.constant 0 : i32
    %sign3A_33 = arith.cmpi slt, %jit3A_20, %sign3A_32 : i32
    %sign3A_34 = arith.extui %sign3A_33 : i1 to i32
    %sign3A_35 = arith.subi %sign3A_31, %sign3A_34 : i32
    %ne3A_36 = arith.cmpi ne, %sign3A_28, %sign3A_35 : i32
    %rem3A_37 = arith.remsi %mul3A_19, %jit3A_20 : i32
    %ne3A_38 = arith.constant 0 : i32
    %ne3A_39 = arith.cmpi ne, %rem3A_37, %ne3A_38 : i32
    %and3A_40 = arith.andi %ne3A_36, %ne3A_39 : i1
    %sub3A_41 = arith.constant 1 : i32
    %sub3A_42 = arith.subi %div3A_21, %sub3A_41 : i32
    %select_n3A_43 = arith.select %and3A_40, %sub3A_42, %div3A_21 : i32
    %scan3A = arith.constant 0 : i32
    %scan3A_44 = arith.constant 800 : i32
    %scan3A_45 = arith.addi %scan3A, %scan3A_44 : i32
    %scan3A_46 = arith.constant 1 : i32
    scf.for %scan3A_71 = %scan3A to %scan3A_45 step %scan3A_46  : i32 {
      %mul3A_72 = arith.constant 1 : i32
      %mul3A_73 = arith.muli %scan3A_71, %mul3A_72 : i32
      %add3A_74 = arith.constant 0 : i32
      %add3A_75 = arith.addi %add3A_74, %mul3A_73 : i32
      %broadcast_in_dim3A = arith.constant 0.000000e+00 : f32
      %broadcast_in_dim3A_76 = vector.broadcast %broadcast_in_dim3A : f32 to vector<16xf32>
      %swap3A = arith.index_cast %add3A_75 : i32 to index
      %swap3A_77 = arith.constant 0 : index
      %swap3A_78 = tpu.vector_load %arg12[%swap3A, %swap3A_77] {strides = array<i32>} : memref<800x16xf32, #tpu.memory_space<vmem>>, vector<16xf32>,
      tpu.vector_store %arg12[%swap3A, %swap3A_77], %broadcast_in_dim3A_76 {strides = array<i32>} : memref<800x16xf32, #tpu.memory_space<vmem>>, vector<16xf32>,
    }
    %scan3A_47 = arith.constant 800 : i32
    %sub3A_48 = arith.subi %select_n3A_43, %select_n3A : i32
    %sub3A_49 = arith.constant 1 : i32
    %sub3A_50 = arith.constant 1 : i32
    %sub3A_51 = arith.subi %sub3A_49, %sub3A_50 : i32
    %add3A_52 = arith.addi %sub3A_48, %sub3A_51 : i32
    %div3A_53 = arith.constant 1 : i32
    %div3A_54 = arith.divsi %add3A_52, %div3A_53 : i32
    %while3A = arith.constant 1 : i32
    %while3A_55 = arith.constant 0 : i32
    %while3A_56 = arith.subi %div3A_54, %while3A_55 : i32
    %while3A_57 = arith.addi %while3A_55, %while3A_56 : i32
    %while3A_58 = arith.constant 1 : i32
    %while3A_59 = arith.divsi %while3A_56, %while3A_58 : i32
    %while3A_60 = arith.muli %while3A_59, %while3A_58 : i32
    %while3A_61 = arith.addi %while3A_55, %while3A_60 : i32
    %while3A_62 = arith.constant 1 : i32
    scf.for %while3A_71 = %while3A_55 to %while3A_61 step %while3A_62  : i32 {
      %mul3A_72 = arith.muli %while3A_71, %while3A : i32
      %add3A_73 = arith.addi %select_n3A, %mul3A_72 : i32
      %mul3A_74 = arith.constant 800 : i32
      %mul3A_75 = arith.muli %add3A_73, %mul3A_74 : i32
      "tpu.region"() ({
        %run_scoped3A = tpu.sem_alloc : memref<!tpu.dma_semaphore, #tpu.memory_space<semaphore_mem>>
        %dma_start3A = arith.constant 0 : i32
        %dma_start3A_76 = tpu.memref_slice %arg14[%mul3A_75, %dma_start3A] : memref<100000x16xf32, #tpu.memory_space<vmem_shared>> -> memref<800x16xf32, #tpu.memory_space<vmem_shared>>
        %dma_start3A_77 = arith.constant 0 : i32
        %dma_start3A_78 = tpu.memref_slice %arg14[%mul3A_75, %dma_start3A_77] : memref<100000x16xf32, #tpu.memory_space<vmem_shared>> -> memref<800x16xf32, #tpu.memory_space<vmem_shared>>
        tpu.enqueue_dma source(%arg12 : memref<800x16xf32, #tpu.memory_space<vmem>>) target(%dma_start3A_78 : memref<800x16xf32, #tpu.memory_space<vmem_shared>>) target_semaphore(%run_scoped3A : memref<!tpu.dma_semaphore, #tpu.memory_space<semaphore_mem>>)
        %dma_wait3A = arith.constant 0 : i32
        %dma_wait3A_79 = tpu.memref_slice %arg14[%mul3A_75, %dma_wait3A] : memref<100000x16xf32, #tpu.memory_space<vmem_shared>> -> memref<800x16xf32, #tpu.memory_space<vmem_shared>>
        %dma_wait3A_80 = arith.constant 0 : i32
        %dma_wait3A_81 = tpu.memref_slice %arg14[%mul3A_75, %dma_wait3A_80] : memref<100000x16xf32, #tpu.memory_space<vmem_shared>> -> memref<800x16xf32, #tpu.memory_space<vmem_shared>>
        tpu.wait_dma2 semaphore(%run_scoped3A : memref<!tpu.dma_semaphore, #tpu.memory_space<semaphore_mem>>) src(%arg12 : memref<800x16xf32, #tpu.memory_space<vmem>>) dst(%dma_wait3A_81 : memref<800x16xf32, #tpu.memory_space<vmem_shared>>)
        tpu.yield
      }) : () -> ()
    }
    %while3A_63 = arith.constant 1 : i32
    scf.for %while3A_71 = %while3A_61 to %while3A_57 step %while3A_63  : i32 {
      %mul3A_72 = arith.muli %while3A_71, %while3A : i32
      %add3A_73 = arith.addi %select_n3A, %mul3A_72 : i32
      %mul3A_74 = arith.constant 800 : i32
      %mul3A_75 = arith.muli %add3A_73, %mul3A_74 : i32
      "tpu.region"() ({
        %run_scoped3A = tpu.sem_alloc : memref<!tpu.dma_semaphore, #tpu.memory_space<semaphore_mem>>
        %dma_start3A = arith.constant 0 : i32
        %dma_start3A_76 = tpu.memref_slice %arg14[%mul3A_75, %dma_start3A] : memref<100000x16xf32, #tpu.memory_space<vmem_shared>> -> memref<800x16xf32, #tpu.memory_space<vmem_shared>>
        %dma_start3A_77 = arith.constant 0 : i32
        %dma_start3A_78 = tpu.memref_slice %arg14[%mul3A_75, %dma_start3A_77] : memref<100000x16xf32, #tpu.memory_space<vmem_shared>> -> memref<800x16xf32, #tpu.memory_space<vmem_shared>>
        tpu.enqueue_dma source(%arg12 : memref<800x16xf32, #tpu.memory_space<vmem>>) target(%dma_start3A_78 : memref<800x16xf32, #tpu.memory_space<vmem_shared>>) target_semaphore(%run_scoped3A : memref<!tpu.dma_semaphore, #tpu.memory_space<semaphore_mem>>)
        %dma_wait3A = arith.constant 0 : i32
        %dma_wait3A_79 = tpu.memref_slice %arg14[%mul3A_75, %dma_wait3A] : memref<100000x16xf32, #tpu.memory_space<vmem_shared>> -> memref<800x16xf32, #tpu.memory_space<vmem_shared>>
        %dma_wait3A_80 = arith.constant 0 : i32
        %dma_wait3A_81 = tpu.memref_slice %arg14[%mul3A_75, %dma_wait3A_80] : memref<100000x16xf32, #tpu.memory_space<vmem_shared>> -> memref<800x16xf32, #tpu.memory_space<vmem_shared>>
        tpu.wait_dma2 semaphore(%run_scoped3A : memref<!tpu.dma_semaphore, #tpu.memory_space<semaphore_mem>>) src(%arg12 : memref<800x16xf32, #tpu.memory_space<vmem>>) dst(%dma_wait3A_81 : memref<800x16xf32, #tpu.memory_space<vmem_shared>>)
        tpu.yield
      }) : () -> ()
    }
    %barrier3A = arith.constant 0 : index
    tpu.barrier barrier_id(%barrier3A)
    %eq3A = arith.constant 0 : i32
    %eq3A_64 = arith.cmpi eq, %arg0, %eq3A : i32
    %convert_element_type3A = arith.extui %eq3A_64 : i1 to i32
    %cond3A = arith.constant 0 : i32
    %cond3A_65 = arith.cmpi ne, %convert_element_type3A, %cond3A : i32
    scf.if %cond3A_65 {
      %mul3A_71 = arith.constant 100000 : i32
      %mul3A_72 = arith.muli %arg1, %mul3A_71 : i32
      %scan3A_73 = arith.constant 0 : i32
      %scan3A_74 = arith.constant 125 : i32
      %scan3A_75 = arith.addi %scan3A_73, %scan3A_74 : i32
      %scan3A_76 = arith.constant 1 : i32
      scf.for %scan3A_96 = %scan3A_73 to %scan3A_75 step %scan3A_76  : i32 {
        %mul3A_97 = arith.constant 1 : i32
        %mul3A_98 = arith.muli %scan3A_96, %mul3A_97 : i32
        %add3A_99 = arith.constant 0 : i32
        %add3A_100 = arith.addi %add3A_99, %mul3A_98 : i32
        %mul3A_101 = arith.constant 800 : i32
        %mul3A_102 = arith.muli %add3A_100, %mul3A_101 : i32
        %add3A_103 = arith.addi %mul3A_72, %mul3A_102 : i32
        "tpu.region"() ({
          %run_scoped3A = tpu.sem_alloc : memref<!tpu.dma_semaphore, #tpu.memory_space<semaphore_mem>>
          %dma_start3A_116 = tpu.memref_slice %arg4[%add3A_103] : memref<1600000xi32, #tpu.memory_space<hbm>> -> memref<800xi32, #tpu.memory_space<hbm>>
          %dma_start3A_117 = tpu.memref_slice %arg4[%add3A_103] : memref<1600000xi32, #tpu.memory_space<hbm>> -> memref<800xi32, #tpu.memory_space<hbm>>
          tpu.enqueue_dma source(%dma_start3A_117 : memref<800xi32, #tpu.memory_space<hbm>>) target(%arg9 : memref<800xi32, #tpu.memory_space<vmem>>) target_semaphore(%run_scoped3A : memref<!tpu.dma_semaphore, #tpu.memory_space<semaphore_mem>>)
          %dma_wait3A_118 = tpu.memref_slice %arg4[%add3A_103] : memref<1600000xi32, #tpu.memory_space<hbm>> -> memref<800xi32, #tpu.memory_space<hbm>>
          %dma_wait3A_119 = tpu.memref_slice %arg4[%add3A_103] : memref<1600000xi32, #tpu.memory_space<hbm>> -> memref<800xi32, #tpu.memory_space<hbm>>
          tpu.wait_dma2 semaphore(%run_scoped3A : memref<!tpu.dma_semaphore, #tpu.memory_space<semaphore_mem>>) src(%dma_wait3A_119 : memref<800xi32, #tpu.memory_space<hbm>>) dst(%arg9 : memref<800xi32, #tpu.memory_space<vmem>>)
          tpu.yield
        }) : () -> ()
        "tpu.region"() ({
          %run_scoped3A = tpu.sem_alloc : memref<!tpu.dma_semaphore, #tpu.memory_space<semaphore_mem>>
          %dma_start3A_116 = tpu.memref_slice %arg5[%add3A_103] : memref<1600000xi32, #tpu.memory_space<hbm>> -> memref<800xi32, #tpu.memory_space<hbm>>
          %dma_start3A_117 = tpu.memref_slice %arg5[%add3A_103] : memref<1600000xi32, #tpu.memory_space<hbm>> -> memref<800xi32, #tpu.memory_space<hbm>>
          tpu.enqueue_dma source(%dma_start3A_117 : memref<800xi32, #tpu.memory_space<hbm>>) target(%arg10 : memref<800xi32, #tpu.memory_space<vmem>>) target_semaphore(%run_scoped3A : memref<!tpu.dma_semaphore, #tpu.memory_space<semaphore_mem>>)
          %dma_wait3A_118 = tpu.memref_slice %arg5[%add3A_103] : memref<1600000xi32, #tpu.memory_space<hbm>> -> memref<800xi32, #tpu.memory_space<hbm>>
          %dma_wait3A_119 = tpu.memref_slice %arg5[%add3A_103] : memref<1600000xi32, #tpu.memory_space<hbm>> -> memref<800xi32, #tpu.memory_space<hbm>>
          tpu.wait_dma2 semaphore(%run_scoped3A : memref<!tpu.dma_semaphore, #tpu.memory_space<semaphore_mem>>) src(%dma_wait3A_119 : memref<800xi32, #tpu.memory_space<hbm>>) dst(%arg10 : memref<800xi32, #tpu.memory_space<vmem>>)
          tpu.yield
        }) : () -> ()
        "tpu.region"() ({
          %run_scoped3A = tpu.sem_alloc : memref<!tpu.dma_semaphore, #tpu.memory_space<semaphore_mem>>
          %dma_start3A_116 = tpu.memref_slice %arg6[%add3A_103] : memref<1600000xf32, #tpu.memory_space<hbm>> -> memref<800xf32, #tpu.memory_space<hbm>>
          %dma_start3A_117 = tpu.memref_slice %arg6[%add3A_103] : memref<1600000xf32, #tpu.memory_space<hbm>> -> memref<800xf32, #tpu.memory_space<hbm>>
          tpu.enqueue_dma source(%dma_start3A_117 : memref<800xf32, #tpu.memory_space<hbm>>) target(%arg11 : memref<800xf32, #tpu.memory_space<vmem>>) target_semaphore(%run_scoped3A : memref<!tpu.dma_semaphore, #tpu.memory_space<semaphore_mem>>)
          %dma_wait3A_118 = tpu.memref_slice %arg6[%add3A_103] : memref<1600000xf32, #tpu.memory_space<hbm>> -> memref<800xf32, #tpu.memory_space<hbm>>
          %dma_wait3A_119 = tpu.memref_slice %arg6[%add3A_103] : memref<1600000xf32, #tpu.memory_space<hbm>> -> memref<800xf32, #tpu.memory_space<hbm>>
          tpu.wait_dma2 semaphore(%run_scoped3A : memref<!tpu.dma_semaphore, #tpu.memory_space<semaphore_mem>>) src(%dma_wait3A_119 : memref<800xf32, #tpu.memory_space<hbm>>) dst(%arg11 : memref<800xf32, #tpu.memory_space<vmem>>)
          tpu.yield
        }) : () -> ()
        %dma_start3A = arith.constant 0 : i32
        %dma_start3A_104 = arith.constant 0 : i32
        %dma_start3A_105 = tpu.memref_slice %arg2[%dma_start3A, %dma_start3A_104] : memref<100000x16xf32, #tpu.memory_space<hbm>> -> memref<100000x16xf32, #tpu.memory_space<hbm>>
        tpu.enqueue_indirect_dma source(%dma_start3A_105 : memref<100000x16xf32, #tpu.memory_space<hbm>>) target(%arg12 : memref<800x16xf32, #tpu.memory_space<vmem>>) offsets(%arg9 : memref<800xi32, #tpu.memory_space<vmem>>) semaphore(%arg13 : memref<!tpu.dma_semaphore, #tpu.memory_space<semaphore_mem>>)
        %dma_wait3A = arith.constant 0 : i32
        %dma_wait3A_106 = arith.constant 0 : i32
        %dma_wait3A_107 = tpu.memref_slice %arg2[%dma_wait3A, %dma_wait3A_106] : memref<100000x16xf32, #tpu.memory_space<hbm>> -> memref<100000x16xf32, #tpu.memory_space<hbm>>
        tpu.wait_indirect_dma semaphore(%arg13 : memref<!tpu.dma_semaphore, #tpu.memory_space<semaphore_mem>>) src(%dma_wait3A_107 : memref<100000x16xf32, #tpu.memory_space<hbm>>) dst(%arg12 : memref<800x16xf32, #tpu.memory_space<vmem>>)
        %iota3A = tpu.iota {dimensions = array<i32: 0>} : vector<16xi32>
        %mul3A_108 = arith.constant 0 : i32
        %mul3A_109 = vector.broadcast %mul3A_108 : i32 to vector<16xi32>
        %mul3A_110 = arith.muli %iota3A, %mul3A_109 : vector<16xi32>
        %scan3A_111 = arith.constant 0 : i32
        %scan3A_112 = arith.constant 50 : i32
        %scan3A_113 = arith.addi %scan3A_111, %scan3A_112 : i32
        %scan3A_114 = arith.constant 1 : i32
        scf.for %scan3A_116 = %scan3A_111 to %scan3A_113 step %scan3A_114  : i32 {
          %mul3A_117 = arith.constant 16 : i32
          %mul3A_118 = arith.muli %scan3A_116, %mul3A_117 : i32
          %add3A_119 = arith.constant 0 : i32
          %add3A_120 = arith.addi %add3A_119, %mul3A_118 : i32
          %add3A_121 = arith.constant 0 : i32
          %add3A_122 = arith.addi %add3A_120, %add3A_121 : i32
          %add3A_123 = vector.broadcast %add3A_122 : i32 to vector<16xi32>
          %add3A_124 = arith.addi %mul3A_110, %add3A_123 : vector<16xi32>
          %gather3A = tpu.vector_load_idx %arg11[%add3A_124] : memref<800xf32, #tpu.memory_space<vmem>>[vector<16xi32>], vector<16xf32>,
          %add3A_125 = arith.constant 0 : i32
          %add3A_126 = arith.addi %add3A_120, %add3A_125 : i32
          %get3A = arith.index_cast %add3A_126 : i32 to index
          %get3A_127 = arith.constant 0 : index
          %get3A_128 = tpu.vector_load %arg12[%get3A, %get3A_127] {strides = array<i32>} : memref<800x16xf32, #tpu.memory_space<vmem>>, vector<16xf32>,
          %mul3A_129 = arith.mulf %get3A_128, %gather3A : vector<16xf32>
          %add3A_130 = arith.constant 0 : i32
          %add3A_131 = arith.addi %add3A_120, %add3A_130 : i32
          %swap3A = arith.index_cast %add3A_131 : i32 to index
          %swap3A_132 = arith.constant 0 : index
          %swap3A_133 = tpu.vector_load %arg12[%swap3A, %swap3A_132] {strides = array<i32>} : memref<800x16xf32, #tpu.memory_space<vmem>>, vector<16xf32>,
          tpu.vector_store %arg12[%swap3A, %swap3A_132], %mul3A_129 {strides = array<i32>} : memref<800x16xf32, #tpu.memory_space<vmem>>, vector<16xf32>,
          %add3A_134 = arith.constant 1 : i32
          %add3A_135 = arith.addi %add3A_120, %add3A_134 : i32
          %add3A_136 = vector.broadcast %add3A_135 : i32 to vector<16xi32>
          %add3A_137 = arith.addi %mul3A_110, %add3A_136 : vector<16xi32>
          %gather3A_138 = tpu.vector_load_idx %arg11[%add3A_137] : memref<800xf32, #tpu.memory_space<vmem>>[vector<16xi32>], vector<16xf32>,
          %add3A_139 = arith.constant 1 : i32
          %add3A_140 = arith.addi %add3A_120, %add3A_139 : i32
          %get3A_141 = arith.index_cast %add3A_140 : i32 to index
          %get3A_142 = arith.constant 0 : index
          %get3A_143 = tpu.vector_load %arg12[%get3A_141, %get3A_142] {strides = array<i32>} : memref<800x16xf32, #tpu.memory_space<vmem>>, vector<16xf32>,
          %mul3A_144 = arith.mulf %get3A_143, %gather3A_138 : vector<16xf32>
          %add3A_145 = arith.constant 1 : i32
          %add3A_146 = arith.addi %add3A_120, %add3A_145 : i32
          %swap3A_147 = arith.index_cast %add3A_146 : i32 to index
          %swap3A_148 = arith.constant 0 : index
          %swap3A_149 = tpu.vector_load %arg12[%swap3A_147, %swap3A_148] {strides = array<i32>} : memref<800x16xf32, #tpu.memory_space<vmem>>, vector<16xf32>,
          tpu.vector_store %arg12[%swap3A_147, %swap3A_148], %mul3A_144 {strides = array<i32>} : memref<800x16xf32, #tpu.memory_space<vmem>>, vector<16xf32>,
          %add3A_150 = arith.constant 2 : i32
          %add3A_151 = arith.addi %add3A_120, %add3A_150 : i32
          %add3A_152 = vector.broadcast %add3A_151 : i32 to vector<16xi32>
          %add3A_153 = arith.addi %mul3A_110, %add3A_152 : vector<16xi32>
          %gather3A_154 = tpu.vector_load_idx %arg11[%add3A_153] : memref<800xf32, #tpu.memory_space<vmem>>[vector<16xi32>], vector<16xf32>,
          %add3A_155 = arith.constant 2 : i32
          %add3A_156 = arith.addi %add3A_120, %add3A_155 : i32
          %get3A_157 = arith.index_cast %add3A_156 : i32 to index
          %get3A_158 = arith.constant 0 : index
          %get3A_159 = tpu.vector_load %arg12[%get3A_157, %get3A_158] {strides = array<i32>} : memref<800x16xf32, #tpu.memory_space<vmem>>, vector<16xf32>,
          %mul3A_160 = arith.mulf %get3A_159, %gather3A_154 : vector<16xf32>
          %add3A_161 = arith.constant 2 : i32
          %add3A_162 = arith.addi %add3A_120, %add3A_161 : i32
          %swap3A_163 = arith.index_cast %add3A_162 : i32 to index
          %swap3A_164 = arith.constant 0 : index
          %swap3A_165 = tpu.vector_load %arg12[%swap3A_163, %swap3A_164] {strides = array<i32>} : memref<800x16xf32, #tpu.memory_space<vmem>>, vector<16xf32>,
          tpu.vector_store %arg12[%swap3A_163, %swap3A_164], %mul3A_160 {strides = array<i32>} : memref<800x16xf32, #tpu.memory_space<vmem>>, vector<16xf32>,
          %add3A_166 = arith.constant 3 : i32
          %add3A_167 = arith.addi %add3A_120, %add3A_166 : i32
          %add3A_168 = vector.broadcast %add3A_167 : i32 to vector<16xi32>
          %add3A_169 = arith.addi %mul3A_110, %add3A_168 : vector<16xi32>
          %gather3A_170 = tpu.vector_load_idx %arg11[%add3A_169] : memref<800xf32, #tpu.memory_space<vmem>>[vector<16xi32>], vector<16xf32>,
          %add3A_171 = arith.constant 3 : i32
          %add3A_172 = arith.addi %add3A_120, %add3A_171 : i32
          %get3A_173 = arith.index_cast %add3A_172 : i32 to index
          %get3A_174 = arith.constant 0 : index
          %get3A_175 = tpu.vector_load %arg12[%get3A_173, %get3A_174] {strides = array<i32>} : memref<800x16xf32, #tpu.memory_space<vmem>>, vector<16xf32>,
          %mul3A_176 = arith.mulf %get3A_175, %gather3A_170 : vector<16xf32>
          %add3A_177 = arith.constant 3 : i32
          %add3A_178 = arith.addi %add3A_120, %add3A_177 : i32
          %swap3A_179 = arith.index_cast %add3A_178 : i32 to index
          %swap3A_180 = arith.constant 0 : index
          %swap3A_181 = tpu.vector_load %arg12[%swap3A_179, %swap3A_180] {strides = array<i32>} : memref<800x16xf32, #tpu.memory_space<vmem>>, vector<16xf32>,
          tpu.vector_store %arg12[%swap3A_179, %swap3A_180], %mul3A_176 {strides = array<i32>} : memref<800x16xf32, #tpu.memory_space<vmem>>, vector<16xf32>,
          %add3A_182 = arith.constant 4 : i32
          %add3A_183 = arith.addi %add3A_120, %add3A_182 : i32
          %add3A_184 = vector.broadcast %add3A_183 : i32 to vector<16xi32>
          %add3A_185 = arith.addi %mul3A_110, %add3A_184 : vector<16xi32>
          %gather3A_186 = tpu.vector_load_idx %arg11[%add3A_185] : memref<800xf32, #tpu.memory_space<vmem>>[vector<16xi32>], vector<16xf32>,
          %add3A_187 = arith.constant 4 : i32
          %add3A_188 = arith.addi %add3A_120, %add3A_187 : i32
          %get3A_189 = arith.index_cast %add3A_188 : i32 to index
          %get3A_190 = arith.constant 0 : index
          %get3A_191 = tpu.vector_load %arg12[%get3A_189, %get3A_190] {strides = array<i32>} : memref<800x16xf32, #tpu.memory_space<vmem>>, vector<16xf32>,
          %mul3A_192 = arith.mulf %get3A_191, %gather3A_186 : vector<16xf32>
          %add3A_193 = arith.constant 4 : i32
          %add3A_194 = arith.addi %add3A_120, %add3A_193 : i32
          %swap3A_195 = arith.index_cast %add3A_194 : i32 to index
          %swap3A_196 = arith.constant 0 : index
          %swap3A_197 = tpu.vector_load %arg12[%swap3A_195, %swap3A_196] {strides = array<i32>} : memref<800x16xf32, #tpu.memory_space<vmem>>, vector<16xf32>,
          tpu.vector_store %arg12[%swap3A_195, %swap3A_196], %mul3A_192 {strides = array<i32>} : memref<800x16xf32, #tpu.memory_space<vmem>>, vector<16xf32>,
          %add3A_198 = arith.constant 5 : i32
          %add3A_199 = arith.addi %add3A_120, %add3A_198 : i32
          %add3A_200 = vector.broadcast %add3A_199 : i32 to vector<16xi32>
          %add3A_201 = arith.addi %mul3A_110, %add3A_200 : vector<16xi32>
          %gather3A_202 = tpu.vector_load_idx %arg11[%add3A_201] : memref<800xf32, #tpu.memory_space<vmem>>[vector<16xi32>], vector<16xf32>,
          %add3A_203 = arith.constant 5 : i32
          %add3A_204 = arith.addi %add3A_120, %add3A_203 : i32
          %get3A_205 = arith.index_cast %add3A_204 : i32 to index
          %get3A_206 = arith.constant 0 : index
          %get3A_207 = tpu.vector_load %arg12[%get3A_205, %get3A_206] {strides = array<i32>} : memref<800x16xf32, #tpu.memory_space<vmem>>, vector<16xf32>,
          %mul3A_208 = arith.mulf %get3A_207, %gather3A_202 : vector<16xf32>
          %add3A_209 = arith.constant 5 : i32
          %add3A_210 = arith.addi %add3A_120, %add3A_209 : i32
          %swap3A_211 = arith.index_cast %add3A_210 : i32 to index
          %swap3A_212 = arith.constant 0 : index
          %swap3A_213 = tpu.vector_load %arg12[%swap3A_211, %swap3A_212] {strides = array<i32>} : memref<800x16xf32, #tpu.memory_space<vmem>>, vector<16xf32>,
          tpu.vector_store %arg12[%swap3A_211, %swap3A_212], %mul3A_208 {strides = array<i32>} : memref<800x16xf32, #tpu.memory_space<vmem>>, vector<16xf32>,
          %add3A_214 = arith.constant 6 : i32
          %add3A_215 = arith.addi %add3A_120, %add3A_214 : i32
          %add3A_216 = vector.broadcast %add3A_215 : i32 to vector<16xi32>
          %add3A_217 = arith.addi %mul3A_110, %add3A_216 : vector<16xi32>
          %gather3A_218 = tpu.vector_load_idx %arg11[%add3A_217] : memref<800xf32, #tpu.memory_space<vmem>>[vector<16xi32>], vector<16xf32>,
          %add3A_219 = arith.constant 6 : i32
          %add3A_220 = arith.addi %add3A_120, %add3A_219 : i32
          %get3A_221 = arith.index_cast %add3A_220 : i32 to index
          %get3A_222 = arith.constant 0 : index
          %get3A_223 = tpu.vector_load %arg12[%get3A_221, %get3A_222] {strides = array<i32>} : memref<800x16xf32, #tpu.memory_space<vmem>>, vector<16xf32>,
          %mul3A_224 = arith.mulf %get3A_223, %gather3A_218 : vector<16xf32>
          %add3A_225 = arith.constant 6 : i32
          %add3A_226 = arith.addi %add3A_120, %add3A_225 : i32
          %swap3A_227 = arith.index_cast %add3A_226 : i32 to index
          %swap3A_228 = arith.constant 0 : index
          %swap3A_229 = tpu.vector_load %arg12[%swap3A_227, %swap3A_228] {strides = array<i32>} : memref<800x16xf32, #tpu.memory_space<vmem>>, vector<16xf32>,
          tpu.vector_store %arg12[%swap3A_227, %swap3A_228], %mul3A_224 {strides = array<i32>} : memref<800x16xf32, #tpu.memory_space<vmem>>, vector<16xf32>,
          %add3A_230 = arith.constant 7 : i32
          %add3A_231 = arith.addi %add3A_120, %add3A_230 : i32
          %add3A_232 = vector.broadcast %add3A_231 : i32 to vector<16xi32>
          %add3A_233 = arith.addi %mul3A_110, %add3A_232 : vector<16xi32>
          %gather3A_234 = tpu.vector_load_idx %arg11[%add3A_233] : memref<800xf32, #tpu.memory_space<vmem>>[vector<16xi32>], vector<16xf32>,
          %add3A_235 = arith.constant 7 : i32
          %add3A_236 = arith.addi %add3A_120, %add3A_235 : i32
          %get3A_237 = arith.index_cast %add3A_236 : i32 to index
          %get3A_238 = arith.constant 0 : index
          %get3A_239 = tpu.vector_load %arg12[%get3A_237, %get3A_238] {strides = array<i32>} : memref<800x16xf32, #tpu.memory_space<vmem>>, vector<16xf32>,
          %mul3A_240 = arith.mulf %get3A_239, %gather3A_234 : vector<16xf32>
          %add3A_241 = arith.constant 7 : i32
          %add3A_242 = arith.addi %add3A_120, %add3A_241 : i32
          %swap3A_243 = arith.index_cast %add3A_242 : i32 to index
          %swap3A_244 = arith.constant 0 : index
          %swap3A_245 = tpu.vector_load %arg12[%swap3A_243, %swap3A_244] {strides = array<i32>} : memref<800x16xf32, #tpu.memory_space<vmem>>, vector<16xf32>,
          tpu.vector_store %arg12[%swap3A_243, %swap3A_244], %mul3A_240 {strides = array<i32>} : memref<800x16xf32, #tpu.memory_space<vmem>>, vector<16xf32>,
          %add3A_246 = arith.constant 8 : i32
          %add3A_247 = arith.addi %add3A_120, %add3A_246 : i32
          %add3A_248 = vector.broadcast %add3A_247 : i32 to vector<16xi32>
          %add3A_249 = arith.addi %mul3A_110, %add3A_248 : vector<16xi32>
          %gather3A_250 = tpu.vector_load_idx %arg11[%add3A_249] : memref<800xf32, #tpu.memory_space<vmem>>[vector<16xi32>], vector<16xf32>,
          %add3A_251 = arith.constant 8 : i32
          %add3A_252 = arith.addi %add3A_120, %add3A_251 : i32
          %get3A_253 = arith.index_cast %add3A_252 : i32 to index
          %get3A_254 = arith.constant 0 : index
          %get3A_255 = tpu.vector_load %arg12[%get3A_253, %get3A_254] {strides = array<i32>} : memref<800x16xf32, #tpu.memory_space<vmem>>, vector<16xf32>,
          %mul3A_256 = arith.mulf %get3A_255, %gather3A_250 : vector<16xf32>
          %add3A_257 = arith.constant 8 : i32
          %add3A_258 = arith.addi %add3A_120, %add3A_257 : i32
          %swap3A_259 = arith.index_cast %add3A_258 : i32 to index
          %swap3A_260 = arith.constant 0 : index
          %swap3A_261 = tpu.vector_load %arg12[%swap3A_259, %swap3A_260] {strides = array<i32>} : memref<800x16xf32, #tpu.memory_space<vmem>>, vector<16xf32>,
          tpu.vector_store %arg12[%swap3A_259, %swap3A_260], %mul3A_256 {strides = array<i32>} : memref<800x16xf32, #tpu.memory_space<vmem>>, vector<16xf32>,
          %add3A_262 = arith.constant 9 : i32
          %add3A_263 = arith.addi %add3A_120, %add3A_262 : i32
          %add3A_264 = vector.broadcast %add3A_263 : i32 to vector<16xi32>
          %add3A_265 = arith.addi %mul3A_110, %add3A_264 : vector<16xi32>
          %gather3A_266 = tpu.vector_load_idx %arg11[%add3A_265] : memref<800xf32, #tpu.memory_space<vmem>>[vector<16xi32>], vector<16xf32>,
          %add3A_267 = arith.constant 9 : i32
          %add3A_268 = arith.addi %add3A_120, %add3A_267 : i32
          %get3A_269 = arith.index_cast %add3A_268 : i32 to index
          %get3A_270 = arith.constant 0 : index
          %get3A_271 = tpu.vector_load %arg12[%get3A_269, %get3A_270] {strides = array<i32>} : memref<800x16xf32, #tpu.memory_space<vmem>>, vector<16xf32>,
          %mul3A_272 = arith.mulf %get3A_271, %gather3A_266 : vector<16xf32>
          %add3A_273 = arith.constant 9 : i32
          %add3A_274 = arith.addi %add3A_120, %add3A_273 : i32
          %swap3A_275 = arith.index_cast %add3A_274 : i32 to index
          %swap3A_276 = arith.constant 0 : index
          %swap3A_277 = tpu.vector_load %arg12[%swap3A_275, %swap3A_276] {strides = array<i32>} : memref<800x16xf32, #tpu.memory_space<vmem>>, vector<16xf32>,
          tpu.vector_store %arg12[%swap3A_275, %swap3A_276], %mul3A_272 {strides = array<i32>} : memref<800x16xf32, #tpu.memory_space<vmem>>, vector<16xf32>,
          %add3A_278 = arith.constant 10 : i32
          %add3A_279 = arith.addi %add3A_120, %add3A_278 : i32
          %add3A_280 = vector.broadcast %add3A_279 : i32 to vector<16xi32>
          %add3A_281 = arith.addi %mul3A_110, %add3A_280 : vector<16xi32>
          %gather3A_282 = tpu.vector_load_idx %arg11[%add3A_281] : memref<800xf32, #tpu.memory_space<vmem>>[vector<16xi32>], vector<16xf32>,
          %add3A_283 = arith.constant 10 : i32
          %add3A_284 = arith.addi %add3A_120, %add3A_283 : i32
          %get3A_285 = arith.index_cast %add3A_284 : i32 to index
          %get3A_286 = arith.constant 0 : index
          %get3A_287 = tpu.vector_load %arg12[%get3A_285, %get3A_286] {strides = array<i32>} : memref<800x16xf32, #tpu.memory_space<vmem>>, vector<16xf32>,
          %mul3A_288 = arith.mulf %get3A_287, %gather3A_282 : vector<16xf32>
          %add3A_289 = arith.constant 10 : i32
          %add3A_290 = arith.addi %add3A_120, %add3A_289 : i32
          %swap3A_291 = arith.index_cast %add3A_290 : i32 to index
          %swap3A_292 = arith.constant 0 : index
          %swap3A_293 = tpu.vector_load %arg12[%swap3A_291, %swap3A_292] {strides = array<i32>} : memref<800x16xf32, #tpu.memory_space<vmem>>, vector<16xf32>,
          tpu.vector_store %arg12[%swap3A_291, %swap3A_292], %mul3A_288 {strides = array<i32>} : memref<800x16xf32, #tpu.memory_space<vmem>>, vector<16xf32>,
          %add3A_294 = arith.constant 11 : i32
          %add3A_295 = arith.addi %add3A_120, %add3A_294 : i32
          %add3A_296 = vector.broadcast %add3A_295 : i32 to vector<16xi32>
          %add3A_297 = arith.addi %mul3A_110, %add3A_296 : vector<16xi32>
          %gather3A_298 = tpu.vector_load_idx %arg11[%add3A_297] : memref<800xf32, #tpu.memory_space<vmem>>[vector<16xi32>], vector<16xf32>,
          %add3A_299 = arith.constant 11 : i32
          %add3A_300 = arith.addi %add3A_120, %add3A_299 : i32
          %get3A_301 = arith.index_cast %add3A_300 : i32 to index
          %get3A_302 = arith.constant 0 : index
          %get3A_303 = tpu.vector_load %arg12[%get3A_301, %get3A_302] {strides = array<i32>} : memref<800x16xf32, #tpu.memory_space<vmem>>, vector<16xf32>,
          %mul3A_304 = arith.mulf %get3A_303, %gather3A_298 : vector<16xf32>
          %add3A_305 = arith.constant 11 : i32
          %add3A_306 = arith.addi %add3A_120, %add3A_305 : i32
          %swap3A_307 = arith.index_cast %add3A_306 : i32 to index
          %swap3A_308 = arith.constant 0 : index
          %swap3A_309 = tpu.vector_load %arg12[%swap3A_307, %swap3A_308] {strides = array<i32>} : memref<800x16xf32, #tpu.memory_space<vmem>>, vector<16xf32>,
          tpu.vector_store %arg12[%swap3A_307, %swap3A_308], %mul3A_304 {strides = array<i32>} : memref<800x16xf32, #tpu.memory_space<vmem>>, vector<16xf32>,
          %add3A_310 = arith.constant 12 : i32
          %add3A_311 = arith.addi %add3A_120, %add3A_310 : i32
          %add3A_312 = vector.broadcast %add3A_311 : i32 to vector<16xi32>
          %add3A_313 = arith.addi %mul3A_110, %add3A_312 : vector<16xi32>
          %gather3A_314 = tpu.vector_load_idx %arg11[%add3A_313] : memref<800xf32, #tpu.memory_space<vmem>>[vector<16xi32>], vector<16xf32>,
          %add3A_315 = arith.constant 12 : i32
          %add3A_316 = arith.addi %add3A_120, %add3A_315 : i32
          %get3A_317 = arith.index_cast %add3A_316 : i32 to index
          %get3A_318 = arith.constant 0 : index
          %get3A_319 = tpu.vector_load %arg12[%get3A_317, %get3A_318] {strides = array<i32>} : memref<800x16xf32, #tpu.memory_space<vmem>>, vector<16xf32>,
          %mul3A_320 = arith.mulf %get3A_319, %gather3A_314 : vector<16xf32>
          %add3A_321 = arith.constant 12 : i32
          %add3A_322 = arith.addi %add3A_120, %add3A_321 : i32
          %swap3A_323 = arith.index_cast %add3A_322 : i32 to index
          %swap3A_324 = arith.constant 0 : index
          %swap3A_325 = tpu.vector_load %arg12[%swap3A_323, %swap3A_324] {strides = array<i32>} : memref<800x16xf32, #tpu.memory_space<vmem>>, vector<16xf32>,
          tpu.vector_store %arg12[%swap3A_323, %swap3A_324], %mul3A_320 {strides = array<i32>} : memref<800x16xf32, #tpu.memory_space<vmem>>, vector<16xf32>,
          %add3A_326 = arith.constant 13 : i32
          %add3A_327 = arith.addi %add3A_120, %add3A_326 : i32
          %add3A_328 = vector.broadcast %add3A_327 : i32 to vector<16xi32>
          %add3A_329 = arith.addi %mul3A_110, %add3A_328 : vector<16xi32>
          %gather3A_330 = tpu.vector_load_idx %arg11[%add3A_329] : memref<800xf32, #tpu.memory_space<vmem>>[vector<16xi32>], vector<16xf32>,
          %add3A_331 = arith.constant 13 : i32
          %add3A_332 = arith.addi %add3A_120, %add3A_331 : i32
          %get3A_333 = arith.index_cast %add3A_332 : i32 to index
          %get3A_334 = arith.constant 0 : index
          %get3A_335 = tpu.vector_load %arg12[%get3A_333, %get3A_334] {strides = array<i32>} : memref<800x16xf32, #tpu.memory_space<vmem>>, vector<16xf32>,
          %mul3A_336 = arith.mulf %get3A_335, %gather3A_330 : vector<16xf32>
          %add3A_337 = arith.constant 13 : i32
          %add3A_338 = arith.addi %add3A_120, %add3A_337 : i32
          %swap3A_339 = arith.index_cast %add3A_338 : i32 to index
          %swap3A_340 = arith.constant 0 : index
          %swap3A_341 = tpu.vector_load %arg12[%swap3A_339, %swap3A_340] {strides = array<i32>} : memref<800x16xf32, #tpu.memory_space<vmem>>, vector<16xf32>,
          tpu.vector_store %arg12[%swap3A_339, %swap3A_340], %mul3A_336 {strides = array<i32>} : memref<800x16xf32, #tpu.memory_space<vmem>>, vector<16xf32>,
          %add3A_342 = arith.constant 14 : i32
          %add3A_343 = arith.addi %add3A_120, %add3A_342 : i32
          %add3A_344 = vector.broadcast %add3A_343 : i32 to vector<16xi32>
          %add3A_345 = arith.addi %mul3A_110, %add3A_344 : vector<16xi32>
          %gather3A_346 = tpu.vector_load_idx %arg11[%add3A_345] : memref<800xf32, #tpu.memory_space<vmem>>[vector<16xi32>], vector<16xf32>,
          %add3A_347 = arith.constant 14 : i32
          %add3A_348 = arith.addi %add3A_120, %add3A_347 : i32
          %get3A_349 = arith.index_cast %add3A_348 : i32 to index
          %get3A_350 = arith.constant 0 : index
          %get3A_351 = tpu.vector_load %arg12[%get3A_349, %get3A_350] {strides = array<i32>} : memref<800x16xf32, #tpu.memory_space<vmem>>, vector<16xf32>,
          %mul3A_352 = arith.mulf %get3A_351, %gather3A_346 : vector<16xf32>
          %add3A_353 = arith.constant 14 : i32
          %add3A_354 = arith.addi %add3A_120, %add3A_353 : i32
          %swap3A_355 = arith.index_cast %add3A_354 : i32 to index
          %swap3A_356 = arith.constant 0 : index
          %swap3A_357 = tpu.vector_load %arg12[%swap3A_355, %swap3A_356] {strides = array<i32>} : memref<800x16xf32, #tpu.memory_space<vmem>>, vector<16xf32>,
          tpu.vector_store %arg12[%swap3A_355, %swap3A_356], %mul3A_352 {strides = array<i32>} : memref<800x16xf32, #tpu.memory_space<vmem>>, vector<16xf32>,
          %add3A_358 = arith.constant 15 : i32
          %add3A_359 = arith.addi %add3A_120, %add3A_358 : i32
          %add3A_360 = vector.broadcast %add3A_359 : i32 to vector<16xi32>
          %add3A_361 = arith.addi %mul3A_110, %add3A_360 : vector<16xi32>
          %gather3A_362 = tpu.vector_load_idx %arg11[%add3A_361] : memref<800xf32, #tpu.memory_space<vmem>>[vector<16xi32>], vector<16xf32>,
          %add3A_363 = arith.constant 15 : i32
          %add3A_364 = arith.addi %add3A_120, %add3A_363 : i32
          %get3A_365 = arith.index_cast %add3A_364 : i32 to index
          %get3A_366 = arith.constant 0 : index
          %get3A_367 = tpu.vector_load %arg12[%get3A_365, %get3A_366] {strides = array<i32>} : memref<800x16xf32, #tpu.memory_space<vmem>>, vector<16xf32>,
          %mul3A_368 = arith.mulf %get3A_367, %gather3A_362 : vector<16xf32>
          %add3A_369 = arith.constant 15 : i32
          %add3A_370 = arith.addi %add3A_120, %add3A_369 : i32
          %swap3A_371 = arith.index_cast %add3A_370 : i32 to index
          %swap3A_372 = arith.constant 0 : index
          %swap3A_373 = tpu.vector_load %arg12[%swap3A_371, %swap3A_372] {strides = array<i32>} : memref<800x16xf32, #tpu.memory_space<vmem>>, vector<16xf32>,
          tpu.vector_store %arg12[%swap3A_371, %swap3A_372], %mul3A_368 {strides = array<i32>} : memref<800x16xf32, #tpu.memory_space<vmem>>, vector<16xf32>,
        }
        %scan3A_115 = arith.constant 50 : i32
        "tpu.region"() ({
          %run_scoped3A = tpu.sem_alloc : memref<!tpu.dma_semaphore, #tpu.memory_space<semaphore_mem>>
          %dma_start3A_116 = arith.constant 0 : i32
          %dma_start3A_117 = arith.constant 0 : i32
          %dma_start3A_118 = tpu.memref_slice %arg14[%dma_start3A_116, %dma_start3A_117] : memref<100000x16xf32, #tpu.memory_space<vmem_shared>> -> memref<100000x16xf32, #tpu.memory_space<vmem_shared>>
          tpu.enqueue_indirect_dma source(%arg12 : memref<800x16xf32, #tpu.memory_space<vmem>>) target(%dma_start3A_118 : memref<100000x16xf32, #tpu.memory_space<vmem_shared>>) offsets(%arg10 : memref<800xi32, #tpu.memory_space<vmem>>) semaphore(%run_scoped3A : memref<!tpu.dma_semaphore, #tpu.memory_space<semaphore_mem>>) {add = true}
          %dma_wait3A_119 = arith.constant 0 : i32
          %dma_wait3A_120 = arith.constant 0 : i32
          %dma_wait3A_121 = tpu.memref_slice %arg14[%dma_wait3A_119, %dma_wait3A_120] : memref<100000x16xf32, #tpu.memory_space<vmem_shared>> -> memref<100000x16xf32, #tpu.memory_space<vmem_shared>>
          tpu.wait_indirect_dma semaphore(%run_scoped3A : memref<!tpu.dma_semaphore, #tpu.memory_space<semaphore_mem>>) src(%arg12 : memref<800x16xf32, #tpu.memory_space<vmem>>) dst(%dma_wait3A_121 : memref<100000x16xf32, #tpu.memory_space<vmem_shared>>)
          tpu.yield
        }) : () -> ()
      }
      %scan3A_77 = arith.constant 125 : i32
      %barrier3A_78 = arith.constant 0 : index
      tpu.barrier barrier_id(%barrier3A_78)
      %sub3A_79 = arith.subi %select_n3A_43, %select_n3A : i32
      %sub3A_80 = arith.constant 1 : i32
      %sub3A_81 = arith.constant 1 : i32
      %sub3A_82 = arith.subi %sub3A_80, %sub3A_81 : i32
      %add3A_83 = arith.addi %sub3A_79, %sub3A_82 : i32
      %div3A_84 = arith.constant 1 : i32
      %div3A_85 = arith.divsi %add3A_83, %div3A_84 : i32
      %while3A_86 = arith.constant 1 : i32
      %while3A_87 = arith.constant 0 : i32
      %while3A_88 = arith.subi %div3A_85, %while3A_87 : i32
      %while3A_89 = arith.addi %while3A_87, %while3A_88 : i32
      %while3A_90 = arith.constant 1 : i32
      %while3A_91 = arith.divsi %while3A_88, %while3A_90 : i32
      %while3A_92 = arith.muli %while3A_91, %while3A_90 : i32
      %while3A_93 = arith.addi %while3A_87, %while3A_92 : i32
      %while3A_94 = arith.constant 1 : i32
      scf.for %while3A_96 = %while3A_87 to %while3A_93 step %while3A_94  : i32 {
        %mul3A_97 = arith.muli %while3A_96, %while3A_86 : i32
        %add3A_98 = arith.addi %select_n3A, %mul3A_97 : i32
        %mul3A_99 = arith.constant 800 : i32
        %mul3A_100 = arith.muli %add3A_98, %mul3A_99 : i32
        %mul3A_101 = arith.constant 800 : i32
        %mul3A_102 = arith.muli %add3A_98, %mul3A_101 : i32
        "tpu.region"() ({
          %run_scoped3A = tpu.sem_alloc : memref<!tpu.dma_semaphore, #tpu.memory_space<semaphore_mem>>
          %dma_start3A = arith.constant 0 : i32
          %dma_start3A_103 = tpu.memref_slice %arg7[%mul3A_102, %dma_start3A] : memref<100000x16xf32, #tpu.memory_space<hbm>> -> memref<800x16xf32, #tpu.memory_space<hbm>>
          %dma_start3A_104 = arith.constant 0 : i32
          %dma_start3A_105 = tpu.memref_slice %arg14[%mul3A_100, %dma_start3A_104] : memref<100000x16xf32, #tpu.memory_space<vmem_shared>> -> memref<800x16xf32, #tpu.memory_space<vmem_shared>>
          tpu.enqueue_dma source(%dma_start3A_105 : memref<800x16xf32, #tpu.memory_space<vmem_shared>>) target(%dma_start3A_103 : memref<800x16xf32, #tpu.memory_space<hbm>>) target_semaphore(%run_scoped3A : memref<!tpu.dma_semaphore, #tpu.memory_space<semaphore_mem>>)
          %dma_wait3A = arith.constant 0 : i32
          %dma_wait3A_106 = tpu.memref_slice %arg7[%mul3A_102, %dma_wait3A] : memref<100000x16xf32, #tpu.memory_space<hbm>> -> memref<800x16xf32, #tpu.memory_space<hbm>>
          %dma_wait3A_107 = arith.constant 0 : i32
          %dma_wait3A_108 = tpu.memref_slice %arg14[%mul3A_100, %dma_wait3A_107] : memref<100000x16xf32, #tpu.memory_space<vmem_shared>> -> memref<800x16xf32, #tpu.memory_space<vmem_shared>>
          tpu.wait_dma2 semaphore(%run_scoped3A : memref<!tpu.dma_semaphore, #tpu.memory_space<semaphore_mem>>) src(%dma_wait3A_108 : memref<800x16xf32, #tpu.memory_space<vmem_shared>>) dst(%dma_wait3A_106 : memref<800x16xf32, #tpu.memory_space<hbm>>)
          tpu.yield
        }) : () -> ()
      }
      %while3A_95 = arith.constant 1 : i32
      scf.for %while3A_96 = %while3A_93 to %while3A_89 step %while3A_95  : i32 {
        %mul3A_97 = arith.muli %while3A_96, %while3A_86 : i32
        %add3A_98 = arith.addi %select_n3A, %mul3A_97 : i32
        %mul3A_99 = arith.constant 800 : i32
        %mul3A_100 = arith.muli %add3A_98, %mul3A_99 : i32
        %mul3A_101 = arith.constant 800 : i32
        %mul3A_102 = arith.muli %add3A_98, %mul3A_101 : i32
        "tpu.region"() ({
          %run_scoped3A = tpu.sem_alloc : memref<!tpu.dma_semaphore, #tpu.memory_space<semaphore_mem>>
          %dma_start3A = arith.constant 0 : i32
          %dma_start3A_103 = tpu.memref_slice %arg7[%mul3A_102, %dma_start3A] : memref<100000x16xf32, #tpu.memory_space<hbm>> -> memref<800x16xf32, #tpu.memory_space<hbm>>
          %dma_start3A_104 = arith.constant 0 : i32
          %dma_start3A_105 = tpu.memref_slice %arg14[%mul3A_100, %dma_start3A_104] : memref<100000x16xf32, #tpu.memory_space<vmem_shared>> -> memref<800x16xf32, #tpu.memory_space<vmem_shared>>
          tpu.enqueue_dma source(%dma_start3A_105 : memref<800x16xf32, #tpu.memory_space<vmem_shared>>) target(%dma_start3A_103 : memref<800x16xf32, #tpu.memory_space<hbm>>) target_semaphore(%run_scoped3A : memref<!tpu.dma_semaphore, #tpu.memory_space<semaphore_mem>>)
          %dma_wait3A = arith.constant 0 : i32
          %dma_wait3A_106 = tpu.memref_slice %arg7[%mul3A_102, %dma_wait3A] : memref<100000x16xf32, #tpu.memory_space<hbm>> -> memref<800x16xf32, #tpu.memory_space<hbm>>
          %dma_wait3A_107 = arith.constant 0 : i32
          %dma_wait3A_108 = tpu.memref_slice %arg14[%mul3A_100, %dma_wait3A_107] : memref<100000x16xf32, #tpu.memory_space<vmem_shared>> -> memref<800x16xf32, #tpu.memory_space<vmem_shared>>
          tpu.wait_dma2 semaphore(%run_scoped3A : memref<!tpu.dma_semaphore, #tpu.memory_space<semaphore_mem>>) src(%dma_wait3A_108 : memref<800x16xf32, #tpu.memory_space<vmem_shared>>) dst(%dma_wait3A_106 : memref<800x16xf32, #tpu.memory_space<hbm>>)
          tpu.yield
        }) : () -> ()
      }
    } else {
    }
    %eq3A_66 = arith.constant 1 : i32
    %eq3A_67 = arith.cmpi eq, %arg0, %eq3A_66 : i32
    %convert_element_type3A_68 = arith.extui %eq3A_67 : i1 to i32
    %cond3A_69 = arith.constant 0 : i32
    %cond3A_70 = arith.cmpi ne, %convert_element_type3A_68, %cond3A_69 : i32
    scf.if %cond3A_70 {
      %mul3A_71 = arith.constant 100000 : i32
      %mul3A_72 = arith.muli %arg1, %mul3A_71 : i32
      %scan3A_73 = arith.constant 0 : i32
      %scan3A_74 = arith.constant 125 : i32
      %scan3A_75 = arith.addi %scan3A_73, %scan3A_74 : i32
      %scan3A_76 = arith.constant 1 : i32
      scf.for %scan3A_96 = %scan3A_73 to %scan3A_75 step %scan3A_76  : i32 {
        %mul3A_97 = arith.constant 1 : i32
        %mul3A_98 = arith.muli %scan3A_96, %mul3A_97 : i32
        %add3A_99 = arith.constant 0 : i32
        %add3A_100 = arith.addi %add3A_99, %mul3A_98 : i32
        %mul3A_101 = arith.constant 800 : i32
        %mul3A_102 = arith.muli %add3A_100, %mul3A_101 : i32
        %add3A_103 = arith.addi %mul3A_72, %mul3A_102 : i32
        "tpu.region"() ({
          %run_scoped3A = tpu.sem_alloc : memref<!tpu.dma_semaphore, #tpu.memory_space<semaphore_mem>>
          %dma_start3A_116 = tpu.memref_slice %arg4[%add3A_103] : memref<1600000xi32, #tpu.memory_space<hbm>> -> memref<800xi32, #tpu.memory_space<hbm>>
          %dma_start3A_117 = tpu.memref_slice %arg4[%add3A_103] : memref<1600000xi32, #tpu.memory_space<hbm>> -> memref<800xi32, #tpu.memory_space<hbm>>
          tpu.enqueue_dma source(%dma_start3A_117 : memref<800xi32, #tpu.memory_space<hbm>>) target(%arg9 : memref<800xi32, #tpu.memory_space<vmem>>) target_semaphore(%run_scoped3A : memref<!tpu.dma_semaphore, #tpu.memory_space<semaphore_mem>>)
          %dma_wait3A_118 = tpu.memref_slice %arg4[%add3A_103] : memref<1600000xi32, #tpu.memory_space<hbm>> -> memref<800xi32, #tpu.memory_space<hbm>>
          %dma_wait3A_119 = tpu.memref_slice %arg4[%add3A_103] : memref<1600000xi32, #tpu.memory_space<hbm>> -> memref<800xi32, #tpu.memory_space<hbm>>
          tpu.wait_dma2 semaphore(%run_scoped3A : memref<!tpu.dma_semaphore, #tpu.memory_space<semaphore_mem>>) src(%dma_wait3A_119 : memref<800xi32, #tpu.memory_space<hbm>>) dst(%arg9 : memref<800xi32, #tpu.memory_space<vmem>>)
          tpu.yield
        }) : () -> ()
        "tpu.region"() ({
          %run_scoped3A = tpu.sem_alloc : memref<!tpu.dma_semaphore, #tpu.memory_space<semaphore_mem>>
          %dma_start3A_116 = tpu.memref_slice %arg5[%add3A_103] : memref<1600000xi32, #tpu.memory_space<hbm>> -> memref<800xi32, #tpu.memory_space<hbm>>
          %dma_start3A_117 = tpu.memref_slice %arg5[%add3A_103] : memref<1600000xi32, #tpu.memory_space<hbm>> -> memref<800xi32, #tpu.memory_space<hbm>>
          tpu.enqueue_dma source(%dma_start3A_117 : memref<800xi32, #tpu.memory_space<hbm>>) target(%arg10 : memref<800xi32, #tpu.memory_space<vmem>>) target_semaphore(%run_scoped3A : memref<!tpu.dma_semaphore, #tpu.memory_space<semaphore_mem>>)
          %dma_wait3A_118 = tpu.memref_slice %arg5[%add3A_103] : memref<1600000xi32, #tpu.memory_space<hbm>> -> memref<800xi32, #tpu.memory_space<hbm>>
          %dma_wait3A_119 = tpu.memref_slice %arg5[%add3A_103] : memref<1600000xi32, #tpu.memory_space<hbm>> -> memref<800xi32, #tpu.memory_space<hbm>>
          tpu.wait_dma2 semaphore(%run_scoped3A : memref<!tpu.dma_semaphore, #tpu.memory_space<semaphore_mem>>) src(%dma_wait3A_119 : memref<800xi32, #tpu.memory_space<hbm>>) dst(%arg10 : memref<800xi32, #tpu.memory_space<vmem>>)
          tpu.yield
        }) : () -> ()
        "tpu.region"() ({
          %run_scoped3A = tpu.sem_alloc : memref<!tpu.dma_semaphore, #tpu.memory_space<semaphore_mem>>
          %dma_start3A_116 = tpu.memref_slice %arg6[%add3A_103] : memref<1600000xf32, #tpu.memory_space<hbm>> -> memref<800xf32, #tpu.memory_space<hbm>>
          %dma_start3A_117 = tpu.memref_slice %arg6[%add3A_103] : memref<1600000xf32, #tpu.memory_space<hbm>> -> memref<800xf32, #tpu.memory_space<hbm>>
          tpu.enqueue_dma source(%dma_start3A_117 : memref<800xf32, #tpu.memory_space<hbm>>) target(%arg11 : memref<800xf32, #tpu.memory_space<vmem>>) target_semaphore(%run_scoped3A : memref<!tpu.dma_semaphore, #tpu.memory_space<semaphore_mem>>)
          %dma_wait3A_118 = tpu.memref_slice %arg6[%add3A_103] : memref<1600000xf32, #tpu.memory_space<hbm>> -> memref<800xf32, #tpu.memory_space<hbm>>
          %dma_wait3A_119 = tpu.memref_slice %arg6[%add3A_103] : memref<1600000xf32, #tpu.memory_space<hbm>> -> memref<800xf32, #tpu.memory_space<hbm>>
          tpu.wait_dma2 semaphore(%run_scoped3A : memref<!tpu.dma_semaphore, #tpu.memory_space<semaphore_mem>>) src(%dma_wait3A_119 : memref<800xf32, #tpu.memory_space<hbm>>) dst(%arg11 : memref<800xf32, #tpu.memory_space<vmem>>)
          tpu.yield
        }) : () -> ()
        %dma_start3A = arith.constant 0 : i32
        %dma_start3A_104 = arith.constant 0 : i32
        %dma_start3A_105 = tpu.memref_slice %arg3[%dma_start3A, %dma_start3A_104] : memref<100000x16xf32, #tpu.memory_space<hbm>> -> memref<100000x16xf32, #tpu.memory_space<hbm>>
        tpu.enqueue_indirect_dma source(%dma_start3A_105 : memref<100000x16xf32, #tpu.memory_space<hbm>>) target(%arg12 : memref<800x16xf32, #tpu.memory_space<vmem>>) offsets(%arg9 : memref<800xi32, #tpu.memory_space<vmem>>) semaphore(%arg13 : memref<!tpu.dma_semaphore, #tpu.memory_space<semaphore_mem>>)
        %dma_wait3A = arith.constant 0 : i32
        %dma_wait3A_106 = arith.constant 0 : i32
        %dma_wait3A_107 = tpu.memref_slice %arg3[%dma_wait3A, %dma_wait3A_106] : memref<100000x16xf32, #tpu.memory_space<hbm>> -> memref<100000x16xf32, #tpu.memory_space<hbm>>
        tpu.wait_indirect_dma semaphore(%arg13 : memref<!tpu.dma_semaphore, #tpu.memory_space<semaphore_mem>>) src(%dma_wait3A_107 : memref<100000x16xf32, #tpu.memory_space<hbm>>) dst(%arg12 : memref<800x16xf32, #tpu.memory_space<vmem>>)
        %iota3A = tpu.iota {dimensions = array<i32: 0>} : vector<16xi32>
        %mul3A_108 = arith.constant 0 : i32
        %mul3A_109 = vector.broadcast %mul3A_108 : i32 to vector<16xi32>
        %mul3A_110 = arith.muli %iota3A, %mul3A_109 : vector<16xi32>
        %scan3A_111 = arith.constant 0 : i32
        %scan3A_112 = arith.constant 50 : i32
        %scan3A_113 = arith.addi %scan3A_111, %scan3A_112 : i32
        %scan3A_114 = arith.constant 1 : i32
        scf.for %scan3A_116 = %scan3A_111 to %scan3A_113 step %scan3A_114  : i32 {
          %mul3A_117 = arith.constant 16 : i32
          %mul3A_118 = arith.muli %scan3A_116, %mul3A_117 : i32
          %add3A_119 = arith.constant 0 : i32
          %add3A_120 = arith.addi %add3A_119, %mul3A_118 : i32
          %add3A_121 = arith.constant 0 : i32
          %add3A_122 = arith.addi %add3A_120, %add3A_121 : i32
          %add3A_123 = vector.broadcast %add3A_122 : i32 to vector<16xi32>
          %add3A_124 = arith.addi %mul3A_110, %add3A_123 : vector<16xi32>
          %gather3A = tpu.vector_load_idx %arg11[%add3A_124] : memref<800xf32, #tpu.memory_space<vmem>>[vector<16xi32>], vector<16xf32>,
          %add3A_125 = arith.constant 0 : i32
          %add3A_126 = arith.addi %add3A_120, %add3A_125 : i32
          %get3A = arith.index_cast %add3A_126 : i32 to index
          %get3A_127 = arith.constant 0 : index
          %get3A_128 = tpu.vector_load %arg12[%get3A, %get3A_127] {strides = array<i32>} : memref<800x16xf32, #tpu.memory_space<vmem>>, vector<16xf32>,
          %mul3A_129 = arith.mulf %get3A_128, %gather3A : vector<16xf32>
          %add3A_130 = arith.constant 0 : i32
          %add3A_131 = arith.addi %add3A_120, %add3A_130 : i32
          %swap3A = arith.index_cast %add3A_131 : i32 to index
          %swap3A_132 = arith.constant 0 : index
          %swap3A_133 = tpu.vector_load %arg12[%swap3A, %swap3A_132] {strides = array<i32>} : memref<800x16xf32, #tpu.memory_space<vmem>>, vector<16xf32>,
          tpu.vector_store %arg12[%swap3A, %swap3A_132], %mul3A_129 {strides = array<i32>} : memref<800x16xf32, #tpu.memory_space<vmem>>, vector<16xf32>,
          %add3A_134 = arith.constant 1 : i32
          %add3A_135 = arith.addi %add3A_120, %add3A_134 : i32
          %add3A_136 = vector.broadcast %add3A_135 : i32 to vector<16xi32>
          %add3A_137 = arith.addi %mul3A_110, %add3A_136 : vector<16xi32>
          %gather3A_138 = tpu.vector_load_idx %arg11[%add3A_137] : memref<800xf32, #tpu.memory_space<vmem>>[vector<16xi32>], vector<16xf32>,
          %add3A_139 = arith.constant 1 : i32
          %add3A_140 = arith.addi %add3A_120, %add3A_139 : i32
          %get3A_141 = arith.index_cast %add3A_140 : i32 to index
          %get3A_142 = arith.constant 0 : index
          %get3A_143 = tpu.vector_load %arg12[%get3A_141, %get3A_142] {strides = array<i32>} : memref<800x16xf32, #tpu.memory_space<vmem>>, vector<16xf32>,
          %mul3A_144 = arith.mulf %get3A_143, %gather3A_138 : vector<16xf32>
          %add3A_145 = arith.constant 1 : i32
          %add3A_146 = arith.addi %add3A_120, %add3A_145 : i32
          %swap3A_147 = arith.index_cast %add3A_146 : i32 to index
          %swap3A_148 = arith.constant 0 : index
          %swap3A_149 = tpu.vector_load %arg12[%swap3A_147, %swap3A_148] {strides = array<i32>} : memref<800x16xf32, #tpu.memory_space<vmem>>, vector<16xf32>,
          tpu.vector_store %arg12[%swap3A_147, %swap3A_148], %mul3A_144 {strides = array<i32>} : memref<800x16xf32, #tpu.memory_space<vmem>>, vector<16xf32>,
          %add3A_150 = arith.constant 2 : i32
          %add3A_151 = arith.addi %add3A_120, %add3A_150 : i32
          %add3A_152 = vector.broadcast %add3A_151 : i32 to vector<16xi32>
          %add3A_153 = arith.addi %mul3A_110, %add3A_152 : vector<16xi32>
          %gather3A_154 = tpu.vector_load_idx %arg11[%add3A_153] : memref<800xf32, #tpu.memory_space<vmem>>[vector<16xi32>], vector<16xf32>,
          %add3A_155 = arith.constant 2 : i32
          %add3A_156 = arith.addi %add3A_120, %add3A_155 : i32
          %get3A_157 = arith.index_cast %add3A_156 : i32 to index
          %get3A_158 = arith.constant 0 : index
          %get3A_159 = tpu.vector_load %arg12[%get3A_157, %get3A_158] {strides = array<i32>} : memref<800x16xf32, #tpu.memory_space<vmem>>, vector<16xf32>,
          %mul3A_160 = arith.mulf %get3A_159, %gather3A_154 : vector<16xf32>
          %add3A_161 = arith.constant 2 : i32
          %add3A_162 = arith.addi %add3A_120, %add3A_161 : i32
          %swap3A_163 = arith.index_cast %add3A_162 : i32 to index
          %swap3A_164 = arith.constant 0 : index
          %swap3A_165 = tpu.vector_load %arg12[%swap3A_163, %swap3A_164] {strides = array<i32>} : memref<800x16xf32, #tpu.memory_space<vmem>>, vector<16xf32>,
          tpu.vector_store %arg12[%swap3A_163, %swap3A_164], %mul3A_160 {strides = array<i32>} : memref<800x16xf32, #tpu.memory_space<vmem>>, vector<16xf32>,
          %add3A_166 = arith.constant 3 : i32
          %add3A_167 = arith.addi %add3A_120, %add3A_166 : i32
          %add3A_168 = vector.broadcast %add3A_167 : i32 to vector<16xi32>
          %add3A_169 = arith.addi %mul3A_110, %add3A_168 : vector<16xi32>
          %gather3A_170 = tpu.vector_load_idx %arg11[%add3A_169] : memref<800xf32, #tpu.memory_space<vmem>>[vector<16xi32>], vector<16xf32>,
          %add3A_171 = arith.constant 3 : i32
          %add3A_172 = arith.addi %add3A_120, %add3A_171 : i32
          %get3A_173 = arith.index_cast %add3A_172 : i32 to index
          %get3A_174 = arith.constant 0 : index
          %get3A_175 = tpu.vector_load %arg12[%get3A_173, %get3A_174] {strides = array<i32>} : memref<800x16xf32, #tpu.memory_space<vmem>>, vector<16xf32>,
          %mul3A_176 = arith.mulf %get3A_175, %gather3A_170 : vector<16xf32>
          %add3A_177 = arith.constant 3 : i32
          %add3A_178 = arith.addi %add3A_120, %add3A_177 : i32
          %swap3A_179 = arith.index_cast %add3A_178 : i32 to index
          %swap3A_180 = arith.constant 0 : index
          %swap3A_181 = tpu.vector_load %arg12[%swap3A_179, %swap3A_180] {strides = array<i32>} : memref<800x16xf32, #tpu.memory_space<vmem>>, vector<16xf32>,
          tpu.vector_store %arg12[%swap3A_179, %swap3A_180], %mul3A_176 {strides = array<i32>} : memref<800x16xf32, #tpu.memory_space<vmem>>, vector<16xf32>,
          %add3A_182 = arith.constant 4 : i32
          %add3A_183 = arith.addi %add3A_120, %add3A_182 : i32
          %add3A_184 = vector.broadcast %add3A_183 : i32 to vector<16xi32>
          %add3A_185 = arith.addi %mul3A_110, %add3A_184 : vector<16xi32>
          %gather3A_186 = tpu.vector_load_idx %arg11[%add3A_185] : memref<800xf32, #tpu.memory_space<vmem>>[vector<16xi32>], vector<16xf32>,
          %add3A_187 = arith.constant 4 : i32
          %add3A_188 = arith.addi %add3A_120, %add3A_187 : i32
          %get3A_189 = arith.index_cast %add3A_188 : i32 to index
          %get3A_190 = arith.constant 0 : index
          %get3A_191 = tpu.vector_load %arg12[%get3A_189, %get3A_190] {strides = array<i32>} : memref<800x16xf32, #tpu.memory_space<vmem>>, vector<16xf32>,
          %mul3A_192 = arith.mulf %get3A_191, %gather3A_186 : vector<16xf32>
          %add3A_193 = arith.constant 4 : i32
          %add3A_194 = arith.addi %add3A_120, %add3A_193 : i32
          %swap3A_195 = arith.index_cast %add3A_194 : i32 to index
          %swap3A_196 = arith.constant 0 : index
          %swap3A_197 = tpu.vector_load %arg12[%swap3A_195, %swap3A_196] {strides = array<i32>} : memref<800x16xf32, #tpu.memory_space<vmem>>, vector<16xf32>,
          tpu.vector_store %arg12[%swap3A_195, %swap3A_196], %mul3A_192 {strides = array<i32>} : memref<800x16xf32, #tpu.memory_space<vmem>>, vector<16xf32>,
          %add3A_198 = arith.constant 5 : i32
          %add3A_199 = arith.addi %add3A_120, %add3A_198 : i32
          %add3A_200 = vector.broadcast %add3A_199 : i32 to vector<16xi32>
          %add3A_201 = arith.addi %mul3A_110, %add3A_200 : vector<16xi32>
          %gather3A_202 = tpu.vector_load_idx %arg11[%add3A_201] : memref<800xf32, #tpu.memory_space<vmem>>[vector<16xi32>], vector<16xf32>,
          %add3A_203 = arith.constant 5 : i32
          %add3A_204 = arith.addi %add3A_120, %add3A_203 : i32
          %get3A_205 = arith.index_cast %add3A_204 : i32 to index
          %get3A_206 = arith.constant 0 : index
          %get3A_207 = tpu.vector_load %arg12[%get3A_205, %get3A_206] {strides = array<i32>} : memref<800x16xf32, #tpu.memory_space<vmem>>, vector<16xf32>,
          %mul3A_208 = arith.mulf %get3A_207, %gather3A_202 : vector<16xf32>
          %add3A_209 = arith.constant 5 : i32
          %add3A_210 = arith.addi %add3A_120, %add3A_209 : i32
          %swap3A_211 = arith.index_cast %add3A_210 : i32 to index
          %swap3A_212 = arith.constant 0 : index
          %swap3A_213 = tpu.vector_load %arg12[%swap3A_211, %swap3A_212] {strides = array<i32>} : memref<800x16xf32, #tpu.memory_space<vmem>>, vector<16xf32>,
          tpu.vector_store %arg12[%swap3A_211, %swap3A_212], %mul3A_208 {strides = array<i32>} : memref<800x16xf32, #tpu.memory_space<vmem>>, vector<16xf32>,
          %add3A_214 = arith.constant 6 : i32
          %add3A_215 = arith.addi %add3A_120, %add3A_214 : i32
          %add3A_216 = vector.broadcast %add3A_215 : i32 to vector<16xi32>
          %add3A_217 = arith.addi %mul3A_110, %add3A_216 : vector<16xi32>
          %gather3A_218 = tpu.vector_load_idx %arg11[%add3A_217] : memref<800xf32, #tpu.memory_space<vmem>>[vector<16xi32>], vector<16xf32>,
          %add3A_219 = arith.constant 6 : i32
          %add3A_220 = arith.addi %add3A_120, %add3A_219 : i32
          %get3A_221 = arith.index_cast %add3A_220 : i32 to index
          %get3A_222 = arith.constant 0 : index
          %get3A_223 = tpu.vector_load %arg12[%get3A_221, %get3A_222] {strides = array<i32>} : memref<800x16xf32, #tpu.memory_space<vmem>>, vector<16xf32>,
          %mul3A_224 = arith.mulf %get3A_223, %gather3A_218 : vector<16xf32>
          %add3A_225 = arith.constant 6 : i32
          %add3A_226 = arith.addi %add3A_120, %add3A_225 : i32
          %swap3A_227 = arith.index_cast %add3A_226 : i32 to index
          %swap3A_228 = arith.constant 0 : index
          %swap3A_229 = tpu.vector_load %arg12[%swap3A_227, %swap3A_228] {strides = array<i32>} : memref<800x16xf32, #tpu.memory_space<vmem>>, vector<16xf32>,
          tpu.vector_store %arg12[%swap3A_227, %swap3A_228], %mul3A_224 {strides = array<i32>} : memref<800x16xf32, #tpu.memory_space<vmem>>, vector<16xf32>,
          %add3A_230 = arith.constant 7 : i32
          %add3A_231 = arith.addi %add3A_120, %add3A_230 : i32
          %add3A_232 = vector.broadcast %add3A_231 : i32 to vector<16xi32>
          %add3A_233 = arith.addi %mul3A_110, %add3A_232 : vector<16xi32>
          %gather3A_234 = tpu.vector_load_idx %arg11[%add3A_233] : memref<800xf32, #tpu.memory_space<vmem>>[vector<16xi32>], vector<16xf32>,
          %add3A_235 = arith.constant 7 : i32
          %add3A_236 = arith.addi %add3A_120, %add3A_235 : i32
          %get3A_237 = arith.index_cast %add3A_236 : i32 to index
          %get3A_238 = arith.constant 0 : index
          %get3A_239 = tpu.vector_load %arg12[%get3A_237, %get3A_238] {strides = array<i32>} : memref<800x16xf32, #tpu.memory_space<vmem>>, vector<16xf32>,
          %mul3A_240 = arith.mulf %get3A_239, %gather3A_234 : vector<16xf32>
          %add3A_241 = arith.constant 7 : i32
          %add3A_242 = arith.addi %add3A_120, %add3A_241 : i32
          %swap3A_243 = arith.index_cast %add3A_242 : i32 to index
          %swap3A_244 = arith.constant 0 : index
          %swap3A_245 = tpu.vector_load %arg12[%swap3A_243, %swap3A_244] {strides = array<i32>} : memref<800x16xf32, #tpu.memory_space<vmem>>, vector<16xf32>,
          tpu.vector_store %arg12[%swap3A_243, %swap3A_244], %mul3A_240 {strides = array<i32>} : memref<800x16xf32, #tpu.memory_space<vmem>>, vector<16xf32>,
          %add3A_246 = arith.constant 8 : i32
          %add3A_247 = arith.addi %add3A_120, %add3A_246 : i32
          %add3A_248 = vector.broadcast %add3A_247 : i32 to vector<16xi32>
          %add3A_249 = arith.addi %mul3A_110, %add3A_248 : vector<16xi32>
          %gather3A_250 = tpu.vector_load_idx %arg11[%add3A_249] : memref<800xf32, #tpu.memory_space<vmem>>[vector<16xi32>], vector<16xf32>,
          %add3A_251 = arith.constant 8 : i32
          %add3A_252 = arith.addi %add3A_120, %add3A_251 : i32
          %get3A_253 = arith.index_cast %add3A_252 : i32 to index
          %get3A_254 = arith.constant 0 : index
          %get3A_255 = tpu.vector_load %arg12[%get3A_253, %get3A_254] {strides = array<i32>} : memref<800x16xf32, #tpu.memory_space<vmem>>, vector<16xf32>,
          %mul3A_256 = arith.mulf %get3A_255, %gather3A_250 : vector<16xf32>
          %add3A_257 = arith.constant 8 : i32
          %add3A_258 = arith.addi %add3A_120, %add3A_257 : i32
          %swap3A_259 = arith.index_cast %add3A_258 : i32 to index
          %swap3A_260 = arith.constant 0 : index
          %swap3A_261 = tpu.vector_load %arg12[%swap3A_259, %swap3A_260] {strides = array<i32>} : memref<800x16xf32, #tpu.memory_space<vmem>>, vector<16xf32>,
          tpu.vector_store %arg12[%swap3A_259, %swap3A_260], %mul3A_256 {strides = array<i32>} : memref<800x16xf32, #tpu.memory_space<vmem>>, vector<16xf32>,
          %add3A_262 = arith.constant 9 : i32
          %add3A_263 = arith.addi %add3A_120, %add3A_262 : i32
          %add3A_264 = vector.broadcast %add3A_263 : i32 to vector<16xi32>
          %add3A_265 = arith.addi %mul3A_110, %add3A_264 : vector<16xi32>
          %gather3A_266 = tpu.vector_load_idx %arg11[%add3A_265] : memref<800xf32, #tpu.memory_space<vmem>>[vector<16xi32>], vector<16xf32>,
          %add3A_267 = arith.constant 9 : i32
          %add3A_268 = arith.addi %add3A_120, %add3A_267 : i32
          %get3A_269 = arith.index_cast %add3A_268 : i32 to index
          %get3A_270 = arith.constant 0 : index
          %get3A_271 = tpu.vector_load %arg12[%get3A_269, %get3A_270] {strides = array<i32>} : memref<800x16xf32, #tpu.memory_space<vmem>>, vector<16xf32>,
          %mul3A_272 = arith.mulf %get3A_271, %gather3A_266 : vector<16xf32>
          %add3A_273 = arith.constant 9 : i32
          %add3A_274 = arith.addi %add3A_120, %add3A_273 : i32
          %swap3A_275 = arith.index_cast %add3A_274 : i32 to index
          %swap3A_276 = arith.constant 0 : index
          %swap3A_277 = tpu.vector_load %arg12[%swap3A_275, %swap3A_276] {strides = array<i32>} : memref<800x16xf32, #tpu.memory_space<vmem>>, vector<16xf32>,
          tpu.vector_store %arg12[%swap3A_275, %swap3A_276], %mul3A_272 {strides = array<i32>} : memref<800x16xf32, #tpu.memory_space<vmem>>, vector<16xf32>,
          %add3A_278 = arith.constant 10 : i32
          %add3A_279 = arith.addi %add3A_120, %add3A_278 : i32
          %add3A_280 = vector.broadcast %add3A_279 : i32 to vector<16xi32>
          %add3A_281 = arith.addi %mul3A_110, %add3A_280 : vector<16xi32>
          %gather3A_282 = tpu.vector_load_idx %arg11[%add3A_281] : memref<800xf32, #tpu.memory_space<vmem>>[vector<16xi32>], vector<16xf32>,
          %add3A_283 = arith.constant 10 : i32
          %add3A_284 = arith.addi %add3A_120, %add3A_283 : i32
          %get3A_285 = arith.index_cast %add3A_284 : i32 to index
          %get3A_286 = arith.constant 0 : index
          %get3A_287 = tpu.vector_load %arg12[%get3A_285, %get3A_286] {strides = array<i32>} : memref<800x16xf32, #tpu.memory_space<vmem>>, vector<16xf32>,
          %mul3A_288 = arith.mulf %get3A_287, %gather3A_282 : vector<16xf32>
          %add3A_289 = arith.constant 10 : i32
          %add3A_290 = arith.addi %add3A_120, %add3A_289 : i32
          %swap3A_291 = arith.index_cast %add3A_290 : i32 to index
          %swap3A_292 = arith.constant 0 : index
          %swap3A_293 = tpu.vector_load %arg12[%swap3A_291, %swap3A_292] {strides = array<i32>} : memref<800x16xf32, #tpu.memory_space<vmem>>, vector<16xf32>,
          tpu.vector_store %arg12[%swap3A_291, %swap3A_292], %mul3A_288 {strides = array<i32>} : memref<800x16xf32, #tpu.memory_space<vmem>>, vector<16xf32>,
          %add3A_294 = arith.constant 11 : i32
          %add3A_295 = arith.addi %add3A_120, %add3A_294 : i32
          %add3A_296 = vector.broadcast %add3A_295 : i32 to vector<16xi32>
          %add3A_297 = arith.addi %mul3A_110, %add3A_296 : vector<16xi32>
          %gather3A_298 = tpu.vector_load_idx %arg11[%add3A_297] : memref<800xf32, #tpu.memory_space<vmem>>[vector<16xi32>], vector<16xf32>,
          %add3A_299 = arith.constant 11 : i32
          %add3A_300 = arith.addi %add3A_120, %add3A_299 : i32
          %get3A_301 = arith.index_cast %add3A_300 : i32 to index
          %get3A_302 = arith.constant 0 : index
          %get3A_303 = tpu.vector_load %arg12[%get3A_301, %get3A_302] {strides = array<i32>} : memref<800x16xf32, #tpu.memory_space<vmem>>, vector<16xf32>,
          %mul3A_304 = arith.mulf %get3A_303, %gather3A_298 : vector<16xf32>
          %add3A_305 = arith.constant 11 : i32
          %add3A_306 = arith.addi %add3A_120, %add3A_305 : i32
          %swap3A_307 = arith.index_cast %add3A_306 : i32 to index
          %swap3A_308 = arith.constant 0 : index
          %swap3A_309 = tpu.vector_load %arg12[%swap3A_307, %swap3A_308] {strides = array<i32>} : memref<800x16xf32, #tpu.memory_space<vmem>>, vector<16xf32>,
          tpu.vector_store %arg12[%swap3A_307, %swap3A_308], %mul3A_304 {strides = array<i32>} : memref<800x16xf32, #tpu.memory_space<vmem>>, vector<16xf32>,
          %add3A_310 = arith.constant 12 : i32
          %add3A_311 = arith.addi %add3A_120, %add3A_310 : i32
          %add3A_312 = vector.broadcast %add3A_311 : i32 to vector<16xi32>
          %add3A_313 = arith.addi %mul3A_110, %add3A_312 : vector<16xi32>
          %gather3A_314 = tpu.vector_load_idx %arg11[%add3A_313] : memref<800xf32, #tpu.memory_space<vmem>>[vector<16xi32>], vector<16xf32>,
          %add3A_315 = arith.constant 12 : i32
          %add3A_316 = arith.addi %add3A_120, %add3A_315 : i32
          %get3A_317 = arith.index_cast %add3A_316 : i32 to index
          %get3A_318 = arith.constant 0 : index
          %get3A_319 = tpu.vector_load %arg12[%get3A_317, %get3A_318] {strides = array<i32>} : memref<800x16xf32, #tpu.memory_space<vmem>>, vector<16xf32>,
          %mul3A_320 = arith.mulf %get3A_319, %gather3A_314 : vector<16xf32>
          %add3A_321 = arith.constant 12 : i32
          %add3A_322 = arith.addi %add3A_120, %add3A_321 : i32
          %swap3A_323 = arith.index_cast %add3A_322 : i32 to index
          %swap3A_324 = arith.constant 0 : index
          %swap3A_325 = tpu.vector_load %arg12[%swap3A_323, %swap3A_324] {strides = array<i32>} : memref<800x16xf32, #tpu.memory_space<vmem>>, vector<16xf32>,
          tpu.vector_store %arg12[%swap3A_323, %swap3A_324], %mul3A_320 {strides = array<i32>} : memref<800x16xf32, #tpu.memory_space<vmem>>, vector<16xf32>,
          %add3A_326 = arith.constant 13 : i32
          %add3A_327 = arith.addi %add3A_120, %add3A_326 : i32
          %add3A_328 = vector.broadcast %add3A_327 : i32 to vector<16xi32>
          %add3A_329 = arith.addi %mul3A_110, %add3A_328 : vector<16xi32>
          %gather3A_330 = tpu.vector_load_idx %arg11[%add3A_329] : memref<800xf32, #tpu.memory_space<vmem>>[vector<16xi32>], vector<16xf32>,
          %add3A_331 = arith.constant 13 : i32
          %add3A_332 = arith.addi %add3A_120, %add3A_331 : i32
          %get3A_333 = arith.index_cast %add3A_332 : i32 to index
          %get3A_334 = arith.constant 0 : index
          %get3A_335 = tpu.vector_load %arg12[%get3A_333, %get3A_334] {strides = array<i32>} : memref<800x16xf32, #tpu.memory_space<vmem>>, vector<16xf32>,
          %mul3A_336 = arith.mulf %get3A_335, %gather3A_330 : vector<16xf32>
          %add3A_337 = arith.constant 13 : i32
          %add3A_338 = arith.addi %add3A_120, %add3A_337 : i32
          %swap3A_339 = arith.index_cast %add3A_338 : i32 to index
          %swap3A_340 = arith.constant 0 : index
          %swap3A_341 = tpu.vector_load %arg12[%swap3A_339, %swap3A_340] {strides = array<i32>} : memref<800x16xf32, #tpu.memory_space<vmem>>, vector<16xf32>,
          tpu.vector_store %arg12[%swap3A_339, %swap3A_340], %mul3A_336 {strides = array<i32>} : memref<800x16xf32, #tpu.memory_space<vmem>>, vector<16xf32>,
          %add3A_342 = arith.constant 14 : i32
          %add3A_343 = arith.addi %add3A_120, %add3A_342 : i32
          %add3A_344 = vector.broadcast %add3A_343 : i32 to vector<16xi32>
          %add3A_345 = arith.addi %mul3A_110, %add3A_344 : vector<16xi32>
          %gather3A_346 = tpu.vector_load_idx %arg11[%add3A_345] : memref<800xf32, #tpu.memory_space<vmem>>[vector<16xi32>], vector<16xf32>,
          %add3A_347 = arith.constant 14 : i32
          %add3A_348 = arith.addi %add3A_120, %add3A_347 : i32
          %get3A_349 = arith.index_cast %add3A_348 : i32 to index
          %get3A_350 = arith.constant 0 : index
          %get3A_351 = tpu.vector_load %arg12[%get3A_349, %get3A_350] {strides = array<i32>} : memref<800x16xf32, #tpu.memory_space<vmem>>, vector<16xf32>,
          %mul3A_352 = arith.mulf %get3A_351, %gather3A_346 : vector<16xf32>
          %add3A_353 = arith.constant 14 : i32
          %add3A_354 = arith.addi %add3A_120, %add3A_353 : i32
          %swap3A_355 = arith.index_cast %add3A_354 : i32 to index
          %swap3A_356 = arith.constant 0 : index
          %swap3A_357 = tpu.vector_load %arg12[%swap3A_355, %swap3A_356] {strides = array<i32>} : memref<800x16xf32, #tpu.memory_space<vmem>>, vector<16xf32>,
          tpu.vector_store %arg12[%swap3A_355, %swap3A_356], %mul3A_352 {strides = array<i32>} : memref<800x16xf32, #tpu.memory_space<vmem>>, vector<16xf32>,
          %add3A_358 = arith.constant 15 : i32
          %add3A_359 = arith.addi %add3A_120, %add3A_358 : i32
          %add3A_360 = vector.broadcast %add3A_359 : i32 to vector<16xi32>
          %add3A_361 = arith.addi %mul3A_110, %add3A_360 : vector<16xi32>
          %gather3A_362 = tpu.vector_load_idx %arg11[%add3A_361] : memref<800xf32, #tpu.memory_space<vmem>>[vector<16xi32>], vector<16xf32>,
          %add3A_363 = arith.constant 15 : i32
          %add3A_364 = arith.addi %add3A_120, %add3A_363 : i32
          %get3A_365 = arith.index_cast %add3A_364 : i32 to index
          %get3A_366 = arith.constant 0 : index
          %get3A_367 = tpu.vector_load %arg12[%get3A_365, %get3A_366] {strides = array<i32>} : memref<800x16xf32, #tpu.memory_space<vmem>>, vector<16xf32>,
          %mul3A_368 = arith.mulf %get3A_367, %gather3A_362 : vector<16xf32>
          %add3A_369 = arith.constant 15 : i32
          %add3A_370 = arith.addi %add3A_120, %add3A_369 : i32
          %swap3A_371 = arith.index_cast %add3A_370 : i32 to index
          %swap3A_372 = arith.constant 0 : index
          %swap3A_373 = tpu.vector_load %arg12[%swap3A_371, %swap3A_372] {strides = array<i32>} : memref<800x16xf32, #tpu.memory_space<vmem>>, vector<16xf32>,
          tpu.vector_store %arg12[%swap3A_371, %swap3A_372], %mul3A_368 {strides = array<i32>} : memref<800x16xf32, #tpu.memory_space<vmem>>, vector<16xf32>,
        }
        %scan3A_115 = arith.constant 50 : i32
        "tpu.region"() ({
          %run_scoped3A = tpu.sem_alloc : memref<!tpu.dma_semaphore, #tpu.memory_space<semaphore_mem>>
          %dma_start3A_116 = arith.constant 0 : i32
          %dma_start3A_117 = arith.constant 0 : i32
          %dma_start3A_118 = tpu.memref_slice %arg14[%dma_start3A_116, %dma_start3A_117] : memref<100000x16xf32, #tpu.memory_space<vmem_shared>> -> memref<100000x16xf32, #tpu.memory_space<vmem_shared>>
          tpu.enqueue_indirect_dma source(%arg12 : memref<800x16xf32, #tpu.memory_space<vmem>>) target(%dma_start3A_118 : memref<100000x16xf32, #tpu.memory_space<vmem_shared>>) offsets(%arg10 : memref<800xi32, #tpu.memory_space<vmem>>) semaphore(%run_scoped3A : memref<!tpu.dma_semaphore, #tpu.memory_space<semaphore_mem>>) {add = true}
          %dma_wait3A_119 = arith.constant 0 : i32
          %dma_wait3A_120 = arith.constant 0 : i32
          %dma_wait3A_121 = tpu.memref_slice %arg14[%dma_wait3A_119, %dma_wait3A_120] : memref<100000x16xf32, #tpu.memory_space<vmem_shared>> -> memref<100000x16xf32, #tpu.memory_space<vmem_shared>>
          tpu.wait_indirect_dma semaphore(%run_scoped3A : memref<!tpu.dma_semaphore, #tpu.memory_space<semaphore_mem>>) src(%arg12 : memref<800x16xf32, #tpu.memory_space<vmem>>) dst(%dma_wait3A_121 : memref<100000x16xf32, #tpu.memory_space<vmem_shared>>)
          tpu.yield
        }) : () -> ()
      }
      %scan3A_77 = arith.constant 125 : i32
      %barrier3A_78 = arith.constant 0 : index
      tpu.barrier barrier_id(%barrier3A_78)
      %sub3A_79 = arith.subi %select_n3A_43, %select_n3A : i32
      %sub3A_80 = arith.constant 1 : i32
      %sub3A_81 = arith.constant 1 : i32
      %sub3A_82 = arith.subi %sub3A_80, %sub3A_81 : i32
      %add3A_83 = arith.addi %sub3A_79, %sub3A_82 : i32
      %div3A_84 = arith.constant 1 : i32
      %div3A_85 = arith.divsi %add3A_83, %div3A_84 : i32
      %while3A_86 = arith.constant 1 : i32
      %while3A_87 = arith.constant 0 : i32
      %while3A_88 = arith.subi %div3A_85, %while3A_87 : i32
      %while3A_89 = arith.addi %while3A_87, %while3A_88 : i32
      %while3A_90 = arith.constant 1 : i32
      %while3A_91 = arith.divsi %while3A_88, %while3A_90 : i32
      %while3A_92 = arith.muli %while3A_91, %while3A_90 : i32
      %while3A_93 = arith.addi %while3A_87, %while3A_92 : i32
      %while3A_94 = arith.constant 1 : i32
      scf.for %while3A_96 = %while3A_87 to %while3A_93 step %while3A_94  : i32 {
        %mul3A_97 = arith.muli %while3A_96, %while3A_86 : i32
        %add3A_98 = arith.addi %select_n3A, %mul3A_97 : i32
        %mul3A_99 = arith.constant 800 : i32
        %mul3A_100 = arith.muli %add3A_98, %mul3A_99 : i32
        %mul3A_101 = arith.constant 800 : i32
        %mul3A_102 = arith.muli %add3A_98, %mul3A_101 : i32
        "tpu.region"() ({
          %run_scoped3A = tpu.sem_alloc : memref<!tpu.dma_semaphore, #tpu.memory_space<semaphore_mem>>
          %dma_start3A = arith.constant 0 : i32
          %dma_start3A_103 = tpu.memref_slice %arg8[%mul3A_102, %dma_start3A] : memref<100000x16xf32, #tpu.memory_space<hbm>> -> memref<800x16xf32, #tpu.memory_space<hbm>>
          %dma_start3A_104 = arith.constant 0 : i32
          %dma_start3A_105 = tpu.memref_slice %arg14[%mul3A_100, %dma_start3A_104] : memref<100000x16xf32, #tpu.memory_space<vmem_shared>> -> memref<800x16xf32, #tpu.memory_space<vmem_shared>>
          tpu.enqueue_dma source(%dma_start3A_105 : memref<800x16xf32, #tpu.memory_space<vmem_shared>>) target(%dma_start3A_103 : memref<800x16xf32, #tpu.memory_space<hbm>>) target_semaphore(%run_scoped3A : memref<!tpu.dma_semaphore, #tpu.memory_space<semaphore_mem>>)
          %dma_wait3A = arith.constant 0 : i32
          %dma_wait3A_106 = tpu.memref_slice %arg8[%mul3A_102, %dma_wait3A] : memref<100000x16xf32, #tpu.memory_space<hbm>> -> memref<800x16xf32, #tpu.memory_space<hbm>>
          %dma_wait3A_107 = arith.constant 0 : i32
          %dma_wait3A_108 = tpu.memref_slice %arg14[%mul3A_100, %dma_wait3A_107] : memref<100000x16xf32, #tpu.memory_space<vmem_shared>> -> memref<800x16xf32, #tpu.memory_space<vmem_shared>>
          tpu.wait_dma2 semaphore(%run_scoped3A : memref<!tpu.dma_semaphore, #tpu.memory_space<semaphore_mem>>) src(%dma_wait3A_108 : memref<800x16xf32, #tpu.memory_space<vmem_shared>>) dst(%dma_wait3A_106 : memref<800x16xf32, #tpu.memory_space<hbm>>)
          tpu.yield
        }) : () -> ()
      }
      %while3A_95 = arith.constant 1 : i32
      scf.for %while3A_96 = %while3A_93 to %while3A_89 step %while3A_95  : i32 {
        %mul3A_97 = arith.muli %while3A_96, %while3A_86 : i32
        %add3A_98 = arith.addi %select_n3A, %mul3A_97 : i32
        %mul3A_99 = arith.constant 800 : i32
        %mul3A_100 = arith.muli %add3A_98, %mul3A_99 : i32
        %mul3A_101 = arith.constant 800 : i32
        %mul3A_102 = arith.muli %add3A_98, %mul3A_101 : i32
        "tpu.region"() ({
          %run_scoped3A = tpu.sem_alloc : memref<!tpu.dma_semaphore, #tpu.memory_space<semaphore_mem>>
          %dma_start3A = arith.constant 0 : i32
          %dma_start3A_103 = tpu.memref_slice %arg8[%mul3A_102, %dma_start3A] : memref<100000x16xf32, #tpu.memory_space<hbm>> -> memref<800x16xf32, #tpu.memory_space<hbm>>
          %dma_start3A_104 = arith.constant 0 : i32
          %dma_start3A_105 = tpu.memref_slice %arg14[%mul3A_100, %dma_start3A_104] : memref<100000x16xf32, #tpu.memory_space<vmem_shared>> -> memref<800x16xf32, #tpu.memory_space<vmem_shared>>
          tpu.enqueue_dma source(%dma_start3A_105 : memref<800x16xf32, #tpu.memory_space<vmem_shared>>) target(%dma_start3A_103 : memref<800x16xf32, #tpu.memory_space<hbm>>) target_semaphore(%run_scoped3A : memref<!tpu.dma_semaphore, #tpu.memory_space<semaphore_mem>>)
          %dma_wait3A = arith.constant 0 : i32
          %dma_wait3A_106 = tpu.memref_slice %arg8[%mul3A_102, %dma_wait3A] : memref<100000x16xf32, #tpu.memory_space<hbm>> -> memref<800x16xf32, #tpu.memory_space<hbm>>
          %dma_wait3A_107 = arith.constant 0 : i32
          %dma_wait3A_108 = tpu.memref_slice %arg14[%mul3A_100, %dma_wait3A_107] : memref<100000x16xf32, #tpu.memory_space<vmem_shared>> -> memref<800x16xf32, #tpu.memory_space<vmem_shared>>
          tpu.wait_dma2 semaphore(%run_scoped3A : memref<!tpu.dma_semaphore, #tpu.memory_space<semaphore_mem>>) src(%dma_wait3A_108 : memref<800x16xf32, #tpu.memory_space<vmem_shared>>) dst(%dma_wait3A_106 : memref<800x16xf32, #tpu.memory_space<hbm>>)
          tpu.yield
        }) : () -> ()
      }
    } else {
    }
    return
  }
}

#map = affine_map<(d0, d1) -> (0, 0)>
#map1 = affine_map<(d0, d1) -> (0)>
module attributes {stable_mosaic.version = 14 : i64} {
  func.func @_layer(%arg0: i32, %arg1: i32, %arg2: memref<100000x16xf32, #tpu.memory_space<hbm>>, %arg3: memref<100000x16xf32, #tpu.memory_space<hbm>>, %arg4: memref<1600000xi32, #tpu.memory_space<hbm>>, %arg5: memref<1600000xi32, #tpu.memory_space<hbm>>, %arg6: memref<1600000xf32, #tpu.memory_space<hbm>>, %arg7: memref<100000x16xf32, #tpu.memory_space<hbm>>, %arg8: memref<100000x16xf32, #tpu.memory_space<hbm>>, %arg9: memref<800xi32, #tpu.memory_space<vmem>>, %arg10: memref<800xi32, #tpu.memory_space<vmem>>, %arg11: memref<800xf32, #tpu.memory_space<vmem>>, %arg12: memref<800x16xf32, #tpu.memory_space<vmem>>, %arg13: memref<!tpu.dma_semaphore, #tpu.memory_space<semaphore_mem>>, %arg14: memref<100000x16xf32, #tpu.memory_space<vmem_shared>>) attributes {dimension_semantics = [#tpu.dimension_semantics<core_parallel>, #tpu.dimension_semantics<subcore_parallel>], iteration_bounds = array<i64: 2, 16>, scalar_prefetch = 0 : i64, scratch_operands = 6 : i64, tpu.core_type = #tpu.core_type<sc_vector_subcore>, window_params = [{transform_indices = #map}, {transform_indices = #map}, {transform_indices = #map1}, {transform_indices = #map1}, {transform_indices = #map1}, {transform_indices = #map}, {transform_indices = #map}]} {
    %mul3A = arith.constant 125 : i32
    %mul3A_0 = arith.muli %arg1, %mul3A : i32
    %jit3A = arith.constant 16 : i32
    %div3A = arith.divsi %mul3A_0, %jit3A : i32
    %sign3A = arith.constant 0 : i32
    %sign3A_1 = arith.cmpi sgt, %mul3A_0, %sign3A : i32
    %sign3A_2 = arith.extui %sign3A_1 : i1 to i32
    %sign3A_3 = arith.constant 0 : i32
    %sign3A_4 = arith.cmpi slt, %mul3A_0, %sign3A_3 : i32
    %sign3A_5 = arith.extui %sign3A_4 : i1 to i32
    %sign3A_6 = arith.subi %sign3A_2, %sign3A_5 : i32
    %sign3A_7 = arith.constant 0 : i32
    %sign3A_8 = arith.cmpi sgt, %jit3A, %sign3A_7 : i32
    %sign3A_9 = arith.extui %sign3A_8 : i1 to i32
    %sign3A_10 = arith.constant 0 : i32
    %sign3A_11 = arith.cmpi slt, %jit3A, %sign3A_10 : i32
    %sign3A_12 = arith.extui %sign3A_11 : i1 to i32
    %sign3A_13 = arith.subi %sign3A_9, %sign3A_12 : i32
    %ne3A = arith.cmpi ne, %sign3A_6, %sign3A_13 : i32
    %rem3A = arith.remsi %mul3A_0, %jit3A : i32
    %ne3A_14 = arith.constant 0 : i32
    %ne3A_15 = arith.cmpi ne, %rem3A, %ne3A_14 : i32
    %and3A = arith.andi %ne3A, %ne3A_15 : i1
    %sub3A = arith.constant 1 : i32
    %sub3A_16 = arith.subi %div3A, %sub3A : i32
    %select_n3A = arith.select %and3A, %sub3A_16, %div3A : i32
    %add3A = arith.constant 1 : i32
    %add3A_17 = arith.addi %arg1, %add3A : i32
    %mul3A_18 = arith.constant 125 : i32
    %mul3A_19 = arith.muli %add3A_17, %mul3A_18 : i32
    %jit3A_20 = arith.constant 16 : i32
    %div3A_21 = arith.divsi %mul3A_19, %jit3A_20 : i32
    %sign3A_22 = arith.constant 0 : i32
    %sign3A_23 = arith.cmpi sgt, %mul3A_19, %sign3A_22 : i32
    %sign3A_24 = arith.extui %sign3A_23 : i1 to i32
    %sign3A_25 = arith.constant 0 : i32
    %sign3A_26 = arith.cmpi slt, %mul3A_19, %sign3A_25 : i32
    %sign3A_27 = arith.extui %sign3A_26 : i1 to i32
    %sign3A_28 = arith.subi %sign3A_24, %sign3A_27 : i32
    %sign3A_29 = arith.constant 0 : i32
    %sign3A_30 = arith.cmpi sgt, %jit3A_20, %sign3A_29 : i32
    %sign3A_31 = arith.extui %sign3A_30 : i1 to i32
    %sign3A_32 = arith.constant 0 : i32
    %sign3A_33 = arith.cmpi slt, %jit3A_20, %sign3A_32 : i32
    %sign3A_34 = arith.extui %sign3A_33 : i1 to i32
    %sign3A_35 = arith.subi %sign3A_31, %sign3A_34 : i32
    %ne3A_36 = arith.cmpi ne, %sign3A_28, %sign3A_35 : i32
    %rem3A_37 = arith.remsi %mul3A_19, %jit3A_20 : i32
    %ne3A_38 = arith.constant 0 : i32
    %ne3A_39 = arith.cmpi ne, %rem3A_37, %ne3A_38 : i32
    %and3A_40 = arith.andi %ne3A_36, %ne3A_39 : i1
    %sub3A_41 = arith.constant 1 : i32
    %sub3A_42 = arith.subi %div3A_21, %sub3A_41 : i32
    %select_n3A_43 = arith.select %and3A_40, %sub3A_42, %div3A_21 : i32
    %scan3A = arith.constant 0 : i32
    %scan3A_44 = arith.constant 800 : i32
    %scan3A_45 = arith.addi %scan3A, %scan3A_44 : i32
    %scan3A_46 = arith.constant 1 : i32
    scf.for %scan3A_71 = %scan3A to %scan3A_45 step %scan3A_46  : i32 {
      %mul3A_72 = arith.constant 1 : i32
      %mul3A_73 = arith.muli %scan3A_71, %mul3A_72 : i32
      %add3A_74 = arith.constant 0 : i32
      %add3A_75 = arith.addi %add3A_74, %mul3A_73 : i32
      %broadcast_in_dim3A = arith.constant 0.000000e+00 : f32
      %broadcast_in_dim3A_76 = vector.broadcast %broadcast_in_dim3A : f32 to vector<16xf32>
      %swap3A = arith.index_cast %add3A_75 : i32 to index
      %swap3A_77 = arith.constant 0 : index
      %swap3A_78 = tpu.vector_load %arg12[%swap3A, %swap3A_77] {strides = array<i32>} : memref<800x16xf32, #tpu.memory_space<vmem>>, vector<16xf32>,
      tpu.vector_store %arg12[%swap3A, %swap3A_77], %broadcast_in_dim3A_76 {strides = array<i32>} : memref<800x16xf32, #tpu.memory_space<vmem>>, vector<16xf32>,
    }
    %scan3A_47 = arith.constant 800 : i32
    %sub3A_48 = arith.subi %select_n3A_43, %select_n3A : i32
    %sub3A_49 = arith.constant 1 : i32
    %sub3A_50 = arith.constant 1 : i32
    %sub3A_51 = arith.subi %sub3A_49, %sub3A_50 : i32
    %add3A_52 = arith.addi %sub3A_48, %sub3A_51 : i32
    %div3A_53 = arith.constant 1 : i32
    %div3A_54 = arith.divsi %add3A_52, %div3A_53 : i32
    %while3A = arith.constant 1 : i32
    %while3A_55 = arith.constant 0 : i32
    %while3A_56 = arith.subi %div3A_54, %while3A_55 : i32
    %while3A_57 = arith.addi %while3A_55, %while3A_56 : i32
    %while3A_58 = arith.constant 1 : i32
    %while3A_59 = arith.divsi %while3A_56, %while3A_58 : i32
    %while3A_60 = arith.muli %while3A_59, %while3A_58 : i32
    %while3A_61 = arith.addi %while3A_55, %while3A_60 : i32
    %while3A_62 = arith.constant 1 : i32
    scf.for %while3A_71 = %while3A_55 to %while3A_61 step %while3A_62  : i32 {
      %mul3A_72 = arith.muli %while3A_71, %while3A : i32
      %add3A_73 = arith.addi %select_n3A, %mul3A_72 : i32
      %mul3A_74 = arith.constant 800 : i32
      %mul3A_75 = arith.muli %add3A_73, %mul3A_74 : i32
      "tpu.region"() ({
        %run_scoped3A = tpu.sem_alloc : memref<!tpu.dma_semaphore, #tpu.memory_space<semaphore_mem>>
        %dma_start3A = arith.constant 0 : i32
        %dma_start3A_76 = tpu.memref_slice %arg14[%mul3A_75, %dma_start3A] : memref<100000x16xf32, #tpu.memory_space<vmem_shared>> -> memref<800x16xf32, #tpu.memory_space<vmem_shared>>
        %dma_start3A_77 = arith.constant 0 : i32
        %dma_start3A_78 = tpu.memref_slice %arg14[%mul3A_75, %dma_start3A_77] : memref<100000x16xf32, #tpu.memory_space<vmem_shared>> -> memref<800x16xf32, #tpu.memory_space<vmem_shared>>
        tpu.enqueue_dma source(%arg12 : memref<800x16xf32, #tpu.memory_space<vmem>>) target(%dma_start3A_78 : memref<800x16xf32, #tpu.memory_space<vmem_shared>>) target_semaphore(%run_scoped3A : memref<!tpu.dma_semaphore, #tpu.memory_space<semaphore_mem>>)
        %dma_wait3A = arith.constant 0 : i32
        %dma_wait3A_79 = tpu.memref_slice %arg14[%mul3A_75, %dma_wait3A] : memref<100000x16xf32, #tpu.memory_space<vmem_shared>> -> memref<800x16xf32, #tpu.memory_space<vmem_shared>>
        %dma_wait3A_80 = arith.constant 0 : i32
        %dma_wait3A_81 = tpu.memref_slice %arg14[%mul3A_75, %dma_wait3A_80] : memref<100000x16xf32, #tpu.memory_space<vmem_shared>> -> memref<800x16xf32, #tpu.memory_space<vmem_shared>>
        tpu.wait_dma2 semaphore(%run_scoped3A : memref<!tpu.dma_semaphore, #tpu.memory_space<semaphore_mem>>) src(%arg12 : memref<800x16xf32, #tpu.memory_space<vmem>>) dst(%dma_wait3A_81 : memref<800x16xf32, #tpu.memory_space<vmem_shared>>)
        tpu.yield
      }) : () -> ()
    }
    %while3A_63 = arith.constant 1 : i32
    scf.for %while3A_71 = %while3A_61 to %while3A_57 step %while3A_63  : i32 {
      %mul3A_72 = arith.muli %while3A_71, %while3A : i32
      %add3A_73 = arith.addi %select_n3A, %mul3A_72 : i32
      %mul3A_74 = arith.constant 800 : i32
      %mul3A_75 = arith.muli %add3A_73, %mul3A_74 : i32
      "tpu.region"() ({
        %run_scoped3A = tpu.sem_alloc : memref<!tpu.dma_semaphore, #tpu.memory_space<semaphore_mem>>
        %dma_start3A = arith.constant 0 : i32
        %dma_start3A_76 = tpu.memref_slice %arg14[%mul3A_75, %dma_start3A] : memref<100000x16xf32, #tpu.memory_space<vmem_shared>> -> memref<800x16xf32, #tpu.memory_space<vmem_shared>>
        %dma_start3A_77 = arith.constant 0 : i32
        %dma_start3A_78 = tpu.memref_slice %arg14[%mul3A_75, %dma_start3A_77] : memref<100000x16xf32, #tpu.memory_space<vmem_shared>> -> memref<800x16xf32, #tpu.memory_space<vmem_shared>>
        tpu.enqueue_dma source(%arg12 : memref<800x16xf32, #tpu.memory_space<vmem>>) target(%dma_start3A_78 : memref<800x16xf32, #tpu.memory_space<vmem_shared>>) target_semaphore(%run_scoped3A : memref<!tpu.dma_semaphore, #tpu.memory_space<semaphore_mem>>)
        %dma_wait3A = arith.constant 0 : i32
        %dma_wait3A_79 = tpu.memref_slice %arg14[%mul3A_75, %dma_wait3A] : memref<100000x16xf32, #tpu.memory_space<vmem_shared>> -> memref<800x16xf32, #tpu.memory_space<vmem_shared>>
        %dma_wait3A_80 = arith.constant 0 : i32
        %dma_wait3A_81 = tpu.memref_slice %arg14[%mul3A_75, %dma_wait3A_80] : memref<100000x16xf32, #tpu.memory_space<vmem_shared>> -> memref<800x16xf32, #tpu.memory_space<vmem_shared>>
        tpu.wait_dma2 semaphore(%run_scoped3A : memref<!tpu.dma_semaphore, #tpu.memory_space<semaphore_mem>>) src(%arg12 : memref<800x16xf32, #tpu.memory_space<vmem>>) dst(%dma_wait3A_81 : memref<800x16xf32, #tpu.memory_space<vmem_shared>>)
        tpu.yield
      }) : () -> ()
    }
    %barrier3A = arith.constant 0 : index
    tpu.barrier barrier_id(%barrier3A)
    %eq3A = arith.constant 0 : i32
    %eq3A_64 = arith.cmpi eq, %arg0, %eq3A : i32
    %convert_element_type3A = arith.extui %eq3A_64 : i1 to i32
    %cond3A = arith.constant 0 : i32
    %cond3A_65 = arith.cmpi ne, %convert_element_type3A, %cond3A : i32
    scf.if %cond3A_65 {
      %mul3A_71 = arith.constant 100000 : i32
      %mul3A_72 = arith.muli %arg1, %mul3A_71 : i32
      %scan3A_73 = arith.constant 0 : i32
      %scan3A_74 = arith.constant 125 : i32
      %scan3A_75 = arith.addi %scan3A_73, %scan3A_74 : i32
      %scan3A_76 = arith.constant 1 : i32
      scf.for %scan3A_96 = %scan3A_73 to %scan3A_75 step %scan3A_76  : i32 {
        %mul3A_97 = arith.constant 1 : i32
        %mul3A_98 = arith.muli %scan3A_96, %mul3A_97 : i32
        %add3A_99 = arith.constant 0 : i32
        %add3A_100 = arith.addi %add3A_99, %mul3A_98 : i32
        %mul3A_101 = arith.constant 800 : i32
        %mul3A_102 = arith.muli %add3A_100, %mul3A_101 : i32
        %add3A_103 = arith.addi %mul3A_72, %mul3A_102 : i32
        "tpu.region"() ({
          %run_scoped3A = tpu.sem_alloc : memref<!tpu.dma_semaphore, #tpu.memory_space<semaphore_mem>>
          %dma_start3A_116 = tpu.memref_slice %arg4[%add3A_103] : memref<1600000xi32, #tpu.memory_space<hbm>> -> memref<800xi32, #tpu.memory_space<hbm>>
          %dma_start3A_117 = tpu.memref_slice %arg4[%add3A_103] : memref<1600000xi32, #tpu.memory_space<hbm>> -> memref<800xi32, #tpu.memory_space<hbm>>
          tpu.enqueue_dma source(%dma_start3A_117 : memref<800xi32, #tpu.memory_space<hbm>>) target(%arg9 : memref<800xi32, #tpu.memory_space<vmem>>) target_semaphore(%run_scoped3A : memref<!tpu.dma_semaphore, #tpu.memory_space<semaphore_mem>>)
          %dma_wait3A_118 = tpu.memref_slice %arg4[%add3A_103] : memref<1600000xi32, #tpu.memory_space<hbm>> -> memref<800xi32, #tpu.memory_space<hbm>>
          %dma_wait3A_119 = tpu.memref_slice %arg4[%add3A_103] : memref<1600000xi32, #tpu.memory_space<hbm>> -> memref<800xi32, #tpu.memory_space<hbm>>
          tpu.wait_dma2 semaphore(%run_scoped3A : memref<!tpu.dma_semaphore, #tpu.memory_space<semaphore_mem>>) src(%dma_wait3A_119 : memref<800xi32, #tpu.memory_space<hbm>>) dst(%arg9 : memref<800xi32, #tpu.memory_space<vmem>>)
          tpu.yield
        }) : () -> ()
        "tpu.region"() ({
          %run_scoped3A = tpu.sem_alloc : memref<!tpu.dma_semaphore, #tpu.memory_space<semaphore_mem>>
          %dma_start3A_116 = tpu.memref_slice %arg5[%add3A_103] : memref<1600000xi32, #tpu.memory_space<hbm>> -> memref<800xi32, #tpu.memory_space<hbm>>
          %dma_start3A_117 = tpu.memref_slice %arg5[%add3A_103] : memref<1600000xi32, #tpu.memory_space<hbm>> -> memref<800xi32, #tpu.memory_space<hbm>>
          tpu.enqueue_dma source(%dma_start3A_117 : memref<800xi32, #tpu.memory_space<hbm>>) target(%arg10 : memref<800xi32, #tpu.memory_space<vmem>>) target_semaphore(%run_scoped3A : memref<!tpu.dma_semaphore, #tpu.memory_space<semaphore_mem>>)
          %dma_wait3A_118 = tpu.memref_slice %arg5[%add3A_103] : memref<1600000xi32, #tpu.memory_space<hbm>> -> memref<800xi32, #tpu.memory_space<hbm>>
          %dma_wait3A_119 = tpu.memref_slice %arg5[%add3A_103] : memref<1600000xi32, #tpu.memory_space<hbm>> -> memref<800xi32, #tpu.memory_space<hbm>>
          tpu.wait_dma2 semaphore(%run_scoped3A : memref<!tpu.dma_semaphore, #tpu.memory_space<semaphore_mem>>) src(%dma_wait3A_119 : memref<800xi32, #tpu.memory_space<hbm>>) dst(%arg10 : memref<800xi32, #tpu.memory_space<vmem>>)
          tpu.yield
        }) : () -> ()
        "tpu.region"() ({
          %run_scoped3A = tpu.sem_alloc : memref<!tpu.dma_semaphore, #tpu.memory_space<semaphore_mem>>
          %dma_start3A_116 = tpu.memref_slice %arg6[%add3A_103] : memref<1600000xf32, #tpu.memory_space<hbm>> -> memref<800xf32, #tpu.memory_space<hbm>>
          %dma_start3A_117 = tpu.memref_slice %arg6[%add3A_103] : memref<1600000xf32, #tpu.memory_space<hbm>> -> memref<800xf32, #tpu.memory_space<hbm>>
          tpu.enqueue_dma source(%dma_start3A_117 : memref<800xf32, #tpu.memory_space<hbm>>) target(%arg11 : memref<800xf32, #tpu.memory_space<vmem>>) target_semaphore(%run_scoped3A : memref<!tpu.dma_semaphore, #tpu.memory_space<semaphore_mem>>)
          %dma_wait3A_118 = tpu.memref_slice %arg6[%add3A_103] : memref<1600000xf32, #tpu.memory_space<hbm>> -> memref<800xf32, #tpu.memory_space<hbm>>
          %dma_wait3A_119 = tpu.memref_slice %arg6[%add3A_103] : memref<1600000xf32, #tpu.memory_space<hbm>> -> memref<800xf32, #tpu.memory_space<hbm>>
          tpu.wait_dma2 semaphore(%run_scoped3A : memref<!tpu.dma_semaphore, #tpu.memory_space<semaphore_mem>>) src(%dma_wait3A_119 : memref<800xf32, #tpu.memory_space<hbm>>) dst(%arg11 : memref<800xf32, #tpu.memory_space<vmem>>)
          tpu.yield
        }) : () -> ()
        %dma_start3A = arith.constant 0 : i32
        %dma_start3A_104 = arith.constant 0 : i32
        %dma_start3A_105 = tpu.memref_slice %arg2[%dma_start3A, %dma_start3A_104] : memref<100000x16xf32, #tpu.memory_space<hbm>> -> memref<100000x16xf32, #tpu.memory_space<hbm>>
        tpu.enqueue_indirect_dma source(%dma_start3A_105 : memref<100000x16xf32, #tpu.memory_space<hbm>>) target(%arg12 : memref<800x16xf32, #tpu.memory_space<vmem>>) offsets(%arg9 : memref<800xi32, #tpu.memory_space<vmem>>) semaphore(%arg13 : memref<!tpu.dma_semaphore, #tpu.memory_space<semaphore_mem>>)
        %dma_wait3A = arith.constant 0 : i32
        %dma_wait3A_106 = arith.constant 0 : i32
        %dma_wait3A_107 = tpu.memref_slice %arg2[%dma_wait3A, %dma_wait3A_106] : memref<100000x16xf32, #tpu.memory_space<hbm>> -> memref<100000x16xf32, #tpu.memory_space<hbm>>
        tpu.wait_indirect_dma semaphore(%arg13 : memref<!tpu.dma_semaphore, #tpu.memory_space<semaphore_mem>>) src(%dma_wait3A_107 : memref<100000x16xf32, #tpu.memory_space<hbm>>) dst(%arg12 : memref<800x16xf32, #tpu.memory_space<vmem>>)
        %iota3A = tpu.iota {dimensions = array<i32: 0>} : vector<16xi32>
        %mul3A_108 = arith.constant 0 : i32
        %mul3A_109 = vector.broadcast %mul3A_108 : i32 to vector<16xi32>
        %mul3A_110 = arith.muli %iota3A, %mul3A_109 : vector<16xi32>
        %scan3A_111 = arith.constant 0 : i32
        %scan3A_112 = arith.constant 50 : i32
        %scan3A_113 = arith.addi %scan3A_111, %scan3A_112 : i32
        %scan3A_114 = arith.constant 1 : i32
        scf.for %scan3A_116 = %scan3A_111 to %scan3A_113 step %scan3A_114  : i32 {
          %mul3A_117 = arith.constant 16 : i32
          %mul3A_118 = arith.muli %scan3A_116, %mul3A_117 : i32
          %add3A_119 = arith.constant 0 : i32
          %add3A_120 = arith.addi %add3A_119, %mul3A_118 : i32
          %add3A_121 = arith.constant 0 : i32
          %add3A_122 = arith.addi %add3A_120, %add3A_121 : i32
          %add3A_123 = vector.broadcast %add3A_122 : i32 to vector<16xi32>
          %add3A_124 = arith.addi %mul3A_110, %add3A_123 : vector<16xi32>
          %gather3A = tpu.vector_load_idx %arg11[%add3A_124] : memref<800xf32, #tpu.memory_space<vmem>>[vector<16xi32>], vector<16xf32>,
          %add3A_125 = arith.constant 0 : i32
          %add3A_126 = arith.addi %add3A_120, %add3A_125 : i32
          %get3A = arith.index_cast %add3A_126 : i32 to index
          %get3A_127 = arith.constant 0 : index
          %get3A_128 = tpu.vector_load %arg12[%get3A, %get3A_127] {strides = array<i32>} : memref<800x16xf32, #tpu.memory_space<vmem>>, vector<16xf32>,
          %mul3A_129 = arith.mulf %get3A_128, %gather3A : vector<16xf32>
          %add3A_130 = arith.constant 0 : i32
          %add3A_131 = arith.addi %add3A_120, %add3A_130 : i32
          %swap3A = arith.index_cast %add3A_131 : i32 to index
          %swap3A_132 = arith.constant 0 : index
          %swap3A_133 = tpu.vector_load %arg12[%swap3A, %swap3A_132] {strides = array<i32>} : memref<800x16xf32, #tpu.memory_space<vmem>>, vector<16xf32>,
          tpu.vector_store %arg12[%swap3A, %swap3A_132], %mul3A_129 {strides = array<i32>} : memref<800x16xf32, #tpu.memory_space<vmem>>, vector<16xf32>,
          %add3A_134 = arith.constant 1 : i32
          %add3A_135 = arith.addi %add3A_120, %add3A_134 : i32
          %add3A_136 = vector.broadcast %add3A_135 : i32 to vector<16xi32>
          %add3A_137 = arith.addi %mul3A_110, %add3A_136 : vector<16xi32>
          %gather3A_138 = tpu.vector_load_idx %arg11[%add3A_137] : memref<800xf32, #tpu.memory_space<vmem>>[vector<16xi32>], vector<16xf32>,
          %add3A_139 = arith.constant 1 : i32
          %add3A_140 = arith.addi %add3A_120, %add3A_139 : i32
          %get3A_141 = arith.index_cast %add3A_140 : i32 to index
          %get3A_142 = arith.constant 0 : index
          %get3A_143 = tpu.vector_load %arg12[%get3A_141, %get3A_142] {strides = array<i32>} : memref<800x16xf32, #tpu.memory_space<vmem>>, vector<16xf32>,
          %mul3A_144 = arith.mulf %get3A_143, %gather3A_138 : vector<16xf32>
          %add3A_145 = arith.constant 1 : i32
          %add3A_146 = arith.addi %add3A_120, %add3A_145 : i32
          %swap3A_147 = arith.index_cast %add3A_146 : i32 to index
          %swap3A_148 = arith.constant 0 : index
          %swap3A_149 = tpu.vector_load %arg12[%swap3A_147, %swap3A_148] {strides = array<i32>} : memref<800x16xf32, #tpu.memory_space<vmem>>, vector<16xf32>,
          tpu.vector_store %arg12[%swap3A_147, %swap3A_148], %mul3A_144 {strides = array<i32>} : memref<800x16xf32, #tpu.memory_space<vmem>>, vector<16xf32>,
          %add3A_150 = arith.constant 2 : i32
          %add3A_151 = arith.addi %add3A_120, %add3A_150 : i32
          %add3A_152 = vector.broadcast %add3A_151 : i32 to vector<16xi32>
          %add3A_153 = arith.addi %mul3A_110, %add3A_152 : vector<16xi32>
          %gather3A_154 = tpu.vector_load_idx %arg11[%add3A_153] : memref<800xf32, #tpu.memory_space<vmem>>[vector<16xi32>], vector<16xf32>,
          %add3A_155 = arith.constant 2 : i32
          %add3A_156 = arith.addi %add3A_120, %add3A_155 : i32
          %get3A_157 = arith.index_cast %add3A_156 : i32 to index
          %get3A_158 = arith.constant 0 : index
          %get3A_159 = tpu.vector_load %arg12[%get3A_157, %get3A_158] {strides = array<i32>} : memref<800x16xf32, #tpu.memory_space<vmem>>, vector<16xf32>,
          %mul3A_160 = arith.mulf %get3A_159, %gather3A_154 : vector<16xf32>
          %add3A_161 = arith.constant 2 : i32
          %add3A_162 = arith.addi %add3A_120, %add3A_161 : i32
          %swap3A_163 = arith.index_cast %add3A_162 : i32 to index
          %swap3A_164 = arith.constant 0 : index
          %swap3A_165 = tpu.vector_load %arg12[%swap3A_163, %swap3A_164] {strides = array<i32>} : memref<800x16xf32, #tpu.memory_space<vmem>>, vector<16xf32>,
          tpu.vector_store %arg12[%swap3A_163, %swap3A_164], %mul3A_160 {strides = array<i32>} : memref<800x16xf32, #tpu.memory_space<vmem>>, vector<16xf32>,
          %add3A_166 = arith.constant 3 : i32
          %add3A_167 = arith.addi %add3A_120, %add3A_166 : i32
          %add3A_168 = vector.broadcast %add3A_167 : i32 to vector<16xi32>
          %add3A_169 = arith.addi %mul3A_110, %add3A_168 : vector<16xi32>
          %gather3A_170 = tpu.vector_load_idx %arg11[%add3A_169] : memref<800xf32, #tpu.memory_space<vmem>>[vector<16xi32>], vector<16xf32>,
          %add3A_171 = arith.constant 3 : i32
          %add3A_172 = arith.addi %add3A_120, %add3A_171 : i32
          %get3A_173 = arith.index_cast %add3A_172 : i32 to index
          %get3A_174 = arith.constant 0 : index
          %get3A_175 = tpu.vector_load %arg12[%get3A_173, %get3A_174] {strides = array<i32>} : memref<800x16xf32, #tpu.memory_space<vmem>>, vector<16xf32>,
          %mul3A_176 = arith.mulf %get3A_175, %gather3A_170 : vector<16xf32>
          %add3A_177 = arith.constant 3 : i32
          %add3A_178 = arith.addi %add3A_120, %add3A_177 : i32
          %swap3A_179 = arith.index_cast %add3A_178 : i32 to index
          %swap3A_180 = arith.constant 0 : index
          %swap3A_181 = tpu.vector_load %arg12[%swap3A_179, %swap3A_180] {strides = array<i32>} : memref<800x16xf32, #tpu.memory_space<vmem>>, vector<16xf32>,
          tpu.vector_store %arg12[%swap3A_179, %swap3A_180], %mul3A_176 {strides = array<i32>} : memref<800x16xf32, #tpu.memory_space<vmem>>, vector<16xf32>,
          %add3A_182 = arith.constant 4 : i32
          %add3A_183 = arith.addi %add3A_120, %add3A_182 : i32
          %add3A_184 = vector.broadcast %add3A_183 : i32 to vector<16xi32>
          %add3A_185 = arith.addi %mul3A_110, %add3A_184 : vector<16xi32>
          %gather3A_186 = tpu.vector_load_idx %arg11[%add3A_185] : memref<800xf32, #tpu.memory_space<vmem>>[vector<16xi32>], vector<16xf32>,
          %add3A_187 = arith.constant 4 : i32
          %add3A_188 = arith.addi %add3A_120, %add3A_187 : i32
          %get3A_189 = arith.index_cast %add3A_188 : i32 to index
          %get3A_190 = arith.constant 0 : index
          %get3A_191 = tpu.vector_load %arg12[%get3A_189, %get3A_190] {strides = array<i32>} : memref<800x16xf32, #tpu.memory_space<vmem>>, vector<16xf32>,
          %mul3A_192 = arith.mulf %get3A_191, %gather3A_186 : vector<16xf32>
          %add3A_193 = arith.constant 4 : i32
          %add3A_194 = arith.addi %add3A_120, %add3A_193 : i32
          %swap3A_195 = arith.index_cast %add3A_194 : i32 to index
          %swap3A_196 = arith.constant 0 : index
          %swap3A_197 = tpu.vector_load %arg12[%swap3A_195, %swap3A_196] {strides = array<i32>} : memref<800x16xf32, #tpu.memory_space<vmem>>, vector<16xf32>,
          tpu.vector_store %arg12[%swap3A_195, %swap3A_196], %mul3A_192 {strides = array<i32>} : memref<800x16xf32, #tpu.memory_space<vmem>>, vector<16xf32>,
          %add3A_198 = arith.constant 5 : i32
          %add3A_199 = arith.addi %add3A_120, %add3A_198 : i32
          %add3A_200 = vector.broadcast %add3A_199 : i32 to vector<16xi32>
          %add3A_201 = arith.addi %mul3A_110, %add3A_200 : vector<16xi32>
          %gather3A_202 = tpu.vector_load_idx %arg11[%add3A_201] : memref<800xf32, #tpu.memory_space<vmem>>[vector<16xi32>], vector<16xf32>,
          %add3A_203 = arith.constant 5 : i32
          %add3A_204 = arith.addi %add3A_120, %add3A_203 : i32
          %get3A_205 = arith.index_cast %add3A_204 : i32 to index
          %get3A_206 = arith.constant 0 : index
          %get3A_207 = tpu.vector_load %arg12[%get3A_205, %get3A_206] {strides = array<i32>} : memref<800x16xf32, #tpu.memory_space<vmem>>, vector<16xf32>,
          %mul3A_208 = arith.mulf %get3A_207, %gather3A_202 : vector<16xf32>
          %add3A_209 = arith.constant 5 : i32
          %add3A_210 = arith.addi %add3A_120, %add3A_209 : i32
          %swap3A_211 = arith.index_cast %add3A_210 : i32 to index
          %swap3A_212 = arith.constant 0 : index
          %swap3A_213 = tpu.vector_load %arg12[%swap3A_211, %swap3A_212] {strides = array<i32>} : memref<800x16xf32, #tpu.memory_space<vmem>>, vector<16xf32>,
          tpu.vector_store %arg12[%swap3A_211, %swap3A_212], %mul3A_208 {strides = array<i32>} : memref<800x16xf32, #tpu.memory_space<vmem>>, vector<16xf32>,
          %add3A_214 = arith.constant 6 : i32
          %add3A_215 = arith.addi %add3A_120, %add3A_214 : i32
          %add3A_216 = vector.broadcast %add3A_215 : i32 to vector<16xi32>
          %add3A_217 = arith.addi %mul3A_110, %add3A_216 : vector<16xi32>
          %gather3A_218 = tpu.vector_load_idx %arg11[%add3A_217] : memref<800xf32, #tpu.memory_space<vmem>>[vector<16xi32>], vector<16xf32>,
          %add3A_219 = arith.constant 6 : i32
          %add3A_220 = arith.addi %add3A_120, %add3A_219 : i32
          %get3A_221 = arith.index_cast %add3A_220 : i32 to index
          %get3A_222 = arith.constant 0 : index
          %get3A_223 = tpu.vector_load %arg12[%get3A_221, %get3A_222] {strides = array<i32>} : memref<800x16xf32, #tpu.memory_space<vmem>>, vector<16xf32>,
          %mul3A_224 = arith.mulf %get3A_223, %gather3A_218 : vector<16xf32>
          %add3A_225 = arith.constant 6 : i32
          %add3A_226 = arith.addi %add3A_120, %add3A_225 : i32
          %swap3A_227 = arith.index_cast %add3A_226 : i32 to index
          %swap3A_228 = arith.constant 0 : index
          %swap3A_229 = tpu.vector_load %arg12[%swap3A_227, %swap3A_228] {strides = array<i32>} : memref<800x16xf32, #tpu.memory_space<vmem>>, vector<16xf32>,
          tpu.vector_store %arg12[%swap3A_227, %swap3A_228], %mul3A_224 {strides = array<i32>} : memref<800x16xf32, #tpu.memory_space<vmem>>, vector<16xf32>,
          %add3A_230 = arith.constant 7 : i32
          %add3A_231 = arith.addi %add3A_120, %add3A_230 : i32
          %add3A_232 = vector.broadcast %add3A_231 : i32 to vector<16xi32>
          %add3A_233 = arith.addi %mul3A_110, %add3A_232 : vector<16xi32>
          %gather3A_234 = tpu.vector_load_idx %arg11[%add3A_233] : memref<800xf32, #tpu.memory_space<vmem>>[vector<16xi32>], vector<16xf32>,
          %add3A_235 = arith.constant 7 : i32
          %add3A_236 = arith.addi %add3A_120, %add3A_235 : i32
          %get3A_237 = arith.index_cast %add3A_236 : i32 to index
          %get3A_238 = arith.constant 0 : index
          %get3A_239 = tpu.vector_load %arg12[%get3A_237, %get3A_238] {strides = array<i32>} : memref<800x16xf32, #tpu.memory_space<vmem>>, vector<16xf32>,
          %mul3A_240 = arith.mulf %get3A_239, %gather3A_234 : vector<16xf32>
          %add3A_241 = arith.constant 7 : i32
          %add3A_242 = arith.addi %add3A_120, %add3A_241 : i32
          %swap3A_243 = arith.index_cast %add3A_242 : i32 to index
          %swap3A_244 = arith.constant 0 : index
          %swap3A_245 = tpu.vector_load %arg12[%swap3A_243, %swap3A_244] {strides = array<i32>} : memref<800x16xf32, #tpu.memory_space<vmem>>, vector<16xf32>,
          tpu.vector_store %arg12[%swap3A_243, %swap3A_244], %mul3A_240 {strides = array<i32>} : memref<800x16xf32, #tpu.memory_space<vmem>>, vector<16xf32>,
          %add3A_246 = arith.constant 8 : i32
          %add3A_247 = arith.addi %add3A_120, %add3A_246 : i32
          %add3A_248 = vector.broadcast %add3A_247 : i32 to vector<16xi32>
          %add3A_249 = arith.addi %mul3A_110, %add3A_248 : vector<16xi32>
          %gather3A_250 = tpu.vector_load_idx %arg11[%add3A_249] : memref<800xf32, #tpu.memory_space<vmem>>[vector<16xi32>], vector<16xf32>,
          %add3A_251 = arith.constant 8 : i32
          %add3A_252 = arith.addi %add3A_120, %add3A_251 : i32
          %get3A_253 = arith.index_cast %add3A_252 : i32 to index
          %get3A_254 = arith.constant 0 : index
          %get3A_255 = tpu.vector_load %arg12[%get3A_253, %get3A_254] {strides = array<i32>} : memref<800x16xf32, #tpu.memory_space<vmem>>, vector<16xf32>,
          %mul3A_256 = arith.mulf %get3A_255, %gather3A_250 : vector<16xf32>
          %add3A_257 = arith.constant 8 : i32
          %add3A_258 = arith.addi %add3A_120, %add3A_257 : i32
          %swap3A_259 = arith.index_cast %add3A_258 : i32 to index
          %swap3A_260 = arith.constant 0 : index
          %swap3A_261 = tpu.vector_load %arg12[%swap3A_259, %swap3A_260] {strides = array<i32>} : memref<800x16xf32, #tpu.memory_space<vmem>>, vector<16xf32>,
          tpu.vector_store %arg12[%swap3A_259, %swap3A_260], %mul3A_256 {strides = array<i32>} : memref<800x16xf32, #tpu.memory_space<vmem>>, vector<16xf32>,
          %add3A_262 = arith.constant 9 : i32
          %add3A_263 = arith.addi %add3A_120, %add3A_262 : i32
          %add3A_264 = vector.broadcast %add3A_263 : i32 to vector<16xi32>
          %add3A_265 = arith.addi %mul3A_110, %add3A_264 : vector<16xi32>
          %gather3A_266 = tpu.vector_load_idx %arg11[%add3A_265] : memref<800xf32, #tpu.memory_space<vmem>>[vector<16xi32>], vector<16xf32>,
          %add3A_267 = arith.constant 9 : i32
          %add3A_268 = arith.addi %add3A_120, %add3A_267 : i32
          %get3A_269 = arith.index_cast %add3A_268 : i32 to index
          %get3A_270 = arith.constant 0 : index
          %get3A_271 = tpu.vector_load %arg12[%get3A_269, %get3A_270] {strides = array<i32>} : memref<800x16xf32, #tpu.memory_space<vmem>>, vector<16xf32>,
          %mul3A_272 = arith.mulf %get3A_271, %gather3A_266 : vector<16xf32>
          %add3A_273 = arith.constant 9 : i32
          %add3A_274 = arith.addi %add3A_120, %add3A_273 : i32
          %swap3A_275 = arith.index_cast %add3A_274 : i32 to index
          %swap3A_276 = arith.constant 0 : index
          %swap3A_277 = tpu.vector_load %arg12[%swap3A_275, %swap3A_276] {strides = array<i32>} : memref<800x16xf32, #tpu.memory_space<vmem>>, vector<16xf32>,
          tpu.vector_store %arg12[%swap3A_275, %swap3A_276], %mul3A_272 {strides = array<i32>} : memref<800x16xf32, #tpu.memory_space<vmem>>, vector<16xf32>,
          %add3A_278 = arith.constant 10 : i32
          %add3A_279 = arith.addi %add3A_120, %add3A_278 : i32
          %add3A_280 = vector.broadcast %add3A_279 : i32 to vector<16xi32>
          %add3A_281 = arith.addi %mul3A_110, %add3A_280 : vector<16xi32>
          %gather3A_282 = tpu.vector_load_idx %arg11[%add3A_281] : memref<800xf32, #tpu.memory_space<vmem>>[vector<16xi32>], vector<16xf32>,
          %add3A_283 = arith.constant 10 : i32
          %add3A_284 = arith.addi %add3A_120, %add3A_283 : i32
          %get3A_285 = arith.index_cast %add3A_284 : i32 to index
          %get3A_286 = arith.constant 0 : index
          %get3A_287 = tpu.vector_load %arg12[%get3A_285, %get3A_286] {strides = array<i32>} : memref<800x16xf32, #tpu.memory_space<vmem>>, vector<16xf32>,
          %mul3A_288 = arith.mulf %get3A_287, %gather3A_282 : vector<16xf32>
          %add3A_289 = arith.constant 10 : i32
          %add3A_290 = arith.addi %add3A_120, %add3A_289 : i32
          %swap3A_291 = arith.index_cast %add3A_290 : i32 to index
          %swap3A_292 = arith.constant 0 : index
          %swap3A_293 = tpu.vector_load %arg12[%swap3A_291, %swap3A_292] {strides = array<i32>} : memref<800x16xf32, #tpu.memory_space<vmem>>, vector<16xf32>,
          tpu.vector_store %arg12[%swap3A_291, %swap3A_292], %mul3A_288 {strides = array<i32>} : memref<800x16xf32, #tpu.memory_space<vmem>>, vector<16xf32>,
          %add3A_294 = arith.constant 11 : i32
          %add3A_295 = arith.addi %add3A_120, %add3A_294 : i32
          %add3A_296 = vector.broadcast %add3A_295 : i32 to vector<16xi32>
          %add3A_297 = arith.addi %mul3A_110, %add3A_296 : vector<16xi32>
          %gather3A_298 = tpu.vector_load_idx %arg11[%add3A_297] : memref<800xf32, #tpu.memory_space<vmem>>[vector<16xi32>], vector<16xf32>,
          %add3A_299 = arith.constant 11 : i32
          %add3A_300 = arith.addi %add3A_120, %add3A_299 : i32
          %get3A_301 = arith.index_cast %add3A_300 : i32 to index
          %get3A_302 = arith.constant 0 : index
          %get3A_303 = tpu.vector_load %arg12[%get3A_301, %get3A_302] {strides = array<i32>} : memref<800x16xf32, #tpu.memory_space<vmem>>, vector<16xf32>,
          %mul3A_304 = arith.mulf %get3A_303, %gather3A_298 : vector<16xf32>
          %add3A_305 = arith.constant 11 : i32
          %add3A_306 = arith.addi %add3A_120, %add3A_305 : i32
          %swap3A_307 = arith.index_cast %add3A_306 : i32 to index
          %swap3A_308 = arith.constant 0 : index
          %swap3A_309 = tpu.vector_load %arg12[%swap3A_307, %swap3A_308] {strides = array<i32>} : memref<800x16xf32, #tpu.memory_space<vmem>>, vector<16xf32>,
          tpu.vector_store %arg12[%swap3A_307, %swap3A_308], %mul3A_304 {strides = array<i32>} : memref<800x16xf32, #tpu.memory_space<vmem>>, vector<16xf32>,
          %add3A_310 = arith.constant 12 : i32
          %add3A_311 = arith.addi %add3A_120, %add3A_310 : i32
          %add3A_312 = vector.broadcast %add3A_311 : i32 to vector<16xi32>
          %add3A_313 = arith.addi %mul3A_110, %add3A_312 : vector<16xi32>
          %gather3A_314 = tpu.vector_load_idx %arg11[%add3A_313] : memref<800xf32, #tpu.memory_space<vmem>>[vector<16xi32>], vector<16xf32>,
          %add3A_315 = arith.constant 12 : i32
          %add3A_316 = arith.addi %add3A_120, %add3A_315 : i32
          %get3A_317 = arith.index_cast %add3A_316 : i32 to index
          %get3A_318 = arith.constant 0 : index
          %get3A_319 = tpu.vector_load %arg12[%get3A_317, %get3A_318] {strides = array<i32>} : memref<800x16xf32, #tpu.memory_space<vmem>>, vector<16xf32>,
          %mul3A_320 = arith.mulf %get3A_319, %gather3A_314 : vector<16xf32>
          %add3A_321 = arith.constant 12 : i32
          %add3A_322 = arith.addi %add3A_120, %add3A_321 : i32
          %swap3A_323 = arith.index_cast %add3A_322 : i32 to index
          %swap3A_324 = arith.constant 0 : index
          %swap3A_325 = tpu.vector_load %arg12[%swap3A_323, %swap3A_324] {strides = array<i32>} : memref<800x16xf32, #tpu.memory_space<vmem>>, vector<16xf32>,
          tpu.vector_store %arg12[%swap3A_323, %swap3A_324], %mul3A_320 {strides = array<i32>} : memref<800x16xf32, #tpu.memory_space<vmem>>, vector<16xf32>,
          %add3A_326 = arith.constant 13 : i32
          %add3A_327 = arith.addi %add3A_120, %add3A_326 : i32
          %add3A_328 = vector.broadcast %add3A_327 : i32 to vector<16xi32>
          %add3A_329 = arith.addi %mul3A_110, %add3A_328 : vector<16xi32>
          %gather3A_330 = tpu.vector_load_idx %arg11[%add3A_329] : memref<800xf32, #tpu.memory_space<vmem>>[vector<16xi32>], vector<16xf32>,
          %add3A_331 = arith.constant 13 : i32
          %add3A_332 = arith.addi %add3A_120, %add3A_331 : i32
          %get3A_333 = arith.index_cast %add3A_332 : i32 to index
          %get3A_334 = arith.constant 0 : index
          %get3A_335 = tpu.vector_load %arg12[%get3A_333, %get3A_334] {strides = array<i32>} : memref<800x16xf32, #tpu.memory_space<vmem>>, vector<16xf32>,
          %mul3A_336 = arith.mulf %get3A_335, %gather3A_330 : vector<16xf32>
          %add3A_337 = arith.constant 13 : i32
          %add3A_338 = arith.addi %add3A_120, %add3A_337 : i32
          %swap3A_339 = arith.index_cast %add3A_338 : i32 to index
          %swap3A_340 = arith.constant 0 : index
          %swap3A_341 = tpu.vector_load %arg12[%swap3A_339, %swap3A_340] {strides = array<i32>} : memref<800x16xf32, #tpu.memory_space<vmem>>, vector<16xf32>,
          tpu.vector_store %arg12[%swap3A_339, %swap3A_340], %mul3A_336 {strides = array<i32>} : memref<800x16xf32, #tpu.memory_space<vmem>>, vector<16xf32>,
          %add3A_342 = arith.constant 14 : i32
          %add3A_343 = arith.addi %add3A_120, %add3A_342 : i32
          %add3A_344 = vector.broadcast %add3A_343 : i32 to vector<16xi32>
          %add3A_345 = arith.addi %mul3A_110, %add3A_344 : vector<16xi32>
          %gather3A_346 = tpu.vector_load_idx %arg11[%add3A_345] : memref<800xf32, #tpu.memory_space<vmem>>[vector<16xi32>], vector<16xf32>,
          %add3A_347 = arith.constant 14 : i32
          %add3A_348 = arith.addi %add3A_120, %add3A_347 : i32
          %get3A_349 = arith.index_cast %add3A_348 : i32 to index
          %get3A_350 = arith.constant 0 : index
          %get3A_351 = tpu.vector_load %arg12[%get3A_349, %get3A_350] {strides = array<i32>} : memref<800x16xf32, #tpu.memory_space<vmem>>, vector<16xf32>,
          %mul3A_352 = arith.mulf %get3A_351, %gather3A_346 : vector<16xf32>
          %add3A_353 = arith.constant 14 : i32
          %add3A_354 = arith.addi %add3A_120, %add3A_353 : i32
          %swap3A_355 = arith.index_cast %add3A_354 : i32 to index
          %swap3A_356 = arith.constant 0 : index
          %swap3A_357 = tpu.vector_load %arg12[%swap3A_355, %swap3A_356] {strides = array<i32>} : memref<800x16xf32, #tpu.memory_space<vmem>>, vector<16xf32>,
          tpu.vector_store %arg12[%swap3A_355, %swap3A_356], %mul3A_352 {strides = array<i32>} : memref<800x16xf32, #tpu.memory_space<vmem>>, vector<16xf32>,
          %add3A_358 = arith.constant 15 : i32
          %add3A_359 = arith.addi %add3A_120, %add3A_358 : i32
          %add3A_360 = vector.broadcast %add3A_359 : i32 to vector<16xi32>
          %add3A_361 = arith.addi %mul3A_110, %add3A_360 : vector<16xi32>
          %gather3A_362 = tpu.vector_load_idx %arg11[%add3A_361] : memref<800xf32, #tpu.memory_space<vmem>>[vector<16xi32>], vector<16xf32>,
          %add3A_363 = arith.constant 15 : i32
          %add3A_364 = arith.addi %add3A_120, %add3A_363 : i32
          %get3A_365 = arith.index_cast %add3A_364 : i32 to index
          %get3A_366 = arith.constant 0 : index
          %get3A_367 = tpu.vector_load %arg12[%get3A_365, %get3A_366] {strides = array<i32>} : memref<800x16xf32, #tpu.memory_space<vmem>>, vector<16xf32>,
          %mul3A_368 = arith.mulf %get3A_367, %gather3A_362 : vector<16xf32>
          %add3A_369 = arith.constant 15 : i32
          %add3A_370 = arith.addi %add3A_120, %add3A_369 : i32
          %swap3A_371 = arith.index_cast %add3A_370 : i32 to index
          %swap3A_372 = arith.constant 0 : index
          %swap3A_373 = tpu.vector_load %arg12[%swap3A_371, %swap3A_372] {strides = array<i32>} : memref<800x16xf32, #tpu.memory_space<vmem>>, vector<16xf32>,
          tpu.vector_store %arg12[%swap3A_371, %swap3A_372], %mul3A_368 {strides = array<i32>} : memref<800x16xf32, #tpu.memory_space<vmem>>, vector<16xf32>,
        }
        %scan3A_115 = arith.constant 50 : i32
        "tpu.region"() ({
          %run_scoped3A = tpu.sem_alloc : memref<!tpu.dma_semaphore, #tpu.memory_space<semaphore_mem>>
          %dma_start3A_116 = arith.constant 0 : i32
          %dma_start3A_117 = arith.constant 0 : i32
          %dma_start3A_118 = tpu.memref_slice %arg14[%dma_start3A_116, %dma_start3A_117] : memref<100000x16xf32, #tpu.memory_space<vmem_shared>> -> memref<100000x16xf32, #tpu.memory_space<vmem_shared>>
          tpu.enqueue_indirect_dma source(%arg12 : memref<800x16xf32, #tpu.memory_space<vmem>>) target(%dma_start3A_118 : memref<100000x16xf32, #tpu.memory_space<vmem_shared>>) offsets(%arg10 : memref<800xi32, #tpu.memory_space<vmem>>) semaphore(%run_scoped3A : memref<!tpu.dma_semaphore, #tpu.memory_space<semaphore_mem>>) {add = true}
          %dma_wait3A_119 = arith.constant 0 : i32
          %dma_wait3A_120 = arith.constant 0 : i32
          %dma_wait3A_121 = tpu.memref_slice %arg14[%dma_wait3A_119, %dma_wait3A_120] : memref<100000x16xf32, #tpu.memory_space<vmem_shared>> -> memref<100000x16xf32, #tpu.memory_space<vmem_shared>>
          tpu.wait_indirect_dma semaphore(%run_scoped3A : memref<!tpu.dma_semaphore, #tpu.memory_space<semaphore_mem>>) src(%arg12 : memref<800x16xf32, #tpu.memory_space<vmem>>) dst(%dma_wait3A_121 : memref<100000x16xf32, #tpu.memory_space<vmem_shared>>)
          tpu.yield
        }) : () -> ()
      }
      %scan3A_77 = arith.constant 125 : i32
      %barrier3A_78 = arith.constant 0 : index
      tpu.barrier barrier_id(%barrier3A_78)
      %sub3A_79 = arith.subi %select_n3A_43, %select_n3A : i32
      %sub3A_80 = arith.constant 1 : i32
      %sub3A_81 = arith.constant 1 : i32
      %sub3A_82 = arith.subi %sub3A_80, %sub3A_81 : i32
      %add3A_83 = arith.addi %sub3A_79, %sub3A_82 : i32
      %div3A_84 = arith.constant 1 : i32
      %div3A_85 = arith.divsi %add3A_83, %div3A_84 : i32
      %while3A_86 = arith.constant 1 : i32
      %while3A_87 = arith.constant 0 : i32
      %while3A_88 = arith.subi %div3A_85, %while3A_87 : i32
      %while3A_89 = arith.addi %while3A_87, %while3A_88 : i32
      %while3A_90 = arith.constant 1 : i32
      %while3A_91 = arith.divsi %while3A_88, %while3A_90 : i32
      %while3A_92 = arith.muli %while3A_91, %while3A_90 : i32
      %while3A_93 = arith.addi %while3A_87, %while3A_92 : i32
      %while3A_94 = arith.constant 1 : i32
      scf.for %while3A_96 = %while3A_87 to %while3A_93 step %while3A_94  : i32 {
        %mul3A_97 = arith.muli %while3A_96, %while3A_86 : i32
        %add3A_98 = arith.addi %select_n3A, %mul3A_97 : i32
        %mul3A_99 = arith.constant 800 : i32
        %mul3A_100 = arith.muli %add3A_98, %mul3A_99 : i32
        %mul3A_101 = arith.constant 800 : i32
        %mul3A_102 = arith.muli %add3A_98, %mul3A_101 : i32
        "tpu.region"() ({
          %run_scoped3A = tpu.sem_alloc : memref<!tpu.dma_semaphore, #tpu.memory_space<semaphore_mem>>
          %dma_start3A = arith.constant 0 : i32
          %dma_start3A_103 = tpu.memref_slice %arg7[%mul3A_102, %dma_start3A] : memref<100000x16xf32, #tpu.memory_space<hbm>> -> memref<800x16xf32, #tpu.memory_space<hbm>>
          %dma_start3A_104 = arith.constant 0 : i32
          %dma_start3A_105 = tpu.memref_slice %arg14[%mul3A_100, %dma_start3A_104] : memref<100000x16xf32, #tpu.memory_space<vmem_shared>> -> memref<800x16xf32, #tpu.memory_space<vmem_shared>>
          tpu.enqueue_dma source(%dma_start3A_105 : memref<800x16xf32, #tpu.memory_space<vmem_shared>>) target(%dma_start3A_103 : memref<800x16xf32, #tpu.memory_space<hbm>>) target_semaphore(%run_scoped3A : memref<!tpu.dma_semaphore, #tpu.memory_space<semaphore_mem>>)
          %dma_wait3A = arith.constant 0 : i32
          %dma_wait3A_106 = tpu.memref_slice %arg7[%mul3A_102, %dma_wait3A] : memref<100000x16xf32, #tpu.memory_space<hbm>> -> memref<800x16xf32, #tpu.memory_space<hbm>>
          %dma_wait3A_107 = arith.constant 0 : i32
          %dma_wait3A_108 = tpu.memref_slice %arg14[%mul3A_100, %dma_wait3A_107] : memref<100000x16xf32, #tpu.memory_space<vmem_shared>> -> memref<800x16xf32, #tpu.memory_space<vmem_shared>>
          tpu.wait_dma2 semaphore(%run_scoped3A : memref<!tpu.dma_semaphore, #tpu.memory_space<semaphore_mem>>) src(%dma_wait3A_108 : memref<800x16xf32, #tpu.memory_space<vmem_shared>>) dst(%dma_wait3A_106 : memref<800x16xf32, #tpu.memory_space<hbm>>)
          tpu.yield
        }) : () -> ()
      }
      %while3A_95 = arith.constant 1 : i32
      scf.for %while3A_96 = %while3A_93 to %while3A_89 step %while3A_95  : i32 {
        %mul3A_97 = arith.muli %while3A_96, %while3A_86 : i32
        %add3A_98 = arith.addi %select_n3A, %mul3A_97 : i32
        %mul3A_99 = arith.constant 800 : i32
        %mul3A_100 = arith.muli %add3A_98, %mul3A_99 : i32
        %mul3A_101 = arith.constant 800 : i32
        %mul3A_102 = arith.muli %add3A_98, %mul3A_101 : i32
        "tpu.region"() ({
          %run_scoped3A = tpu.sem_alloc : memref<!tpu.dma_semaphore, #tpu.memory_space<semaphore_mem>>
          %dma_start3A = arith.constant 0 : i32
          %dma_start3A_103 = tpu.memref_slice %arg7[%mul3A_102, %dma_start3A] : memref<100000x16xf32, #tpu.memory_space<hbm>> -> memref<800x16xf32, #tpu.memory_space<hbm>>
          %dma_start3A_104 = arith.constant 0 : i32
          %dma_start3A_105 = tpu.memref_slice %arg14[%mul3A_100, %dma_start3A_104] : memref<100000x16xf32, #tpu.memory_space<vmem_shared>> -> memref<800x16xf32, #tpu.memory_space<vmem_shared>>
          tpu.enqueue_dma source(%dma_start3A_105 : memref<800x16xf32, #tpu.memory_space<vmem_shared>>) target(%dma_start3A_103 : memref<800x16xf32, #tpu.memory_space<hbm>>) target_semaphore(%run_scoped3A : memref<!tpu.dma_semaphore, #tpu.memory_space<semaphore_mem>>)
          %dma_wait3A = arith.constant 0 : i32
          %dma_wait3A_106 = tpu.memref_slice %arg7[%mul3A_102, %dma_wait3A] : memref<100000x16xf32, #tpu.memory_space<hbm>> -> memref<800x16xf32, #tpu.memory_space<hbm>>
          %dma_wait3A_107 = arith.constant 0 : i32
          %dma_wait3A_108 = tpu.memref_slice %arg14[%mul3A_100, %dma_wait3A_107] : memref<100000x16xf32, #tpu.memory_space<vmem_shared>> -> memref<800x16xf32, #tpu.memory_space<vmem_shared>>
          tpu.wait_dma2 semaphore(%run_scoped3A : memref<!tpu.dma_semaphore, #tpu.memory_space<semaphore_mem>>) src(%dma_wait3A_108 : memref<800x16xf32, #tpu.memory_space<vmem_shared>>) dst(%dma_wait3A_106 : memref<800x16xf32, #tpu.memory_space<hbm>>)
          tpu.yield
        }) : () -> ()
      }
    } else {
    }
    %eq3A_66 = arith.constant 1 : i32
    %eq3A_67 = arith.cmpi eq, %arg0, %eq3A_66 : i32
    %convert_element_type3A_68 = arith.extui %eq3A_67 : i1 to i32
    %cond3A_69 = arith.constant 0 : i32
    %cond3A_70 = arith.cmpi ne, %convert_element_type3A_68, %cond3A_69 : i32
    scf.if %cond3A_70 {
      %mul3A_71 = arith.constant 100000 : i32
      %mul3A_72 = arith.muli %arg1, %mul3A_71 : i32
      %scan3A_73 = arith.constant 0 : i32
      %scan3A_74 = arith.constant 125 : i32
      %scan3A_75 = arith.addi %scan3A_73, %scan3A_74 : i32
      %scan3A_76 = arith.constant 1 : i32
      scf.for %scan3A_96 = %scan3A_73 to %scan3A_75 step %scan3A_76  : i32 {
        %mul3A_97 = arith.constant 1 : i32
        %mul3A_98 = arith.muli %scan3A_96, %mul3A_97 : i32
        %add3A_99 = arith.constant 0 : i32
        %add3A_100 = arith.addi %add3A_99, %mul3A_98 : i32
        %mul3A_101 = arith.constant 800 : i32
        %mul3A_102 = arith.muli %add3A_100, %mul3A_101 : i32
        %add3A_103 = arith.addi %mul3A_72, %mul3A_102 : i32
        "tpu.region"() ({
          %run_scoped3A = tpu.sem_alloc : memref<!tpu.dma_semaphore, #tpu.memory_space<semaphore_mem>>
          %dma_start3A_116 = tpu.memref_slice %arg4[%add3A_103] : memref<1600000xi32, #tpu.memory_space<hbm>> -> memref<800xi32, #tpu.memory_space<hbm>>
          %dma_start3A_117 = tpu.memref_slice %arg4[%add3A_103] : memref<1600000xi32, #tpu.memory_space<hbm>> -> memref<800xi32, #tpu.memory_space<hbm>>
          tpu.enqueue_dma source(%dma_start3A_117 : memref<800xi32, #tpu.memory_space<hbm>>) target(%arg9 : memref<800xi32, #tpu.memory_space<vmem>>) target_semaphore(%run_scoped3A : memref<!tpu.dma_semaphore, #tpu.memory_space<semaphore_mem>>)
          %dma_wait3A_118 = tpu.memref_slice %arg4[%add3A_103] : memref<1600000xi32, #tpu.memory_space<hbm>> -> memref<800xi32, #tpu.memory_space<hbm>>
          %dma_wait3A_119 = tpu.memref_slice %arg4[%add3A_103] : memref<1600000xi32, #tpu.memory_space<hbm>> -> memref<800xi32, #tpu.memory_space<hbm>>
          tpu.wait_dma2 semaphore(%run_scoped3A : memref<!tpu.dma_semaphore, #tpu.memory_space<semaphore_mem>>) src(%dma_wait3A_119 : memref<800xi32, #tpu.memory_space<hbm>>) dst(%arg9 : memref<800xi32, #tpu.memory_space<vmem>>)
          tpu.yield
        }) : () -> ()
        "tpu.region"() ({
          %run_scoped3A = tpu.sem_alloc : memref<!tpu.dma_semaphore, #tpu.memory_space<semaphore_mem>>
          %dma_start3A_116 = tpu.memref_slice %arg5[%add3A_103] : memref<1600000xi32, #tpu.memory_space<hbm>> -> memref<800xi32, #tpu.memory_space<hbm>>
          %dma_start3A_117 = tpu.memref_slice %arg5[%add3A_103] : memref<1600000xi32, #tpu.memory_space<hbm>> -> memref<800xi32, #tpu.memory_space<hbm>>
          tpu.enqueue_dma source(%dma_start3A_117 : memref<800xi32, #tpu.memory_space<hbm>>) target(%arg10 : memref<800xi32, #tpu.memory_space<vmem>>) target_semaphore(%run_scoped3A : memref<!tpu.dma_semaphore, #tpu.memory_space<semaphore_mem>>)
          %dma_wait3A_118 = tpu.memref_slice %arg5[%add3A_103] : memref<1600000xi32, #tpu.memory_space<hbm>> -> memref<800xi32, #tpu.memory_space<hbm>>
          %dma_wait3A_119 = tpu.memref_slice %arg5[%add3A_103] : memref<1600000xi32, #tpu.memory_space<hbm>> -> memref<800xi32, #tpu.memory_space<hbm>>
          tpu.wait_dma2 semaphore(%run_scoped3A : memref<!tpu.dma_semaphore, #tpu.memory_space<semaphore_mem>>) src(%dma_wait3A_119 : memref<800xi32, #tpu.memory_space<hbm>>) dst(%arg10 : memref<800xi32, #tpu.memory_space<vmem>>)
          tpu.yield
        }) : () -> ()
        "tpu.region"() ({
          %run_scoped3A = tpu.sem_alloc : memref<!tpu.dma_semaphore, #tpu.memory_space<semaphore_mem>>
          %dma_start3A_116 = tpu.memref_slice %arg6[%add3A_103] : memref<1600000xf32, #tpu.memory_space<hbm>> -> memref<800xf32, #tpu.memory_space<hbm>>
          %dma_start3A_117 = tpu.memref_slice %arg6[%add3A_103] : memref<1600000xf32, #tpu.memory_space<hbm>> -> memref<800xf32, #tpu.memory_space<hbm>>
          tpu.enqueue_dma source(%dma_start3A_117 : memref<800xf32, #tpu.memory_space<hbm>>) target(%arg11 : memref<800xf32, #tpu.memory_space<vmem>>) target_semaphore(%run_scoped3A : memref<!tpu.dma_semaphore, #tpu.memory_space<semaphore_mem>>)
          %dma_wait3A_118 = tpu.memref_slice %arg6[%add3A_103] : memref<1600000xf32, #tpu.memory_space<hbm>> -> memref<800xf32, #tpu.memory_space<hbm>>
          %dma_wait3A_119 = tpu.memref_slice %arg6[%add3A_103] : memref<1600000xf32, #tpu.memory_space<hbm>> -> memref<800xf32, #tpu.memory_space<hbm>>
          tpu.wait_dma2 semaphore(%run_scoped3A : memref<!tpu.dma_semaphore, #tpu.memory_space<semaphore_mem>>) src(%dma_wait3A_119 : memref<800xf32, #tpu.memory_space<hbm>>) dst(%arg11 : memref<800xf32, #tpu.memory_space<vmem>>)
          tpu.yield
        }) : () -> ()
        %dma_start3A = arith.constant 0 : i32
        %dma_start3A_104 = arith.constant 0 : i32
        %dma_start3A_105 = tpu.memref_slice %arg3[%dma_start3A, %dma_start3A_104] : memref<100000x16xf32, #tpu.memory_space<hbm>> -> memref<100000x16xf32, #tpu.memory_space<hbm>>
        tpu.enqueue_indirect_dma source(%dma_start3A_105 : memref<100000x16xf32, #tpu.memory_space<hbm>>) target(%arg12 : memref<800x16xf32, #tpu.memory_space<vmem>>) offsets(%arg9 : memref<800xi32, #tpu.memory_space<vmem>>) semaphore(%arg13 : memref<!tpu.dma_semaphore, #tpu.memory_space<semaphore_mem>>)
        %dma_wait3A = arith.constant 0 : i32
        %dma_wait3A_106 = arith.constant 0 : i32
        %dma_wait3A_107 = tpu.memref_slice %arg3[%dma_wait3A, %dma_wait3A_106] : memref<100000x16xf32, #tpu.memory_space<hbm>> -> memref<100000x16xf32, #tpu.memory_space<hbm>>
        tpu.wait_indirect_dma semaphore(%arg13 : memref<!tpu.dma_semaphore, #tpu.memory_space<semaphore_mem>>) src(%dma_wait3A_107 : memref<100000x16xf32, #tpu.memory_space<hbm>>) dst(%arg12 : memref<800x16xf32, #tpu.memory_space<vmem>>)
        %iota3A = tpu.iota {dimensions = array<i32: 0>} : vector<16xi32>
        %mul3A_108 = arith.constant 0 : i32
        %mul3A_109 = vector.broadcast %mul3A_108 : i32 to vector<16xi32>
        %mul3A_110 = arith.muli %iota3A, %mul3A_109 : vector<16xi32>
        %scan3A_111 = arith.constant 0 : i32
        %scan3A_112 = arith.constant 50 : i32
        %scan3A_113 = arith.addi %scan3A_111, %scan3A_112 : i32
        %scan3A_114 = arith.constant 1 : i32
        scf.for %scan3A_116 = %scan3A_111 to %scan3A_113 step %scan3A_114  : i32 {
          %mul3A_117 = arith.constant 16 : i32
          %mul3A_118 = arith.muli %scan3A_116, %mul3A_117 : i32
          %add3A_119 = arith.constant 0 : i32
          %add3A_120 = arith.addi %add3A_119, %mul3A_118 : i32
          %add3A_121 = arith.constant 0 : i32
          %add3A_122 = arith.addi %add3A_120, %add3A_121 : i32
          %add3A_123 = vector.broadcast %add3A_122 : i32 to vector<16xi32>
          %add3A_124 = arith.addi %mul3A_110, %add3A_123 : vector<16xi32>
          %gather3A = tpu.vector_load_idx %arg11[%add3A_124] : memref<800xf32, #tpu.memory_space<vmem>>[vector<16xi32>], vector<16xf32>,
          %add3A_125 = arith.constant 0 : i32
          %add3A_126 = arith.addi %add3A_120, %add3A_125 : i32
          %get3A = arith.index_cast %add3A_126 : i32 to index
          %get3A_127 = arith.constant 0 : index
          %get3A_128 = tpu.vector_load %arg12[%get3A, %get3A_127] {strides = array<i32>} : memref<800x16xf32, #tpu.memory_space<vmem>>, vector<16xf32>,
          %mul3A_129 = arith.mulf %get3A_128, %gather3A : vector<16xf32>
          %add3A_130 = arith.constant 0 : i32
          %add3A_131 = arith.addi %add3A_120, %add3A_130 : i32
          %swap3A = arith.index_cast %add3A_131 : i32 to index
          %swap3A_132 = arith.constant 0 : index
          %swap3A_133 = tpu.vector_load %arg12[%swap3A, %swap3A_132] {strides = array<i32>} : memref<800x16xf32, #tpu.memory_space<vmem>>, vector<16xf32>,
          tpu.vector_store %arg12[%swap3A, %swap3A_132], %mul3A_129 {strides = array<i32>} : memref<800x16xf32, #tpu.memory_space<vmem>>, vector<16xf32>,
          %add3A_134 = arith.constant 1 : i32
          %add3A_135 = arith.addi %add3A_120, %add3A_134 : i32
          %add3A_136 = vector.broadcast %add3A_135 : i32 to vector<16xi32>
          %add3A_137 = arith.addi %mul3A_110, %add3A_136 : vector<16xi32>
          %gather3A_138 = tpu.vector_load_idx %arg11[%add3A_137] : memref<800xf32, #tpu.memory_space<vmem>>[vector<16xi32>], vector<16xf32>,
          %add3A_139 = arith.constant 1 : i32
          %add3A_140 = arith.addi %add3A_120, %add3A_139 : i32
          %get3A_141 = arith.index_cast %add3A_140 : i32 to index
          %get3A_142 = arith.constant 0 : index
          %get3A_143 = tpu.vector_load %arg12[%get3A_141, %get3A_142] {strides = array<i32>} : memref<800x16xf32, #tpu.memory_space<vmem>>, vector<16xf32>,
          %mul3A_144 = arith.mulf %get3A_143, %gather3A_138 : vector<16xf32>
          %add3A_145 = arith.constant 1 : i32
          %add3A_146 = arith.addi %add3A_120, %add3A_145 : i32
          %swap3A_147 = arith.index_cast %add3A_146 : i32 to index
          %swap3A_148 = arith.constant 0 : index
          %swap3A_149 = tpu.vector_load %arg12[%swap3A_147, %swap3A_148] {strides = array<i32>} : memref<800x16xf32, #tpu.memory_space<vmem>>, vector<16xf32>,
          tpu.vector_store %arg12[%swap3A_147, %swap3A_148], %mul3A_144 {strides = array<i32>} : memref<800x16xf32, #tpu.memory_space<vmem>>, vector<16xf32>,
          %add3A_150 = arith.constant 2 : i32
          %add3A_151 = arith.addi %add3A_120, %add3A_150 : i32
          %add3A_152 = vector.broadcast %add3A_151 : i32 to vector<16xi32>
          %add3A_153 = arith.addi %mul3A_110, %add3A_152 : vector<16xi32>
          %gather3A_154 = tpu.vector_load_idx %arg11[%add3A_153] : memref<800xf32, #tpu.memory_space<vmem>>[vector<16xi32>], vector<16xf32>,
          %add3A_155 = arith.constant 2 : i32
          %add3A_156 = arith.addi %add3A_120, %add3A_155 : i32
          %get3A_157 = arith.index_cast %add3A_156 : i32 to index
          %get3A_158 = arith.constant 0 : index
          %get3A_159 = tpu.vector_load %arg12[%get3A_157, %get3A_158] {strides = array<i32>} : memref<800x16xf32, #tpu.memory_space<vmem>>, vector<16xf32>,
          %mul3A_160 = arith.mulf %get3A_159, %gather3A_154 : vector<16xf32>
          %add3A_161 = arith.constant 2 : i32
          %add3A_162 = arith.addi %add3A_120, %add3A_161 : i32
          %swap3A_163 = arith.index_cast %add3A_162 : i32 to index
          %swap3A_164 = arith.constant 0 : index
          %swap3A_165 = tpu.vector_load %arg12[%swap3A_163, %swap3A_164] {strides = array<i32>} : memref<800x16xf32, #tpu.memory_space<vmem>>, vector<16xf32>,
          tpu.vector_store %arg12[%swap3A_163, %swap3A_164], %mul3A_160 {strides = array<i32>} : memref<800x16xf32, #tpu.memory_space<vmem>>, vector<16xf32>,
          %add3A_166 = arith.constant 3 : i32
          %add3A_167 = arith.addi %add3A_120, %add3A_166 : i32
          %add3A_168 = vector.broadcast %add3A_167 : i32 to vector<16xi32>
          %add3A_169 = arith.addi %mul3A_110, %add3A_168 : vector<16xi32>
          %gather3A_170 = tpu.vector_load_idx %arg11[%add3A_169] : memref<800xf32, #tpu.memory_space<vmem>>[vector<16xi32>], vector<16xf32>,
          %add3A_171 = arith.constant 3 : i32
          %add3A_172 = arith.addi %add3A_120, %add3A_171 : i32
          %get3A_173 = arith.index_cast %add3A_172 : i32 to index
          %get3A_174 = arith.constant 0 : index
          %get3A_175 = tpu.vector_load %arg12[%get3A_173, %get3A_174] {strides = array<i32>} : memref<800x16xf32, #tpu.memory_space<vmem>>, vector<16xf32>,
          %mul3A_176 = arith.mulf %get3A_175, %gather3A_170 : vector<16xf32>
          %add3A_177 = arith.constant 3 : i32
          %add3A_178 = arith.addi %add3A_120, %add3A_177 : i32
          %swap3A_179 = arith.index_cast %add3A_178 : i32 to index
          %swap3A_180 = arith.constant 0 : index
          %swap3A_181 = tpu.vector_load %arg12[%swap3A_179, %swap3A_180] {strides = array<i32>} : memref<800x16xf32, #tpu.memory_space<vmem>>, vector<16xf32>,
          tpu.vector_store %arg12[%swap3A_179, %swap3A_180], %mul3A_176 {strides = array<i32>} : memref<800x16xf32, #tpu.memory_space<vmem>>, vector<16xf32>,
          %add3A_182 = arith.constant 4 : i32
          %add3A_183 = arith.addi %add3A_120, %add3A_182 : i32
          %add3A_184 = vector.broadcast %add3A_183 : i32 to vector<16xi32>
          %add3A_185 = arith.addi %mul3A_110, %add3A_184 : vector<16xi32>
          %gather3A_186 = tpu.vector_load_idx %arg11[%add3A_185] : memref<800xf32, #tpu.memory_space<vmem>>[vector<16xi32>], vector<16xf32>,
          %add3A_187 = arith.constant 4 : i32
          %add3A_188 = arith.addi %add3A_120, %add3A_187 : i32
          %get3A_189 = arith.index_cast %add3A_188 : i32 to index
          %get3A_190 = arith.constant 0 : index
          %get3A_191 = tpu.vector_load %arg12[%get3A_189, %get3A_190] {strides = array<i32>} : memref<800x16xf32, #tpu.memory_space<vmem>>, vector<16xf32>,
          %mul3A_192 = arith.mulf %get3A_191, %gather3A_186 : vector<16xf32>
          %add3A_193 = arith.constant 4 : i32
          %add3A_194 = arith.addi %add3A_120, %add3A_193 : i32
          %swap3A_195 = arith.index_cast %add3A_194 : i32 to index
          %swap3A_196 = arith.constant 0 : index
          %swap3A_197 = tpu.vector_load %arg12[%swap3A_195, %swap3A_196] {strides = array<i32>} : memref<800x16xf32, #tpu.memory_space<vmem>>, vector<16xf32>,
          tpu.vector_store %arg12[%swap3A_195, %swap3A_196], %mul3A_192 {strides = array<i32>} : memref<800x16xf32, #tpu.memory_space<vmem>>, vector<16xf32>,
          %add3A_198 = arith.constant 5 : i32
          %add3A_199 = arith.addi %add3A_120, %add3A_198 : i32
          %add3A_200 = vector.broadcast %add3A_199 : i32 to vector<16xi32>
          %add3A_201 = arith.addi %mul3A_110, %add3A_200 : vector<16xi32>
          %gather3A_202 = tpu.vector_load_idx %arg11[%add3A_201] : memref<800xf32, #tpu.memory_space<vmem>>[vector<16xi32>], vector<16xf32>,
          %add3A_203 = arith.constant 5 : i32
          %add3A_204 = arith.addi %add3A_120, %add3A_203 : i32
          %get3A_205 = arith.index_cast %add3A_204 : i32 to index
          %get3A_206 = arith.constant 0 : index
          %get3A_207 = tpu.vector_load %arg12[%get3A_205, %get3A_206] {strides = array<i32>} : memref<800x16xf32, #tpu.memory_space<vmem>>, vector<16xf32>,
          %mul3A_208 = arith.mulf %get3A_207, %gather3A_202 : vector<16xf32>
          %add3A_209 = arith.constant 5 : i32
          %add3A_210 = arith.addi %add3A_120, %add3A_209 : i32
          %swap3A_211 = arith.index_cast %add3A_210 : i32 to index
          %swap3A_212 = arith.constant 0 : index
          %swap3A_213 = tpu.vector_load %arg12[%swap3A_211, %swap3A_212] {strides = array<i32>} : memref<800x16xf32, #tpu.memory_space<vmem>>, vector<16xf32>,
          tpu.vector_store %arg12[%swap3A_211, %swap3A_212], %mul3A_208 {strides = array<i32>} : memref<800x16xf32, #tpu.memory_space<vmem>>, vector<16xf32>,
          %add3A_214 = arith.constant 6 : i32
          %add3A_215 = arith.addi %add3A_120, %add3A_214 : i32
          %add3A_216 = vector.broadcast %add3A_215 : i32 to vector<16xi32>
          %add3A_217 = arith.addi %mul3A_110, %add3A_216 : vector<16xi32>
          %gather3A_218 = tpu.vector_load_idx %arg11[%add3A_217] : memref<800xf32, #tpu.memory_space<vmem>>[vector<16xi32>], vector<16xf32>,
          %add3A_219 = arith.constant 6 : i32
          %add3A_220 = arith.addi %add3A_120, %add3A_219 : i32
          %get3A_221 = arith.index_cast %add3A_220 : i32 to index
          %get3A_222 = arith.constant 0 : index
          %get3A_223 = tpu.vector_load %arg12[%get3A_221, %get3A_222] {strides = array<i32>} : memref<800x16xf32, #tpu.memory_space<vmem>>, vector<16xf32>,
          %mul3A_224 = arith.mulf %get3A_223, %gather3A_218 : vector<16xf32>
          %add3A_225 = arith.constant 6 : i32
          %add3A_226 = arith.addi %add3A_120, %add3A_225 : i32
          %swap3A_227 = arith.index_cast %add3A_226 : i32 to index
          %swap3A_228 = arith.constant 0 : index
          %swap3A_229 = tpu.vector_load %arg12[%swap3A_227, %swap3A_228] {strides = array<i32>} : memref<800x16xf32, #tpu.memory_space<vmem>>, vector<16xf32>,
          tpu.vector_store %arg12[%swap3A_227, %swap3A_228], %mul3A_224 {strides = array<i32>} : memref<800x16xf32, #tpu.memory_space<vmem>>, vector<16xf32>,
          %add3A_230 = arith.constant 7 : i32
          %add3A_231 = arith.addi %add3A_120, %add3A_230 : i32
          %add3A_232 = vector.broadcast %add3A_231 : i32 to vector<16xi32>
          %add3A_233 = arith.addi %mul3A_110, %add3A_232 : vector<16xi32>
          %gather3A_234 = tpu.vector_load_idx %arg11[%add3A_233] : memref<800xf32, #tpu.memory_space<vmem>>[vector<16xi32>], vector<16xf32>,
          %add3A_235 = arith.constant 7 : i32
          %add3A_236 = arith.addi %add3A_120, %add3A_235 : i32
          %get3A_237 = arith.index_cast %add3A_236 : i32 to index
          %get3A_238 = arith.constant 0 : index
          %get3A_239 = tpu.vector_load %arg12[%get3A_237, %get3A_238] {strides = array<i32>} : memref<800x16xf32, #tpu.memory_space<vmem>>, vector<16xf32>,
          %mul3A_240 = arith.mulf %get3A_239, %gather3A_234 : vector<16xf32>
          %add3A_241 = arith.constant 7 : i32
          %add3A_242 = arith.addi %add3A_120, %add3A_241 : i32
          %swap3A_243 = arith.index_cast %add3A_242 : i32 to index
          %swap3A_244 = arith.constant 0 : index
          %swap3A_245 = tpu.vector_load %arg12[%swap3A_243, %swap3A_244] {strides = array<i32>} : memref<800x16xf32, #tpu.memory_space<vmem>>, vector<16xf32>,
          tpu.vector_store %arg12[%swap3A_243, %swap3A_244], %mul3A_240 {strides = array<i32>} : memref<800x16xf32, #tpu.memory_space<vmem>>, vector<16xf32>,
          %add3A_246 = arith.constant 8 : i32
          %add3A_247 = arith.addi %add3A_120, %add3A_246 : i32
          %add3A_248 = vector.broadcast %add3A_247 : i32 to vector<16xi32>
          %add3A_249 = arith.addi %mul3A_110, %add3A_248 : vector<16xi32>
          %gather3A_250 = tpu.vector_load_idx %arg11[%add3A_249] : memref<800xf32, #tpu.memory_space<vmem>>[vector<16xi32>], vector<16xf32>,
          %add3A_251 = arith.constant 8 : i32
          %add3A_252 = arith.addi %add3A_120, %add3A_251 : i32
          %get3A_253 = arith.index_cast %add3A_252 : i32 to index
          %get3A_254 = arith.constant 0 : index
          %get3A_255 = tpu.vector_load %arg12[%get3A_253, %get3A_254] {strides = array<i32>} : memref<800x16xf32, #tpu.memory_space<vmem>>, vector<16xf32>,
          %mul3A_256 = arith.mulf %get3A_255, %gather3A_250 : vector<16xf32>
          %add3A_257 = arith.constant 8 : i32
          %add3A_258 = arith.addi %add3A_120, %add3A_257 : i32
          %swap3A_259 = arith.index_cast %add3A_258 : i32 to index
          %swap3A_260 = arith.constant 0 : index
          %swap3A_261 = tpu.vector_load %arg12[%swap3A_259, %swap3A_260] {strides = array<i32>} : memref<800x16xf32, #tpu.memory_space<vmem>>, vector<16xf32>,
          tpu.vector_store %arg12[%swap3A_259, %swap3A_260], %mul3A_256 {strides = array<i32>} : memref<800x16xf32, #tpu.memory_space<vmem>>, vector<16xf32>,
          %add3A_262 = arith.constant 9 : i32
          %add3A_263 = arith.addi %add3A_120, %add3A_262 : i32
          %add3A_264 = vector.broadcast %add3A_263 : i32 to vector<16xi32>
          %add3A_265 = arith.addi %mul3A_110, %add3A_264 : vector<16xi32>
          %gather3A_266 = tpu.vector_load_idx %arg11[%add3A_265] : memref<800xf32, #tpu.memory_space<vmem>>[vector<16xi32>], vector<16xf32>,
          %add3A_267 = arith.constant 9 : i32
          %add3A_268 = arith.addi %add3A_120, %add3A_267 : i32
          %get3A_269 = arith.index_cast %add3A_268 : i32 to index
          %get3A_270 = arith.constant 0 : index
          %get3A_271 = tpu.vector_load %arg12[%get3A_269, %get3A_270] {strides = array<i32>} : memref<800x16xf32, #tpu.memory_space<vmem>>, vector<16xf32>,
          %mul3A_272 = arith.mulf %get3A_271, %gather3A_266 : vector<16xf32>
          %add3A_273 = arith.constant 9 : i32
          %add3A_274 = arith.addi %add3A_120, %add3A_273 : i32
          %swap3A_275 = arith.index_cast %add3A_274 : i32 to index
          %swap3A_276 = arith.constant 0 : index
          %swap3A_277 = tpu.vector_load %arg12[%swap3A_275, %swap3A_276] {strides = array<i32>} : memref<800x16xf32, #tpu.memory_space<vmem>>, vector<16xf32>,
          tpu.vector_store %arg12[%swap3A_275, %swap3A_276], %mul3A_272 {strides = array<i32>} : memref<800x16xf32, #tpu.memory_space<vmem>>, vector<16xf32>,
          %add3A_278 = arith.constant 10 : i32
          %add3A_279 = arith.addi %add3A_120, %add3A_278 : i32
          %add3A_280 = vector.broadcast %add3A_279 : i32 to vector<16xi32>
          %add3A_281 = arith.addi %mul3A_110, %add3A_280 : vector<16xi32>
          %gather3A_282 = tpu.vector_load_idx %arg11[%add3A_281] : memref<800xf32, #tpu.memory_space<vmem>>[vector<16xi32>], vector<16xf32>,
          %add3A_283 = arith.constant 10 : i32
          %add3A_284 = arith.addi %add3A_120, %add3A_283 : i32
          %get3A_285 = arith.index_cast %add3A_284 : i32 to index
          %get3A_286 = arith.constant 0 : index
          %get3A_287 = tpu.vector_load %arg12[%get3A_285, %get3A_286] {strides = array<i32>} : memref<800x16xf32, #tpu.memory_space<vmem>>, vector<16xf32>,
          %mul3A_288 = arith.mulf %get3A_287, %gather3A_282 : vector<16xf32>
          %add3A_289 = arith.constant 10 : i32
          %add3A_290 = arith.addi %add3A_120, %add3A_289 : i32
          %swap3A_291 = arith.index_cast %add3A_290 : i32 to index
          %swap3A_292 = arith.constant 0 : index
          %swap3A_293 = tpu.vector_load %arg12[%swap3A_291, %swap3A_292] {strides = array<i32>} : memref<800x16xf32, #tpu.memory_space<vmem>>, vector<16xf32>,
          tpu.vector_store %arg12[%swap3A_291, %swap3A_292], %mul3A_288 {strides = array<i32>} : memref<800x16xf32, #tpu.memory_space<vmem>>, vector<16xf32>,
          %add3A_294 = arith.constant 11 : i32
          %add3A_295 = arith.addi %add3A_120, %add3A_294 : i32
          %add3A_296 = vector.broadcast %add3A_295 : i32 to vector<16xi32>
          %add3A_297 = arith.addi %mul3A_110, %add3A_296 : vector<16xi32>
          %gather3A_298 = tpu.vector_load_idx %arg11[%add3A_297] : memref<800xf32, #tpu.memory_space<vmem>>[vector<16xi32>], vector<16xf32>,
          %add3A_299 = arith.constant 11 : i32
          %add3A_300 = arith.addi %add3A_120, %add3A_299 : i32
          %get3A_301 = arith.index_cast %add3A_300 : i32 to index
          %get3A_302 = arith.constant 0 : index
          %get3A_303 = tpu.vector_load %arg12[%get3A_301, %get3A_302] {strides = array<i32>} : memref<800x16xf32, #tpu.memory_space<vmem>>, vector<16xf32>,
          %mul3A_304 = arith.mulf %get3A_303, %gather3A_298 : vector<16xf32>
          %add3A_305 = arith.constant 11 : i32
          %add3A_306 = arith.addi %add3A_120, %add3A_305 : i32
          %swap3A_307 = arith.index_cast %add3A_306 : i32 to index
          %swap3A_308 = arith.constant 0 : index
          %swap3A_309 = tpu.vector_load %arg12[%swap3A_307, %swap3A_308] {strides = array<i32>} : memref<800x16xf32, #tpu.memory_space<vmem>>, vector<16xf32>,
          tpu.vector_store %arg12[%swap3A_307, %swap3A_308], %mul3A_304 {strides = array<i32>} : memref<800x16xf32, #tpu.memory_space<vmem>>, vector<16xf32>,
          %add3A_310 = arith.constant 12 : i32
          %add3A_311 = arith.addi %add3A_120, %add3A_310 : i32
          %add3A_312 = vector.broadcast %add3A_311 : i32 to vector<16xi32>
          %add3A_313 = arith.addi %mul3A_110, %add3A_312 : vector<16xi32>
          %gather3A_314 = tpu.vector_load_idx %arg11[%add3A_313] : memref<800xf32, #tpu.memory_space<vmem>>[vector<16xi32>], vector<16xf32>,
          %add3A_315 = arith.constant 12 : i32
          %add3A_316 = arith.addi %add3A_120, %add3A_315 : i32
          %get3A_317 = arith.index_cast %add3A_316 : i32 to index
          %get3A_318 = arith.constant 0 : index
          %get3A_319 = tpu.vector_load %arg12[%get3A_317, %get3A_318] {strides = array<i32>} : memref<800x16xf32, #tpu.memory_space<vmem>>, vector<16xf32>,
          %mul3A_320 = arith.mulf %get3A_319, %gather3A_314 : vector<16xf32>
          %add3A_321 = arith.constant 12 : i32
          %add3A_322 = arith.addi %add3A_120, %add3A_321 : i32
          %swap3A_323 = arith.index_cast %add3A_322 : i32 to index
          %swap3A_324 = arith.constant 0 : index
          %swap3A_325 = tpu.vector_load %arg12[%swap3A_323, %swap3A_324] {strides = array<i32>} : memref<800x16xf32, #tpu.memory_space<vmem>>, vector<16xf32>,
          tpu.vector_store %arg12[%swap3A_323, %swap3A_324], %mul3A_320 {strides = array<i32>} : memref<800x16xf32, #tpu.memory_space<vmem>>, vector<16xf32>,
          %add3A_326 = arith.constant 13 : i32
          %add3A_327 = arith.addi %add3A_120, %add3A_326 : i32
          %add3A_328 = vector.broadcast %add3A_327 : i32 to vector<16xi32>
          %add3A_329 = arith.addi %mul3A_110, %add3A_328 : vector<16xi32>
          %gather3A_330 = tpu.vector_load_idx %arg11[%add3A_329] : memref<800xf32, #tpu.memory_space<vmem>>[vector<16xi32>], vector<16xf32>,
          %add3A_331 = arith.constant 13 : i32
          %add3A_332 = arith.addi %add3A_120, %add3A_331 : i32
          %get3A_333 = arith.index_cast %add3A_332 : i32 to index
          %get3A_334 = arith.constant 0 : index
          %get3A_335 = tpu.vector_load %arg12[%get3A_333, %get3A_334] {strides = array<i32>} : memref<800x16xf32, #tpu.memory_space<vmem>>, vector<16xf32>,
          %mul3A_336 = arith.mulf %get3A_335, %gather3A_330 : vector<16xf32>
          %add3A_337 = arith.constant 13 : i32
          %add3A_338 = arith.addi %add3A_120, %add3A_337 : i32
          %swap3A_339 = arith.index_cast %add3A_338 : i32 to index
          %swap3A_340 = arith.constant 0 : index
          %swap3A_341 = tpu.vector_load %arg12[%swap3A_339, %swap3A_340] {strides = array<i32>} : memref<800x16xf32, #tpu.memory_space<vmem>>, vector<16xf32>,
          tpu.vector_store %arg12[%swap3A_339, %swap3A_340], %mul3A_336 {strides = array<i32>} : memref<800x16xf32, #tpu.memory_space<vmem>>, vector<16xf32>,
          %add3A_342 = arith.constant 14 : i32
          %add3A_343 = arith.addi %add3A_120, %add3A_342 : i32
          %add3A_344 = vector.broadcast %add3A_343 : i32 to vector<16xi32>
          %add3A_345 = arith.addi %mul3A_110, %add3A_344 : vector<16xi32>
          %gather3A_346 = tpu.vector_load_idx %arg11[%add3A_345] : memref<800xf32, #tpu.memory_space<vmem>>[vector<16xi32>], vector<16xf32>,
          %add3A_347 = arith.constant 14 : i32
          %add3A_348 = arith.addi %add3A_120, %add3A_347 : i32
          %get3A_349 = arith.index_cast %add3A_348 : i32 to index
          %get3A_350 = arith.constant 0 : index
          %get3A_351 = tpu.vector_load %arg12[%get3A_349, %get3A_350] {strides = array<i32>} : memref<800x16xf32, #tpu.memory_space<vmem>>, vector<16xf32>,
          %mul3A_352 = arith.mulf %get3A_351, %gather3A_346 : vector<16xf32>
          %add3A_353 = arith.constant 14 : i32
          %add3A_354 = arith.addi %add3A_120, %add3A_353 : i32
          %swap3A_355 = arith.index_cast %add3A_354 : i32 to index
          %swap3A_356 = arith.constant 0 : index
          %swap3A_357 = tpu.vector_load %arg12[%swap3A_355, %swap3A_356] {strides = array<i32>} : memref<800x16xf32, #tpu.memory_space<vmem>>, vector<16xf32>,
          tpu.vector_store %arg12[%swap3A_355, %swap3A_356], %mul3A_352 {strides = array<i32>} : memref<800x16xf32, #tpu.memory_space<vmem>>, vector<16xf32>,
          %add3A_358 = arith.constant 15 : i32
          %add3A_359 = arith.addi %add3A_120, %add3A_358 : i32
          %add3A_360 = vector.broadcast %add3A_359 : i32 to vector<16xi32>
          %add3A_361 = arith.addi %mul3A_110, %add3A_360 : vector<16xi32>
          %gather3A_362 = tpu.vector_load_idx %arg11[%add3A_361] : memref<800xf32, #tpu.memory_space<vmem>>[vector<16xi32>], vector<16xf32>,
          %add3A_363 = arith.constant 15 : i32
          %add3A_364 = arith.addi %add3A_120, %add3A_363 : i32
          %get3A_365 = arith.index_cast %add3A_364 : i32 to index
          %get3A_366 = arith.constant 0 : index
          %get3A_367 = tpu.vector_load %arg12[%get3A_365, %get3A_366] {strides = array<i32>} : memref<800x16xf32, #tpu.memory_space<vmem>>, vector<16xf32>,
          %mul3A_368 = arith.mulf %get3A_367, %gather3A_362 : vector<16xf32>
          %add3A_369 = arith.constant 15 : i32
          %add3A_370 = arith.addi %add3A_120, %add3A_369 : i32
          %swap3A_371 = arith.index_cast %add3A_370 : i32 to index
          %swap3A_372 = arith.constant 0 : index
          %swap3A_373 = tpu.vector_load %arg12[%swap3A_371, %swap3A_372] {strides = array<i32>} : memref<800x16xf32, #tpu.memory_space<vmem>>, vector<16xf32>,
          tpu.vector_store %arg12[%swap3A_371, %swap3A_372], %mul3A_368 {strides = array<i32>} : memref<800x16xf32, #tpu.memory_space<vmem>>, vector<16xf32>,
        }
        %scan3A_115 = arith.constant 50 : i32
        "tpu.region"() ({
          %run_scoped3A = tpu.sem_alloc : memref<!tpu.dma_semaphore, #tpu.memory_space<semaphore_mem>>
          %dma_start3A_116 = arith.constant 0 : i32
          %dma_start3A_117 = arith.constant 0 : i32
          %dma_start3A_118 = tpu.memref_slice %arg14[%dma_start3A_116, %dma_start3A_117] : memref<100000x16xf32, #tpu.memory_space<vmem_shared>> -> memref<100000x16xf32, #tpu.memory_space<vmem_shared>>
          tpu.enqueue_indirect_dma source(%arg12 : memref<800x16xf32, #tpu.memory_space<vmem>>) target(%dma_start3A_118 : memref<100000x16xf32, #tpu.memory_space<vmem_shared>>) offsets(%arg10 : memref<800xi32, #tpu.memory_space<vmem>>) semaphore(%run_scoped3A : memref<!tpu.dma_semaphore, #tpu.memory_space<semaphore_mem>>) {add = true}
          %dma_wait3A_119 = arith.constant 0 : i32
          %dma_wait3A_120 = arith.constant 0 : i32
          %dma_wait3A_121 = tpu.memref_slice %arg14[%dma_wait3A_119, %dma_wait3A_120] : memref<100000x16xf32, #tpu.memory_space<vmem_shared>> -> memref<100000x16xf32, #tpu.memory_space<vmem_shared>>
          tpu.wait_indirect_dma semaphore(%run_scoped3A : memref<!tpu.dma_semaphore, #tpu.memory_space<semaphore_mem>>) src(%arg12 : memref<800x16xf32, #tpu.memory_space<vmem>>) dst(%dma_wait3A_121 : memref<100000x16xf32, #tpu.memory_space<vmem_shared>>)
          tpu.yield
        }) : () -> ()
      }
      %scan3A_77 = arith.constant 125 : i32
      %barrier3A_78 = arith.constant 0 : index
      tpu.barrier barrier_id(%barrier3A_78)
      %sub3A_79 = arith.subi %select_n3A_43, %select_n3A : i32
      %sub3A_80 = arith.constant 1 : i32
      %sub3A_81 = arith.constant 1 : i32
      %sub3A_82 = arith.subi %sub3A_80, %sub3A_81 : i32
      %add3A_83 = arith.addi %sub3A_79, %sub3A_82 : i32
      %div3A_84 = arith.constant 1 : i32
      %div3A_85 = arith.divsi %add3A_83, %div3A_84 : i32
      %while3A_86 = arith.constant 1 : i32
      %while3A_87 = arith.constant 0 : i32
      %while3A_88 = arith.subi %div3A_85, %while3A_87 : i32
      %while3A_89 = arith.addi %while3A_87, %while3A_88 : i32
      %while3A_90 = arith.constant 1 : i32
      %while3A_91 = arith.divsi %while3A_88, %while3A_90 : i32
      %while3A_92 = arith.muli %while3A_91, %while3A_90 : i32
      %while3A_93 = arith.addi %while3A_87, %while3A_92 : i32
      %while3A_94 = arith.constant 1 : i32
      scf.for %while3A_96 = %while3A_87 to %while3A_93 step %while3A_94  : i32 {
        %mul3A_97 = arith.muli %while3A_96, %while3A_86 : i32
        %add3A_98 = arith.addi %select_n3A, %mul3A_97 : i32
        %mul3A_99 = arith.constant 800 : i32
        %mul3A_100 = arith.muli %add3A_98, %mul3A_99 : i32
        %mul3A_101 = arith.constant 800 : i32
        %mul3A_102 = arith.muli %add3A_98, %mul3A_101 : i32
        "tpu.region"() ({
          %run_scoped3A = tpu.sem_alloc : memref<!tpu.dma_semaphore, #tpu.memory_space<semaphore_mem>>
          %dma_start3A = arith.constant 0 : i32
          %dma_start3A_103 = tpu.memref_slice %arg8[%mul3A_102, %dma_start3A] : memref<100000x16xf32, #tpu.memory_space<hbm>> -> memref<800x16xf32, #tpu.memory_space<hbm>>
          %dma_start3A_104 = arith.constant 0 : i32
          %dma_start3A_105 = tpu.memref_slice %arg14[%mul3A_100, %dma_start3A_104] : memref<100000x16xf32, #tpu.memory_space<vmem_shared>> -> memref<800x16xf32, #tpu.memory_space<vmem_shared>>
          tpu.enqueue_dma source(%dma_start3A_105 : memref<800x16xf32, #tpu.memory_space<vmem_shared>>) target(%dma_start3A_103 : memref<800x16xf32, #tpu.memory_space<hbm>>) target_semaphore(%run_scoped3A : memref<!tpu.dma_semaphore, #tpu.memory_space<semaphore_mem>>)
          %dma_wait3A = arith.constant 0 : i32
          %dma_wait3A_106 = tpu.memref_slice %arg8[%mul3A_102, %dma_wait3A] : memref<100000x16xf32, #tpu.memory_space<hbm>> -> memref<800x16xf32, #tpu.memory_space<hbm>>
          %dma_wait3A_107 = arith.constant 0 : i32
          %dma_wait3A_108 = tpu.memref_slice %arg14[%mul3A_100, %dma_wait3A_107] : memref<100000x16xf32, #tpu.memory_space<vmem_shared>> -> memref<800x16xf32, #tpu.memory_space<vmem_shared>>
          tpu.wait_dma2 semaphore(%run_scoped3A : memref<!tpu.dma_semaphore, #tpu.memory_space<semaphore_mem>>) src(%dma_wait3A_108 : memref<800x16xf32, #tpu.memory_space<vmem_shared>>) dst(%dma_wait3A_106 : memref<800x16xf32, #tpu.memory_space<hbm>>)
          tpu.yield
        }) : () -> ()
      }
      %while3A_95 = arith.constant 1 : i32
      scf.for %while3A_96 = %while3A_93 to %while3A_89 step %while3A_95  : i32 {
        %mul3A_97 = arith.muli %while3A_96, %while3A_86 : i32
        %add3A_98 = arith.addi %select_n3A, %mul3A_97 : i32
        %mul3A_99 = arith.constant 800 : i32
        %mul3A_100 = arith.muli %add3A_98, %mul3A_99 : i32
        %mul3A_101 = arith.constant 800 : i32
        %mul3A_102 = arith.muli %add3A_98, %mul3A_101 : i32
        "tpu.region"() ({
          %run_scoped3A = tpu.sem_alloc : memref<!tpu.dma_semaphore, #tpu.memory_space<semaphore_mem>>
          %dma_start3A = arith.constant 0 : i32
          %dma_start3A_103 = tpu.memref_slice %arg8[%mul3A_102, %dma_start3A] : memref<100000x16xf32, #tpu.memory_space<hbm>> -> memref<800x16xf32, #tpu.memory_space<hbm>>
          %dma_start3A_104 = arith.constant 0 : i32
          %dma_start3A_105 = tpu.memref_slice %arg14[%mul3A_100, %dma_start3A_104] : memref<100000x16xf32, #tpu.memory_space<vmem_shared>> -> memref<800x16xf32, #tpu.memory_space<vmem_shared>>
          tpu.enqueue_dma source(%dma_start3A_105 : memref<800x16xf32, #tpu.memory_space<vmem_shared>>) target(%dma_start3A_103 : memref<800x16xf32, #tpu.memory_space<hbm>>) target_semaphore(%run_scoped3A : memref<!tpu.dma_semaphore, #tpu.memory_space<semaphore_mem>>)
          %dma_wait3A = arith.constant 0 : i32
          %dma_wait3A_106 = tpu.memref_slice %arg8[%mul3A_102, %dma_wait3A] : memref<100000x16xf32, #tpu.memory_space<hbm>> -> memref<800x16xf32, #tpu.memory_space<hbm>>
          %dma_wait3A_107 = arith.constant 0 : i32
          %dma_wait3A_108 = tpu.memref_slice %arg14[%mul3A_100, %dma_wait3A_107] : memref<100000x16xf32, #tpu.memory_space<vmem_shared>> -> memref<800x16xf32, #tpu.memory_space<vmem_shared>>
          tpu.wait_dma2 semaphore(%run_scoped3A : memref<!tpu.dma_semaphore, #tpu.memory_space<semaphore_mem>>) src(%dma_wait3A_108 : memref<800x16xf32, #tpu.memory_space<vmem_shared>>) dst(%dma_wait3A_106 : memref<800x16xf32, #tpu.memory_space<hbm>>)
          tpu.yield
        }) : () -> ()
      }
    } else {
    }
    return
  }
}

#map = affine_map<(d0, d1) -> (0, 0)>
#map1 = affine_map<(d0, d1) -> (0)>
module attributes {stable_mosaic.version = 14 : i64} {
  func.func @_final(%arg0: i32, %arg1: i32, %arg2: memref<100000x16xf32, #tpu.memory_space<hbm>>, %arg3: memref<100000x16xf32, #tpu.memory_space<hbm>>, %arg4: memref<100000x16xf32, #tpu.memory_space<hbm>>, %arg5: memref<100000x16xf32, #tpu.memory_space<hbm>>, %arg6: memref<100000x16xf32, #tpu.memory_space<hbm>>, %arg7: memref<100000x16xf32, #tpu.memory_space<hbm>>, %arg8: memref<100000x16xf32, #tpu.memory_space<hbm>>, %arg9: memref<100000x16xf32, #tpu.memory_space<hbm>>, %arg10: memref<12288xi32, #tpu.memory_space<hbm>>, %arg11: memref<12288x16xf32, #tpu.memory_space<hbm>>, %arg12: memref<12288x16xf32, #tpu.memory_space<hbm>>, %arg13: memref<12288x16xf32, #tpu.memory_space<hbm>>, %arg14: memref<12288x16xf32, #tpu.memory_space<hbm>>, %arg15: memref<768xi32, #tpu.memory_space<vmem>>, %arg16: memref<768x16xf32, #tpu.memory_space<vmem>>, %arg17: memref<768x16xf32, #tpu.memory_space<vmem>>, %arg18: memref<768x16xf32, #tpu.memory_space<vmem>>, %arg19: memref<768x16xf32, #tpu.memory_space<vmem>>) attributes {dimension_semantics = [#tpu.dimension_semantics<core_parallel>, #tpu.dimension_semantics<subcore_parallel>], iteration_bounds = array<i64: 2, 16>, scalar_prefetch = 0 : i64, scratch_operands = 5 : i64, tpu.core_type = #tpu.core_type<sc_vector_subcore>, window_params = [{transform_indices = #map}, {transform_indices = #map}, {transform_indices = #map}, {transform_indices = #map}, {transform_indices = #map}, {transform_indices = #map}, {transform_indices = #map}, {transform_indices = #map}, {transform_indices = #map1}, {transform_indices = #map}, {transform_indices = #map}, {transform_indices = #map}, {transform_indices = #map}]} {
    %mul3A = arith.constant 768 : i32
    %mul3A_0 = arith.muli %arg1, %mul3A : i32
    "tpu.region"() ({
      %run_scoped3A = tpu.sem_alloc : memref<!tpu.dma_semaphore, #tpu.memory_space<semaphore_mem>>
      %dma_start3A = tpu.memref_slice %arg10[%mul3A_0] : memref<12288xi32, #tpu.memory_space<hbm>> -> memref<768xi32, #tpu.memory_space<hbm>>
      %dma_start3A_8 = tpu.memref_slice %arg10[%mul3A_0] : memref<12288xi32, #tpu.memory_space<hbm>> -> memref<768xi32, #tpu.memory_space<hbm>>
      tpu.enqueue_dma source(%dma_start3A_8 : memref<768xi32, #tpu.memory_space<hbm>>) target(%arg15 : memref<768xi32, #tpu.memory_space<vmem>>) target_semaphore(%run_scoped3A : memref<!tpu.dma_semaphore, #tpu.memory_space<semaphore_mem>>)
      %dma_wait3A = tpu.memref_slice %arg10[%mul3A_0] : memref<12288xi32, #tpu.memory_space<hbm>> -> memref<768xi32, #tpu.memory_space<hbm>>
      %dma_wait3A_9 = tpu.memref_slice %arg10[%mul3A_0] : memref<12288xi32, #tpu.memory_space<hbm>> -> memref<768xi32, #tpu.memory_space<hbm>>
      tpu.wait_dma2 semaphore(%run_scoped3A : memref<!tpu.dma_semaphore, #tpu.memory_space<semaphore_mem>>) src(%dma_wait3A_9 : memref<768xi32, #tpu.memory_space<hbm>>) dst(%arg15 : memref<768xi32, #tpu.memory_space<vmem>>)
      tpu.yield
    }) : () -> ()
    %eq3A = arith.constant 0 : i32
    %eq3A_1 = arith.cmpi eq, %arg0, %eq3A : i32
    %convert_element_type3A = arith.extui %eq3A_1 : i1 to i32
    %cond3A = arith.constant 0 : i32
    %cond3A_2 = arith.cmpi ne, %convert_element_type3A, %cond3A : i32
    scf.if %cond3A_2 {
      "tpu.region"() ({
        %run_scoped3A = tpu.sem_alloc : memref<!tpu.dma_semaphore, #tpu.memory_space<semaphore_mem>>
        %dma_start3A = arith.constant 0 : i32
        %dma_start3A_12 = arith.constant 0 : i32
        %dma_start3A_13 = tpu.memref_slice %arg2[%dma_start3A, %dma_start3A_12] : memref<100000x16xf32, #tpu.memory_space<hbm>> -> memref<100000x16xf32, #tpu.memory_space<hbm>>
        tpu.enqueue_indirect_dma source(%dma_start3A_13 : memref<100000x16xf32, #tpu.memory_space<hbm>>) target(%arg16 : memref<768x16xf32, #tpu.memory_space<vmem>>) offsets(%arg15 : memref<768xi32, #tpu.memory_space<vmem>>) semaphore(%run_scoped3A : memref<!tpu.dma_semaphore, #tpu.memory_space<semaphore_mem>>)
        %dma_wait3A = arith.constant 0 : i32
        %dma_wait3A_14 = arith.constant 0 : i32
        %dma_wait3A_15 = tpu.memref_slice %arg2[%dma_wait3A, %dma_wait3A_14] : memref<100000x16xf32, #tpu.memory_space<hbm>> -> memref<100000x16xf32, #tpu.memory_space<hbm>>
        tpu.wait_indirect_dma semaphore(%run_scoped3A : memref<!tpu.dma_semaphore, #tpu.memory_space<semaphore_mem>>) src(%dma_wait3A_15 : memref<100000x16xf32, #tpu.memory_space<hbm>>) dst(%arg16 : memref<768x16xf32, #tpu.memory_space<vmem>>)
        tpu.yield
      }) : () -> ()
      "tpu.region"() ({
        %run_scoped3A = tpu.sem_alloc : memref<!tpu.dma_semaphore, #tpu.memory_space<semaphore_mem>>
        %dma_start3A = arith.constant 0 : i32
        %dma_start3A_12 = arith.constant 0 : i32
        %dma_start3A_13 = tpu.memref_slice %arg4[%dma_start3A, %dma_start3A_12] : memref<100000x16xf32, #tpu.memory_space<hbm>> -> memref<100000x16xf32, #tpu.memory_space<hbm>>
        tpu.enqueue_indirect_dma source(%dma_start3A_13 : memref<100000x16xf32, #tpu.memory_space<hbm>>) target(%arg17 : memref<768x16xf32, #tpu.memory_space<vmem>>) offsets(%arg15 : memref<768xi32, #tpu.memory_space<vmem>>) semaphore(%run_scoped3A : memref<!tpu.dma_semaphore, #tpu.memory_space<semaphore_mem>>)
        %dma_wait3A = arith.constant 0 : i32
        %dma_wait3A_14 = arith.constant 0 : i32
        %dma_wait3A_15 = tpu.memref_slice %arg4[%dma_wait3A, %dma_wait3A_14] : memref<100000x16xf32, #tpu.memory_space<hbm>> -> memref<100000x16xf32, #tpu.memory_space<hbm>>
        tpu.wait_indirect_dma semaphore(%run_scoped3A : memref<!tpu.dma_semaphore, #tpu.memory_space<semaphore_mem>>) src(%dma_wait3A_15 : memref<100000x16xf32, #tpu.memory_space<hbm>>) dst(%arg17 : memref<768x16xf32, #tpu.memory_space<vmem>>)
        tpu.yield
      }) : () -> ()
      "tpu.region"() ({
        %run_scoped3A = tpu.sem_alloc : memref<!tpu.dma_semaphore, #tpu.memory_space<semaphore_mem>>
        %dma_start3A = arith.constant 0 : i32
        %dma_start3A_12 = arith.constant 0 : i32
        %dma_start3A_13 = tpu.memref_slice %arg6[%dma_start3A, %dma_start3A_12] : memref<100000x16xf32, #tpu.memory_space<hbm>> -> memref<100000x16xf32, #tpu.memory_space<hbm>>
        tpu.enqueue_indirect_dma source(%dma_start3A_13 : memref<100000x16xf32, #tpu.memory_space<hbm>>) target(%arg18 : memref<768x16xf32, #tpu.memory_space<vmem>>) offsets(%arg15 : memref<768xi32, #tpu.memory_space<vmem>>) semaphore(%run_scoped3A : memref<!tpu.dma_semaphore, #tpu.memory_space<semaphore_mem>>)
        %dma_wait3A = arith.constant 0 : i32
        %dma_wait3A_14 = arith.constant 0 : i32
        %dma_wait3A_15 = tpu.memref_slice %arg6[%dma_wait3A, %dma_wait3A_14] : memref<100000x16xf32, #tpu.memory_space<hbm>> -> memref<100000x16xf32, #tpu.memory_space<hbm>>
        tpu.wait_indirect_dma semaphore(%run_scoped3A : memref<!tpu.dma_semaphore, #tpu.memory_space<semaphore_mem>>) src(%dma_wait3A_15 : memref<100000x16xf32, #tpu.memory_space<hbm>>) dst(%arg18 : memref<768x16xf32, #tpu.memory_space<vmem>>)
        tpu.yield
      }) : () -> ()
      "tpu.region"() ({
        %run_scoped3A = tpu.sem_alloc : memref<!tpu.dma_semaphore, #tpu.memory_space<semaphore_mem>>
        %dma_start3A = arith.constant 0 : i32
        %dma_start3A_12 = arith.constant 0 : i32
        %dma_start3A_13 = tpu.memref_slice %arg8[%dma_start3A, %dma_start3A_12] : memref<100000x16xf32, #tpu.memory_space<hbm>> -> memref<100000x16xf32, #tpu.memory_space<hbm>>
        tpu.enqueue_indirect_dma source(%dma_start3A_13 : memref<100000x16xf32, #tpu.memory_space<hbm>>) target(%arg19 : memref<768x16xf32, #tpu.memory_space<vmem>>) offsets(%arg15 : memref<768xi32, #tpu.memory_space<vmem>>) semaphore(%run_scoped3A : memref<!tpu.dma_semaphore, #tpu.memory_space<semaphore_mem>>)
        %dma_wait3A = arith.constant 0 : i32
        %dma_wait3A_14 = arith.constant 0 : i32
        %dma_wait3A_15 = tpu.memref_slice %arg8[%dma_wait3A, %dma_wait3A_14] : memref<100000x16xf32, #tpu.memory_space<hbm>> -> memref<100000x16xf32, #tpu.memory_space<hbm>>
        tpu.wait_indirect_dma semaphore(%run_scoped3A : memref<!tpu.dma_semaphore, #tpu.memory_space<semaphore_mem>>) src(%dma_wait3A_15 : memref<100000x16xf32, #tpu.memory_space<hbm>>) dst(%arg19 : memref<768x16xf32, #tpu.memory_space<vmem>>)
        tpu.yield
      }) : () -> ()
      "tpu.region"() ({
        %run_scoped3A = tpu.sem_alloc : memref<!tpu.dma_semaphore, #tpu.memory_space<semaphore_mem>>
        %dma_start3A = arith.constant 0 : i32
        %dma_start3A_12 = tpu.memref_slice %arg13[%mul3A_0, %dma_start3A] : memref<12288x16xf32, #tpu.memory_space<hbm>> -> memref<768x16xf32, #tpu.memory_space<hbm>>
        %dma_start3A_13 = arith.constant 0 : i32
        %dma_start3A_14 = tpu.memref_slice %arg13[%mul3A_0, %dma_start3A_13] : memref<12288x16xf32, #tpu.memory_space<hbm>> -> memref<768x16xf32, #tpu.memory_space<hbm>>
        tpu.enqueue_dma source(%arg16 : memref<768x16xf32, #tpu.memory_space<vmem>>) target(%dma_start3A_14 : memref<768x16xf32, #tpu.memory_space<hbm>>) target_semaphore(%run_scoped3A : memref<!tpu.dma_semaphore, #tpu.memory_space<semaphore_mem>>)
        %dma_wait3A = arith.constant 0 : i32
        %dma_wait3A_15 = tpu.memref_slice %arg13[%mul3A_0, %dma_wait3A] : memref<12288x16xf32, #tpu.memory_space<hbm>> -> memref<768x16xf32, #tpu.memory_space<hbm>>
        %dma_wait3A_16 = arith.constant 0 : i32
        %dma_wait3A_17 = tpu.memref_slice %arg13[%mul3A_0, %dma_wait3A_16] : memref<12288x16xf32, #tpu.memory_space<hbm>> -> memref<768x16xf32, #tpu.memory_space<hbm>>
        tpu.wait_dma2 semaphore(%run_scoped3A : memref<!tpu.dma_semaphore, #tpu.memory_space<semaphore_mem>>) src(%arg16 : memref<768x16xf32, #tpu.memory_space<vmem>>) dst(%dma_wait3A_17 : memref<768x16xf32, #tpu.memory_space<hbm>>)
        tpu.yield
      }) : () -> ()
      %scan3A = arith.constant 0 : i32
      %scan3A_8 = arith.constant 768 : i32
      %scan3A_9 = arith.addi %scan3A, %scan3A_8 : i32
      %scan3A_10 = arith.constant 1 : i32
      scf.for %scan3A_12 = %scan3A to %scan3A_9 step %scan3A_10  : i32 {
        %mul3A_13 = arith.constant 1 : i32
        %mul3A_14 = arith.muli %scan3A_12, %mul3A_13 : i32
        %add3A = arith.constant 0 : i32
        %add3A_15 = arith.addi %add3A, %mul3A_14 : i32
        %get3A = arith.index_cast %add3A_15 : i32 to index
        %get3A_16 = arith.constant 0 : index
        %get3A_17 = tpu.vector_load %arg16[%get3A, %get3A_16] {strides = array<i32>} : memref<768x16xf32, #tpu.memory_space<vmem>>, vector<16xf32>,
        %get3A_18 = arith.index_cast %add3A_15 : i32 to index
        %get3A_19 = arith.constant 0 : index
        %get3A_20 = tpu.vector_load %arg17[%get3A_18, %get3A_19] {strides = array<i32>} : memref<768x16xf32, #tpu.memory_space<vmem>>, vector<16xf32>,
        %add3A_21 = arith.addf %get3A_17, %get3A_20 : vector<16xf32>
        %get3A_22 = arith.index_cast %add3A_15 : i32 to index
        %get3A_23 = arith.constant 0 : index
        %get3A_24 = tpu.vector_load %arg18[%get3A_22, %get3A_23] {strides = array<i32>} : memref<768x16xf32, #tpu.memory_space<vmem>>, vector<16xf32>,
        %get3A_25 = arith.index_cast %add3A_15 : i32 to index
        %get3A_26 = arith.constant 0 : index
        %get3A_27 = tpu.vector_load %arg19[%get3A_25, %get3A_26] {strides = array<i32>} : memref<768x16xf32, #tpu.memory_space<vmem>>, vector<16xf32>,
        %add3A_28 = arith.addf %get3A_24, %get3A_27 : vector<16xf32>
        %add3A_29 = arith.addf %add3A_21, %add3A_28 : vector<16xf32>
        %mul3A_30 = arith.constant 2.500000e-01 : f32
        %mul3A_31 = vector.broadcast %mul3A_30 : f32 to vector<16xf32>
        %mul3A_32 = arith.mulf %add3A_29, %mul3A_31 : vector<16xf32>
        %swap3A = arith.index_cast %add3A_15 : i32 to index
        %swap3A_33 = arith.constant 0 : index
        %swap3A_34 = tpu.vector_load %arg16[%swap3A, %swap3A_33] {strides = array<i32>} : memref<768x16xf32, #tpu.memory_space<vmem>>, vector<16xf32>,
        tpu.vector_store %arg16[%swap3A, %swap3A_33], %mul3A_32 {strides = array<i32>} : memref<768x16xf32, #tpu.memory_space<vmem>>, vector<16xf32>,
      }
      %scan3A_11 = arith.constant 768 : i32
      "tpu.region"() ({
        %run_scoped3A = tpu.sem_alloc : memref<!tpu.dma_semaphore, #tpu.memory_space<semaphore_mem>>
        %dma_start3A = arith.constant 0 : i32
        %dma_start3A_12 = tpu.memref_slice %arg11[%mul3A_0, %dma_start3A] : memref<12288x16xf32, #tpu.memory_space<hbm>> -> memref<768x16xf32, #tpu.memory_space<hbm>>
        %dma_start3A_13 = arith.constant 0 : i32
        %dma_start3A_14 = tpu.memref_slice %arg11[%mul3A_0, %dma_start3A_13] : memref<12288x16xf32, #tpu.memory_space<hbm>> -> memref<768x16xf32, #tpu.memory_space<hbm>>
        tpu.enqueue_dma source(%arg16 : memref<768x16xf32, #tpu.memory_space<vmem>>) target(%dma_start3A_14 : memref<768x16xf32, #tpu.memory_space<hbm>>) target_semaphore(%run_scoped3A : memref<!tpu.dma_semaphore, #tpu.memory_space<semaphore_mem>>)
        %dma_wait3A = arith.constant 0 : i32
        %dma_wait3A_15 = tpu.memref_slice %arg11[%mul3A_0, %dma_wait3A] : memref<12288x16xf32, #tpu.memory_space<hbm>> -> memref<768x16xf32, #tpu.memory_space<hbm>>
        %dma_wait3A_16 = arith.constant 0 : i32
        %dma_wait3A_17 = tpu.memref_slice %arg11[%mul3A_0, %dma_wait3A_16] : memref<12288x16xf32, #tpu.memory_space<hbm>> -> memref<768x16xf32, #tpu.memory_space<hbm>>
        tpu.wait_dma2 semaphore(%run_scoped3A : memref<!tpu.dma_semaphore, #tpu.memory_space<semaphore_mem>>) src(%arg16 : memref<768x16xf32, #tpu.memory_space<vmem>>) dst(%dma_wait3A_17 : memref<768x16xf32, #tpu.memory_space<hbm>>)
        tpu.yield
      }) : () -> ()
    } else {
    }
    %eq3A_3 = arith.constant 1 : i32
    %eq3A_4 = arith.cmpi eq, %arg0, %eq3A_3 : i32
    %convert_element_type3A_5 = arith.extui %eq3A_4 : i1 to i32
    %cond3A_6 = arith.constant 0 : i32
    %cond3A_7 = arith.cmpi ne, %convert_element_type3A_5, %cond3A_6 : i32
    scf.if %cond3A_7 {
      "tpu.region"() ({
        %run_scoped3A = tpu.sem_alloc : memref<!tpu.dma_semaphore, #tpu.memory_space<semaphore_mem>>
        %dma_start3A = arith.constant 0 : i32
        %dma_start3A_12 = arith.constant 0 : i32
        %dma_start3A_13 = tpu.memref_slice %arg3[%dma_start3A, %dma_start3A_12] : memref<100000x16xf32, #tpu.memory_space<hbm>> -> memref<100000x16xf32, #tpu.memory_space<hbm>>
        tpu.enqueue_indirect_dma source(%dma_start3A_13 : memref<100000x16xf32, #tpu.memory_space<hbm>>) target(%arg16 : memref<768x16xf32, #tpu.memory_space<vmem>>) offsets(%arg15 : memref<768xi32, #tpu.memory_space<vmem>>) semaphore(%run_scoped3A : memref<!tpu.dma_semaphore, #tpu.memory_space<semaphore_mem>>)
        %dma_wait3A = arith.constant 0 : i32
        %dma_wait3A_14 = arith.constant 0 : i32
        %dma_wait3A_15 = tpu.memref_slice %arg3[%dma_wait3A, %dma_wait3A_14] : memref<100000x16xf32, #tpu.memory_space<hbm>> -> memref<100000x16xf32, #tpu.memory_space<hbm>>
        tpu.wait_indirect_dma semaphore(%run_scoped3A : memref<!tpu.dma_semaphore, #tpu.memory_space<semaphore_mem>>) src(%dma_wait3A_15 : memref<100000x16xf32, #tpu.memory_space<hbm>>) dst(%arg16 : memref<768x16xf32, #tpu.memory_space<vmem>>)
        tpu.yield
      }) : () -> ()
      "tpu.region"() ({
        %run_scoped3A = tpu.sem_alloc : memref<!tpu.dma_semaphore, #tpu.memory_space<semaphore_mem>>
        %dma_start3A = arith.constant 0 : i32
        %dma_start3A_12 = arith.constant 0 : i32
        %dma_start3A_13 = tpu.memref_slice %arg5[%dma_start3A, %dma_start3A_12] : memref<100000x16xf32, #tpu.memory_space<hbm>> -> memref<100000x16xf32, #tpu.memory_space<hbm>>
        tpu.enqueue_indirect_dma source(%dma_start3A_13 : memref<100000x16xf32, #tpu.memory_space<hbm>>) target(%arg17 : memref<768x16xf32, #tpu.memory_space<vmem>>) offsets(%arg15 : memref<768xi32, #tpu.memory_space<vmem>>) semaphore(%run_scoped3A : memref<!tpu.dma_semaphore, #tpu.memory_space<semaphore_mem>>)
        %dma_wait3A = arith.constant 0 : i32
        %dma_wait3A_14 = arith.constant 0 : i32
        %dma_wait3A_15 = tpu.memref_slice %arg5[%dma_wait3A, %dma_wait3A_14] : memref<100000x16xf32, #tpu.memory_space<hbm>> -> memref<100000x16xf32, #tpu.memory_space<hbm>>
        tpu.wait_indirect_dma semaphore(%run_scoped3A : memref<!tpu.dma_semaphore, #tpu.memory_space<semaphore_mem>>) src(%dma_wait3A_15 : memref<100000x16xf32, #tpu.memory_space<hbm>>) dst(%arg17 : memref<768x16xf32, #tpu.memory_space<vmem>>)
        tpu.yield
      }) : () -> ()
      "tpu.region"() ({
        %run_scoped3A = tpu.sem_alloc : memref<!tpu.dma_semaphore, #tpu.memory_space<semaphore_mem>>
        %dma_start3A = arith.constant 0 : i32
        %dma_start3A_12 = arith.constant 0 : i32
        %dma_start3A_13 = tpu.memref_slice %arg7[%dma_start3A, %dma_start3A_12] : memref<100000x16xf32, #tpu.memory_space<hbm>> -> memref<100000x16xf32, #tpu.memory_space<hbm>>
        tpu.enqueue_indirect_dma source(%dma_start3A_13 : memref<100000x16xf32, #tpu.memory_space<hbm>>) target(%arg18 : memref<768x16xf32, #tpu.memory_space<vmem>>) offsets(%arg15 : memref<768xi32, #tpu.memory_space<vmem>>) semaphore(%run_scoped3A : memref<!tpu.dma_semaphore, #tpu.memory_space<semaphore_mem>>)
        %dma_wait3A = arith.constant 0 : i32
        %dma_wait3A_14 = arith.constant 0 : i32
        %dma_wait3A_15 = tpu.memref_slice %arg7[%dma_wait3A, %dma_wait3A_14] : memref<100000x16xf32, #tpu.memory_space<hbm>> -> memref<100000x16xf32, #tpu.memory_space<hbm>>
        tpu.wait_indirect_dma semaphore(%run_scoped3A : memref<!tpu.dma_semaphore, #tpu.memory_space<semaphore_mem>>) src(%dma_wait3A_15 : memref<100000x16xf32, #tpu.memory_space<hbm>>) dst(%arg18 : memref<768x16xf32, #tpu.memory_space<vmem>>)
        tpu.yield
      }) : () -> ()
      "tpu.region"() ({
        %run_scoped3A = tpu.sem_alloc : memref<!tpu.dma_semaphore, #tpu.memory_space<semaphore_mem>>
        %dma_start3A = arith.constant 0 : i32
        %dma_start3A_12 = arith.constant 0 : i32
        %dma_start3A_13 = tpu.memref_slice %arg9[%dma_start3A, %dma_start3A_12] : memref<100000x16xf32, #tpu.memory_space<hbm>> -> memref<100000x16xf32, #tpu.memory_space<hbm>>
        tpu.enqueue_indirect_dma source(%dma_start3A_13 : memref<100000x16xf32, #tpu.memory_space<hbm>>) target(%arg19 : memref<768x16xf32, #tpu.memory_space<vmem>>) offsets(%arg15 : memref<768xi32, #tpu.memory_space<vmem>>) semaphore(%run_scoped3A : memref<!tpu.dma_semaphore, #tpu.memory_space<semaphore_mem>>)
        %dma_wait3A = arith.constant 0 : i32
        %dma_wait3A_14 = arith.constant 0 : i32
        %dma_wait3A_15 = tpu.memref_slice %arg9[%dma_wait3A, %dma_wait3A_14] : memref<100000x16xf32, #tpu.memory_space<hbm>> -> memref<100000x16xf32, #tpu.memory_space<hbm>>
        tpu.wait_indirect_dma semaphore(%run_scoped3A : memref<!tpu.dma_semaphore, #tpu.memory_space<semaphore_mem>>) src(%dma_wait3A_15 : memref<100000x16xf32, #tpu.memory_space<hbm>>) dst(%arg19 : memref<768x16xf32, #tpu.memory_space<vmem>>)
        tpu.yield
      }) : () -> ()
      "tpu.region"() ({
        %run_scoped3A = tpu.sem_alloc : memref<!tpu.dma_semaphore, #tpu.memory_space<semaphore_mem>>
        %dma_start3A = arith.constant 0 : i32
        %dma_start3A_12 = tpu.memref_slice %arg14[%mul3A_0, %dma_start3A] : memref<12288x16xf32, #tpu.memory_space<hbm>> -> memref<768x16xf32, #tpu.memory_space<hbm>>
        %dma_start3A_13 = arith.constant 0 : i32
        %dma_start3A_14 = tpu.memref_slice %arg14[%mul3A_0, %dma_start3A_13] : memref<12288x16xf32, #tpu.memory_space<hbm>> -> memref<768x16xf32, #tpu.memory_space<hbm>>
        tpu.enqueue_dma source(%arg16 : memref<768x16xf32, #tpu.memory_space<vmem>>) target(%dma_start3A_14 : memref<768x16xf32, #tpu.memory_space<hbm>>) target_semaphore(%run_scoped3A : memref<!tpu.dma_semaphore, #tpu.memory_space<semaphore_mem>>)
        %dma_wait3A = arith.constant 0 : i32
        %dma_wait3A_15 = tpu.memref_slice %arg14[%mul3A_0, %dma_wait3A] : memref<12288x16xf32, #tpu.memory_space<hbm>> -> memref<768x16xf32, #tpu.memory_space<hbm>>
        %dma_wait3A_16 = arith.constant 0 : i32
        %dma_wait3A_17 = tpu.memref_slice %arg14[%mul3A_0, %dma_wait3A_16] : memref<12288x16xf32, #tpu.memory_space<hbm>> -> memref<768x16xf32, #tpu.memory_space<hbm>>
        tpu.wait_dma2 semaphore(%run_scoped3A : memref<!tpu.dma_semaphore, #tpu.memory_space<semaphore_mem>>) src(%arg16 : memref<768x16xf32, #tpu.memory_space<vmem>>) dst(%dma_wait3A_17 : memref<768x16xf32, #tpu.memory_space<hbm>>)
        tpu.yield
      }) : () -> ()
      %scan3A = arith.constant 0 : i32
      %scan3A_8 = arith.constant 768 : i32
      %scan3A_9 = arith.addi %scan3A, %scan3A_8 : i32
      %scan3A_10 = arith.constant 1 : i32
      scf.for %scan3A_12 = %scan3A to %scan3A_9 step %scan3A_10  : i32 {
        %mul3A_13 = arith.constant 1 : i32
        %mul3A_14 = arith.muli %scan3A_12, %mul3A_13 : i32
        %add3A = arith.constant 0 : i32
        %add3A_15 = arith.addi %add3A, %mul3A_14 : i32
        %get3A = arith.index_cast %add3A_15 : i32 to index
        %get3A_16 = arith.constant 0 : index
        %get3A_17 = tpu.vector_load %arg16[%get3A, %get3A_16] {strides = array<i32>} : memref<768x16xf32, #tpu.memory_space<vmem>>, vector<16xf32>,
        %get3A_18 = arith.index_cast %add3A_15 : i32 to index
        %get3A_19 = arith.constant 0 : index
        %get3A_20 = tpu.vector_load %arg17[%get3A_18, %get3A_19] {strides = array<i32>} : memref<768x16xf32, #tpu.memory_space<vmem>>, vector<16xf32>,
        %add3A_21 = arith.addf %get3A_17, %get3A_20 : vector<16xf32>
        %get3A_22 = arith.index_cast %add3A_15 : i32 to index
        %get3A_23 = arith.constant 0 : index
        %get3A_24 = tpu.vector_load %arg18[%get3A_22, %get3A_23] {strides = array<i32>} : memref<768x16xf32, #tpu.memory_space<vmem>>, vector<16xf32>,
        %get3A_25 = arith.index_cast %add3A_15 : i32 to index
        %get3A_26 = arith.constant 0 : index
        %get3A_27 = tpu.vector_load %arg19[%get3A_25, %get3A_26] {strides = array<i32>} : memref<768x16xf32, #tpu.memory_space<vmem>>, vector<16xf32>,
        %add3A_28 = arith.addf %get3A_24, %get3A_27 : vector<16xf32>
        %add3A_29 = arith.addf %add3A_21, %add3A_28 : vector<16xf32>
        %mul3A_30 = arith.constant 2.500000e-01 : f32
        %mul3A_31 = vector.broadcast %mul3A_30 : f32 to vector<16xf32>
        %mul3A_32 = arith.mulf %add3A_29, %mul3A_31 : vector<16xf32>
        %swap3A = arith.index_cast %add3A_15 : i32 to index
        %swap3A_33 = arith.constant 0 : index
        %swap3A_34 = tpu.vector_load %arg16[%swap3A, %swap3A_33] {strides = array<i32>} : memref<768x16xf32, #tpu.memory_space<vmem>>, vector<16xf32>,
        tpu.vector_store %arg16[%swap3A, %swap3A_33], %mul3A_32 {strides = array<i32>} : memref<768x16xf32, #tpu.memory_space<vmem>>, vector<16xf32>,
      }
      %scan3A_11 = arith.constant 768 : i32
      "tpu.region"() ({
        %run_scoped3A = tpu.sem_alloc : memref<!tpu.dma_semaphore, #tpu.memory_space<semaphore_mem>>
        %dma_start3A = arith.constant 0 : i32
        %dma_start3A_12 = tpu.memref_slice %arg12[%mul3A_0, %dma_start3A] : memref<12288x16xf32, #tpu.memory_space<hbm>> -> memref<768x16xf32, #tpu.memory_space<hbm>>
        %dma_start3A_13 = arith.constant 0 : i32
        %dma_start3A_14 = tpu.memref_slice %arg12[%mul3A_0, %dma_start3A_13] : memref<12288x16xf32, #tpu.memory_space<hbm>> -> memref<768x16xf32, #tpu.memory_space<hbm>>
        tpu.enqueue_dma source(%arg16 : memref<768x16xf32, #tpu.memory_space<vmem>>) target(%dma_start3A_14 : memref<768x16xf32, #tpu.memory_space<hbm>>) target_semaphore(%run_scoped3A : memref<!tpu.dma_semaphore, #tpu.memory_space<semaphore_mem>>)
        %dma_wait3A = arith.constant 0 : i32
        %dma_wait3A_15 = tpu.memref_slice %arg12[%mul3A_0, %dma_wait3A] : memref<12288x16xf32, #tpu.memory_space<hbm>> -> memref<768x16xf32, #tpu.memory_space<hbm>>
        %dma_wait3A_16 = arith.constant 0 : i32
        %dma_wait3A_17 = tpu.memref_slice %arg12[%mul3A_0, %dma_wait3A_16] : memref<12288x16xf32, #tpu.memory_space<hbm>> -> memref<768x16xf32, #tpu.memory_space<hbm>>
        tpu.wait_dma2 semaphore(%run_scoped3A : memref<!tpu.dma_semaphore, #tpu.memory_space<semaphore_mem>>) src(%arg16 : memref<768x16xf32, #tpu.memory_space<vmem>>) dst(%dma_wait3A_17 : memref<768x16xf32, #tpu.memory_space<hbm>>)
        tpu.yield
      }) : () -> ()
    } else {
    }
    return
  }
}

</mosaic_0001>

<sc_bundles>
// kernel: kernel.12.cloned.1.call-start
scs
__scs_entry_jumppad:
0x0: {  	(pc) =	sbr.rel $0x88, $3  }
0x1: {  	(tag) =	ssettag $0x0;
	lr =	simm.s32 $0x1  }
0x2: {  	[smem:$0x3F9A] =	sst lr;
	_ =	strace $0xD0000000  }
0x3: {  	_ = 	snop  }
0x4: {  	_ = 	snop  }
0x5: {  	_ = 	snop  }
0x6: {  	_ = 	snop  }
0x7: {  	_ = 	snop  }
__scs_overlays_trampoline_lowered:
0x8: {  	[smem:$0x3FA9] =	sst s0  }
0x9: {  	[smem:$0x3FAA] =	sst s1  }
0xa: {  	[smem:$0x3FAB] =	sst s2  }
0xb: {  	[smem:$0x3FAC] =	sst s3  }
0xc: {  	[smem:$0x3FAD] =	sst s4  }
0xd: {  	[smem:$0x3FAE] =	sst s5  }
0xe: {  	[smem:$0x3FAF] =	sst s6  }
0xf: {  	[smem:$0x3FB0] =	sst s7  }
0x10: {  	[smem:$0x3FB1] =	sst s8  }
0x11: {  	[smem:$0x3FB2] =	sst s9;
	s0 =	simm.s32 @!p0 $0x0  }
0x12: {  	s1 =	sld [smem:$0x3F98];
	s0 =	simm.s32 @p0 $0x1  }
0x13: {  	[smem:$0x3FB3] =	sst s0;
	s0 =	simm.s32 @!p1 $0x0  }
0x14: {  	s2 =	sld [smem:$0x3F97];
	s0 =	simm.s32 @p1 $0x1  }
0x15: {  	[smem:$0x3FB4] =	sst s0;
	s0 =	simm.s32 @!p2 $0x0  }
0x16: {  	s3 =	sld [smem:$0x3FDB];
	s0 =	simm.s32 @p2 $0x1  }
0x17: {  	s4 =	simm.s32 $0x1BF5;
	[smem:$0x3FB6] =	sst s0  }
0x18: {  	s0 =	sld [smem:$0x3F99];
	_ =	swait.ge [sflag:s4], $0x0  }
0x19: {  	s7 =	sld [smem:$0x3F9A]  }
0x1a: {  	s8 =	sadd.s32 $0xFFFFE003, lr  }
0x1b: {  	s9 =	sadd.s32 $0xFFFFFEF7, lr;
	s5 =	simm.s32 $0xFFFFFFFF;
	p2 =	slt.u32 s8, $0xFFFFF086  }
0x1c: {  	p1 =	slt.u32 s9, $0xF7A;
	s5 =	simm.s32 @!p2 $0x0  }
0x1d: {  	s5 =	simm.s32 @p1 $0x1;
	p0 =	seq.s32 s7, s2  }
0x1e: {  	s7 =	smul.u32 @!p0 $0xF7A, s2;
	p2 =	seq.s32 @!p0 s5, $0x0  }
0x1f: {  	s9 =	smul.u32 $0xF7A, s1;
	s8 =	simm.s32 @!p0 $0x1BF5;
	p2 =	por !p2, p0  }
0x20: {  	[sflag:s8] =	ssyncset.s32 @!p0 $0xFFFFF086;
	s6 =	sadd.s32 @!p0 s3, s7;
	s7 =	simm.s32 @!p0 $0x108  }
0x21: {  	s3 =	sadd.s32 s3, s9;
	s6 =	sadd.s32 @!p0 $0x88, s6;
	s7 =	simm.s32 @p2 $0x1082  }
0x22: {  	[simem:s7], [sflag:s8] =	dma.local @!p0 [hbm:s6], $0xF7A  }
0x23: {  	s9 =	sor.u32 $0xD0000000, s2;
	s6 =	simm.s32 $0x108;
	_ =	swait.ge @!p0 [sflag:s8], $0x0  }
0x24: {  	s3 =	sadd.s32 $0x88, s3;
	s6 =	simm.s32 @!p1 $0x1082;
	[sflag:s4] =	ssyncset.s32 $0xFFFFF086  }
0x25: {  	[simem:s6], [sflag:s4] =	dma.local [hbm:s3], $0xF7A  }
0x26: {  	[smem:$0x3F9A] =	sst s1;
	(tag) =	ssettag s2;
	_ =	strace s9  }
0x27: {  	s1 =	sld [smem:$0x3FAA]  }
0x28: {  	s2 =	sld [smem:$0x3FAB]  }
0x29: {  	s4 =	sld [smem:$0x3FAD]  }
0x2a: {  	p0 =	seq.s32 s5, $0x0;
	s5 =	sld [smem:$0x3FAE]  }
0x2b: {  	s6 =	sld [smem:$0x3FAF]  }
0x2c: {  	s7 =	sld [smem:$0x3FB0]  }
0x2d: {  	s3 =	simm.s32 $0x108;
	s8 =	sld [smem:$0x3FB1]  }
0x2e: {  	s3 =	simm.s32 @!p0 $0x1082;
	s9 =	sld [smem:$0x3FB2]  }
0x2f: {  	lr =	sadd.s32 s0, s3;
	s0 =	sld [smem:$0x3FA9]  }
0x30: {  	s3 =	sld [smem:$0x3FAC]  }
0x31: {  	[smem:$0x3FB5] =	sst s10  }
0x32: {  	s10 =	sld [smem:$0x3FB3];
	_ =	sdelay $0x3  }
0x33: {  	p0 =	seq.s32 s10, $0x1;
	s10 =	sld [smem:$0x3FB5];
	_ =	sdelay $0x3  }
0x34: {  	[smem:$0x3FB5] =	sst s10  }
0x35: {  	s10 =	sld [smem:$0x3FB4];
	_ =	sdelay $0x3  }
0x36: {  	p1 =	seq.s32 s10, $0x1;
	s10 =	sld [smem:$0x3FB5];
	_ =	sdelay $0x3  }
0x37: {  	[smem:$0x3FB5] =	sst s10  }
0x38: {  	s10 =	sld [smem:$0x3FB6]  }
0x39: {  	_ = 	snop;
	(pc) =	sbr.ind lr, $3  }
0x3a: {  	_ = 	snop  }
0x3b: {  	_ = 	snop  }
0x3c: {  	p2 =	seq.s32 s10, $0x1;
	s10 =	sld [smem:$0x3FB5]  }
0x3d: {  	_ =	shalt  }
0x3e: {  	_ =	shalt  }
0x3f: {  	_ =	shalt  }
0x40: {  	_ =	shalt  }
0x41: {  	_ =	shalt  }
0x42: {  	_ =	shalt  }
0x43: {  	_ =	shalt  }
0x44: {  	_ =	shalt  }
0x45: {  	_ =	shalt  }
0x46: {  	_ =	shalt  }
0x47: {  	_ =	shalt  }
0x48: {  	_ =	shalt  }
0x49: {  	_ =	shalt  }
0x4a: {  	_ =	shalt  }
0x4b: {  	_ =	shalt  }
0x4c: {  	_ =	shalt  }
0x4d: {  	_ =	shalt  }
0x4e: {  	_ =	shalt  }
0x4f: {  	_ =	shalt  }
0x50: {  	_ =	shalt  }
0x51: {  	_ =	shalt  }
0x52: {  	_ =	shalt  }
0x53: {  	_ =	shalt  }
0x54: {  	_ =	shalt  }
0x55: {  	_ =	shalt  }
0x56: {  	_ =	shalt  }
0x57: {  	_ =	shalt  }
0x58: {  	_ =	shalt  }
0x59: {  	_ =	shalt  }
0x5a: {  	_ =	shalt  }
0x5b: {  	_ =	shalt  }
0x5c: {  	_ =	shalt  }
0x5d: {  	_ =	shalt  }
0x5e: {  	_ =	shalt  }
0x5f: {  	_ =	shalt  }
0x60: {  	_ =	shalt  }
0x61: {  	_ =	shalt  }
0x62: {  	_ =	shalt  }
0x63: {  	_ =	shalt  }
0x64: {  	_ =	shalt  }
0x65: {  	_ =	shalt  }
0x66: {  	_ =	shalt  }
0x67: {  	_ =	shalt  }
0x68: {  	_ =	shalt  }
0x69: {  	_ =	shalt  }
0x6a: {  	_ =	shalt  }
0x6b: {  	_ =	shalt  }
0x6c: {  	_ =	shalt  }
0x6d: {  	_ =	shalt  }
0x6e: {  	_ =	shalt  }
0x6f: {  	_ =	shalt  }
0x70: {  	_ =	shalt  }
0x71: {  	_ =	shalt  }
0x72: {  	_ =	shalt  }
0x73: {  	_ =	shalt  }
0x74: {  	_ =	shalt  }
0x75: {  	_ =	shalt  }
0x76: {  	_ =	shalt  }
0x77: {  	_ =	shalt  }
0x78: {  	_ =	shalt  }
0x79: {  	_ =	shalt  }
0x7a: {  	_ =	shalt  }
0x7b: {  	_ =	shalt  }
0x7c: {  	_ =	shalt  }
0x7d: {  	_ =	shalt  }
0x7e: {  	_ =	shalt  }
0x7f: {  	_ =	shalt  }
0x80: {  	_ =	shalt  }
0x81: {  	_ =	shalt  }
0x82: {  	_ =	shalt  }
0x83: {  	_ =	shalt  }
0x84: {  	_ =	shalt  }
0x85: {  	_ =	shalt  }
0x86: {  	_ =	shalt  }
0x87: {  	_ =	shalt  }
.Lfunc_end0:
.L_simem_size_0:
called_computation.2_lowered:
.L_overlay_start_0:
0x88: {  	s2 =	sld [smem:$0x3FD9]  }
0x89: {  	s3 =	sld [smem:$0x3FFE];
	_ =	sdelay $0x1  }
0x8a: {  	s1 =	srdreg.scid  }
0x8b: {  	s0 =	sand.u32 $0x1, s1  }
0x8c: {  	s17 =	sshll.u32 s0, $0xA;
	s2 =	sadd.s32 s3, s2  }
0x8d: {  	s2 =	sadd.s32 s2, s17  }
0x8e: {  	[smem:$0x3FC1] =	sst s2  }
0x8f: {  	_ = 	snop  }
0x90: {  	s2 =	sld [smem:$0x3FC5];
	(tm) =	ssettm $0x1  }
0x91: {  	s18 =	sld [smem:$0x3FFB];
	_ =	sdelay $0x3  }
0x92: {  	_ =	strace s18  }
0x93: {  	s3 =	sld [smem:$0x3FFC];
	_ =	sdelay $0x3  }
0x94: {  	_ =	strace s3  }
0x95: {  	s3 =	sld [smem:$0x3FFD];
	_ =	sdelay $0x3  }
0x96: {  	_ =	strace s3  }
0x97: {  	_ =	strace $0x8FFFFFFF  }
0x98: {  	s19 =	sld [smem:$0x3FDB];
	_ =	sdelay $0x1  }
0x99: {  	s4 =	simm.s32 $_scs_section_size  }
0x9a: {  	s5 =	simm.s32 $_size__tile_overlayer_lowered;
	s6 =	simm.s32 $_tile_overlayer_lowered  }
0x9b: {  	s22 =	simm.s32 $0x1BFF;
	s21 =	sshll.u32 s6, $0x1;
	s3 =	sadd.s32 s4, s19  }
0x9c: {  	s7 =	simm.s32 $0x0;
	s20 =	sshll.u32 s5, $0x1;
	s5 =	sadd.s32 s21, s3  }
0x9d: {  	[timem:s7], [sflag:s22] =	dma.local [hbm:s5], s20  }
0x9e: {  	_ =	swait.ge [sflag:s22], s20  }
0x9f: {  	s4 =	ssub.s32 $0x0, s20;
	[sflag:s22] =	ssyncset.done $0x0  }
0xa0: {  	[sflag:s22] =	ssyncadd.s32 s4;
	_ =	sdelay $0x1  }
0xa1: {  	s23 =	simm.s32 $0x1B8B  }
0xa2: {  	_ =	swait.ge [sflag:s23], $0x1  }
0xa3: {  	[sflag:s23] =	ssyncset.done $0x0  }
0xa4: {  	s25 =	simm.s32 $0x1B8E;
	s24 =	sld [smem:$0x3FFE];
	[sflag:s23] =	ssyncadd.s32 $0xFFFFFFFF  }
0xa5: {  	s26 =	simm.s32 $execute0_lowered;
	[smem:$0x3FD2] =	sst s25  }
0xa6: {  	s5 =	sshll.u32 s26, $0x1;
	_ =	strace $0x8000004C;
	[dreg:$0x1] =	wrdreg $0xFFFFFFFF  }
0xa7: {  	s28 =	simm.s32 $_size_execute0_lowered;
	s3 =	sadd.s32 s3, s5;
	[dreg:$0x0] =	wrdreg $0x0  }
0xa8: {  	s5 =	sshll.u32 s28, $0x1;
	[dreg:$0x2] =	wrdreg s3  }
0xa9: {  	[dreg:$0x3] =	wrdreg s5  }
0xaa: {  	[dreg:$0x4] =	wrdreg $0xC0  }
0xab: {  	_ =	task [dreg:s7], $0x5FFFF  }
0xac: {  	[dreg:$0x1] =	wrdreg $0xFFFFFFFF  }
0xad: {  	[dreg:$0x0] =	wrdreg $0x60  }
0xae: {  	[dreg:$0x2] =	wrdreg s24  }
0xaf: {  	[dreg:$0x3] =	wrdreg s2  }
0xb0: {  	[dreg:$0x4] =	wrdreg $0x3B600  }
0xb1: {  	[dreg:$0x5] =	wrdreg $0x9  }
0xb2: {  	_ =	task.clear_ibuf [dreg:s7], $0x6FFFF;
	_ =	strace $0x9000004C  }
0xb3: {  	s29 =	simm.s32 $0x9;
	_ =	strace $0x8000004E  }
0xb4: {  	_ =	swait.ge [sflag:s29], $0x1  }
0xb5: {  	[sflag:s29] =	ssyncadd.s32 $0xFFFFFFFF  }
0xb6: {  	_ =	strace $0x9000004E  }
0xb7: {  	_ =	sfence  }
0xb8: {  	s30 =	sld [smem:$0x0];
	_ =	sdelay $0x2  }
0xb9: {  	s31 =	sshll.u32 s1, $0xD;
	s1 =	sshrl.u32 s1, $0x2  }
0xba: {  	s3 =	sand.u32 $0x4000, s31;
	s1 =	sadd.s32 s1, s30  }
0xbb: {  	s0 =	sor.u32 s3, s0;
	s1 =	sshll.u32 s1, $0x11  }
0xbc: {  	s0 =	sor.u32 s1, s0  }
0xbd: {  	s0 =	sadd.s32 $0x8F2B, s0  }
0xbe: {  	[sflag:s0] =	ssyncadd.remote.s32 $0x1  }
0xbf: {  	_ =	sfence.sel $0xFFFF  }
0xc0: {  	[dreg:$0x0] =	wrdreg $0xFFFFFFFF;
	(pc) =	sbr.abs _section_cstart, $3  }
0xc1: {  	[dreg:$0x1] =	wrdreg $0xFFFFFFFF  }
0xc2: {  	_ =	task.clear_ibuf [dreg:s7], $0x2FFFF;
	_ =	strace $0x9FFFFFFF  }
0xc3: {  	(tm) =	ssettm $0x7FFFFFFF  }
tec
execute0_lowered:
.L_overlay_start_1:
0x0: {  	(tag) =	ssettag $0x1  }
0x1: {  	s9 =	rddreg [dreg:$0x0]  }
0x2: {  	s1 =	rddreg [dreg:$0x1]  }
0x3: {  	s3 =	rddreg [dreg:$0x2]  }
0x4: {  	s0 =	rddreg [dreg:$0x3]  }
0x5: {  	s4 =	simm.s32 $0x0;
	s2 =	stileid.u32;
	s8 =	srdreg.scid  }
0x6: {  	s18 =	simm.s32 $0x640;
	s19 =	simm.s32 $0x1;
	s20 =	simm.s32 $0x0  }
0x7: {  	[smem:$0x7FF] =	sst s4;
	s10 =	smul.u32 $0x7D, s2;
	s5 =	sadd.s32 $0xC7400, s9  }
0x8: {  	s6 =	sadd.s32 $0xF8200, s9;
	s7 =	sadd.s32 $0x34A00, s9;
	s12 =	sand.u32 $0x1, s8  }
0x9: {  	s8 =	sadd.s32 $0x3C00, s9;
	_ =	strace $0x8000004D;
	s11 =	sshrl.u32 s10, $0x4  }
0xa: {  	s14 =	ssub.s32 $0x2, s12;
	p0 =	seq.s32 s12, $0x1;
	s13 =	smul.u32 $0x640, s11  }
0xb: {  	s15 =	sshrl.u32 s14, $0x1;
	s10 =	sadd.s32 $0x7D, s10;
	s16 =	smul.u32 $0xC800, s11  }
.Ltmp0:
0xc: {  	s29 =	ssub.s32 s14, s15;
	s30 =	sshrl.u32 s10, $0x4;
	(pc) =	sbr.rel .LBB2_1-.Ltmp0, $4  }
0xd: {  	s10 =	smul.u32 $0x186A0, s2;
	s15 =	simm.s32 $0x960;
	s17 =	sadd.s32 s13, s9  }
0xe: {  	s9 =	ssub.s32 s30, s11;
	s31 =	sshrl.u32 s16, $0x2;
	s11 =	smax.u32 s29, $0x1  }
0xf: {  	v1 =	vimm.s32 $0x0;
	vm0 =	vcmask $0x300;
	s16 =	simm.s32 $0x2;
	s12 =	sadd.s32 s31, s3;
	s13 =	sadd.s32 $0x129000, s17  }
0x10: {  	v0 =	vimm.f32 $0.0e+00;
	v1 =	vsel vm0, $0x3, v1;
	s14 =	sadd.s32 $0x1EC200, s17;
	p1 =	slt.s32 s9, $0x1;
	s17 =	simm.s32 $0x320  }
.LBB2_21:
0x11: {  	[sflag:s16] =	ssyncset.done $0x0  }
0x12: {  	[sflag:s16] =	ssyncadd.s32 $0xFFFFF9C0  }
.LBB2_22:
0x13: {  	s20 =	sadd.s32 $0x1, s20  }
0x14: {  	p2 =	sne.s32 s20, s11  }
.Ltmp1:
0x15: {  	_ = 	snop;
	(pc) =	sbr.rel @!p2 .LBB2_23-.Ltmp1, $1  }
0x16: {  	_ =	sdelay $0x3  }
.LBB2_1:
0x17: {  	s21 =	simm.s32 $0x40;
	s22 =	simm.s32 $0x0  }
.LBB2_2:
0x18: {  	p2 =	sne.s32 s21, $0xC7C0;
	[tilespmem:s22+$0x960] =	vst v0;
	s22 =	smov.u32 s21;
	s21 =	sadd.s32 $0x40, s21  }
.Ltmp2:
0x19: {  	(pc) =	sbr.rel @p2 .LBB2_2-.Ltmp2, $2  }
0x1a: {  	_ =	sdelay $0x2  }
0x1b: {  	s22 =	sshra.s32 s22, $0x2  }
.Ltmp3:
0x1c: {  	(pc) =	sbr.rel @p1 .LBB2_7-.Ltmp3, $2  }
0x1d: {  	_ =	sdelay $0x2  }
0x1e: {  	[tilespmem:s22+$0x960] =	vst v0  }
0x1f: {  	p2 =	sne.s32 s9, $0x1  }
.Ltmp4:
0x20: {  	_ = 	snop;
	(pc) =	sbr.rel @!p2 .LBB2_6-.Ltmp4, $4  }
0x21: {  	_ = 	snop  }
0x22: {  	[spmem:s12] =	stream.linear.scatter [tilespmem:s15], [sflag:$0x2], $0x3200, $0x38;
	[tilespmem:$0x1C200] =	vst v63  }
0x23: {  	_ =	swait.ge [sflag:s16], $0x3200  }
0x24: {  	s21 =	sadd.s32 $0xFFFFFFFF, s9;
	s22 =	smov.u32 s12;
	[sflag:s16] =	ssyncset.done $0x0  }
.LBB2_5:
0x25: {  	p2 =	sne.s32 s21, $0x1;
	[sflag:s16] =	ssyncadd.s32 $0xFFFFCE00;
	s22 =	sadd.s32 $0x3200, s22  }
.Ltmp5:
0x26: {  	s21 =	sadd.s32 $0xFFFFFFFF, s21;
	(pc) =	sbr.rel @p2 .LBB2_5-.Ltmp5, $4  }
0x27: {  	_ = 	snop  }
0x28: {  	[spmem:s22] =	stream.linear.scatter [tilespmem:s15], [sflag:$0x2], $0x3200, $0x38;
	[tilespmem:$0x1C200] =	vst v63  }
0x29: {  	_ =	swait.ge [sflag:s16], $0x3200  }
0x2a: {  	[sflag:s16] =	ssyncset.done $0x0  }
.LBB2_6:
0x2b: {  	[sflag:s16] =	ssyncadd.s32 $0xFFFFCE00  }
.LBB2_7:
.Ltmp6:
0x2c: {  	(pc) =	sbr.rel @!p0 .LBB2_8-.Ltmp6, $3  }
0x2d: {  	_ =	sdelay $0x1  }
0x2e: {  	[bflag:$0x0] =	sbarrier.arrive $0xFFFF  }
0x2f: {  	s21 =	simm.s32 $0x0  }
.LBB2_15:
0x30: {  	s22 =	smul.u32 $0x320, s21;
	_ =	sdelay $0x1  }
0x31: {  	s22 =	sadd.s32 s10, s22  }
0x32: {  	s22 =	sshrl.u32 s22, $0x3  }
0x33: {  	s23 =	sadd.s32 s7, s22  }
0x34: {  	[tilespmem:s4], [sflag:$0x2] =	stream.linear.gather [hbm4b:s23+s4], $0x320, $0x38;
	[tilespmem:$0x1C200] =	vst v63  }
0x35: {  	_ =	swait.ge [sflag:s16], $0x320  }
0x36: {  	[sflag:s16] =	ssyncset.done $0x0  }
0x37: {  	s30 =	sadd.s32 s8, s22;
	[sflag:s16] =	ssyncadd.s32 $0xFFFFFCE0  }
0x38: {  	[tilespmem:s17], [sflag:$0x2] =	stream.linear.gather [hbm4b:s30+s4], $0x320, $0x38;
	[tilespmem:$0x1C200] =	vst v63  }
0x39: {  	_ =	swait.ge [sflag:s16], $0x320  }
0x3a: {  	s31 =	simm.s32 $0x0;
	[sflag:s16] =	ssyncset.done $0x0  }
0x3b: {  	v2 =	vmov s31;
	s22 =	sadd.s32 s1, s22;
	[sflag:s16] =	ssyncadd.s32 $0xFFFFFCE0  }
0x3c: {  	v2 =	vshrl.u32 v2, $0x3;
	[tilespmem:s18], [sflag:$0x2] =	stream.linear.gather [hbm4b:s22+s4], $0x320, $0x38;
	[tilespmem:$0x1C200] =	vst v63  }
0x3d: {  	v2 =	vshll.u32 v2, v1;
	_ =	swait.ge [sflag:s16], $0x320  }
0x3e: {  	v2 =	vbroadcast v2, $0x0;
	[sflag:s16] =	ssyncset.done $0x0  }
0x3f: {  	[sflag:s16] =	ssyncadd.s32 $0xFFFFFCE0  }
0x40: {  	[tilespmem:s15], [sflag:$0x1] =	stream.indirect.gather [hbm4b:s6+s17], $0x10, s4, s17, $0xb8;
	[tilespmem:$0x1C200] =	vst v63  }
0x41: {  	_ =	swait.ge [sflag:s19], $0x3200  }
0x42: {  	s23 =	simm.s32 $0x1;
	[sflag:s19] =	ssyncset.done $0x0  }
0x43: {  	v3 =	vmov s23;
	[sflag:s19] =	ssyncadd.s32 $0xFFFFCE00  }
0x44: {  	v3 =	vshrl.u32 v3, $0x3;
	s22 =	simm.s32 $0x9E0;
	v2 =	vld.idx.msk [tilespmem:v2+s18+$0x0], $0xffff  }
0x45: {  	v3 =	vshll.u32 v3, v1;
	v4 =	vld [tilespmem:s22+$0xFFFFFF80]  }
0x46: {  	v3 =	vadd.s32 $0x1, v3  }
0x47: {  	v3 =	vbroadcast v3, $0x0;
	_ =	sdelay $0x2  }
0x48: {  	v2 =	vmul.f32 v4, v2  }
0x49: {  	s24 =	simm.s32 $0x2  }
0x4a: {  	v50 =	vld [tilespmem:s22+$0xFFFFFF90];
	[tilespmem:s22+$0xFFFFFF80] =	vst v2;
	v2 =	vmov s24  }
0x4b: {  	v3 =	vld.idx.msk [tilespmem:v3+s18+$0x0], $0xffff;
	v2 =	vshrl.u32 v2, $0x3  }
0x4c: {  	v2 =	vshll.u32 v2, v1  }
0x4d: {  	v2 =	vadd.s32 $0x2, v2  }
0x4e: {  	v2 =	vbroadcast v2, $0x0;
	_ =	sdelay $0x1  }
0x4f: {  	v3 =	vmul.f32 v50, v3  }
0x50: {  	s25 =	simm.s32 $0x3  }
0x51: {  	[tilespmem:s22+$0xFFFFFF90] =	vst v3;
	v3 =	vmov s25  }
0x52: {  	v51 =	vld [tilespmem:s22+$0xFFFFFFA0];
	v3 =	vshrl.u32 v3, $0x3  }
0x53: {  	v2 =	vld.idx.msk [tilespmem:v2+s18+$0x0], $0xffff;
	v3 =	vshll.u32 v3, v1  }
0x54: {  	v3 =	vadd.s32 $0x3, v3  }
0x55: {  	v3 =	vbroadcast v3, $0x0;
	_ =	sdelay $0x2  }
0x56: {  	v2 =	vmul.f32 v51, v2  }
0x57: {  	s26 =	simm.s32 $0x4  }
0x58: {  	v52 =	vld [tilespmem:s22+$0xFFFFFFB0];
	[tilespmem:s22+$0xFFFFFFA0] =	vst v2;
	v2 =	vmov s26  }
0x59: {  	v3 =	vld.idx.msk [tilespmem:v3+s18+$0x0], $0xffff;
	v2 =	vshrl.u32 v2, $0x3  }
0x5a: {  	v2 =	vshll.u32 v2, v1  }
0x5b: {  	v2 =	vadd.s32 $0x4, v2  }
0x5c: {  	v2 =	vbroadcast v2, $0x0;
	_ =	sdelay $0x1  }
0x5d: {  	v3 =	vmul.f32 v52, v3  }
0x5e: {  	s28 =	simm.s32 $0x5  }
0x5f: {  	[tilespmem:s22+$0xFFFFFFB0] =	vst v3;
	v3 =	vmov s28  }
0x60: {  	v53 =	vld [tilespmem:s22+$0xFFFFFFC0];
	v3 =	vshrl.u32 v3, $0x3  }
0x61: {  	v2 =	vld.idx.msk [tilespmem:v2+s18+$0x0], $0xffff;
	v3 =	vshll.u32 v3, v1  }
0x62: {  	v3 =	vadd.s32 $0x5, v3  }
0x63: {  	v3 =	vbroadcast v3, $0x0;
	_ =	sdelay $0x2  }
0x64: {  	v2 =	vmul.f32 v53, v2  }
0x65: {  	s29 =	simm.s32 $0x6  }
0x66: {  	v54 =	vld [tilespmem:s22+$0xFFFFFFD0];
	[tilespmem:s22+$0xFFFFFFC0] =	vst v2;
	v2 =	vmov s29  }
0x67: {  	v3 =	vld.idx.msk [tilespmem:v3+s18+$0x0], $0xffff;
	v2 =	vshrl.u32 v2, $0x3  }
0x68: {  	v2 =	vshll.u32 v2, v1  }
0x69: {  	v2 =	vadd.s32 $0x6, v2  }
0x6a: {  	v2 =	vbroadcast v2, $0x0;
	_ =	sdelay $0x1  }
0x6b: {  	v3 =	vmul.f32 v54, v3  }
0x6c: {  	s30 =	simm.s32 $0x7  }
0x6d: {  	[tilespmem:s22+$0xFFFFFFD0] =	vst v3;
	v3 =	vmov s30  }
0x6e: {  	v55 =	vld [tilespmem:s22+$0xFFFFFFE0];
	v3 =	vshrl.u32 v3, $0x3  }
0x6f: {  	v2 =	vld.idx.msk [tilespmem:v2+s18+$0x0], $0xffff;
	v3 =	vshll.u32 v3, v1  }
0x70: {  	v3 =	vadd.s32 $0x7, v3  }
0x71: {  	v3 =	vbroadcast v3, $0x0;
	_ =	sdelay $0x2  }
0x72: {  	v2 =	vmul.f32 v55, v2;
	_ =	sdelay $0x1  }
0x73: {  	s31 =	simm.s32 $0x8;
	[tilespmem:s22+$0xFFFFFFE0] =	vst v2  }
0x74: {  	v2 =	vld.idx.msk [tilespmem:v3+s18+$0x0], $0xffff;
	v3 =	vmov s31  }
0x75: {  	v56 =	vld [tilespmem:s22+$0xFFFFFFF0];
	v3 =	vshrl.u32 v3, $0x3  }
0x76: {  	v3 =	vshll.u32 v3, v1  }
0x77: {  	v3 =	vbroadcast v3, $0x0;
	_ =	sdelay $0x2  }
0x78: {  	v2 =	vmul.f32 v56, v2  }
0x79: {  	s24 =	simm.s32 $0x9  }
0x7a: {  	v57 =	vld [tilespmem:s22+$0x0];
	[tilespmem:s22+$0xFFFFFFF0] =	vst v2;
	v2 =	vmov s24  }
0x7b: {  	v2 =	vshrl.u32 v2, $0x3;
	v3 =	vld.idx.msk [tilespmem:v3+s18+$0x0], $0xffff  }
0x7c: {  	v2 =	vshll.u32 v2, v1  }
0x7d: {  	v2 =	vadd.s32 $0x1, v2  }
0x7e: {  	v2 =	vbroadcast v2, $0x0;
	_ =	sdelay $0x1  }
0x7f: {  	v3 =	vmul.f32 v57, v3  }
0x80: {  	s25 =	simm.s32 $0xA  }
0x81: {  	[tilespmem:s22+$0x0] =	vst v3;
	v3 =	vmov s25  }
0x82: {  	v58 =	vld [tilespmem:s22+$0x10];
	v3 =	vshrl.u32 v3, $0x3  }
0x83: {  	v2 =	vld.idx.msk [tilespmem:v2+s18+$0x0], $0xffff;
	v3 =	vshll.u32 v3, v1  }
0x84: {  	v3 =	vadd.s32 $0x2, v3  }
0x85: {  	v3 =	vbroadcast v3, $0x0;
	_ =	sdelay $0x2  }
0x86: {  	v2 =	vmul.f32 v58, v2  }
0x87: {  	s26 =	simm.s32 $0xB  }
0x88: {  	v59 =	vld [tilespmem:s22+$0x20];
	[tilespmem:s22+$0x10] =	vst v2;
	v2 =	vmov s26  }
0x89: {  	v2 =	vshrl.u32 v2, $0x3;
	v3 =	vld.idx.msk [tilespmem:v3+s18+$0x0], $0xffff  }
0x8a: {  	v2 =	vshll.u32 v2, v1  }
0x8b: {  	v2 =	vadd.s32 $0x3, v2  }
0x8c: {  	v2 =	vbroadcast v2, $0x0;
	_ =	sdelay $0x1  }
0x8d: {  	v3 =	vmul.f32 v59, v3  }
0x8e: {  	s28 =	simm.s32 $0xC  }
0x8f: {  	[tilespmem:s22+$0x20] =	vst v3;
	v3 =	vmov s28  }
0x90: {  	v60 =	vld [tilespmem:s22+$0x30];
	v3 =	vshrl.u32 v3, $0x3  }
0x91: {  	v2 =	vld.idx.msk [tilespmem:v2+s18+$0x0], $0xffff;
	v3 =	vshll.u32 v3, v1  }
0x92: {  	v3 =	vadd.s32 $0x4, v3  }
0x93: {  	v3 =	vbroadcast v3, $0x0;
	_ =	sdelay $0x2  }
0x94: {  	v2 =	vmul.f32 v60, v2  }
0x95: {  	s29 =	simm.s32 $0xD  }
0x96: {  	v61 =	vld [tilespmem:s22+$0x40];
	[tilespmem:s22+$0x30] =	vst v2;
	v2 =	vmov s29  }
0x97: {  	v2 =	vshrl.u32 v2, $0x3;
	v3 =	vld.idx.msk [tilespmem:v3+s18+$0x0], $0xffff  }
0x98: {  	v2 =	vshll.u32 v2, v1  }
0x99: {  	v2 =	vadd.s32 $0x5, v2  }
0x9a: {  	v2 =	vbroadcast v2, $0x0;
	_ =	sdelay $0x1  }
0x9b: {  	v3 =	vmul.f32 v61, v3  }
0x9c: {  	s30 =	simm.s32 $0xE  }
0x9d: {  	[tilespmem:s22+$0x40] =	vst v3;
	v3 =	vmov s30  }
0x9e: {  	v62 =	vld [tilespmem:s22+$0x50];
	v3 =	vshrl.u32 v3, $0x3  }
0x9f: {  	v2 =	vld.idx.msk [tilespmem:v2+s18+$0x0], $0xffff;
	v3 =	vshll.u32 v3, v1  }
0xa0: {  	v3 =	vadd.s32 $0x6, v3  }
0xa1: {  	v3 =	vbroadcast v3, $0x0;
	_ =	sdelay $0x2  }
0xa2: {  	v2 =	vmul.f32 v62, v2;
	_ =	sdelay $0x1  }
0xa3: {  	[tilespmem:s22+$0x50] =	vst v2  }
0xa4: {  	v2 =	vld.idx.msk [tilespmem:v3+s18+$0x0], $0xffff  }
0xa5: {  	v3 =	vld [tilespmem:s22+$0x60]  }
0xa6: {  	s31 =	simm.s32 $0xF  }
0xa7: {  	v63 =	vmov s31  }
0xa8: {  	v4 =	vshrl.u32 v63, $0x3  }
0xa9: {  	v4 =	vshll.u32 v4, v1  }
0xaa: {  	v3 =	vmul.f32 v3, v2;
	v2 =	vadd.s32 $0x7, v4  }
0xab: {  	v2 =	vbroadcast v2, $0x0;
	_ =	sdelay $0x4  }
0xac: {  	s23 =	simm.s32 $0x1F;
	s24 =	simm.s32 $0x2F;
	s25 =	simm.s32 $0x10;
	[tilespmem:s22+$0x60] =	vst v3  }
.LBB2_16:
0xad: {  	p2 =	sne.s32 s24, $0x31F;
	v3 =	vmov s25;
	v2 =	vld.idx.msk [tilespmem:v2+s18+$0x0], $0xffff  }
0xae: {  	v3 =	vshrl.u32 v3, $0x3;
	v4 =	vld [tilespmem:s22+$0x70]  }
0xaf: {  	v3 =	vshll.u32 v3, v1  }
0xb0: {  	v3 =	vbroadcast v3, $0x0;
	_ =	sdelay $0x2  }
0xb1: {  	v2 =	vmul.f32 v4, v2  }
0xb2: {  	s25 =	sadd.s32 $0xFFFFFFF2, s23  }
0xb3: {  	v4 =	vmov s25;
	[tilespmem:s22+$0x70] =	vst v2  }
0xb4: {  	s22 =	sadd.s32 $0x100, s22;
	v2 =	vld.idx.msk [tilespmem:v3+s18+$0x0], $0xffff;
	v3 =	vshrl.u32 v4, $0x3  }
0xb5: {  	v4 =	vld [tilespmem:s22+$0xFFFFFF80];
	v3 =	vshll.u32 v3, v1  }
0xb6: {  	v3 =	vadd.s32 $0x1, v3  }
0xb7: {  	v3 =	vbroadcast v3, $0x0;
	_ =	sdelay $0x2  }
0xb8: {  	v2 =	vmul.f32 v4, v2  }
0xb9: {  	s25 =	sadd.s32 $0xFFFFFFF3, s23  }
0xba: {  	[tilespmem:s22+$0xFFFFFF80] =	vst v2;
	v2 =	vmov s25  }
0xbb: {  	v3 =	vld.idx.msk [tilespmem:v3+s18+$0x0], $0xffff;
	v2 =	vshrl.u32 v2, $0x3  }
0xbc: {  	v4 =	vld [tilespmem:s22+$0xFFFFFF90];
	v2 =	vshll.u32 v2, v1  }
0xbd: {  	v2 =	vadd.s32 $0x2, v2  }
0xbe: {  	v2 =	vbroadcast v2, $0x0;
	_ =	sdelay $0x2  }
0xbf: {  	v3 =	vmul.f32 v4, v3  }
0xc0: {  	s25 =	sadd.s32 $0xFFFFFFF4, s23  }
0xc1: {  	[tilespmem:s22+$0xFFFFFF90] =	vst v3;
	v3 =	vmov s25  }
0xc2: {  	v2 =	vld.idx.msk [tilespmem:v2+s18+$0x0], $0xffff;
	v3 =	vshrl.u32 v3, $0x3  }
0xc3: {  	v4 =	vld [tilespmem:s22+$0xFFFFFFA0];
	v3 =	vshll.u32 v3, v1  }
0xc4: {  	v3 =	vadd.s32 $0x3, v3  }
0xc5: {  	v3 =	vbroadcast v3, $0x0;
	_ =	sdelay $0x2  }
0xc6: {  	v2 =	vmul.f32 v4, v2  }
0xc7: {  	s25 =	sadd.s32 $0xFFFFFFF5, s23  }
0xc8: {  	[tilespmem:s22+$0xFFFFFFA0] =	vst v2;
	v2 =	vmov s25  }
0xc9: {  	v3 =	vld.idx.msk [tilespmem:v3+s18+$0x0], $0xffff;
	v2 =	vshrl.u32 v2, $0x3  }
0xca: {  	v4 =	vld [tilespmem:s22+$0xFFFFFFB0];
	v2 =	vshll.u32 v2, v1  }
0xcb: {  	v2 =	vadd.s32 $0x4, v2  }
0xcc: {  	v2 =	vbroadcast v2, $0x0;
	_ =	sdelay $0x2  }
0xcd: {  	v3 =	vmul.f32 v4, v3  }
0xce: {  	s25 =	sadd.s32 $0xFFFFFFF6, s23  }
0xcf: {  	[tilespmem:s22+$0xFFFFFFB0] =	vst v3;
	v3 =	vmov s25  }
0xd0: {  	v2 =	vld.idx.msk [tilespmem:v2+s18+$0x0], $0xffff;
	v3 =	vshrl.u32 v3, $0x3  }
0xd1: {  	v4 =	vld [tilespmem:s22+$0xFFFFFFC0];
	v3 =	vshll.u32 v3, v1  }
0xd2: {  	v3 =	vadd.s32 $0x5, v3  }
0xd3: {  	v3 =	vbroadcast v3, $0x0;
	_ =	sdelay $0x2  }
0xd4: {  	v2 =	vmul.f32 v4, v2  }
0xd5: {  	s25 =	sadd.s32 $0xFFFFFFF7, s23  }
0xd6: {  	[tilespmem:s22+$0xFFFFFFC0] =	vst v2;
	v2 =	vmov s25  }
0xd7: {  	v3 =	vld.idx.msk [tilespmem:v3+s18+$0x0], $0xffff;
	v2 =	vshrl.u32 v2, $0x3  }
0xd8: {  	v4 =	vld [tilespmem:s22+$0xFFFFFFD0];
	v2 =	vshll.u32 v2, v1  }
0xd9: {  	v2 =	vadd.s32 $0x6, v2  }
0xda: {  	v2 =	vbroadcast v2, $0x0;
	_ =	sdelay $0x2  }
0xdb: {  	v3 =	vmul.f32 v4, v3  }
0xdc: {  	s25 =	sadd.s32 $0xFFFFFFF8, s23  }
0xdd: {  	[tilespmem:s22+$0xFFFFFFD0] =	vst v3;
	v3 =	vmov s25  }
0xde: {  	v2 =	vld.idx.msk [tilespmem:v2+s18+$0x0], $0xffff;
	v3 =	vshrl.u32 v3, $0x3  }
0xdf: {  	v4 =	vld [tilespmem:s22+$0xFFFFFFE0];
	v3 =	vshll.u32 v3, v1  }
0xe0: {  	v3 =	vadd.s32 $0x7, v3  }
0xe1: {  	v3 =	vbroadcast v3, $0x0;
	_ =	sdelay $0x2  }
0xe2: {  	v2 =	vmul.f32 v4, v2;
	_ =	sdelay $0x1  }
0xe3: {  	s25 =	sadd.s32 $0xFFFFFFF9, s23;
	[tilespmem:s22+$0xFFFFFFE0] =	vst v2  }
0xe4: {  	v2 =	vld.idx.msk [tilespmem:v3+s18+$0x0], $0xffff;
	v3 =	vmov s25  }
0xe5: {  	v4 =	vld [tilespmem:s22+$0xFFFFFFF0];
	v3 =	vshrl.u32 v3, $0x3  }
0xe6: {  	v3 =	vshll.u32 v3, v1  }
0xe7: {  	v3 =	vbroadcast v3, $0x0;
	_ =	sdelay $0x2  }
0xe8: {  	v2 =	vmul.f32 v4, v2  }
0xe9: {  	s25 =	sadd.s32 $0xFFFFFFFA, s23  }
0xea: {  	[tilespmem:s22+$0xFFFFFFF0] =	vst v2;
	v2 =	vmov s25  }
0xeb: {  	v3 =	vld.idx.msk [tilespmem:v3+s18+$0x0], $0xffff;
	v2 =	vshrl.u32 v2, $0x3  }
0xec: {  	v4 =	vld [tilespmem:s22+$0x0];
	v2 =	vshll.u32 v2, v1  }
0xed: {  	v2 =	vadd.s32 $0x1, v2  }
0xee: {  	v2 =	vbroadcast v2, $0x0;
	_ =	sdelay $0x2  }
0xef: {  	v3 =	vmul.f32 v4, v3  }
0xf0: {  	s25 =	sadd.s32 $0xFFFFFFFB, s23  }
0xf1: {  	[tilespmem:s22+$0x0] =	vst v3;
	v3 =	vmov s25  }
0xf2: {  	v2 =	vld.idx.msk [tilespmem:v2+s18+$0x0], $0xffff;
	v3 =	vshrl.u32 v3, $0x3  }
0xf3: {  	v4 =	vld [tilespmem:s22+$0x10];
	v3 =	vshll.u32 v3, v1  }
0xf4: {  	v3 =	vadd.s32 $0x2, v3  }
0xf5: {  	v3 =	vbroadcast v3, $0x0;
	_ =	sdelay $0x2  }
0xf6: {  	v2 =	vmul.f32 v4, v2  }
0xf7: {  	s25 =	sadd.s32 $0xFFFFFFFC, s23  }
0xf8: {  	[tilespmem:s22+$0x10] =	vst v2;
	v2 =	vmov s25  }
0xf9: {  	v3 =	vld.idx.msk [tilespmem:v3+s18+$0x0], $0xffff;
	v2 =	vshrl.u32 v2, $0x3  }
0xfa: {  	v4 =	vld [tilespmem:s22+$0x20];
	v2 =	vshll.u32 v2, v1  }
0xfb: {  	v2 =	vadd.s32 $0x3, v2  }
0xfc: {  	v2 =	vbroadcast v2, $0x0;
	_ =	sdelay $0x2  }
0xfd: {  	v3 =	vmul.f32 v4, v3  }
0xfe: {  	s25 =	sadd.s32 $0xFFFFFFFD, s23  }
0xff: {  	[tilespmem:s22+$0x20] =	vst v3;
	v3 =	vmov s25  }
0x100: {  	v2 =	vld.idx.msk [tilespmem:v2+s18+$0x0], $0xffff;
	v3 =	vshrl.u32 v3, $0x3  }
0x101: {  	v4 =	vld [tilespmem:s22+$0x30];
	v3 =	vshll.u32 v3, v1  }
0x102: {  	v3 =	vadd.s32 $0x4, v3  }
0x103: {  	v3 =	vbroadcast v3, $0x0;
	_ =	sdelay $0x2  }
0x104: {  	v2 =	vmul.f32 v4, v2  }
0x105: {  	s25 =	sadd.s32 $0xFFFFFFFE, s23  }
0x106: {  	[tilespmem:s22+$0x30] =	vst v2;
	v2 =	vmov s25  }
0x107: {  	v3 =	vld.idx.msk [tilespmem:v3+s18+$0x0], $0xffff;
	v2 =	vshrl.u32 v2, $0x3  }
0x108: {  	v4 =	vld [tilespmem:s22+$0x40];
	v2 =	vshll.u32 v2, v1  }
0x109: {  	v2 =	vadd.s32 $0x5, v2  }
0x10a: {  	v2 =	vbroadcast v2, $0x0;
	_ =	sdelay $0x2  }
0x10b: {  	v3 =	vmul.f32 v4, v3  }
0x10c: {  	s25 =	sadd.s32 $0xFFFFFFFF, s23  }
0x10d: {  	[tilespmem:s22+$0x40] =	vst v3;
	v3 =	vmov s25  }
0x10e: {  	v2 =	vld.idx.msk [tilespmem:v2+s18+$0x0], $0xffff;
	v3 =	vshrl.u32 v3, $0x3  }
0x10f: {  	v4 =	vld [tilespmem:s22+$0x50];
	v3 =	vshll.u32 v3, v1  }
0x110: {  	v3 =	vadd.s32 $0x6, v3  }
0x111: {  	v3 =	vbroadcast v3, $0x0;
	_ =	sdelay $0x2  }
0x112: {  	v2 =	vmul.f32 v4, v2;
	_ =	sdelay $0x1  }
0x113: {  	[tilespmem:s22+$0x50] =	vst v2;
	v2 =	vmov s23;
	s23 =	smov.u32 s24  }
0x114: {  	v3 =	vld.idx.msk [tilespmem:v3+s18+$0x0], $0xffff;
	v2 =	vshrl.u32 v2, $0x3  }
0x115: {  	v4 =	vld [tilespmem:s22+$0x60];
	v2 =	vshll.u32 v2, v1  }
0x116: {  	v2 =	vadd.s32 $0x7, v2  }
0x117: {  	v2 =	vbroadcast v2, $0x0  }
.Ltmp7:
0x118: {  	(pc) =	sbr.rel @p2 .LBB2_16-.Ltmp7, $3  }
0x119: {  	_ = 	snop  }
0x11a: {  	v3 =	vmul.f32 v4, v3;
	_ =	sdelay $0x1  }
0x11b: {  	s24 =	sadd.s32 $0x10, s24;
	s25 =	sadd.s32 $0xFFFFFFF1, s23;
	[tilespmem:s22+$0x60] =	vst v3  }
0x11c: {  	_ =	sdelay $0x3  }
0x11d: {  	v3 =	vmov s25;
	v2 =	vld.idx.msk [tilespmem:v2+s18+$0x0], $0xffff  }
0x11e: {  	v4 =	vld [tilespmem:s22+$0x70];
	v3 =	vshrl.u32 v3, $0x3  }
0x11f: {  	v3 =	vshll.u32 v3, v1  }
0x120: {  	v3 =	vbroadcast v3, $0x0;
	_ =	sdelay $0x2  }
0x121: {  	v2 =	vmul.f32 v4, v2  }
0x122: {  	s24 =	sadd.s32 $0xFFFFFFF2, s23  }
0x123: {  	v48 =	vmov s24;
	[tilespmem:s22+$0x70] =	vst v2  }
0x124: {  	s22 =	sadd.s32 $0x100, s22;
	v2 =	vld.idx.msk [tilespmem:v3+s18+$0x0], $0xffff;
	v3 =	vshrl.u32 v48, $0x3  }
0x125: {  	v49 =	vld [tilespmem:s22+$0xFFFFFF80];
	v3 =	vshll.u32 v3, v1  }
0x126: {  	v3 =	vadd.s32 $0x1, v3  }
0x127: {  	v3 =	vbroadcast v3, $0x0;
	_ =	sdelay $0x2  }
0x128: {  	v2 =	vmul.f32 v49, v2  }
0x129: {  	s31 =	sadd.s32 $0xFFFFFFF3, s23  }
0x12a: {  	v50 =	vld [tilespmem:s22+$0xFFFFFF90];
	[tilespmem:s22+$0xFFFFFF80] =	vst v2;
	v2 =	vmov s31  }
0x12b: {  	v2 =	vshrl.u32 v2, $0x3;
	v3 =	vld.idx.msk [tilespmem:v3+s18+$0x0], $0xffff  }
0x12c: {  	v2 =	vshll.u32 v2, v1  }
0x12d: {  	v2 =	vadd.s32 $0x2, v2  }
0x12e: {  	v2 =	vbroadcast v2, $0x0;
	_ =	sdelay $0x1  }
0x12f: {  	v3 =	vmul.f32 v50, v3  }
0x130: {  	s25 =	sadd.s32 $0xFFFFFFF4, s23  }
0x131: {  	[tilespmem:s22+$0xFFFFFF90] =	vst v3;
	v3 =	vmov s25  }
0x132: {  	v51 =	vld [tilespmem:s22+$0xFFFFFFA0];
	v3 =	vshrl.u32 v3, $0x3  }
0x133: {  	v2 =	vld.idx.msk [tilespmem:v2+s18+$0x0], $0xffff;
	v3 =	vshll.u32 v3, v1  }
0x134: {  	v3 =	vadd.s32 $0x3, v3  }
0x135: {  	v3 =	vbroadcast v3, $0x0;
	_ =	sdelay $0x2  }
0x136: {  	v2 =	vmul.f32 v51, v2  }
0x137: {  	s26 =	sadd.s32 $0xFFFFFFF5, s23  }
0x138: {  	v52 =	vld [tilespmem:s22+$0xFFFFFFB0];
	[tilespmem:s22+$0xFFFFFFA0] =	vst v2;
	v2 =	vmov s26  }
0x139: {  	v2 =	vshrl.u32 v2, $0x3;
	v3 =	vld.idx.msk [tilespmem:v3+s18+$0x0], $0xffff  }
0x13a: {  	v2 =	vshll.u32 v2, v1  }
0x13b: {  	v2 =	vadd.s32 $0x4, v2  }
0x13c: {  	v2 =	vbroadcast v2, $0x0;
	_ =	sdelay $0x1  }
0x13d: {  	v3 =	vmul.f32 v52, v3  }
0x13e: {  	s28 =	sadd.s32 $0xFFFFFFF6, s23  }
0x13f: {  	[tilespmem:s22+$0xFFFFFFB0] =	vst v3;
	v3 =	vmov s28  }
0x140: {  	v53 =	vld [tilespmem:s22+$0xFFFFFFC0];
	v3 =	vshrl.u32 v3, $0x3  }
0x141: {  	v2 =	vld.idx.msk [tilespmem:v2+s18+$0x0], $0xffff;
	v3 =	vshll.u32 v3, v1  }
0x142: {  	v3 =	vadd.s32 $0x5, v3  }
0x143: {  	v3 =	vbroadcast v3, $0x0;
	_ =	sdelay $0x2  }
0x144: {  	v2 =	vmul.f32 v53, v2  }
0x145: {  	s29 =	sadd.s32 $0xFFFFFFF7, s23  }
0x146: {  	v54 =	vld [tilespmem:s22+$0xFFFFFFD0];
	[tilespmem:s22+$0xFFFFFFC0] =	vst v2;
	v2 =	vmov s29  }
0x147: {  	v2 =	vshrl.u32 v2, $0x3;
	v3 =	vld.idx.msk [tilespmem:v3+s18+$0x0], $0xffff  }
0x148: {  	v2 =	vshll.u32 v2, v1  }
0x149: {  	v2 =	vadd.s32 $0x6, v2  }
0x14a: {  	v2 =	vbroadcast v2, $0x0;
	_ =	sdelay $0x1  }
0x14b: {  	v3 =	vmul.f32 v54, v3  }
0x14c: {  	s30 =	sadd.s32 $0xFFFFFFF8, s23  }
0x14d: {  	[tilespmem:s22+$0xFFFFFFD0] =	vst v3;
	v3 =	vmov s30  }
0x14e: {  	v55 =	vld [tilespmem:s22+$0xFFFFFFE0];
	v3 =	vshrl.u32 v3, $0x3  }
0x14f: {  	v2 =	vld.idx.msk [tilespmem:v2+s18+$0x0], $0xffff;
	v3 =	vshll.u32 v3, v1  }
0x150: {  	v3 =	vadd.s32 $0x7, v3  }
0x151: {  	v3 =	vbroadcast v3, $0x0;
	_ =	sdelay $0x2  }
0x152: {  	v2 =	vmul.f32 v55, v2;
	_ =	sdelay $0x1  }
0x153: {  	v56 =	vld [tilespmem:s22+$0xFFFFFFF0];
	s31 =	sadd.s32 $0xFFFFFFF9, s23;
	[tilespmem:s22+$0xFFFFFFE0] =	vst v2  }
0x154: {  	v2 =	vld.idx.msk [tilespmem:v3+s18+$0x0], $0xffff;
	v3 =	vmov s31  }
0x155: {  	v3 =	vshrl.u32 v3, $0x3  }
0x156: {  	v3 =	vshll.u32 v3, v1  }
0x157: {  	v3 =	vbroadcast v3, $0x0;
	_ =	sdelay $0x1  }
0x158: {  	v2 =	vmul.f32 v56, v2  }
0x159: {  	s25 =	sadd.s32 $0xFFFFFFFA, s23  }
0x15a: {  	[tilespmem:s22+$0xFFFFFFF0] =	vst v2;
	v2 =	vmov s25  }
0x15b: {  	v57 =	vld [tilespmem:s22+$0x0];
	v2 =	vshrl.u32 v2, $0x3  }
0x15c: {  	v3 =	vld.idx.msk [tilespmem:v3+s18+$0x0], $0xffff;
	v2 =	vshll.u32 v2, v1  }
0x15d: {  	v2 =	vadd.s32 $0x1, v2  }
0x15e: {  	v2 =	vbroadcast v2, $0x0;
	_ =	sdelay $0x2  }
0x15f: {  	v3 =	vmul.f32 v57, v3  }
0x160: {  	s26 =	sadd.s32 $0xFFFFFFFB, s23  }
0x161: {  	v58 =	vld [tilespmem:s22+$0x10];
	[tilespmem:s22+$0x0] =	vst v3;
	v3 =	vmov s26  }
0x162: {  	v2 =	vld.idx.msk [tilespmem:v2+s18+$0x0], $0xffff;
	v3 =	vshrl.u32 v3, $0x3  }
0x163: {  	v3 =	vshll.u32 v3, v1  }
0x164: {  	v3 =	vadd.s32 $0x2, v3  }
0x165: {  	v3 =	vbroadcast v3, $0x0;
	_ =	sdelay $0x1  }
0x166: {  	v2 =	vmul.f32 v58, v2  }
0x167: {  	s28 =	sadd.s32 $0xFFFFFFFC, s23  }
0x168: {  	[tilespmem:s22+$0x10] =	vst v2;
	v2 =	vmov s28  }
0x169: {  	v59 =	vld [tilespmem:s22+$0x20];
	v2 =	vshrl.u32 v2, $0x3  }
0x16a: {  	v3 =	vld.idx.msk [tilespmem:v3+s18+$0x0], $0xffff;
	v2 =	vshll.u32 v2, v1  }
0x16b: {  	v2 =	vadd.s32 $0x3, v2  }
0x16c: {  	v2 =	vbroadcast v2, $0x0;
	_ =	sdelay $0x2  }
0x16d: {  	v3 =	vmul.f32 v59, v3  }
0x16e: {  	s29 =	sadd.s32 $0xFFFFFFFD, s23  }
0x16f: {  	v60 =	vld [tilespmem:s22+$0x30];
	[tilespmem:s22+$0x20] =	vst v3;
	v3 =	vmov s29  }
0x170: {  	v2 =	vld.idx.msk [tilespmem:v2+s18+$0x0], $0xffff;
	v3 =	vshrl.u32 v3, $0x3  }
0x171: {  	v3 =	vshll.u32 v3, v1  }
0x172: {  	v3 =	vadd.s32 $0x4, v3  }
0x173: {  	v3 =	vbroadcast v3, $0x0;
	_ =	sdelay $0x1  }
0x174: {  	v2 =	vmul.f32 v60, v2  }
0x175: {  	s30 =	sadd.s32 $0xFFFFFFFE, s23  }
0x176: {  	[tilespmem:s22+$0x30] =	vst v2;
	v2 =	vmov s30  }
0x177: {  	v61 =	vld [tilespmem:s22+$0x40];
	v2 =	vshrl.u32 v2, $0x3  }
0x178: {  	v3 =	vld.idx.msk [tilespmem:v3+s18+$0x0], $0xffff;
	v2 =	vshll.u32 v2, v1  }
0x179: {  	v2 =	vadd.s32 $0x5, v2  }
0x17a: {  	v2 =	vbroadcast v2, $0x0;
	_ =	sdelay $0x2  }
0x17b: {  	v3 =	vmul.f32 v61, v3  }
0x17c: {  	s31 =	sadd.s32 $0xFFFFFFFF, s23  }
0x17d: {  	v62 =	vld [tilespmem:s22+$0x50];
	[tilespmem:s22+$0x40] =	vst v3;
	v3 =	vmov s31  }
0x17e: {  	v2 =	vld.idx.msk [tilespmem:v2+s18+$0x0], $0xffff;
	v3 =	vshrl.u32 v3, $0x3  }
0x17f: {  	v3 =	vshll.u32 v3, v1  }
0x180: {  	v3 =	vadd.s32 $0x6, v3  }
0x181: {  	v3 =	vbroadcast v3, $0x0;
	_ =	sdelay $0x1  }
0x182: {  	v2 =	vmul.f32 v62, v2;
	_ =	sdelay $0x1  }
0x183: {  	[tilespmem:s22+$0x50] =	vst v2;
	v2 =	vmov s23  }
0x184: {  	v63 =	vld [tilespmem:s22+$0x60];
	v2 =	vshrl.u32 v2, $0x3  }
0x185: {  	v3 =	vld.idx.msk [tilespmem:v3+s18+$0x0], $0xffff;
	v2 =	vshll.u32 v2, v1  }
0x186: {  	v2 =	vadd.s32 $0x7, v2  }
0x187: {  	v2 =	vbroadcast v2, $0x0;
	_ =	sdelay $0x2  }
0x188: {  	v3 =	vmul.f32 v63, v3;
	_ =	sdelay $0x1  }
0x189: {  	[tilespmem:s22+$0x60] =	vst v3;
	v3 =	vld [tilespmem:s22+$0x70]  }
0x18a: {  	v2 =	vld.idx.msk [tilespmem:v2+s18+$0x0], $0xffff;
	_ =	sdelay $0x4  }
0x18b: {  	s21 =	sadd.s32 $0x1, s21;
	v2 =	vmul.f32 v3, v2  }
0x18c: {  	p2 =	sne.s32 s21, $0x7D  }
.Ltmp8:
0x18d: {  	[tilespmem:s22+$0x70] =	vst v2;
	(pc) =	sbr.rel @p2 .LBB2_15-.Ltmp8, $4  }
0x18e: {  	[spmem:s3] =	stream.indirect.scatter.add.f32 [tilespmem:s15], [sflag:$0x2], $0x10, s17, s17, $0xb8;
	[tilespmem:$0x1C200] =	vst v63  }
0x18f: {  	_ =	swait.ge [sflag:s16], $0x3200  }
0x190: {  	[sflag:s16] =	ssyncset.done $0x0  }
0x191: {  	[sflag:s16] =	ssyncadd.s32 $0xFFFFCE00  }
.Ltmp9:
0x192: {  	(pc) =	sbr.rel @p1 .LBB2_22-.Ltmp9, $2  }
0x193: {  	_ =	sdelay $0x1  }
0x194: {  	[bflag:$0x0] =	sbarrier.arrive $0xFFFF;
	_ =	sdelay $0x1  }
0x195: {  	p2 =	sne.s32 s9, $0x1  }
.Ltmp10:
0x196: {  	_ = 	snop;
	(pc) =	sbr.rel @!p2 .LBB2_21-.Ltmp10, $4  }
0x197: {  	s21 =	sshll.u32 s2, $0x6  }
0x198: {  	s22 =	sshrl.u32 s12, $0x3;
	s23 =	sadd.s32 $0x3200, s12;
	s21 =	sor.u32 $0x1C02, s21  }
0x199: {  	[hbm:s14], [sflag:s21] =	dma.local [spmem:s22], $0x640  }
0x19a: {  	s24 =	smov.u32 s14;
	s22 =	sadd.s32 $0xFFFFFFFF, s9;
	_ =	swait.ge [sflag:s16], $0x640  }
.LBB2_20:
0x19b: {  	[sflag:s16] =	ssyncset.done $0x0;
	s24 =	sadd.s32 $0x640, s24;
	p2 =	sne.s32 s22, $0x1  }
.Ltmp11:
0x19c: {  	s25 =	sshrl.u32 s23, $0x3;
	[sflag:s16] =	ssyncadd.s32 $0xFFFFF9C0;
	(pc) =	sbr.rel @p2 .LBB2_20-.Ltmp11, $3  }
0x19d: {  	[hbm:s24], [sflag:s21] =	dma.local [spmem:s25], $0x640  }
0x19e: {  	s22 =	sadd.s32 $0xFFFFFFFF, s22;
	_ =	sdelay $0x1  }
0x19f: {  	s23 =	sadd.s32 $0x3200, s23;
	_ =	swait.ge [sflag:s16], $0x640  }
.Ltmp12:
0x1a0: {  	_ = 	snop;
	(pc) =	sbr.rel .LBB2_21-.Ltmp12, $1  }
0x1a1: {  	_ =	sdelay $0x3  }
.LBB2_8:
0x1a2: {  	s22 =	smul.u32 $0x320, s21;
	_ =	sdelay $0x1  }
0x1a3: {  	s22 =	sadd.s32 s10, s22  }
0x1a4: {  	s22 =	sshrl.u32 s22, $0x3  }
0x1a5: {  	s23 =	sadd.s32 s7, s22  }
0x1a6: {  	[tilespmem:s4], [sflag:$0x2] =	stream.linear.gather [hbm4b:s23+s4], $0x320, $0x38;
	[tilespmem:$0x1C200] =	vst v63  }
0x1a7: {  	_ =	swait.ge [sflag:s16], $0x320  }
0x1a8: {  	[sflag:s16] =	ssyncset.done $0x0  }
0x1a9: {  	s30 =	sadd.s32 s8, s22;
	[sflag:s16] =	ssyncadd.s32 $0xFFFFFCE0  }
0x1aa: {  	[tilespmem:s17], [sflag:$0x2] =	stream.linear.gather [hbm4b:s30+s4], $0x320, $0x38;
	[tilespmem:$0x1C200] =	vst v63  }
0x1ab: {  	_ =	swait.ge [sflag:s16], $0x320  }
0x1ac: {  	s31 =	simm.s32 $0x0;
	[sflag:s16] =	ssyncset.done $0x0  }
0x1ad: {  	v2 =	vmov s31;
	s22 =	sadd.s32 s1, s22;
	[sflag:s16] =	ssyncadd.s32 $0xFFFFFCE0  }
0x1ae: {  	v2 =	vshrl.u32 v2, $0x3;
	[tilespmem:s18], [sflag:$0x2] =	stream.linear.gather [hbm4b:s22+s4], $0x320, $0x38;
	[tilespmem:$0x1C200] =	vst v63  }
0x1af: {  	v2 =	vshll.u32 v2, v1;
	_ =	swait.ge [sflag:s16], $0x320  }
0x1b0: {  	v2 =	vbroadcast v2, $0x0;
	[sflag:s16] =	ssyncset.done $0x0  }
0x1b1: {  	[sflag:s16] =	ssyncadd.s32 $0xFFFFFCE0  }
0x1b2: {  	[tilespmem:s15], [sflag:$0x1] =	stream.indirect.gather [hbm4b:s5+s17], $0x10, s4, s17, $0xb8;
	[tilespmem:$0x1C200] =	vst v63  }
0x1b3: {  	_ =	swait.ge [sflag:s19], $0x3200  }
0x1b4: {  	s23 =	simm.s32 $0x1;
	[sflag:s19] =	ssyncset.done $0x0  }
0x1b5: {  	v3 =	vmov s23;
	[sflag:s19] =	ssyncadd.s32 $0xFFFFCE00  }
0x1b6: {  	v3 =	vshrl.u32 v3, $0x3;
	s22 =	simm.s32 $0x9E0;
	v2 =	vld.idx.msk [tilespmem:v2+s18+$0x0], $0xffff  }
0x1b7: {  	v3 =	vshll.u32 v3, v1;
	v4 =	vld [tilespmem:s22+$0xFFFFFF80]  }
0x1b8: {  	v3 =	vadd.s32 $0x1, v3  }
0x1b9: {  	v3 =	vbroadcast v3, $0x0;
	_ =	sdelay $0x2  }
0x1ba: {  	v2 =	vmul.f32 v4, v2  }
0x1bb: {  	s24 =	simm.s32 $0x2  }
0x1bc: {  	v50 =	vld [tilespmem:s22+$0xFFFFFF90];
	[tilespmem:s22+$0xFFFFFF80] =	vst v2;
	v2 =	vmov s24  }
0x1bd: {  	v3 =	vld.idx.msk [tilespmem:v3+s18+$0x0], $0xffff;
	v2 =	vshrl.u32 v2, $0x3  }
0x1be: {  	v2 =	vshll.u32 v2, v1  }
0x1bf: {  	v2 =	vadd.s32 $0x2, v2  }
0x1c0: {  	v2 =	vbroadcast v2, $0x0;
	_ =	sdelay $0x1  }
0x1c1: {  	v3 =	vmul.f32 v50, v3  }
0x1c2: {  	s25 =	simm.s32 $0x3  }
0x1c3: {  	[tilespmem:s22+$0xFFFFFF90] =	vst v3;
	v3 =	vmov s25  }
0x1c4: {  	v51 =	vld [tilespmem:s22+$0xFFFFFFA0];
	v3 =	vshrl.u32 v3, $0x3  }
0x1c5: {  	v2 =	vld.idx.msk [tilespmem:v2+s18+$0x0], $0xffff;
	v3 =	vshll.u32 v3, v1  }
0x1c6: {  	v3 =	vadd.s32 $0x3, v3  }
0x1c7: {  	v3 =	vbroadcast v3, $0x0;
	_ =	sdelay $0x2  }
0x1c8: {  	v2 =	vmul.f32 v51, v2  }
0x1c9: {  	s26 =	simm.s32 $0x4  }
0x1ca: {  	v52 =	vld [tilespmem:s22+$0xFFFFFFB0];
	[tilespmem:s22+$0xFFFFFFA0] =	vst v2;
	v2 =	vmov s26  }
0x1cb: {  	v3 =	vld.idx.msk [tilespmem:v3+s18+$0x0], $0xffff;
	v2 =	vshrl.u32 v2, $0x3  }
0x1cc: {  	v2 =	vshll.u32 v2, v1  }
0x1cd: {  	v2 =	vadd.s32 $0x4, v2  }
0x1ce: {  	v2 =	vbroadcast v2, $0x0;
	_ =	sdelay $0x1  }
0x1cf: {  	v3 =	vmul.f32 v52, v3  }
0x1d0: {  	s28 =	simm.s32 $0x5  }
0x1d1: {  	[tilespmem:s22+$0xFFFFFFB0] =	vst v3;
	v3 =	vmov s28  }
0x1d2: {  	v53 =	vld [tilespmem:s22+$0xFFFFFFC0];
	v3 =	vshrl.u32 v3, $0x3  }
0x1d3: {  	v2 =	vld.idx.msk [tilespmem:v2+s18+$0x0], $0xffff;
	v3 =	vshll.u32 v3, v1  }
0x1d4: {  	v3 =	vadd.s32 $0x5, v3  }
0x1d5: {  	v3 =	vbroadcast v3, $0x0;
	_ =	sdelay $0x2  }
0x1d6: {  	v2 =	vmul.f32 v53, v2  }
0x1d7: {  	s29 =	simm.s32 $0x6  }
0x1d8: {  	v54 =	vld [tilespmem:s22+$0xFFFFFFD0];
	[tilespmem:s22+$0xFFFFFFC0] =	vst v2;
	v2 =	vmov s29  }
0x1d9: {  	v3 =	vld.idx.msk [tilespmem:v3+s18+$0x0], $0xffff;
	v2 =	vshrl.u32 v2, $0x3  }
0x1da: {  	v2 =	vshll.u32 v2, v1  }
0x1db: {  	v2 =	vadd.s32 $0x6, v2  }
0x1dc: {  	v2 =	vbroadcast v2, $0x0;
	_ =	sdelay $0x1  }
0x1dd: {  	v3 =	vmul.f32 v54, v3  }
0x1de: {  	s30 =	simm.s32 $0x7  }
0x1df: {  	[tilespmem:s22+$0xFFFFFFD0] =	vst v3;
	v3 =	vmov s30  }
0x1e0: {  	v55 =	vld [tilespmem:s22+$0xFFFFFFE0];
	v3 =	vshrl.u32 v3, $0x3  }
0x1e1: {  	v2 =	vld.idx.msk [tilespmem:v2+s18+$0x0], $0xffff;
	v3 =	vshll.u32 v3, v1  }
0x1e2: {  	v3 =	vadd.s32 $0x7, v3  }
0x1e3: {  	v3 =	vbroadcast v3, $0x0;
	_ =	sdelay $0x2  }
0x1e4: {  	v2 =	vmul.f32 v55, v2;
	_ =	sdelay $0x1  }
0x1e5: {  	s31 =	simm.s32 $0x8;
	[tilespmem:s22+$0xFFFFFFE0] =	vst v2  }
0x1e6: {  	v2 =	vld.idx.msk [tilespmem:v3+s18+$0x0], $0xffff;
	v3 =	vmov s31  }
0x1e7: {  	v56 =	vld [tilespmem:s22+$0xFFFFFFF0];
	v3 =	vshrl.u32 v3, $0x3  }
0x1e8: {  	v3 =	vshll.u32 v3, v1  }
0x1e9: {  	v3 =	vbroadcast v3, $0x0;
	_ =	sdelay $0x2  }
0x1ea: {  	v2 =	vmul.f32 v56, v2  }
0x1eb: {  	s24 =	simm.s32 $0x9  }
0x1ec: {  	v57 =	vld [tilespmem:s22+$0x0];
	[tilespmem:s22+$0xFFFFFFF0] =	vst v2;
	v2 =	vmov s24  }
0x1ed: {  	v2 =	vshrl.u32 v2, $0x3;
	v3 =	vld.idx.msk [tilespmem:v3+s18+$0x0], $0xffff  }
0x1ee: {  	v2 =	vshll.u32 v2, v1  }
0x1ef: {  	v2 =	vadd.s32 $0x1, v2  }
0x1f0: {  	v2 =	vbroadcast v2, $0x0;
	_ =	sdelay $0x1  }
0x1f1: {  	v3 =	vmul.f32 v57, v3  }
0x1f2: {  	s25 =	simm.s32 $0xA  }
0x1f3: {  	[tilespmem:s22+$0x0] =	vst v3;
	v3 =	vmov s25  }
0x1f4: {  	v58 =	vld [tilespmem:s22+$0x10];
	v3 =	vshrl.u32 v3, $0x3  }
0x1f5: {  	v2 =	vld.idx.msk [tilespmem:v2+s18+$0x0], $0xffff;
	v3 =	vshll.u32 v3, v1  }
0x1f6: {  	v3 =	vadd.s32 $0x2, v3  }
0x1f7: {  	v3 =	vbroadcast v3, $0x0;
	_ =	sdelay $0x2  }
0x1f8: {  	v2 =	vmul.f32 v58, v2  }
0x1f9: {  	s26 =	simm.s32 $0xB  }
0x1fa: {  	v59 =	vld [tilespmem:s22+$0x20];
	[tilespmem:s22+$0x10] =	vst v2;
	v2 =	vmov s26  }
0x1fb: {  	v2 =	vshrl.u32 v2, $0x3;
	v3 =	vld.idx.msk [tilespmem:v3+s18+$0x0], $0xffff  }
0x1fc: {  	v2 =	vshll.u32 v2, v1  }
0x1fd: {  	v2 =	vadd.s32 $0x3, v2  }
0x1fe: {  	v2 =	vbroadcast v2, $0x0;
	_ =	sdelay $0x1  }
0x1ff: {  	v3 =	vmul.f32 v59, v3  }
0x200: {  	s28 =	simm.s32 $0xC  }
0x201: {  	[tilespmem:s22+$0x20] =	vst v3;
	v3 =	vmov s28  }
0x202: {  	v60 =	vld [tilespmem:s22+$0x30];
	v3 =	vshrl.u32 v3, $0x3  }
0x203: {  	v2 =	vld.idx.msk [tilespmem:v2+s18+$0x0], $0xffff;
	v3 =	vshll.u32 v3, v1  }
0x204: {  	v3 =	vadd.s32 $0x4, v3  }
0x205: {  	v3 =	vbroadcast v3, $0x0;
	_ =	sdelay $0x2  }
0x206: {  	v2 =	vmul.f32 v60, v2  }
0x207: {  	s29 =	simm.s32 $0xD  }
0x208: {  	v61 =	vld [tilespmem:s22+$0x40];
	[tilespmem:s22+$0x30] =	vst v2;
	v2 =	vmov s29  }
0x209: {  	v2 =	vshrl.u32 v2, $0x3;
	v3 =	vld.idx.msk [tilespmem:v3+s18+$0x0], $0xffff  }
0x20a: {  	v2 =	vshll.u32 v2, v1  }
0x20b: {  	v2 =	vadd.s32 $0x5, v2  }
0x20c: {  	v2 =	vbroadcast v2, $0x0;
	_ =	sdelay $0x1  }
0x20d: {  	v3 =	vmul.f32 v61, v3  }
0x20e: {  	s30 =	simm.s32 $0xE  }
0x20f: {  	[tilespmem:s22+$0x40] =	vst v3;
	v3 =	vmov s30  }
0x210: {  	v62 =	vld [tilespmem:s22+$0x50];
	v3 =	vshrl.u32 v3, $0x3  }
0x211: {  	v2 =	vld.idx.msk [tilespmem:v2+s18+$0x0], $0xffff;
	v3 =	vshll.u32 v3, v1  }
0x212: {  	v3 =	vadd.s32 $0x6, v3  }
0x213: {  	v3 =	vbroadcast v3, $0x0;
	_ =	sdelay $0x2  }
0x214: {  	v2 =	vmul.f32 v62, v2;
	_ =	sdelay $0x1  }
0x215: {  	[tilespmem:s22+$0x50] =	vst v2  }
0x216: {  	v2 =	vld.idx.msk [tilespmem:v3+s18+$0x0], $0xffff  }
0x217: {  	v3 =	vld [tilespmem:s22+$0x60]  }
0x218: {  	s31 =	simm.s32 $0xF  }
0x219: {  	v63 =	vmov s31  }
0x21a: {  	v4 =	vshrl.u32 v63, $0x3  }
0x21b: {  	v4 =	vshll.u32 v4, v1  }
0x21c: {  	v3 =	vmul.f32 v3, v2;
	v2 =	vadd.s32 $0x7, v4  }
0x21d: {  	v2 =	vbroadcast v2, $0x0;
	_ =	sdelay $0x4  }
0x21e: {  	s23 =	simm.s32 $0x1F;
	s24 =	simm.s32 $0x2F;
	s25 =	simm.s32 $0x10;
	[tilespmem:s22+$0x60] =	vst v3  }
.LBB2_9:
0x21f: {  	p2 =	sne.s32 s24, $0x31F;
	v3 =	vmov s25;
	v2 =	vld.idx.msk [tilespmem:v2+s18+$0x0], $0xffff  }
0x220: {  	v3 =	vshrl.u32 v3, $0x3;
	v4 =	vld [tilespmem:s22+$0x70]  }
0x221: {  	v3 =	vshll.u32 v3, v1  }
0x222: {  	v3 =	vbroadcast v3, $0x0;
	_ =	sdelay $0x2  }
0x223: {  	v2 =	vmul.f32 v4, v2  }
0x224: {  	s25 =	sadd.s32 $0xFFFFFFF2, s23  }
0x225: {  	v4 =	vmov s25;
	[tilespmem:s22+$0x70] =	vst v2  }
0x226: {  	s22 =	sadd.s32 $0x100, s22;
	v2 =	vld.idx.msk [tilespmem:v3+s18+$0x0], $0xffff;
	v3 =	vshrl.u32 v4, $0x3  }
0x227: {  	v4 =	vld [tilespmem:s22+$0xFFFFFF80];
	v3 =	vshll.u32 v3, v1  }
0x228: {  	v3 =	vadd.s32 $0x1, v3  }
0x229: {  	v3 =	vbroadcast v3, $0x0;
	_ =	sdelay $0x2  }
0x22a: {  	v2 =	vmul.f32 v4, v2  }
0x22b: {  	s25 =	sadd.s32 $0xFFFFFFF3, s23  }
0x22c: {  	[tilespmem:s22+$0xFFFFFF80] =	vst v2;
	v2 =	vmov s25  }
0x22d: {  	v3 =	vld.idx.msk [tilespmem:v3+s18+$0x0], $0xffff;
	v2 =	vshrl.u32 v2, $0x3  }
0x22e: {  	v4 =	vld [tilespmem:s22+$0xFFFFFF90];
	v2 =	vshll.u32 v2, v1  }
0x22f: {  	v2 =	vadd.s32 $0x2, v2  }
0x230: {  	v2 =	vbroadcast v2, $0x0;
	_ =	sdelay $0x2  }
0x231: {  	v3 =	vmul.f32 v4, v3  }
0x232: {  	s25 =	sadd.s32 $0xFFFFFFF4, s23  }
0x233: {  	[tilespmem:s22+$0xFFFFFF90] =	vst v3;
	v3 =	vmov s25  }
0x234: {  	v2 =	vld.idx.msk [tilespmem:v2+s18+$0x0], $0xffff;
	v3 =	vshrl.u32 v3, $0x3  }
0x235: {  	v4 =	vld [tilespmem:s22+$0xFFFFFFA0];
	v3 =	vshll.u32 v3, v1  }
0x236: {  	v3 =	vadd.s32 $0x3, v3  }
0x237: {  	v3 =	vbroadcast v3, $0x0;
	_ =	sdelay $0x2  }
0x238: {  	v2 =	vmul.f32 v4, v2  }
0x239: {  	s25 =	sadd.s32 $0xFFFFFFF5, s23  }
0x23a: {  	[tilespmem:s22+$0xFFFFFFA0] =	vst v2;
	v2 =	vmov s25  }
0x23b: {  	v3 =	vld.idx.msk [tilespmem:v3+s18+$0x0], $0xffff;
	v2 =	vshrl.u32 v2, $0x3  }
0x23c: {  	v4 =	vld [tilespmem:s22+$0xFFFFFFB0];
	v2 =	vshll.u32 v2, v1  }
0x23d: {  	v2 =	vadd.s32 $0x4, v2  }
0x23e: {  	v2 =	vbroadcast v2, $0x0;
	_ =	sdelay $0x2  }
0x23f: {  	v3 =	vmul.f32 v4, v3  }
0x240: {  	s25 =	sadd.s32 $0xFFFFFFF6, s23  }
0x241: {  	[tilespmem:s22+$0xFFFFFFB0] =	vst v3;
	v3 =	vmov s25  }
0x242: {  	v2 =	vld.idx.msk [tilespmem:v2+s18+$0x0], $0xffff;
	v3 =	vshrl.u32 v3, $0x3  }
0x243: {  	v4 =	vld [tilespmem:s22+$0xFFFFFFC0];
	v3 =	vshll.u32 v3, v1  }
0x244: {  	v3 =	vadd.s32 $0x5, v3  }
0x245: {  	v3 =	vbroadcast v3, $0x0;
	_ =	sdelay $0x2  }
0x246: {  	v2 =	vmul.f32 v4, v2  }
0x247: {  	s25 =	sadd.s32 $0xFFFFFFF7, s23  }
0x248: {  	[tilespmem:s22+$0xFFFFFFC0] =	vst v2;
	v2 =	vmov s25  }
0x249: {  	v3 =	vld.idx.msk [tilespmem:v3+s18+$0x0], $0xffff;
	v2 =	vshrl.u32 v2, $0x3  }
0x24a: {  	v4 =	vld [tilespmem:s22+$0xFFFFFFD0];
	v2 =	vshll.u32 v2, v1  }
0x24b: {  	v2 =	vadd.s32 $0x6, v2  }
0x24c: {  	v2 =	vbroadcast v2, $0x0;
	_ =	sdelay $0x2  }
0x24d: {  	v3 =	vmul.f32 v4, v3  }
0x24e: {  	s25 =	sadd.s32 $0xFFFFFFF8, s23  }
0x24f: {  	[tilespmem:s22+$0xFFFFFFD0] =	vst v3;
	v3 =	vmov s25  }
0x250: {  	v2 =	vld.idx.msk [tilespmem:v2+s18+$0x0], $0xffff;
	v3 =	vshrl.u32 v3, $0x3  }
0x251: {  	v4 =	vld [tilespmem:s22+$0xFFFFFFE0];
	v3 =	vshll.u32 v3, v1  }
0x252: {  	v3 =	vadd.s32 $0x7, v3  }
0x253: {  	v3 =	vbroadcast v3, $0x0;
	_ =	sdelay $0x2  }
0x254: {  	v2 =	vmul.f32 v4, v2;
	_ =	sdelay $0x1  }
0x255: {  	s25 =	sadd.s32 $0xFFFFFFF9, s23;
	[tilespmem:s22+$0xFFFFFFE0] =	vst v2  }
0x256: {  	v2 =	vld.idx.msk [tilespmem:v3+s18+$0x0], $0xffff;
	v3 =	vmov s25  }
0x257: {  	v4 =	vld [tilespmem:s22+$0xFFFFFFF0];
	v3 =	vshrl.u32 v3, $0x3  }
0x258: {  	v3 =	vshll.u32 v3, v1  }
0x259: {  	v3 =	vbroadcast v3, $0x0;
	_ =	sdelay $0x2  }
0x25a: {  	v2 =	vmul.f32 v4, v2  }
0x25b: {  	s25 =	sadd.s32 $0xFFFFFFFA, s23  }
0x25c: {  	[tilespmem:s22+$0xFFFFFFF0] =	vst v2;
	v2 =	vmov s25  }
0x25d: {  	v3 =	vld.idx.msk [tilespmem:v3+s18+$0x0], $0xffff;
	v2 =	vshrl.u32 v2, $0x3  }
0x25e: {  	v4 =	vld [tilespmem:s22+$0x0];
	v2 =	vshll.u32 v2, v1  }
0x25f: {  	v2 =	vadd.s32 $0x1, v2  }
0x260: {  	v2 =	vbroadcast v2, $0x0;
	_ =	sdelay $0x2  }
0x261: {  	v3 =	vmul.f32 v4, v3  }
0x262: {  	s25 =	sadd.s32 $0xFFFFFFFB, s23  }
0x263: {  	[tilespmem:s22+$0x0] =	vst v3;
	v3 =	vmov s25  }
0x264: {  	v2 =	vld.idx.msk [tilespmem:v2+s18+$0x0], $0xffff;
	v3 =	vshrl.u32 v3, $0x3  }
0x265: {  	v4 =	vld [tilespmem:s22+$0x10];
	v3 =	vshll.u32 v3, v1  }
0x266: {  	v3 =	vadd.s32 $0x2, v3  }
0x267: {  	v3 =	vbroadcast v3, $0x0;
	_ =	sdelay $0x2  }
0x268: {  	v2 =	vmul.f32 v4, v2  }
0x269: {  	s25 =	sadd.s32 $0xFFFFFFFC, s23  }
0x26a: {  	[tilespmem:s22+$0x10] =	vst v2;
	v2 =	vmov s25  }
0x26b: {  	v3 =	vld.idx.msk [tilespmem:v3+s18+$0x0], $0xffff;
	v2 =	vshrl.u32 v2, $0x3  }
0x26c: {  	v4 =	vld [tilespmem:s22+$0x20];
	v2 =	vshll.u32 v2, v1  }
0x26d: {  	v2 =	vadd.s32 $0x3, v2  }
0x26e: {  	v2 =	vbroadcast v2, $0x0;
	_ =	sdelay $0x2  }
0x26f: {  	v3 =	vmul.f32 v4, v3  }
0x270: {  	s25 =	sadd.s32 $0xFFFFFFFD, s23  }
0x271: {  	[tilespmem:s22+$0x20] =	vst v3;
	v3 =	vmov s25  }
0x272: {  	v2 =	vld.idx.msk [tilespmem:v2+s18+$0x0], $0xffff;
	v3 =	vshrl.u32 v3, $0x3  }
0x273: {  	v4 =	vld [tilespmem:s22+$0x30];
	v3 =	vshll.u32 v3, v1  }
0x274: {  	v3 =	vadd.s32 $0x4, v3  }
0x275: {  	v3 =	vbroadcast v3, $0x0;
	_ =	sdelay $0x2  }
0x276: {  	v2 =	vmul.f32 v4, v2  }
0x277: {  	s25 =	sadd.s32 $0xFFFFFFFE, s23  }
0x278: {  	[tilespmem:s22+$0x30] =	vst v2;
	v2 =	vmov s25  }
0x279: {  	v3 =	vld.idx.msk [tilespmem:v3+s18+$0x0], $0xffff;
	v2 =	vshrl.u32 v2, $0x3  }
0x27a: {  	v4 =	vld [tilespmem:s22+$0x40];
	v2 =	vshll.u32 v2, v1  }
0x27b: {  	v2 =	vadd.s32 $0x5, v2  }
0x27c: {  	v2 =	vbroadcast v2, $0x0;
	_ =	sdelay $0x2  }
0x27d: {  	v3 =	vmul.f32 v4, v3  }
0x27e: {  	s25 =	sadd.s32 $0xFFFFFFFF, s23  }
0x27f: {  	[tilespmem:s22+$0x40] =	vst v3;
	v3 =	vmov s25  }
0x280: {  	v2 =	vld.idx.msk [tilespmem:v2+s18+$0x0], $0xffff;
	v3 =	vshrl.u32 v3, $0x3  }
0x281: {  	v4 =	vld [tilespmem:s22+$0x50];
	v3 =	vshll.u32 v3, v1  }
0x282: {  	v3 =	vadd.s32 $0x6, v3  }
0x283: {  	v3 =	vbroadcast v3, $0x0;
	_ =	sdelay $0x2  }
0x284: {  	v2 =	vmul.f32 v4, v2;
	_ =	sdelay $0x1  }
0x285: {  	[tilespmem:s22+$0x50] =	vst v2;
	v2 =	vmov s23;
	s23 =	smov.u32 s24  }
0x286: {  	v3 =	vld.idx.msk [tilespmem:v3+s18+$0x0], $0xffff;
	v2 =	vshrl.u32 v2, $0x3  }
0x287: {  	v4 =	vld [tilespmem:s22+$0x60];
	v2 =	vshll.u32 v2, v1  }
0x288: {  	v2 =	vadd.s32 $0x7, v2  }
0x289: {  	v2 =	vbroadcast v2, $0x0  }
.Ltmp13:
0x28a: {  	(pc) =	sbr.rel @p2 .LBB2_9-.Ltmp13, $3  }
0x28b: {  	_ = 	snop  }
0x28c: {  	v3 =	vmul.f32 v4, v3;
	_ =	sdelay $0x1  }
0x28d: {  	s24 =	sadd.s32 $0x10, s24;
	s25 =	sadd.s32 $0xFFFFFFF1, s23;
	[tilespmem:s22+$0x60] =	vst v3  }
0x28e: {  	_ =	sdelay $0x3  }
0x28f: {  	v3 =	vmov s25;
	v2 =	vld.idx.msk [tilespmem:v2+s18+$0x0], $0xffff  }
0x290: {  	v4 =	vld [tilespmem:s22+$0x70];
	v3 =	vshrl.u32 v3, $0x3  }
0x291: {  	v3 =	vshll.u32 v3, v1  }
0x292: {  	v3 =	vbroadcast v3, $0x0;
	_ =	sdelay $0x2  }
0x293: {  	v2 =	vmul.f32 v4, v2  }
0x294: {  	s24 =	sadd.s32 $0xFFFFFFF2, s23  }
0x295: {  	v48 =	vmov s24;
	[tilespmem:s22+$0x70] =	vst v2  }
0x296: {  	s22 =	sadd.s32 $0x100, s22;
	v2 =	vld.idx.msk [tilespmem:v3+s18+$0x0], $0xffff;
	v3 =	vshrl.u32 v48, $0x3  }
0x297: {  	v49 =	vld [tilespmem:s22+$0xFFFFFF80];
	v3 =	vshll.u32 v3, v1  }
0x298: {  	v3 =	vadd.s32 $0x1, v3  }
0x299: {  	v3 =	vbroadcast v3, $0x0;
	_ =	sdelay $0x2  }
0x29a: {  	v2 =	vmul.f32 v49, v2  }
0x29b: {  	s31 =	sadd.s32 $0xFFFFFFF3, s23  }
0x29c: {  	v50 =	vld [tilespmem:s22+$0xFFFFFF90];
	[tilespmem:s22+$0xFFFFFF80] =	vst v2;
	v2 =	vmov s31  }
0x29d: {  	v2 =	vshrl.u32 v2, $0x3;
	v3 =	vld.idx.msk [tilespmem:v3+s18+$0x0], $0xffff  }
0x29e: {  	v2 =	vshll.u32 v2, v1  }
0x29f: {  	v2 =	vadd.s32 $0x2, v2  }
0x2a0: {  	v2 =	vbroadcast v2, $0x0;
	_ =	sdelay $0x1  }
0x2a1: {  	v3 =	vmul.f32 v50, v3  }
0x2a2: {  	s25 =	sadd.s32 $0xFFFFFFF4, s23  }
0x2a3: {  	[tilespmem:s22+$0xFFFFFF90] =	vst v3;
	v3 =	vmov s25  }
0x2a4: {  	v51 =	vld [tilespmem:s22+$0xFFFFFFA0];
	v3 =	vshrl.u32 v3, $0x3  }
0x2a5: {  	v2 =	vld.idx.msk [tilespmem:v2+s18+$0x0], $0xffff;
	v3 =	vshll.u32 v3, v1  }
0x2a6: {  	v3 =	vadd.s32 $0x3, v3  }
0x2a7: {  	v3 =	vbroadcast v3, $0x0;
	_ =	sdelay $0x2  }
0x2a8: {  	v2 =	vmul.f32 v51, v2  }
0x2a9: {  	s26 =	sadd.s32 $0xFFFFFFF5, s23  }
0x2aa: {  	v52 =	vld [tilespmem:s22+$0xFFFFFFB0];
	[tilespmem:s22+$0xFFFFFFA0] =	vst v2;
	v2 =	vmov s26  }
0x2ab: {  	v2 =	vshrl.u32 v2, $0x3;
	v3 =	vld.idx.msk [tilespmem:v3+s18+$0x0], $0xffff  }
0x2ac: {  	v2 =	vshll.u32 v2, v1  }
0x2ad: {  	v2 =	vadd.s32 $0x4, v2  }
0x2ae: {  	v2 =	vbroadcast v2, $0x0;
	_ =	sdelay $0x1  }
0x2af: {  	v3 =	vmul.f32 v52, v3  }
0x2b0: {  	s28 =	sadd.s32 $0xFFFFFFF6, s23  }
0x2b1: {  	[tilespmem:s22+$0xFFFFFFB0] =	vst v3;
	v3 =	vmov s28  }
0x2b2: {  	v53 =	vld [tilespmem:s22+$0xFFFFFFC0];
	v3 =	vshrl.u32 v3, $0x3  }
0x2b3: {  	v2 =	vld.idx.msk [tilespmem:v2+s18+$0x0], $0xffff;
	v3 =	vshll.u32 v3, v1  }
0x2b4: {  	v3 =	vadd.s32 $0x5, v3  }
0x2b5: {  	v3 =	vbroadcast v3, $0x0;
	_ =	sdelay $0x2  }
0x2b6: {  	v2 =	vmul.f32 v53, v2  }
0x2b7: {  	s29 =	sadd.s32 $0xFFFFFFF7, s23  }
0x2b8: {  	v54 =	vld [tilespmem:s22+$0xFFFFFFD0];
	[tilespmem:s22+$0xFFFFFFC0] =	vst v2;
	v2 =	vmov s29  }
0x2b9: {  	v2 =	vshrl.u32 v2, $0x3;
	v3 =	vld.idx.msk [tilespmem:v3+s18+$0x0], $0xffff  }
0x2ba: {  	v2 =	vshll.u32 v2, v1  }
0x2bb: {  	v2 =	vadd.s32 $0x6, v2  }
0x2bc: {  	v2 =	vbroadcast v2, $0x0;
	_ =	sdelay $0x1  }
0x2bd: {  	v3 =	vmul.f32 v54, v3  }
0x2be: {  	s30 =	sadd.s32 $0xFFFFFFF8, s23  }
0x2bf: {  	[tilespmem:s22+$0xFFFFFFD0] =	vst v3;
	v3 =	vmov s30  }
0x2c0: {  	v55 =	vld [tilespmem:s22+$0xFFFFFFE0];
	v3 =	vshrl.u32 v3, $0x3  }
0x2c1: {  	v2 =	vld.idx.msk [tilespmem:v2+s18+$0x0], $0xffff;
	v3 =	vshll.u32 v3, v1  }
0x2c2: {  	v3 =	vadd.s32 $0x7, v3  }
0x2c3: {  	v3 =	vbroadcast v3, $0x0;
	_ =	sdelay $0x2  }
0x2c4: {  	v2 =	vmul.f32 v55, v2;
	_ =	sdelay $0x1  }
0x2c5: {  	v56 =	vld [tilespmem:s22+$0xFFFFFFF0];
	s31 =	sadd.s32 $0xFFFFFFF9, s23;
	[tilespmem:s22+$0xFFFFFFE0] =	vst v2  }
0x2c6: {  	v2 =	vld.idx.msk [tilespmem:v3+s18+$0x0], $0xffff;
	v3 =	vmov s31  }
0x2c7: {  	v3 =	vshrl.u32 v3, $0x3  }
0x2c8: {  	v3 =	vshll.u32 v3, v1  }
0x2c9: {  	v3 =	vbroadcast v3, $0x0;
	_ =	sdelay $0x1  }
0x2ca: {  	v2 =	vmul.f32 v56, v2  }
0x2cb: {  	s25 =	sadd.s32 $0xFFFFFFFA, s23  }
0x2cc: {  	[tilespmem:s22+$0xFFFFFFF0] =	vst v2;
	v2 =	vmov s25  }
0x2cd: {  	v57 =	vld [tilespmem:s22+$0x0];
	v2 =	vshrl.u32 v2, $0x3  }
0x2ce: {  	v3 =	vld.idx.msk [tilespmem:v3+s18+$0x0], $0xffff;
	v2 =	vshll.u32 v2, v1  }
0x2cf: {  	v2 =	vadd.s32 $0x1, v2  }
0x2d0: {  	v2 =	vbroadcast v2, $0x0;
	_ =	sdelay $0x2  }
0x2d1: {  	v3 =	vmul.f32 v57, v3  }
0x2d2: {  	s26 =	sadd.s32 $0xFFFFFFFB, s23  }
0x2d3: {  	v58 =	vld [tilespmem:s22+$0x10];
	[tilespmem:s22+$0x0] =	vst v3;
	v3 =	vmov s26  }
0x2d4: {  	v2 =	vld.idx.msk [tilespmem:v2+s18+$0x0], $0xffff;
	v3 =	vshrl.u32 v3, $0x3  }
0x2d5: {  	v3 =	vshll.u32 v3, v1  }
0x2d6: {  	v3 =	vadd.s32 $0x2, v3  }
0x2d7: {  	v3 =	vbroadcast v3, $0x0;
	_ =	sdelay $0x1  }
0x2d8: {  	v2 =	vmul.f32 v58, v2  }
0x2d9: {  	s28 =	sadd.s32 $0xFFFFFFFC, s23  }
0x2da: {  	[tilespmem:s22+$0x10] =	vst v2;
	v2 =	vmov s28  }
0x2db: {  	v59 =	vld [tilespmem:s22+$0x20];
	v2 =	vshrl.u32 v2, $0x3  }
0x2dc: {  	v3 =	vld.idx.msk [tilespmem:v3+s18+$0x0], $0xffff;
	v2 =	vshll.u32 v2, v1  }
0x2dd: {  	v2 =	vadd.s32 $0x3, v2  }
0x2de: {  	v2 =	vbroadcast v2, $0x0;
	_ =	sdelay $0x2  }
0x2df: {  	v3 =	vmul.f32 v59, v3  }
0x2e0: {  	s29 =	sadd.s32 $0xFFFFFFFD, s23  }
0x2e1: {  	v60 =	vld [tilespmem:s22+$0x30];
	[tilespmem:s22+$0x20] =	vst v3;
	v3 =	vmov s29  }
0x2e2: {  	v2 =	vld.idx.msk [tilespmem:v2+s18+$0x0], $0xffff;
	v3 =	vshrl.u32 v3, $0x3  }
0x2e3: {  	v3 =	vshll.u32 v3, v1  }
0x2e4: {  	v3 =	vadd.s32 $0x4, v3  }
0x2e5: {  	v3 =	vbroadcast v3, $0x0;
	_ =	sdelay $0x1  }
0x2e6: {  	v2 =	vmul.f32 v60, v2  }
0x2e7: {  	s30 =	sadd.s32 $0xFFFFFFFE, s23  }
0x2e8: {  	[tilespmem:s22+$0x30] =	vst v2;
	v2 =	vmov s30  }
0x2e9: {  	v61 =	vld [tilespmem:s22+$0x40];
	v2 =	vshrl.u32 v2, $0x3  }
0x2ea: {  	v3 =	vld.idx.msk [tilespmem:v3+s18+$0x0], $0xffff;
	v2 =	vshll.u32 v2, v1  }
0x2eb: {  	v2 =	vadd.s32 $0x5, v2  }
0x2ec: {  	v2 =	vbroadcast v2, $0x0;
	_ =	sdelay $0x2  }
0x2ed: {  	v3 =	vmul.f32 v61, v3  }
0x2ee: {  	s31 =	sadd.s32 $0xFFFFFFFF, s23  }
0x2ef: {  	v62 =	vld [tilespmem:s22+$0x50];
	[tilespmem:s22+$0x40] =	vst v3;
	v3 =	vmov s31  }
0x2f0: {  	v2 =	vld.idx.msk [tilespmem:v2+s18+$0x0], $0xffff;
	v3 =	vshrl.u32 v3, $0x3  }
0x2f1: {  	v3 =	vshll.u32 v3, v1  }
0x2f2: {  	v3 =	vadd.s32 $0x6, v3  }
0x2f3: {  	v3 =	vbroadcast v3, $0x0;
	_ =	sdelay $0x1  }
0x2f4: {  	v2 =	vmul.f32 v62, v2;
	_ =	sdelay $0x1  }
0x2f5: {  	[tilespmem:s22+$0x50] =	vst v2;
	v2 =	vmov s23  }
0x2f6: {  	v63 =	vld [tilespmem:s22+$0x60];
	v2 =	vshrl.u32 v2, $0x3  }
0x2f7: {  	v3 =	vld.idx.msk [tilespmem:v3+s18+$0x0], $0xffff;
	v2 =	vshll.u32 v2, v1  }
0x2f8: {  	v2 =	vadd.s32 $0x7, v2  }
0x2f9: {  	v2 =	vbroadcast v2, $0x0;
	_ =	sdelay $0x2  }
0x2fa: {  	v3 =	vmul.f32 v63, v3;
	_ =	sdelay $0x1  }
0x2fb: {  	[tilespmem:s22+$0x60] =	vst v3;
	v3 =	vld [tilespmem:s22+$0x70]  }
0x2fc: {  	v2 =	vld.idx.msk [tilespmem:v2+s18+$0x0], $0xffff;
	_ =	sdelay $0x4  }
0x2fd: {  	s21 =	sadd.s32 $0x1, s21;
	v2 =	vmul.f32 v3, v2  }
0x2fe: {  	p2 =	sne.s32 s21, $0x7D  }
.Ltmp14:
0x2ff: {  	[tilespmem:s22+$0x70] =	vst v2;
	(pc) =	sbr.rel @p2 .LBB2_8-.Ltmp14, $4  }
0x300: {  	[spmem:s3] =	stream.indirect.scatter.add.f32 [tilespmem:s15], [sflag:$0x2], $0x10, s17, s17, $0xb8;
	[tilespmem:$0x1C200] =	vst v63  }
0x301: {  	_ =	swait.ge [sflag:s16], $0x3200  }
0x302: {  	[sflag:s16] =	ssyncset.done $0x0  }
0x303: {  	[sflag:s16] =	ssyncadd.s32 $0xFFFFCE00  }
.Ltmp15:
0x304: {  	(pc) =	sbr.rel @p1 .LBB2_22-.Ltmp15, $2  }
0x305: {  	_ =	sdelay $0x1  }
0x306: {  	[bflag:$0x0] =	sbarrier.arrive $0xFFFF;
	_ =	sdelay $0x1  }
0x307: {  	p2 =	seq.s32 s9, $0x1  }
.Ltmp16:
0x308: {  	_ = 	snop;
	(pc) =	sbr.rel @p2 .LBB2_14-.Ltmp16, $4  }
0x309: {  	s21 =	sshll.u32 s2, $0x6  }
0x30a: {  	s22 =	sshrl.u32 s12, $0x3;
	s23 =	sadd.s32 $0x3200, s12;
	s21 =	sor.u32 $0x1C02, s21  }
0x30b: {  	[hbm:s13], [sflag:s21] =	dma.local [spmem:s22], $0x640  }
0x30c: {  	s24 =	smov.u32 s13;
	s22 =	sadd.s32 $0xFFFFFFFF, s9;
	_ =	swait.ge [sflag:s16], $0x640  }
.LBB2_13:
0x30d: {  	[sflag:s16] =	ssyncset.done $0x0;
	s24 =	sadd.s32 $0x640, s24;
	p2 =	seq.s32 s22, $0x1  }
.Ltmp17:
0x30e: {  	s25 =	sshrl.u32 s23, $0x3;
	[sflag:s16] =	ssyncadd.s32 $0xFFFFF9C0;
	(pc) =	sbr.rel @!p2 .LBB2_13-.Ltmp17, $3  }
0x30f: {  	[hbm:s24], [sflag:s21] =	dma.local [spmem:s25], $0x640  }
0x310: {  	s22 =	sadd.s32 $0xFFFFFFFF, s22;
	_ =	sdelay $0x1  }
0x311: {  	s23 =	sadd.s32 $0x3200, s23;
	_ =	swait.ge [sflag:s16], $0x640  }
.LBB2_14:
.Ltmp18:
0x312: {  	(pc) =	sbr.rel .LBB2_22-.Ltmp18, $3  }
0x313: {  	_ =	sdelay $0x1  }
0x314: {  	[sflag:s16] =	ssyncset.done $0x0  }
0x315: {  	[sflag:s16] =	ssyncadd.s32 $0xFFFFF9C0  }
.LBB2_23:
0x316: {  	_ =	sfence.sel $0x180000  }
0x317: {  	[bflag:$0x0] =	sbarrier.arrive $0xFFFF  }
0x318: {  	p0 =	sne.s32 s2, $0x0;
	_ =	strace $0x9000004D  }
0x319: {  	s0 =	sadd.s32 @!p0 $0x100000, s0;
	[bflag:$0x2] =	sbarrier.arrive $0xFFFF  }
0x31a: {  	[sflag:s0] =	ssyncadd.tile.s32 @!p0 $0x1;
	_ =	shalt  }
.Lfunc_end2:
_tile_overlayer_lowered:
.L_overlay_start_2:
0x31b: {  	(tag) =	ssettag $0x2  }
0x31c: {  	s0 =	rddreg [dreg:$0x0];
	s2 =	stileid.u32  }
0x31d: {  	s1 =	rddreg [dreg:$0x1];
	p0 =	sne.s32 s2, $0x0  }
0x31e: {  	s3 =	rddreg [dreg:$0x2];
	[bflag:$0x3] =	sbarrier.arrive $0xFFFF;
	s2 =	simm.s32 @!p0 $0x1C02  }
0x31f: {  	[timem:s3], [sflag:s2] =	dma.local @!p0 [hbm:s0], s1  }
0x320: {  	s0 =	simm.s32 @!p0 $0x2  }
0x321: {  	_ =	swait.ge @!p0 [sflag:s0], s1  }
0x322: {  	s1 =	ssub.s32 @!p0 $0x0, s1;
	[sflag:s0] =	ssyncset.done @!p0 $0x0  }
0x323: {  	[sflag:s0] =	ssyncadd.s32 @!p0 s1  }
0x324: {  	[bflag:$0x3] =	sbarrier.arrive $0xFFFF  }
0x325: {  	_ =	shalt  }

// kernel: kernel.15.cloned.1.call-start
scs
__scs_entry_jumppad:
0x0: {  	(pc) =	sbr.rel $0x88, $3  }
0x1: {  	(tag) =	ssettag $0x0;
	lr =	simm.s32 $0x1  }
0x2: {  	[smem:$0x3F9A] =	sst lr;
	_ =	strace $0xD0000000  }
0x3: {  	_ = 	snop  }
0x4: {  	_ = 	snop  }
0x5: {  	_ = 	snop  }
0x6: {  	_ = 	snop  }
0x7: {  	_ = 	snop  }
__scs_overlays_trampoline_lowered:
0x8: {  	[smem:$0x3FA9] =	sst s0  }
0x9: {  	[smem:$0x3FAA] =	sst s1  }
0xa: {  	[smem:$0x3FAB] =	sst s2  }
0xb: {  	[smem:$0x3FAC] =	sst s3  }
0xc: {  	[smem:$0x3FAD] =	sst s4  }
0xd: {  	[smem:$0x3FAE] =	sst s5  }
0xe: {  	[smem:$0x3FAF] =	sst s6  }
0xf: {  	[smem:$0x3FB0] =	sst s7  }
0x10: {  	[smem:$0x3FB1] =	sst s8  }
0x11: {  	[smem:$0x3FB2] =	sst s9;
	s0 =	simm.s32 @!p0 $0x0  }
0x12: {  	s1 =	sld [smem:$0x3F98];
	s0 =	simm.s32 @p0 $0x1  }
0x13: {  	[smem:$0x3FB3] =	sst s0;
	s0 =	simm.s32 @!p1 $0x0  }
0x14: {  	s2 =	sld [smem:$0x3F97];
	s0 =	simm.s32 @p1 $0x1  }
0x15: {  	[smem:$0x3FB4] =	sst s0;
	s0 =	simm.s32 @!p2 $0x0  }
0x16: {  	s3 =	sld [smem:$0x3FDB];
	s0 =	simm.s32 @p2 $0x1  }
0x17: {  	s4 =	simm.s32 $0x1BF5;
	[smem:$0x3FB6] =	sst s0  }
0x18: {  	s0 =	sld [smem:$0x3F99];
	_ =	swait.ge [sflag:s4], $0x0  }
0x19: {  	s7 =	sld [smem:$0x3F9A]  }
0x1a: {  	s8 =	sadd.s32 $0xFFFFE003, lr  }
0x1b: {  	s9 =	sadd.s32 $0xFFFFFEF7, lr;
	s5 =	simm.s32 $0xFFFFFFFF;
	p2 =	slt.u32 s8, $0xFFFFF086  }
0x1c: {  	p1 =	slt.u32 s9, $0xF7A;
	s5 =	simm.s32 @!p2 $0x0  }
0x1d: {  	s5 =	simm.s32 @p1 $0x1;
	p0 =	seq.s32 s7, s2  }
0x1e: {  	s7 =	smul.u32 @!p0 $0xF7A, s2;
	p2 =	seq.s32 @!p0 s5, $0x0  }
0x1f: {  	s9 =	smul.u32 $0xF7A, s1;
	s8 =	simm.s32 @!p0 $0x1BF5;
	p2 =	por !p2, p0  }
0x20: {  	[sflag:s8] =	ssyncset.s32 @!p0 $0xFFFFF086;
	s6 =	sadd.s32 @!p0 s3, s7;
	s7 =	simm.s32 @!p0 $0x108  }
0x21: {  	s3 =	sadd.s32 s3, s9;
	s6 =	sadd.s32 @!p0 $0x88, s6;
	s7 =	simm.s32 @p2 $0x1082  }
0x22: {  	[simem:s7], [sflag:s8] =	dma.local @!p0 [hbm:s6], $0xF7A  }
0x23: {  	s9 =	sor.u32 $0xD0000000, s2;
	s6 =	simm.s32 $0x108;
	_ =	swait.ge @!p0 [sflag:s8], $0x0  }
0x24: {  	s3 =	sadd.s32 $0x88, s3;
	s6 =	simm.s32 @!p1 $0x1082;
	[sflag:s4] =	ssyncset.s32 $0xFFFFF086  }
0x25: {  	[simem:s6], [sflag:s4] =	dma.local [hbm:s3], $0xF7A  }
0x26: {  	[smem:$0x3F9A] =	sst s1;
	(tag) =	ssettag s2;
	_ =	strace s9  }
0x27: {  	s1 =	sld [smem:$0x3FAA]  }
0x28: {  	s2 =	sld [smem:$0x3FAB]  }
0x29: {  	s4 =	sld [smem:$0x3FAD]  }
0x2a: {  	p0 =	seq.s32 s5, $0x0;
	s5 =	sld [smem:$0x3FAE]  }
0x2b: {  	s6 =	sld [smem:$0x3FAF]  }
0x2c: {  	s7 =	sld [smem:$0x3FB0]  }
0x2d: {  	s3 =	simm.s32 $0x108;
	s8 =	sld [smem:$0x3FB1]  }
0x2e: {  	s3 =	simm.s32 @!p0 $0x1082;
	s9 =	sld [smem:$0x3FB2]  }
0x2f: {  	lr =	sadd.s32 s0, s3;
	s0 =	sld [smem:$0x3FA9]  }
0x30: {  	s3 =	sld [smem:$0x3FAC]  }
0x31: {  	[smem:$0x3FB5] =	sst s10  }
0x32: {  	s10 =	sld [smem:$0x3FB3];
	_ =	sdelay $0x3  }
0x33: {  	p0 =	seq.s32 s10, $0x1;
	s10 =	sld [smem:$0x3FB5];
	_ =	sdelay $0x3  }
0x34: {  	[smem:$0x3FB5] =	sst s10  }
0x35: {  	s10 =	sld [smem:$0x3FB4];
	_ =	sdelay $0x3  }
0x36: {  	p1 =	seq.s32 s10, $0x1;
	s10 =	sld [smem:$0x3FB5];
	_ =	sdelay $0x3  }
0x37: {  	[smem:$0x3FB5] =	sst s10  }
0x38: {  	s10 =	sld [smem:$0x3FB6]  }
0x39: {  	_ = 	snop;
	(pc) =	sbr.ind lr, $3  }
0x3a: {  	_ = 	snop  }
0x3b: {  	_ = 	snop  }
0x3c: {  	p2 =	seq.s32 s10, $0x1;
	s10 =	sld [smem:$0x3FB5]  }
0x3d: {  	_ =	shalt  }
0x3e: {  	_ =	shalt  }
0x3f: {  	_ =	shalt  }
0x40: {  	_ =	shalt  }
0x41: {  	_ =	shalt  }
0x42: {  	_ =	shalt  }
0x43: {  	_ =	shalt  }
0x44: {  	_ =	shalt  }
0x45: {  	_ =	shalt  }
0x46: {  	_ =	shalt  }
0x47: {  	_ =	shalt  }
0x48: {  	_ =	shalt  }
0x49: {  	_ =	shalt  }
0x4a: {  	_ =	shalt  }
0x4b: {  	_ =	shalt  }
0x4c: {  	_ =	shalt  }
0x4d: {  	_ =	shalt  }
0x4e: {  	_ =	shalt  }
0x4f: {  	_ =	shalt  }
0x50: {  	_ =	shalt  }
0x51: {  	_ =	shalt  }
0x52: {  	_ =	shalt  }
0x53: {  	_ =	shalt  }
0x54: {  	_ =	shalt  }
0x55: {  	_ =	shalt  }
0x56: {  	_ =	shalt  }
0x57: {  	_ =	shalt  }
0x58: {  	_ =	shalt  }
0x59: {  	_ =	shalt  }
0x5a: {  	_ =	shalt  }
0x5b: {  	_ =	shalt  }
0x5c: {  	_ =	shalt  }
0x5d: {  	_ =	shalt  }
0x5e: {  	_ =	shalt  }
0x5f: {  	_ =	shalt  }
0x60: {  	_ =	shalt  }
0x61: {  	_ =	shalt  }
0x62: {  	_ =	shalt  }
0x63: {  	_ =	shalt  }
0x64: {  	_ =	shalt  }
0x65: {  	_ =	shalt  }
0x66: {  	_ =	shalt  }
0x67: {  	_ =	shalt  }
0x68: {  	_ =	shalt  }
0x69: {  	_ =	shalt  }
0x6a: {  	_ =	shalt  }
0x6b: {  	_ =	shalt  }
0x6c: {  	_ =	shalt  }
0x6d: {  	_ =	shalt  }
0x6e: {  	_ =	shalt  }
0x6f: {  	_ =	shalt  }
0x70: {  	_ =	shalt  }
0x71: {  	_ =	shalt  }
0x72: {  	_ =	shalt  }
0x73: {  	_ =	shalt  }
0x74: {  	_ =	shalt  }
0x75: {  	_ =	shalt  }
0x76: {  	_ =	shalt  }
0x77: {  	_ =	shalt  }
0x78: {  	_ =	shalt  }
0x79: {  	_ =	shalt  }
0x7a: {  	_ =	shalt  }
0x7b: {  	_ =	shalt  }
0x7c: {  	_ =	shalt  }
0x7d: {  	_ =	shalt  }
0x7e: {  	_ =	shalt  }
0x7f: {  	_ =	shalt  }
0x80: {  	_ =	shalt  }
0x81: {  	_ =	shalt  }
0x82: {  	_ =	shalt  }
0x83: {  	_ =	shalt  }
0x84: {  	_ =	shalt  }
0x85: {  	_ =	shalt  }
0x86: {  	_ =	shalt  }
0x87: {  	_ =	shalt  }
.Lfunc_end0:
.L_simem_size_0:
called_computation.3_lowered:
.L_overlay_start_0:
0x88: {  	s2 =	sld [smem:$0x3FD9]  }
0x89: {  	s3 =	sld [smem:$0x3FFE];
	_ =	sdelay $0x1  }
0x8a: {  	s1 =	srdreg.scid  }
0x8b: {  	s0 =	sand.u32 $0x1, s1  }
0x8c: {  	s14 =	sshll.u32 s0, $0xA;
	s2 =	sadd.s32 s3, s2  }
0x8d: {  	s2 =	sadd.s32 s2, s14  }
0x8e: {  	[smem:$0x3FC1] =	sst s2  }
0x8f: {  	_ = 	snop  }
0x90: {  	s2 =	sld [smem:$0x3FD0];
	_ =	sdelay $0x2  }
0x91: {  	s15 =	simm.s32 $0xA;
	s4 =	simm.s32 $0x10  }
0x92: {  	[smem:s4], [sflag:s15] =	dma.local [hbm:s2], $0x1  }
0x93: {  	_ =	swait.eq [sflag:s15], $0x1  }
0x94: {  	[sflag:s15] =	ssyncset.done $0x0  }
0x95: {  	[sflag:s15] =	ssyncadd.s32 $0xFFFFFFFF  }
0x96: {  	s16 =	sld [smem:$0x14];
	(tm) =	ssettm $0x1  }
0x97: {  	s17 =	sld [smem:$0x3FFB];
	_ =	sdelay $0x3  }
0x98: {  	_ =	strace s17  }
0x99: {  	s3 =	sld [smem:$0x3FFC];
	_ =	sdelay $0x3  }
0x9a: {  	_ =	strace s3  }
0x9b: {  	s3 =	sld [smem:$0x3FFD];
	_ =	sdelay $0x3  }
0x9c: {  	_ =	strace s3  }
0x9d: {  	_ =	strace $0x8FFFFFFF  }
0x9e: {  	s18 =	sld [smem:$0x3FDB];
	_ =	sdelay $0x1  }
0x9f: {  	s19 =	simm.s32 $_scs_section_size  }
0xa0: {  	s5 =	simm.s32 $_size__tile_overlayer_lowered;
	s6 =	simm.s32 $_tile_overlayer_lowered  }
0xa1: {  	s22 =	simm.s32 $0x1BFF;
	s21 =	sshll.u32 s6, $0x1;
	s3 =	sadd.s32 s19, s18  }
0xa2: {  	s7 =	simm.s32 $0x0;
	s20 =	sshll.u32 s5, $0x1;
	s5 =	sadd.s32 s21, s3  }
0xa3: {  	[timem:s7], [sflag:s22] =	dma.local [hbm:s5], s20  }
0xa4: {  	_ =	swait.ge [sflag:s22], s20  }
0xa5: {  	s4 =	ssub.s32 $0x0, s20;
	[sflag:s22] =	ssyncset.done $0x0  }
0xa6: {  	[sflag:s22] =	ssyncadd.s32 s4;
	_ =	sdelay $0x1  }
0xa7: {  	s23 =	simm.s32 $0x1B8B  }
0xa8: {  	_ =	swait.ge [sflag:s23], $0x1  }
0xa9: {  	[sflag:s23] =	ssyncset.done $0x0  }
0xaa: {  	s25 =	simm.s32 $0x1B8E;
	s24 =	sld [smem:$0x3FFE];
	[sflag:s23] =	ssyncadd.s32 $0xFFFFFFFF  }
0xab: {  	s26 =	simm.s32 $execute0_lowered;
	[smem:$0x3FD2] =	sst s25  }
0xac: {  	s5 =	sshll.u32 s26, $0x1;
	_ =	strace $0x8000004F;
	[dreg:$0x1] =	wrdreg $0xFFFFFFFF  }
0xad: {  	s28 =	simm.s32 $_size_execute0_lowered;
	s3 =	sadd.s32 s3, s5;
	[dreg:$0x0] =	wrdreg $0x0  }
0xae: {  	s5 =	sshll.u32 s28, $0x1;
	[dreg:$0x2] =	wrdreg s3  }
0xaf: {  	[dreg:$0x3] =	wrdreg s5  }
0xb0: {  	[dreg:$0x4] =	wrdreg $0xC0  }
0xb1: {  	_ =	task [dreg:s7], $0x5FFFF  }
0xb2: {  	[dreg:$0x1] =	wrdreg $0xFFFFFFFF  }
0xb3: {  	[dreg:$0x0] =	wrdreg $0x60  }
0xb4: {  	[dreg:$0x2] =	wrdreg s24  }
0xb5: {  	[dreg:$0x3] =	wrdreg s16  }
0xb6: {  	[dreg:$0x4] =	wrdreg $0x9  }
0xb7: {  	_ =	task.clear_ibuf [dreg:s7], $0x5FFFF;
	_ =	strace $0x9000004F  }
0xb8: {  	s29 =	simm.s32 $0x9;
	_ =	strace $0x80000051  }
0xb9: {  	_ =	swait.ge [sflag:s29], $0x1  }
0xba: {  	[sflag:s29] =	ssyncadd.s32 $0xFFFFFFFF  }
0xbb: {  	_ =	strace $0x90000051  }
0xbc: {  	_ =	sfence  }
0xbd: {  	s30 =	sld [smem:$0x0];
	_ =	sdelay $0x2  }
0xbe: {  	s31 =	sshll.u32 s1, $0xD;
	s1 =	sshrl.u32 s1, $0x2  }
0xbf: {  	s3 =	sand.u32 $0x4000, s31;
	s1 =	sadd.s32 s1, s30  }
0xc0: {  	s0 =	sor.u32 s3, s0;
	s1 =	sshll.u32 s1, $0x11  }
0xc1: {  	s0 =	sor.u32 s1, s0  }
0xc2: {  	s0 =	sadd.s32 $0x8F2B, s0  }
0xc3: {  	[sflag:s0] =	ssyncadd.remote.s32 $0x1  }
0xc4: {  	_ =	sfence.sel $0xFFFF  }
0xc5: {  	[dreg:$0x0] =	wrdreg $0xFFFFFFFF;
	(pc) =	sbr.abs _section_cstart, $3  }
0xc6: {  	[dreg:$0x1] =	wrdreg $0xFFFFFFFF  }
0xc7: {  	_ =	task.clear_ibuf [dreg:s7], $0x2FFFF;
	_ =	strace $0x9FFFFFFF  }
0xc8: {  	(tm) =	ssettm $0x7FFFFFFF  }
0xc9: {  	_ =	shalt  }
tec
execute0_lowered:
.L_overlay_start_1:
0x0: {  	(tag) =	ssettag $0x1  }
0x1: {  	s14 =	rddreg [dreg:$0x0]  }
0x2: {  	s15 =	rddreg [dreg:$0x1]  }
0x3: {  	s0 =	rddreg [dreg:$0x2];
	s1 =	simm.s32 $0x0  }
0x4: {  	s5 =	stileid.u32;
	s12 =	srdreg.scid;
	s20 =	simm.s32 $0x3300  }
0x5: {  	s21 =	simm.s32 $0x6300;
	s22 =	simm.s32 $0x9300;
	[smem:$0x7FF] =	sst s1  }
0x6: {  	s23 =	simm.s32 $0x0;
	s2 =	sadd.s32 $0x18A600, s14;
	s3 =	sadd.s32 $0x1BB400, s14  }
0x7: {  	s4 =	sadd.s32 $0x65800, s14;
	s6 =	sadd.s32 $0x96600, s14;
	s7 =	sadd.s32 $0xC7400, s14  }
0x8: {  	s8 =	sadd.s32 $0xF8200, s14;
	s10 =	sadd.s32 $0x1EC200, s14;
	s11 =	smul.u32 $0x600, s5  }
0x9: {  	s16 =	sand.u32 $0x1, s12;
	s12 =	sadd.s32 $0x15FE00, s14;
	s18 =	smul.u32 $0x60, s5  }
.Ltmp0:
0xa: {  	s9 =	sadd.s32 $0x129000, s14;
	s13 =	sadd.s32 $0x159E00, s14;
	(pc) =	sbr.rel .LBB2_1-.Ltmp0, $4  }
0xb: {  	_ =	strace $0x80000050;
	s17 =	ssub.s32 $0x2, s16;
	p0 =	seq.s32 s16, $0x1  }
0xc: {  	s19 =	sadd.s32 s11, s14;
	s31 =	sshrl.u32 s17, $0x1;
	s14 =	sadd.s32 s15, s18  }
0xd: {  	s18 =	simm.s32 $0x1;
	s17 =	ssub.s32 s17, s31;
	s15 =	sadd.s32 $0x16BE00, s19  }
0xe: {  	s16 =	sadd.s32 $0x165E00, s19;
	s19 =	simm.s32 $0x300;
	s17 =	smax.u32 s17, $0x1  }
.LBB2_7:
0xf: {  	v3 =	vld [tilespmem:s24+$0x300];
	_ =	sdelay $0x4  }
0x10: {  	v1 =	vadd.f32 v2, v1;
	v0 =	vadd.f32 v0, v3;
	_ =	sdelay $0x1  }
0x11: {  	v0 =	vadd.f32 v1, v0;
	_ =	sdelay $0x1  }
0x12: {  	v0 =	vmul.f32 $2.500000000e-01, v0;
	_ =	sdelay $0x1  }
0x13: {  	[tilespmem:s24+$0x300] =	vst v0;
	s24 =	smov.u32 s13  }
.LBB2_8:
0x14: {  	s23 =	sadd.s32 $0x1, s23  }
0x15: {  	p1 =	sne.s32 s23, s17  }
.Ltmp1:
0x16: {  	s24 =	sadd.s32 s24, s11;
	(pc) =	sbr.rel @!p1 .LBB2_9-.Ltmp1, $4  }
0x17: {  	[hbm4b:s24+s1] =	stream.linear.scatter [tilespmem:s19], [sflag:$0x1], $0x3000, $0x38;
	[tilespmem:$0xC300] =	vst v63  }
0x18: {  	_ =	swait.ge [sflag:s18], $0x3000  }
0x19: {  	[sflag:s18] =	ssyncset.done $0x0  }
0x1a: {  	[sflag:s18] =	ssyncadd.s32 $0xFFFFD000  }
.LBB2_1:
.Ltmp2:
0x1b: {  	(pc) =	sbr.rel @!p0 .LBB2_2-.Ltmp2, $4  }
0x1c: {  	[tilespmem:s1], [sflag:$0x1] =	stream.linear.gather [hbm4b:s14+s1], $0x300, $0x38;
	[tilespmem:$0xC300] =	vst v63  }
0x1d: {  	_ =	swait.ge [sflag:s18], $0x300  }
0x1e: {  	[sflag:s18] =	ssyncset.done $0x0  }
0x1f: {  	s24 =	simm.s32 $0x0;
	[sflag:s18] =	ssyncadd.s32 $0xFFFFFD00  }
0x20: {  	[tilespmem:s19], [sflag:$0x1] =	stream.indirect.gather [hbm4b:s3+s19], $0x10, s24, s19, $0xb8;
	[tilespmem:$0xC300] =	vst v63  }
0x21: {  	_ =	swait.ge [sflag:s18], $0x3000  }
0x22: {  	[sflag:s18] =	ssyncset.done $0x0  }
0x23: {  	[sflag:s18] =	ssyncadd.s32 $0xFFFFD000  }
0x24: {  	[tilespmem:s20], [sflag:$0x1] =	stream.indirect.gather [hbm4b:s6+s19], $0x10, s24, s19, $0xb8;
	[tilespmem:$0xC300] =	vst v63  }
0x25: {  	_ =	swait.ge [sflag:s18], $0x3000  }
0x26: {  	[sflag:s18] =	ssyncset.done $0x0  }
0x27: {  	[sflag:s18] =	ssyncadd.s32 $0xFFFFD000  }
0x28: {  	[tilespmem:s21], [sflag:$0x1] =	stream.indirect.gather [hbm4b:s8+s19], $0x10, s24, s19, $0xb8;
	[tilespmem:$0xC300] =	vst v63  }
0x29: {  	_ =	swait.ge [sflag:s18], $0x3000  }
0x2a: {  	[sflag:s18] =	ssyncset.done $0x0  }
0x2b: {  	[sflag:s18] =	ssyncadd.s32 $0xFFFFD000  }
0x2c: {  	[tilespmem:s22], [sflag:$0x1] =	stream.indirect.gather [hbm4b:s10+s19], $0x10, s24, s19, $0xb8;
	[tilespmem:$0xC300] =	vst v63  }
0x2d: {  	_ =	swait.ge [sflag:s18], $0x3000  }
0x2e: {  	[sflag:s18] =	ssyncset.done $0x0  }
0x2f: {  	[sflag:s18] =	ssyncadd.s32 $0xFFFFD000  }
0x30: {  	[hbm4b:s16+s24] =	stream.linear.scatter [tilespmem:s19], [sflag:$0x1], $0x3000, $0x38;
	[tilespmem:$0xC300] =	vst v63  }
0x31: {  	_ =	swait.ge [sflag:s18], $0x3000  }
0x32: {  	[sflag:s18] =	ssyncset.done $0x0  }
0x33: {  	s24 =	simm.s32 $0x0;
	[sflag:s18] =	ssyncadd.s32 $0xFFFFD000  }
0x34: {  	v0 =	vld [tilespmem:s24+$0x3300]  }
0x35: {  	v1 =	vld [tilespmem:s24+$0x6300]  }
0x36: {  	s25 =	simm.s32 $0x40;
	v2 =	vld [tilespmem:s24+$0x9300]  }
.LBB2_6:
0x37: {  	p1 =	sne.s32 s25, $0xBFC0;
	v3 =	vld [tilespmem:s24+$0x300];
	_ =	sdelay $0x4  }
0x38: {  	v1 =	vadd.f32 v2, v1;
	v0 =	vadd.f32 v0, v3;
	_ =	sdelay $0x1  }
.Ltmp3:
0x39: {  	v1 =	vadd.f32 v1, v0;
	(pc) =	sbr.rel @p1 .LBB2_6-.Ltmp3, $4  }
0x3a: {  	s26 =	sshra.s32 s25, $0x2  }
0x3b: {  	v0 =	vld [tilespmem:s26+$0x3300];
	v3 =	vmul.f32 $2.500000000e-01, v1  }
0x3c: {  	v1 =	vld [tilespmem:s26+$0x6300]  }
0x3d: {  	s25 =	sadd.s32 $0x40, s25;
	v2 =	vld [tilespmem:s26+$0x9300];
	[tilespmem:s24+$0x300] =	vst v3;
	s24 =	smov.u32 s26  }
.Ltmp4:
0x3e: {  	_ = 	snop;
	(pc) =	sbr.rel .LBB2_7-.Ltmp4, $1  }
0x3f: {  	_ =	sdelay $0x3  }
.LBB2_2:
0x40: {  	[tilespmem:s19], [sflag:$0x1] =	stream.indirect.gather [hbm4b:s2+s19], $0x10, s24, s19, $0xb8;
	[tilespmem:$0xC300] =	vst v63  }
0x41: {  	_ =	swait.ge [sflag:s18], $0x3000  }
0x42: {  	[sflag:s18] =	ssyncset.done $0x0  }
0x43: {  	[sflag:s18] =	ssyncadd.s32 $0xFFFFD000  }
0x44: {  	[tilespmem:s20], [sflag:$0x1] =	stream.indirect.gather [hbm4b:s4+s19], $0x10, s24, s19, $0xb8;
	[tilespmem:$0xC300] =	vst v63  }
0x45: {  	_ =	swait.ge [sflag:s18], $0x3000  }
0x46: {  	[sflag:s18] =	ssyncset.done $0x0  }
0x47: {  	[sflag:s18] =	ssyncadd.s32 $0xFFFFD000  }
0x48: {  	[tilespmem:s21], [sflag:$0x1] =	stream.indirect.gather [hbm4b:s7+s19], $0x10, s24, s19, $0xb8;
	[tilespmem:$0xC300] =	vst v63  }
0x49: {  	_ =	swait.ge [sflag:s18], $0x3000  }
0x4a: {  	[sflag:s18] =	ssyncset.done $0x0  }
0x4b: {  	[sflag:s18] =	ssyncadd.s32 $0xFFFFD000  }
0x4c: {  	[tilespmem:s22], [sflag:$0x1] =	stream.indirect.gather [hbm4b:s9+s19], $0x10, s24, s19, $0xb8;
	[tilespmem:$0xC300] =	vst v63  }
0x4d: {  	_ =	swait.ge [sflag:s18], $0x3000  }
0x4e: {  	[sflag:s18] =	ssyncset.done $0x0  }
0x4f: {  	[sflag:s18] =	ssyncadd.s32 $0xFFFFD000  }
0x50: {  	[hbm4b:s15+s24] =	stream.linear.scatter [tilespmem:s19], [sflag:$0x1], $0x3000, $0x38;
	[tilespmem:$0xC300] =	vst v63  }
0x51: {  	_ =	swait.ge [sflag:s18], $0x3000  }
0x52: {  	[sflag:s18] =	ssyncset.done $0x0  }
0x53: {  	s24 =	simm.s32 $0x0;
	[sflag:s18] =	ssyncadd.s32 $0xFFFFD000  }
0x54: {  	v0 =	vld [tilespmem:s24+$0x3300]  }
0x55: {  	v1 =	vld [tilespmem:s24+$0x6300]  }
0x56: {  	s25 =	simm.s32 $0x40;
	v2 =	vld [tilespmem:s24+$0x9300]  }
.LBB2_3:
0x57: {  	p1 =	seq.s32 s25, $0xBFC0;
	v3 =	vld [tilespmem:s24+$0x300];
	_ =	sdelay $0x4  }
0x58: {  	v1 =	vadd.f32 v2, v1;
	v0 =	vadd.f32 v0, v3;
	_ =	sdelay $0x1  }
.Ltmp5:
0x59: {  	v1 =	vadd.f32 v1, v0;
	(pc) =	sbr.rel @!p1 .LBB2_3-.Ltmp5, $4  }
0x5a: {  	s26 =	sshra.s32 s25, $0x2  }
0x5b: {  	v0 =	vld [tilespmem:s26+$0x3300];
	v3 =	vmul.f32 $2.500000000e-01, v1  }
0x5c: {  	v1 =	vld [tilespmem:s26+$0x6300]  }
0x5d: {  	s25 =	sadd.s32 $0x40, s25;
	v2 =	vld [tilespmem:s26+$0x9300];
	[tilespmem:s24+$0x300] =	vst v3;
	s24 =	smov.u32 s26  }
0x5e: {  	v3 =	vld [tilespmem:s24+$0x300];
	_ =	sdelay $0x4  }
0x5f: {  	v1 =	vadd.f32 v2, v1;
	v0 =	vadd.f32 v0, v3;
	_ =	sdelay $0x1  }
.Ltmp6:
0x60: {  	v0 =	vadd.f32 v1, v0;
	(pc) =	sbr.rel .LBB2_8-.Ltmp6, $3  }
0x61: {  	_ = 	snop  }
0x62: {  	v0 =	vmul.f32 $2.500000000e-01, v0;
	_ =	sdelay $0x1  }
0x63: {  	[tilespmem:s24+$0x300] =	vst v0;
	s24 =	smov.u32 s12  }
.LBB2_9:
0x64: {  	_ =	sfence.sel $0x180000  }
0x65: {  	[bflag:$0x0] =	sbarrier.arrive $0xFFFF  }
0x66: {  	p0 =	sne.s32 s5, $0x0;
	_ =	strace $0x90000050  }
0x67: {  	s0 =	sadd.s32 @!p0 $0x100000, s0;
	[bflag:$0x2] =	sbarrier.arrive $0xFFFF  }
0x68: {  	[sflag:s0] =	ssyncadd.tile.s32 @!p0 $0x1;
	_ =	shalt  }
.Lfunc_end2:
_tile_overlayer_lowered:
.L_overlay_start_2:
0x69: {  	(tag) =	ssettag $0x2  }
0x6a: {  	s0 =	rddreg [dreg:$0x0];
	s2 =	stileid.u32  }
0x6b: {  	s1 =	rddreg [dreg:$0x1];
	p0 =	sne.s32 s2, $0x0  }
0x6c: {  	s3 =	rddreg [dreg:$0x2];
	[bflag:$0x3] =	sbarrier.arrive $0xFFFF;
	s2 =	simm.s32 @!p0 $0x1C01  }
0x6d: {  	[timem:s3], [sflag:s2] =	dma.local @!p0 [hbm:s0], s1  }
0x6e: {  	s0 =	simm.s32 @!p0 $0x1  }
0x6f: {  	_ =	swait.ge @!p0 [sflag:s0], s1  }
0x70: {  	s1 =	ssub.s32 @!p0 $0x0, s1;
	[sflag:s0] =	ssyncset.done @!p0 $0x0  }
0x71: {  	[sflag:s0] =	ssyncadd.s32 @!p0 s1  }
0x72: {  	[bflag:$0x3] =	sbarrier.arrive $0xFFFF  }
0x73: {  	_ =	shalt  }

// kernel: kernel.6.cloned.1.call-start
scs
__scs_entry_jumppad:
0x0: {  	(pc) =	sbr.rel $0x88, $3  }
0x1: {  	(tag) =	ssettag $0x0;
	lr =	simm.s32 $0x1  }
0x2: {  	[smem:$0x3F9A] =	sst lr;
	_ =	strace $0xD0000000  }
0x3: {  	_ = 	snop  }
0x4: {  	_ = 	snop  }
0x5: {  	_ = 	snop  }
0x6: {  	_ = 	snop  }
0x7: {  	_ = 	snop  }
__scs_overlays_trampoline_lowered:
0x8: {  	[smem:$0x3FA9] =	sst s0  }
0x9: {  	[smem:$0x3FAA] =	sst s1  }
0xa: {  	[smem:$0x3FAB] =	sst s2  }
0xb: {  	[smem:$0x3FAC] =	sst s3  }
0xc: {  	[smem:$0x3FAD] =	sst s4  }
0xd: {  	[smem:$0x3FAE] =	sst s5  }
0xe: {  	[smem:$0x3FAF] =	sst s6  }
0xf: {  	[smem:$0x3FB0] =	sst s7  }
0x10: {  	[smem:$0x3FB1] =	sst s8  }
0x11: {  	[smem:$0x3FB2] =	sst s9;
	s0 =	simm.s32 @!p0 $0x0  }
0x12: {  	s1 =	sld [smem:$0x3F98];
	s0 =	simm.s32 @p0 $0x1  }
0x13: {  	[smem:$0x3FB3] =	sst s0;
	s0 =	simm.s32 @!p1 $0x0  }
0x14: {  	s2 =	sld [smem:$0x3F97];
	s0 =	simm.s32 @p1 $0x1  }
0x15: {  	[smem:$0x3FB4] =	sst s0;
	s0 =	simm.s32 @!p2 $0x0  }
0x16: {  	s3 =	sld [smem:$0x3FDB];
	s0 =	simm.s32 @p2 $0x1  }
0x17: {  	s4 =	simm.s32 $0x1BF5;
	[smem:$0x3FB6] =	sst s0  }
0x18: {  	s0 =	sld [smem:$0x3F99];
	_ =	swait.ge [sflag:s4], $0x0  }
0x19: {  	s7 =	sld [smem:$0x3F9A]  }
0x1a: {  	s8 =	sadd.s32 $0xFFFFE003, lr  }
0x1b: {  	s9 =	sadd.s32 $0xFFFFFEF7, lr;
	s5 =	simm.s32 $0xFFFFFFFF;
	p2 =	slt.u32 s8, $0xFFFFF086  }
0x1c: {  	p1 =	slt.u32 s9, $0xF7A;
	s5 =	simm.s32 @!p2 $0x0  }
0x1d: {  	s5 =	simm.s32 @p1 $0x1;
	p0 =	seq.s32 s7, s2  }
0x1e: {  	s7 =	smul.u32 @!p0 $0xF7A, s2;
	p2 =	seq.s32 @!p0 s5, $0x0  }
0x1f: {  	s9 =	smul.u32 $0xF7A, s1;
	s8 =	simm.s32 @!p0 $0x1BF5;
	p2 =	por !p2, p0  }
0x20: {  	[sflag:s8] =	ssyncset.s32 @!p0 $0xFFFFF086;
	s6 =	sadd.s32 @!p0 s3, s7;
	s7 =	simm.s32 @!p0 $0x108  }
0x21: {  	s3 =	sadd.s32 s3, s9;
	s6 =	sadd.s32 @!p0 $0x88, s6;
	s7 =	simm.s32 @p2 $0x1082  }
0x22: {  	[simem:s7], [sflag:s8] =	dma.local @!p0 [hbm:s6], $0xF7A  }
0x23: {  	s9 =	sor.u32 $0xD0000000, s2;
	s6 =	simm.s32 $0x108;
	_ =	swait.ge @!p0 [sflag:s8], $0x0  }
0x24: {  	s3 =	sadd.s32 $0x88, s3;
	s6 =	simm.s32 @!p1 $0x1082;
	[sflag:s4] =	ssyncset.s32 $0xFFFFF086  }
0x25: {  	[simem:s6], [sflag:s4] =	dma.local [hbm:s3], $0xF7A  }
0x26: {  	[smem:$0x3F9A] =	sst s1;
	(tag) =	ssettag s2;
	_ =	strace s9  }
0x27: {  	s1 =	sld [smem:$0x3FAA]  }
0x28: {  	s2 =	sld [smem:$0x3FAB]  }
0x29: {  	s4 =	sld [smem:$0x3FAD]  }
0x2a: {  	p0 =	seq.s32 s5, $0x0;
	s5 =	sld [smem:$0x3FAE]  }
0x2b: {  	s6 =	sld [smem:$0x3FAF]  }
0x2c: {  	s7 =	sld [smem:$0x3FB0]  }
0x2d: {  	s3 =	simm.s32 $0x108;
	s8 =	sld [smem:$0x3FB1]  }
0x2e: {  	s3 =	simm.s32 @!p0 $0x1082;
	s9 =	sld [smem:$0x3FB2]  }
0x2f: {  	lr =	sadd.s32 s0, s3;
	s0 =	sld [smem:$0x3FA9]  }
0x30: {  	s3 =	sld [smem:$0x3FAC]  }
0x31: {  	[smem:$0x3FB5] =	sst s10  }
0x32: {  	s10 =	sld [smem:$0x3FB3];
	_ =	sdelay $0x3  }
0x33: {  	p0 =	seq.s32 s10, $0x1;
	s10 =	sld [smem:$0x3FB5];
	_ =	sdelay $0x3  }
0x34: {  	[smem:$0x3FB5] =	sst s10  }
0x35: {  	s10 =	sld [smem:$0x3FB4];
	_ =	sdelay $0x3  }
0x36: {  	p1 =	seq.s32 s10, $0x1;
	s10 =	sld [smem:$0x3FB5];
	_ =	sdelay $0x3  }
0x37: {  	[smem:$0x3FB5] =	sst s10  }
0x38: {  	s10 =	sld [smem:$0x3FB6]  }
0x39: {  	_ = 	snop;
	(pc) =	sbr.ind lr, $3  }
0x3a: {  	_ = 	snop  }
0x3b: {  	_ = 	snop  }
0x3c: {  	p2 =	seq.s32 s10, $0x1;
	s10 =	sld [smem:$0x3FB5]  }
0x3d: {  	_ =	shalt  }
0x3e: {  	_ =	shalt  }
0x3f: {  	_ =	shalt  }
0x40: {  	_ =	shalt  }
0x41: {  	_ =	shalt  }
0x42: {  	_ =	shalt  }
0x43: {  	_ =	shalt  }
0x44: {  	_ =	shalt  }
0x45: {  	_ =	shalt  }
0x46: {  	_ =	shalt  }
0x47: {  	_ =	shalt  }
0x48: {  	_ =	shalt  }
0x49: {  	_ =	shalt  }
0x4a: {  	_ =	shalt  }
0x4b: {  	_ =	shalt  }
0x4c: {  	_ =	shalt  }
0x4d: {  	_ =	shalt  }
0x4e: {  	_ =	shalt  }
0x4f: {  	_ =	shalt  }
0x50: {  	_ =	shalt  }
0x51: {  	_ =	shalt  }
0x52: {  	_ =	shalt  }
0x53: {  	_ =	shalt  }
0x54: {  	_ =	shalt  }
0x55: {  	_ =	shalt  }
0x56: {  	_ =	shalt  }
0x57: {  	_ =	shalt  }
0x58: {  	_ =	shalt  }
0x59: {  	_ =	shalt  }
0x5a: {  	_ =	shalt  }
0x5b: {  	_ =	shalt  }
0x5c: {  	_ =	shalt  }
0x5d: {  	_ =	shalt  }
0x5e: {  	_ =	shalt  }
0x5f: {  	_ =	shalt  }
0x60: {  	_ =	shalt  }
0x61: {  	_ =	shalt  }
0x62: {  	_ =	shalt  }
0x63: {  	_ =	shalt  }
0x64: {  	_ =	shalt  }
0x65: {  	_ =	shalt  }
0x66: {  	_ =	shalt  }
0x67: {  	_ =	shalt  }
0x68: {  	_ =	shalt  }
0x69: {  	_ =	shalt  }
0x6a: {  	_ =	shalt  }
0x6b: {  	_ =	shalt  }
0x6c: {  	_ =	shalt  }
0x6d: {  	_ =	shalt  }
0x6e: {  	_ =	shalt  }
0x6f: {  	_ =	shalt  }
0x70: {  	_ =	shalt  }
0x71: {  	_ =	shalt  }
0x72: {  	_ =	shalt  }
0x73: {  	_ =	shalt  }
0x74: {  	_ =	shalt  }
0x75: {  	_ =	shalt  }
0x76: {  	_ =	shalt  }
0x77: {  	_ =	shalt  }
0x78: {  	_ =	shalt  }
0x79: {  	_ =	shalt  }
0x7a: {  	_ =	shalt  }
0x7b: {  	_ =	shalt  }
0x7c: {  	_ =	shalt  }
0x7d: {  	_ =	shalt  }
0x7e: {  	_ =	shalt  }
0x7f: {  	_ =	shalt  }
0x80: {  	_ =	shalt  }
0x81: {  	_ =	shalt  }
0x82: {  	_ =	shalt  }
0x83: {  	_ =	shalt  }
0x84: {  	_ =	shalt  }
0x85: {  	_ =	shalt  }
0x86: {  	_ =	shalt  }
0x87: {  	_ =	shalt  }
.Lfunc_end0:
.L_simem_size_0:
called_computation_lowered:
.L_overlay_start_0:
0x88: {  	s2 =	sld [smem:$0x3FD9]  }
0x89: {  	s3 =	sld [smem:$0x3FFE];
	_ =	sdelay $0x1  }
0x8a: {  	s1 =	srdreg.scid  }
0x8b: {  	s0 =	sand.u32 $0x1, s1  }
0x8c: {  	s17 =	sshll.u32 s0, $0xA;
	s2 =	sadd.s32 s3, s2  }
0x8d: {  	s2 =	sadd.s32 s2, s17  }
0x8e: {  	[smem:$0x3FC1] =	sst s2  }
0x8f: {  	_ = 	snop  }
0x90: {  	s2 =	sld [smem:$0x3FC5];
	(tm) =	ssettm $0x1  }
0x91: {  	s18 =	sld [smem:$0x3FFB];
	_ =	sdelay $0x3  }
0x92: {  	_ =	strace s18  }
0x93: {  	s3 =	sld [smem:$0x3FFC];
	_ =	sdelay $0x3  }
0x94: {  	_ =	strace s3  }
0x95: {  	s3 =	sld [smem:$0x3FFD];
	_ =	sdelay $0x3  }
0x96: {  	_ =	strace s3  }
0x97: {  	_ =	strace $0x8FFFFFFF  }
0x98: {  	s19 =	sld [smem:$0x3FDB];
	_ =	sdelay $0x1  }
0x99: {  	s4 =	simm.s32 $_scs_section_size  }
0x9a: {  	s5 =	simm.s32 $_size__tile_overlayer_lowered;
	s6 =	simm.s32 $_tile_overlayer_lowered  }
0x9b: {  	s22 =	simm.s32 $0x1BFF;
	s21 =	sshll.u32 s6, $0x1;
	s3 =	sadd.s32 s4, s19  }
0x9c: {  	s7 =	simm.s32 $0x0;
	s20 =	sshll.u32 s5, $0x1;
	s5 =	sadd.s32 s21, s3  }
0x9d: {  	[timem:s7], [sflag:s22] =	dma.local [hbm:s5], s20  }
0x9e: {  	_ =	swait.ge [sflag:s22], s20  }
0x9f: {  	s4 =	ssub.s32 $0x0, s20;
	[sflag:s22] =	ssyncset.done $0x0  }
0xa0: {  	[sflag:s22] =	ssyncadd.s32 s4;
	_ =	sdelay $0x1  }
0xa1: {  	s23 =	simm.s32 $0x1B8B  }
0xa2: {  	_ =	swait.ge [sflag:s23], $0x1  }
0xa3: {  	[sflag:s23] =	ssyncset.done $0x0  }
0xa4: {  	s25 =	simm.s32 $0x1B8E;
	s24 =	sld [smem:$0x3FFE];
	[sflag:s23] =	ssyncadd.s32 $0xFFFFFFFF  }
0xa5: {  	s26 =	simm.s32 $execute0_lowered;
	[smem:$0x3FD2] =	sst s25  }
0xa6: {  	s5 =	sshll.u32 s26, $0x1;
	_ =	strace $0x80000046;
	[dreg:$0x1] =	wrdreg $0xFFFFFFFF  }
0xa7: {  	s28 =	simm.s32 $_size_execute0_lowered;
	s3 =	sadd.s32 s3, s5;
	[dreg:$0x0] =	wrdreg $0x0  }
0xa8: {  	s5 =	sshll.u32 s28, $0x1;
	[dreg:$0x2] =	wrdreg s3  }
0xa9: {  	[dreg:$0x3] =	wrdreg s5  }
0xaa: {  	[dreg:$0x4] =	wrdreg $0xC0  }
0xab: {  	_ =	task [dreg:s7], $0x5FFFF  }
0xac: {  	[dreg:$0x1] =	wrdreg $0xFFFFFFFF  }
0xad: {  	[dreg:$0x0] =	wrdreg $0x60  }
0xae: {  	[dreg:$0x2] =	wrdreg s24  }
0xaf: {  	[dreg:$0x3] =	wrdreg s2  }
0xb0: {  	[dreg:$0x4] =	wrdreg $0x3B600  }
0xb1: {  	[dreg:$0x5] =	wrdreg $0x9  }
0xb2: {  	_ =	task.clear_ibuf [dreg:s7], $0x6FFFF;
	_ =	strace $0x90000046  }
0xb3: {  	s29 =	simm.s32 $0x9;
	_ =	strace $0x80000048  }
0xb4: {  	_ =	swait.ge [sflag:s29], $0x1  }
0xb5: {  	[sflag:s29] =	ssyncadd.s32 $0xFFFFFFFF  }
0xb6: {  	_ =	strace $0x90000048  }
0xb7: {  	_ =	sfence  }
0xb8: {  	s30 =	sld [smem:$0x0];
	_ =	sdelay $0x2  }
0xb9: {  	s31 =	sshll.u32 s1, $0xD;
	s1 =	sshrl.u32 s1, $0x2  }
0xba: {  	s3 =	sand.u32 $0x4000, s31;
	s1 =	sadd.s32 s1, s30  }
0xbb: {  	s0 =	sor.u32 s3, s0;
	s1 =	sshll.u32 s1, $0x11  }
0xbc: {  	s0 =	sor.u32 s1, s0  }
0xbd: {  	s0 =	sadd.s32 $0x8F2B, s0  }
0xbe: {  	[sflag:s0] =	ssyncadd.remote.s32 $0x1  }
0xbf: {  	_ =	sfence.sel $0xFFFF  }
0xc0: {  	[dreg:$0x0] =	wrdreg $0xFFFFFFFF;
	(pc) =	sbr.abs _section_cstart, $3  }
0xc1: {  	[dreg:$0x1] =	wrdreg $0xFFFFFFFF  }
0xc2: {  	_ =	task.clear_ibuf [dreg:s7], $0x2FFFF;
	_ =	strace $0x9FFFFFFF  }
0xc3: {  	(tm) =	ssettm $0x7FFFFFFF  }
tec
execute0_lowered:
.L_overlay_start_1:
0x0: {  	(tag) =	ssettag $0x1  }
0x1: {  	s9 =	rddreg [dreg:$0x0]  }
0x2: {  	s1 =	rddreg [dreg:$0x1]  }
0x3: {  	s3 =	rddreg [dreg:$0x2]  }
0x4: {  	s0 =	rddreg [dreg:$0x3]  }
0x5: {  	s4 =	simm.s32 $0x0;
	s2 =	stileid.u32;
	s8 =	srdreg.scid  }
0x6: {  	s18 =	simm.s32 $0x640;
	s19 =	simm.s32 $0x1;
	s20 =	simm.s32 $0x0  }
0x7: {  	[smem:$0x7FF] =	sst s4;
	s10 =	smul.u32 $0x7D, s2;
	s5 =	sadd.s32 $0x18A600, s9  }
0x8: {  	s6 =	sadd.s32 $0x1BB400, s9;
	s7 =	sadd.s32 $0x34A00, s9;
	s12 =	sand.u32 $0x1, s8  }
0x9: {  	s8 =	sadd.s32 $0x3C00, s9;
	_ =	strace $0x80000047;
	s11 =	sshrl.u32 s10, $0x4  }
0xa: {  	s14 =	ssub.s32 $0x2, s12;
	p0 =	seq.s32 s12, $0x1;
	s13 =	smul.u32 $0x640, s11  }
0xb: {  	s15 =	sshrl.u32 s14, $0x1;
	s10 =	sadd.s32 $0x7D, s10;
	s16 =	smul.u32 $0xC800, s11  }
.Ltmp0:
0xc: {  	s29 =	ssub.s32 s14, s15;
	s30 =	sshrl.u32 s10, $0x4;
	(pc) =	sbr.rel .LBB2_1-.Ltmp0, $4  }
0xd: {  	s10 =	smul.u32 $0x186A0, s2;
	s15 =	simm.s32 $0x960;
	s17 =	sadd.s32 s13, s9  }
0xe: {  	s9 =	ssub.s32 s30, s11;
	s31 =	sshrl.u32 s16, $0x2;
	s11 =	smax.u32 s29, $0x1  }
0xf: {  	v1 =	vimm.s32 $0x0;
	vm0 =	vcmask $0x300;
	s16 =	simm.s32 $0x2;
	s12 =	sadd.s32 s31, s3;
	s13 =	sadd.s32 $0x65800, s17  }
0x10: {  	v0 =	vimm.f32 $0.0e+00;
	v1 =	vsel vm0, $0x3, v1;
	s14 =	sadd.s32 $0x96600, s17;
	p1 =	slt.s32 s9, $0x1;
	s17 =	simm.s32 $0x320  }
.LBB2_21:
0x11: {  	[sflag:s16] =	ssyncset.done $0x0  }
0x12: {  	[sflag:s16] =	ssyncadd.s32 $0xFFFFF9C0  }
.LBB2_22:
0x13: {  	s20 =	sadd.s32 $0x1, s20  }
0x14: {  	p2 =	sne.s32 s20, s11  }
.Ltmp1:
0x15: {  	_ = 	snop;
	(pc) =	sbr.rel @!p2 .LBB2_23-.Ltmp1, $1  }
0x16: {  	_ =	sdelay $0x3  }
.LBB2_1:
0x17: {  	s21 =	simm.s32 $0x40;
	s22 =	simm.s32 $0x0  }
.LBB2_2:
0x18: {  	p2 =	sne.s32 s21, $0xC7C0;
	[tilespmem:s22+$0x960] =	vst v0;
	s22 =	smov.u32 s21;
	s21 =	sadd.s32 $0x40, s21  }
.Ltmp2:
0x19: {  	(pc) =	sbr.rel @p2 .LBB2_2-.Ltmp2, $2  }
0x1a: {  	_ =	sdelay $0x2  }
0x1b: {  	s22 =	sshra.s32 s22, $0x2  }
.Ltmp3:
0x1c: {  	(pc) =	sbr.rel @p1 .LBB2_7-.Ltmp3, $2  }
0x1d: {  	_ =	sdelay $0x2  }
0x1e: {  	[tilespmem:s22+$0x960] =	vst v0  }
0x1f: {  	p2 =	sne.s32 s9, $0x1  }
.Ltmp4:
0x20: {  	_ = 	snop;
	(pc) =	sbr.rel @!p2 .LBB2_6-.Ltmp4, $4  }
0x21: {  	_ = 	snop  }
0x22: {  	[spmem:s12] =	stream.linear.scatter [tilespmem:s15], [sflag:$0x2], $0x3200, $0x38;
	[tilespmem:$0x1C200] =	vst v63  }
0x23: {  	_ =	swait.ge [sflag:s16], $0x3200  }
0x24: {  	s21 =	sadd.s32 $0xFFFFFFFF, s9;
	s22 =	smov.u32 s12;
	[sflag:s16] =	ssyncset.done $0x0  }
.LBB2_5:
0x25: {  	p2 =	sne.s32 s21, $0x1;
	[sflag:s16] =	ssyncadd.s32 $0xFFFFCE00;
	s22 =	sadd.s32 $0x3200, s22  }
.Ltmp5:
0x26: {  	s21 =	sadd.s32 $0xFFFFFFFF, s21;
	(pc) =	sbr.rel @p2 .LBB2_5-.Ltmp5, $4  }
0x27: {  	_ = 	snop  }
0x28: {  	[spmem:s22] =	stream.linear.scatter [tilespmem:s15], [sflag:$0x2], $0x3200, $0x38;
	[tilespmem:$0x1C200] =	vst v63  }
0x29: {  	_ =	swait.ge [sflag:s16], $0x3200  }
0x2a: {  	[sflag:s16] =	ssyncset.done $0x0  }
.LBB2_6:
0x2b: {  	[sflag:s16] =	ssyncadd.s32 $0xFFFFCE00  }
.LBB2_7:
.Ltmp6:
0x2c: {  	(pc) =	sbr.rel @!p0 .LBB2_8-.Ltmp6, $3  }
0x2d: {  	_ =	sdelay $0x1  }
0x2e: {  	[bflag:$0x0] =	sbarrier.arrive $0xFFFF  }
0x2f: {  	s21 =	simm.s32 $0x0  }
.LBB2_15:
0x30: {  	s22 =	smul.u32 $0x320, s21;
	_ =	sdelay $0x1  }
0x31: {  	s22 =	sadd.s32 s10, s22  }
0x32: {  	s22 =	sshrl.u32 s22, $0x3  }
0x33: {  	s23 =	sadd.s32 s7, s22  }
0x34: {  	[tilespmem:s4], [sflag:$0x2] =	stream.linear.gather [hbm4b:s23+s4], $0x320, $0x38;
	[tilespmem:$0x1C200] =	vst v63  }
0x35: {  	_ =	swait.ge [sflag:s16], $0x320  }
0x36: {  	[sflag:s16] =	ssyncset.done $0x0  }
0x37: {  	s30 =	sadd.s32 s8, s22;
	[sflag:s16] =	ssyncadd.s32 $0xFFFFFCE0  }
0x38: {  	[tilespmem:s17], [sflag:$0x2] =	stream.linear.gather [hbm4b:s30+s4], $0x320, $0x38;
	[tilespmem:$0x1C200] =	vst v63  }
0x39: {  	_ =	swait.ge [sflag:s16], $0x320  }
0x3a: {  	s31 =	simm.s32 $0x0;
	[sflag:s16] =	ssyncset.done $0x0  }
0x3b: {  	v2 =	vmov s31;
	s22 =	sadd.s32 s1, s22;
	[sflag:s16] =	ssyncadd.s32 $0xFFFFFCE0  }
0x3c: {  	v2 =	vshrl.u32 v2, $0x3;
	[tilespmem:s18], [sflag:$0x2] =	stream.linear.gather [hbm4b:s22+s4], $0x320, $0x38;
	[tilespmem:$0x1C200] =	vst v63  }
0x3d: {  	v2 =	vshll.u32 v2, v1;
	_ =	swait.ge [sflag:s16], $0x320  }
0x3e: {  	v2 =	vbroadcast v2, $0x0;
	[sflag:s16] =	ssyncset.done $0x0  }
0x3f: {  	[sflag:s16] =	ssyncadd.s32 $0xFFFFFCE0  }
0x40: {  	[tilespmem:s15], [sflag:$0x1] =	stream.indirect.gather [hbm4b:s6+s17], $0x10, s4, s17, $0xb8;
	[tilespmem:$0x1C200] =	vst v63  }
0x41: {  	_ =	swait.ge [sflag:s19], $0x3200  }
0x42: {  	s23 =	simm.s32 $0x1;
	[sflag:s19] =	ssyncset.done $0x0  }
0x43: {  	v3 =	vmov s23;
	[sflag:s19] =	ssyncadd.s32 $0xFFFFCE00  }
0x44: {  	v3 =	vshrl.u32 v3, $0x3;
	s22 =	simm.s32 $0x9E0;
	v2 =	vld.idx.msk [tilespmem:v2+s18+$0x0], $0xffff  }
0x45: {  	v3 =	vshll.u32 v3, v1;
	v4 =	vld [tilespmem:s22+$0xFFFFFF80]  }
0x46: {  	v3 =	vadd.s32 $0x1, v3  }
0x47: {  	v3 =	vbroadcast v3, $0x0;
	_ =	sdelay $0x2  }
0x48: {  	v2 =	vmul.f32 v4, v2  }
0x49: {  	s24 =	simm.s32 $0x2  }
0x4a: {  	v50 =	vld [tilespmem:s22+$0xFFFFFF90];
	[tilespmem:s22+$0xFFFFFF80] =	vst v2;
	v2 =	vmov s24  }
0x4b: {  	v3 =	vld.idx.msk [tilespmem:v3+s18+$0x0], $0xffff;
	v2 =	vshrl.u32 v2, $0x3  }
0x4c: {  	v2 =	vshll.u32 v2, v1  }
0x4d: {  	v2 =	vadd.s32 $0x2, v2  }
0x4e: {  	v2 =	vbroadcast v2, $0x0;
	_ =	sdelay $0x1  }
0x4f: {  	v3 =	vmul.f32 v50, v3  }
0x50: {  	s25 =	simm.s32 $0x3  }
0x51: {  	[tilespmem:s22+$0xFFFFFF90] =	vst v3;
	v3 =	vmov s25  }
0x52: {  	v51 =	vld [tilespmem:s22+$0xFFFFFFA0];
	v3 =	vshrl.u32 v3, $0x3  }
0x53: {  	v2 =	vld.idx.msk [tilespmem:v2+s18+$0x0], $0xffff;
	v3 =	vshll.u32 v3, v1  }
0x54: {  	v3 =	vadd.s32 $0x3, v3  }
0x55: {  	v3 =	vbroadcast v3, $0x0;
	_ =	sdelay $0x2  }
0x56: {  	v2 =	vmul.f32 v51, v2  }
0x57: {  	s26 =	simm.s32 $0x4  }
0x58: {  	v52 =	vld [tilespmem:s22+$0xFFFFFFB0];
	[tilespmem:s22+$0xFFFFFFA0] =	vst v2;
	v2 =	vmov s26  }
0x59: {  	v3 =	vld.idx.msk [tilespmem:v3+s18+$0x0], $0xffff;
	v2 =	vshrl.u32 v2, $0x3  }
0x5a: {  	v2 =	vshll.u32 v2, v1  }
0x5b: {  	v2 =	vadd.s32 $0x4, v2  }
0x5c: {  	v2 =	vbroadcast v2, $0x0;
	_ =	sdelay $0x1  }
0x5d: {  	v3 =	vmul.f32 v52, v3  }
0x5e: {  	s28 =	simm.s32 $0x5  }
0x5f: {  	[tilespmem:s22+$0xFFFFFFB0] =	vst v3;
	v3 =	vmov s28  }
0x60: {  	v53 =	vld [tilespmem:s22+$0xFFFFFFC0];
	v3 =	vshrl.u32 v3, $0x3  }
0x61: {  	v2 =	vld.idx.msk [tilespmem:v2+s18+$0x0], $0xffff;
	v3 =	vshll.u32 v3, v1  }
0x62: {  	v3 =	vadd.s32 $0x5, v3  }
0x63: {  	v3 =	vbroadcast v3, $0x0;
	_ =	sdelay $0x2  }
0x64: {  	v2 =	vmul.f32 v53, v2  }
0x65: {  	s29 =	simm.s32 $0x6  }
0x66: {  	v54 =	vld [tilespmem:s22+$0xFFFFFFD0];
	[tilespmem:s22+$0xFFFFFFC0] =	vst v2;
	v2 =	vmov s29  }
0x67: {  	v3 =	vld.idx.msk [tilespmem:v3+s18+$0x0], $0xffff;
	v2 =	vshrl.u32 v2, $0x3  }
0x68: {  	v2 =	vshll.u32 v2, v1  }
0x69: {  	v2 =	vadd.s32 $0x6, v2  }
0x6a: {  	v2 =	vbroadcast v2, $0x0;
	_ =	sdelay $0x1  }
0x6b: {  	v3 =	vmul.f32 v54, v3  }
0x6c: {  	s30 =	simm.s32 $0x7  }
0x6d: {  	[tilespmem:s22+$0xFFFFFFD0] =	vst v3;
	v3 =	vmov s30  }
0x6e: {  	v55 =	vld [tilespmem:s22+$0xFFFFFFE0];
	v3 =	vshrl.u32 v3, $0x3  }
0x6f: {  	v2 =	vld.idx.msk [tilespmem:v2+s18+$0x0], $0xffff;
	v3 =	vshll.u32 v3, v1  }
0x70: {  	v3 =	vadd.s32 $0x7, v3  }
0x71: {  	v3 =	vbroadcast v3, $0x0;
	_ =	sdelay $0x2  }
0x72: {  	v2 =	vmul.f32 v55, v2;
	_ =	sdelay $0x1  }
0x73: {  	s31 =	simm.s32 $0x8;
	[tilespmem:s22+$0xFFFFFFE0] =	vst v2  }
0x74: {  	v2 =	vld.idx.msk [tilespmem:v3+s18+$0x0], $0xffff;
	v3 =	vmov s31  }
0x75: {  	v56 =	vld [tilespmem:s22+$0xFFFFFFF0];
	v3 =	vshrl.u32 v3, $0x3  }
0x76: {  	v3 =	vshll.u32 v3, v1  }
0x77: {  	v3 =	vbroadcast v3, $0x0;
	_ =	sdelay $0x2  }
0x78: {  	v2 =	vmul.f32 v56, v2  }
0x79: {  	s24 =	simm.s32 $0x9  }
0x7a: {  	v57 =	vld [tilespmem:s22+$0x0];
	[tilespmem:s22+$0xFFFFFFF0] =	vst v2;
	v2 =	vmov s24  }
0x7b: {  	v2 =	vshrl.u32 v2, $0x3;
	v3 =	vld.idx.msk [tilespmem:v3+s18+$0x0], $0xffff  }
0x7c: {  	v2 =	vshll.u32 v2, v1  }
0x7d: {  	v2 =	vadd.s32 $0x1, v2  }
0x7e: {  	v2 =	vbroadcast v2, $0x0;
	_ =	sdelay $0x1  }
0x7f: {  	v3 =	vmul.f32 v57, v3  }
0x80: {  	s25 =	simm.s32 $0xA  }
0x81: {  	[tilespmem:s22+$0x0] =	vst v3;
	v3 =	vmov s25  }
0x82: {  	v58 =	vld [tilespmem:s22+$0x10];
	v3 =	vshrl.u32 v3, $0x3  }
0x83: {  	v2 =	vld.idx.msk [tilespmem:v2+s18+$0x0], $0xffff;
	v3 =	vshll.u32 v3, v1  }
0x84: {  	v3 =	vadd.s32 $0x2, v3  }
0x85: {  	v3 =	vbroadcast v3, $0x0;
	_ =	sdelay $0x2  }
0x86: {  	v2 =	vmul.f32 v58, v2  }
0x87: {  	s26 =	simm.s32 $0xB  }
0x88: {  	v59 =	vld [tilespmem:s22+$0x20];
	[tilespmem:s22+$0x10] =	vst v2;
	v2 =	vmov s26  }
0x89: {  	v2 =	vshrl.u32 v2, $0x3;
	v3 =	vld.idx.msk [tilespmem:v3+s18+$0x0], $0xffff  }
0x8a: {  	v2 =	vshll.u32 v2, v1  }
0x8b: {  	v2 =	vadd.s32 $0x3, v2  }
0x8c: {  	v2 =	vbroadcast v2, $0x0;
	_ =	sdelay $0x1  }
0x8d: {  	v3 =	vmul.f32 v59, v3  }
0x8e: {  	s28 =	simm.s32 $0xC  }
0x8f: {  	[tilespmem:s22+$0x20] =	vst v3;
	v3 =	vmov s28  }
0x90: {  	v60 =	vld [tilespmem:s22+$0x30];
	v3 =	vshrl.u32 v3, $0x3  }
0x91: {  	v2 =	vld.idx.msk [tilespmem:v2+s18+$0x0], $0xffff;
	v3 =	vshll.u32 v3, v1  }
0x92: {  	v3 =	vadd.s32 $0x4, v3  }
0x93: {  	v3 =	vbroadcast v3, $0x0;
	_ =	sdelay $0x2  }
0x94: {  	v2 =	vmul.f32 v60, v2  }
0x95: {  	s29 =	simm.s32 $0xD  }
0x96: {  	v61 =	vld [tilespmem:s22+$0x40];
	[tilespmem:s22+$0x30] =	vst v2;
	v2 =	vmov s29  }
0x97: {  	v2 =	vshrl.u32 v2, $0x3;
	v3 =	vld.idx.msk [tilespmem:v3+s18+$0x0], $0xffff  }
0x98: {  	v2 =	vshll.u32 v2, v1  }
0x99: {  	v2 =	vadd.s32 $0x5, v2  }
0x9a: {  	v2 =	vbroadcast v2, $0x0;
	_ =	sdelay $0x1  }
0x9b: {  	v3 =	vmul.f32 v61, v3  }
0x9c: {  	s30 =	simm.s32 $0xE  }
0x9d: {  	[tilespmem:s22+$0x40] =	vst v3;
	v3 =	vmov s30  }
0x9e: {  	v62 =	vld [tilespmem:s22+$0x50];
	v3 =	vshrl.u32 v3, $0x3  }
0x9f: {  	v2 =	vld.idx.msk [tilespmem:v2+s18+$0x0], $0xffff;
	v3 =	vshll.u32 v3, v1  }
0xa0: {  	v3 =	vadd.s32 $0x6, v3  }
0xa1: {  	v3 =	vbroadcast v3, $0x0;
	_ =	sdelay $0x2  }
0xa2: {  	v2 =	vmul.f32 v62, v2;
	_ =	sdelay $0x1  }
0xa3: {  	[tilespmem:s22+$0x50] =	vst v2  }
0xa4: {  	v2 =	vld.idx.msk [tilespmem:v3+s18+$0x0], $0xffff  }
0xa5: {  	v3 =	vld [tilespmem:s22+$0x60]  }
0xa6: {  	s31 =	simm.s32 $0xF  }
0xa7: {  	v63 =	vmov s31  }
0xa8: {  	v4 =	vshrl.u32 v63, $0x3  }
0xa9: {  	v4 =	vshll.u32 v4, v1  }
0xaa: {  	v3 =	vmul.f32 v3, v2;
	v2 =	vadd.s32 $0x7, v4  }
0xab: {  	v2 =	vbroadcast v2, $0x0;
	_ =	sdelay $0x4  }
0xac: {  	s23 =	simm.s32 $0x1F;
	s24 =	simm.s32 $0x2F;
	s25 =	simm.s32 $0x10;
	[tilespmem:s22+$0x60] =	vst v3  }
.LBB2_16:
0xad: {  	p2 =	sne.s32 s24, $0x31F;
	v3 =	vmov s25;
	v2 =	vld.idx.msk [tilespmem:v2+s18+$0x0], $0xffff  }
0xae: {  	v3 =	vshrl.u32 v3, $0x3;
	v4 =	vld [tilespmem:s22+$0x70]  }
0xaf: {  	v3 =	vshll.u32 v3, v1  }
0xb0: {  	v3 =	vbroadcast v3, $0x0;
	_ =	sdelay $0x2  }
0xb1: {  	v2 =	vmul.f32 v4, v2  }
0xb2: {  	s25 =	sadd.s32 $0xFFFFFFF2, s23  }
0xb3: {  	v4 =	vmov s25;
	[tilespmem:s22+$0x70] =	vst v2  }
0xb4: {  	s22 =	sadd.s32 $0x100, s22;
	v2 =	vld.idx.msk [tilespmem:v3+s18+$0x0], $0xffff;
	v3 =	vshrl.u32 v4, $0x3  }
0xb5: {  	v4 =	vld [tilespmem:s22+$0xFFFFFF80];
	v3 =	vshll.u32 v3, v1  }
0xb6: {  	v3 =	vadd.s32 $0x1, v3  }
0xb7: {  	v3 =	vbroadcast v3, $0x0;
	_ =	sdelay $0x2  }
0xb8: {  	v2 =	vmul.f32 v4, v2  }
0xb9: {  	s25 =	sadd.s32 $0xFFFFFFF3, s23  }
0xba: {  	[tilespmem:s22+$0xFFFFFF80] =	vst v2;
	v2 =	vmov s25  }
0xbb: {  	v3 =	vld.idx.msk [tilespmem:v3+s18+$0x0], $0xffff;
	v2 =	vshrl.u32 v2, $0x3  }
0xbc: {  	v4 =	vld [tilespmem:s22+$0xFFFFFF90];
	v2 =	vshll.u32 v2, v1  }
0xbd: {  	v2 =	vadd.s32 $0x2, v2  }
0xbe: {  	v2 =	vbroadcast v2, $0x0;
	_ =	sdelay $0x2  }
0xbf: {  	v3 =	vmul.f32 v4, v3  }
0xc0: {  	s25 =	sadd.s32 $0xFFFFFFF4, s23  }
0xc1: {  	[tilespmem:s22+$0xFFFFFF90] =	vst v3;
	v3 =	vmov s25  }
0xc2: {  	v2 =	vld.idx.msk [tilespmem:v2+s18+$0x0], $0xffff;
	v3 =	vshrl.u32 v3, $0x3  }
0xc3: {  	v4 =	vld [tilespmem:s22+$0xFFFFFFA0];
	v3 =	vshll.u32 v3, v1  }
0xc4: {  	v3 =	vadd.s32 $0x3, v3  }
0xc5: {  	v3 =	vbroadcast v3, $0x0;
	_ =	sdelay $0x2  }
0xc6: {  	v2 =	vmul.f32 v4, v2  }
0xc7: {  	s25 =	sadd.s32 $0xFFFFFFF5, s23  }
0xc8: {  	[tilespmem:s22+$0xFFFFFFA0] =	vst v2;
	v2 =	vmov s25  }
0xc9: {  	v3 =	vld.idx.msk [tilespmem:v3+s18+$0x0], $0xffff;
	v2 =	vshrl.u32 v2, $0x3  }
0xca: {  	v4 =	vld [tilespmem:s22+$0xFFFFFFB0];
	v2 =	vshll.u32 v2, v1  }
0xcb: {  	v2 =	vadd.s32 $0x4, v2  }
0xcc: {  	v2 =	vbroadcast v2, $0x0;
	_ =	sdelay $0x2  }
0xcd: {  	v3 =	vmul.f32 v4, v3  }
0xce: {  	s25 =	sadd.s32 $0xFFFFFFF6, s23  }
0xcf: {  	[tilespmem:s22+$0xFFFFFFB0] =	vst v3;
	v3 =	vmov s25  }
0xd0: {  	v2 =	vld.idx.msk [tilespmem:v2+s18+$0x0], $0xffff;
	v3 =	vshrl.u32 v3, $0x3  }
0xd1: {  	v4 =	vld [tilespmem:s22+$0xFFFFFFC0];
	v3 =	vshll.u32 v3, v1  }
0xd2: {  	v3 =	vadd.s32 $0x5, v3  }
0xd3: {  	v3 =	vbroadcast v3, $0x0;
	_ =	sdelay $0x2  }
0xd4: {  	v2 =	vmul.f32 v4, v2  }
0xd5: {  	s25 =	sadd.s32 $0xFFFFFFF7, s23  }
0xd6: {  	[tilespmem:s22+$0xFFFFFFC0] =	vst v2;
	v2 =	vmov s25  }
0xd7: {  	v3 =	vld.idx.msk [tilespmem:v3+s18+$0x0], $0xffff;
	v2 =	vshrl.u32 v2, $0x3  }
0xd8: {  	v4 =	vld [tilespmem:s22+$0xFFFFFFD0];
	v2 =	vshll.u32 v2, v1  }
0xd9: {  	v2 =	vadd.s32 $0x6, v2  }
0xda: {  	v2 =	vbroadcast v2, $0x0;
	_ =	sdelay $0x2  }
0xdb: {  	v3 =	vmul.f32 v4, v3  }
0xdc: {  	s25 =	sadd.s32 $0xFFFFFFF8, s23  }
0xdd: {  	[tilespmem:s22+$0xFFFFFFD0] =	vst v3;
	v3 =	vmov s25  }
0xde: {  	v2 =	vld.idx.msk [tilespmem:v2+s18+$0x0], $0xffff;
	v3 =	vshrl.u32 v3, $0x3  }
0xdf: {  	v4 =	vld [tilespmem:s22+$0xFFFFFFE0];
	v3 =	vshll.u32 v3, v1  }
0xe0: {  	v3 =	vadd.s32 $0x7, v3  }
0xe1: {  	v3 =	vbroadcast v3, $0x0;
	_ =	sdelay $0x2  }
0xe2: {  	v2 =	vmul.f32 v4, v2;
	_ =	sdelay $0x1  }
0xe3: {  	s25 =	sadd.s32 $0xFFFFFFF9, s23;
	[tilespmem:s22+$0xFFFFFFE0] =	vst v2  }
0xe4: {  	v2 =	vld.idx.msk [tilespmem:v3+s18+$0x0], $0xffff;
	v3 =	vmov s25  }
0xe5: {  	v4 =	vld [tilespmem:s22+$0xFFFFFFF0];
	v3 =	vshrl.u32 v3, $0x3  }
0xe6: {  	v3 =	vshll.u32 v3, v1  }
0xe7: {  	v3 =	vbroadcast v3, $0x0;
	_ =	sdelay $0x2  }
0xe8: {  	v2 =	vmul.f32 v4, v2  }
0xe9: {  	s25 =	sadd.s32 $0xFFFFFFFA, s23  }
0xea: {  	[tilespmem:s22+$0xFFFFFFF0] =	vst v2;
	v2 =	vmov s25  }
0xeb: {  	v3 =	vld.idx.msk [tilespmem:v3+s18+$0x0], $0xffff;
	v2 =	vshrl.u32 v2, $0x3  }
0xec: {  	v4 =	vld [tilespmem:s22+$0x0];
	v2 =	vshll.u32 v2, v1  }
0xed: {  	v2 =	vadd.s32 $0x1, v2  }
0xee: {  	v2 =	vbroadcast v2, $0x0;
	_ =	sdelay $0x2  }
0xef: {  	v3 =	vmul.f32 v4, v3  }
0xf0: {  	s25 =	sadd.s32 $0xFFFFFFFB, s23  }
0xf1: {  	[tilespmem:s22+$0x0] =	vst v3;
	v3 =	vmov s25  }
0xf2: {  	v2 =	vld.idx.msk [tilespmem:v2+s18+$0x0], $0xffff;
	v3 =	vshrl.u32 v3, $0x3  }
0xf3: {  	v4 =	vld [tilespmem:s22+$0x10];
	v3 =	vshll.u32 v3, v1  }
0xf4: {  	v3 =	vadd.s32 $0x2, v3  }
0xf5: {  	v3 =	vbroadcast v3, $0x0;
	_ =	sdelay $0x2  }
0xf6: {  	v2 =	vmul.f32 v4, v2  }
0xf7: {  	s25 =	sadd.s32 $0xFFFFFFFC, s23  }
0xf8: {  	[tilespmem:s22+$0x10] =	vst v2;
	v2 =	vmov s25  }
0xf9: {  	v3 =	vld.idx.msk [tilespmem:v3+s18+$0x0], $0xffff;
	v2 =	vshrl.u32 v2, $0x3  }
0xfa: {  	v4 =	vld [tilespmem:s22+$0x20];
	v2 =	vshll.u32 v2, v1  }
0xfb: {  	v2 =	vadd.s32 $0x3, v2  }
0xfc: {  	v2 =	vbroadcast v2, $0x0;
	_ =	sdelay $0x2  }
0xfd: {  	v3 =	vmul.f32 v4, v3  }
0xfe: {  	s25 =	sadd.s32 $0xFFFFFFFD, s23  }
0xff: {  	[tilespmem:s22+$0x20] =	vst v3;
	v3 =	vmov s25  }
0x100: {  	v2 =	vld.idx.msk [tilespmem:v2+s18+$0x0], $0xffff;
	v3 =	vshrl.u32 v3, $0x3  }
0x101: {  	v4 =	vld [tilespmem:s22+$0x30];
	v3 =	vshll.u32 v3, v1  }
0x102: {  	v3 =	vadd.s32 $0x4, v3  }
0x103: {  	v3 =	vbroadcast v3, $0x0;
	_ =	sdelay $0x2  }
0x104: {  	v2 =	vmul.f32 v4, v2  }
0x105: {  	s25 =	sadd.s32 $0xFFFFFFFE, s23  }
0x106: {  	[tilespmem:s22+$0x30] =	vst v2;
	v2 =	vmov s25  }
0x107: {  	v3 =	vld.idx.msk [tilespmem:v3+s18+$0x0], $0xffff;
	v2 =	vshrl.u32 v2, $0x3  }
0x108: {  	v4 =	vld [tilespmem:s22+$0x40];
	v2 =	vshll.u32 v2, v1  }
0x109: {  	v2 =	vadd.s32 $0x5, v2  }
0x10a: {  	v2 =	vbroadcast v2, $0x0;
	_ =	sdelay $0x2  }
0x10b: {  	v3 =	vmul.f32 v4, v3  }
0x10c: {  	s25 =	sadd.s32 $0xFFFFFFFF, s23  }
0x10d: {  	[tilespmem:s22+$0x40] =	vst v3;
	v3 =	vmov s25  }
0x10e: {  	v2 =	vld.idx.msk [tilespmem:v2+s18+$0x0], $0xffff;
	v3 =	vshrl.u32 v3, $0x3  }
0x10f: {  	v4 =	vld [tilespmem:s22+$0x50];
	v3 =	vshll.u32 v3, v1  }
0x110: {  	v3 =	vadd.s32 $0x6, v3  }
0x111: {  	v3 =	vbroadcast v3, $0x0;
	_ =	sdelay $0x2  }
0x112: {  	v2 =	vmul.f32 v4, v2;
	_ =	sdelay $0x1  }
0x113: {  	[tilespmem:s22+$0x50] =	vst v2;
	v2 =	vmov s23;
	s23 =	smov.u32 s24  }
0x114: {  	v3 =	vld.idx.msk [tilespmem:v3+s18+$0x0], $0xffff;
	v2 =	vshrl.u32 v2, $0x3  }
0x115: {  	v4 =	vld [tilespmem:s22+$0x60];
	v2 =	vshll.u32 v2, v1  }
0x116: {  	v2 =	vadd.s32 $0x7, v2  }
0x117: {  	v2 =	vbroadcast v2, $0x0  }
.Ltmp7:
0x118: {  	(pc) =	sbr.rel @p2 .LBB2_16-.Ltmp7, $3  }
0x119: {  	_ = 	snop  }
0x11a: {  	v3 =	vmul.f32 v4, v3;
	_ =	sdelay $0x1  }
0x11b: {  	s24 =	sadd.s32 $0x10, s24;
	s25 =	sadd.s32 $0xFFFFFFF1, s23;
	[tilespmem:s22+$0x60] =	vst v3  }
0x11c: {  	_ =	sdelay $0x3  }
0x11d: {  	v3 =	vmov s25;
	v2 =	vld.idx.msk [tilespmem:v2+s18+$0x0], $0xffff  }
0x11e: {  	v4 =	vld [tilespmem:s22+$0x70];
	v3 =	vshrl.u32 v3, $0x3  }
0x11f: {  	v3 =	vshll.u32 v3, v1  }
0x120: {  	v3 =	vbroadcast v3, $0x0;
	_ =	sdelay $0x2  }
0x121: {  	v2 =	vmul.f32 v4, v2  }
0x122: {  	s24 =	sadd.s32 $0xFFFFFFF2, s23  }
0x123: {  	v48 =	vmov s24;
	[tilespmem:s22+$0x70] =	vst v2  }
0x124: {  	s22 =	sadd.s32 $0x100, s22;
	v2 =	vld.idx.msk [tilespmem:v3+s18+$0x0], $0xffff;
	v3 =	vshrl.u32 v48, $0x3  }
0x125: {  	v49 =	vld [tilespmem:s22+$0xFFFFFF80];
	v3 =	vshll.u32 v3, v1  }
0x126: {  	v3 =	vadd.s32 $0x1, v3  }
0x127: {  	v3 =	vbroadcast v3, $0x0;
	_ =	sdelay $0x2  }
0x128: {  	v2 =	vmul.f32 v49, v2  }
0x129: {  	s31 =	sadd.s32 $0xFFFFFFF3, s23  }
0x12a: {  	v50 =	vld [tilespmem:s22+$0xFFFFFF90];
	[tilespmem:s22+$0xFFFFFF80] =	vst v2;
	v2 =	vmov s31  }
0x12b: {  	v2 =	vshrl.u32 v2, $0x3;
	v3 =	vld.idx.msk [tilespmem:v3+s18+$0x0], $0xffff  }
0x12c: {  	v2 =	vshll.u32 v2, v1  }
0x12d: {  	v2 =	vadd.s32 $0x2, v2  }
0x12e: {  	v2 =	vbroadcast v2, $0x0;
	_ =	sdelay $0x1  }
0x12f: {  	v3 =	vmul.f32 v50, v3  }
0x130: {  	s25 =	sadd.s32 $0xFFFFFFF4, s23  }
0x131: {  	[tilespmem:s22+$0xFFFFFF90] =	vst v3;
	v3 =	vmov s25  }
0x132: {  	v51 =	vld [tilespmem:s22+$0xFFFFFFA0];
	v3 =	vshrl.u32 v3, $0x3  }
0x133: {  	v2 =	vld.idx.msk [tilespmem:v2+s18+$0x0], $0xffff;
	v3 =	vshll.u32 v3, v1  }
0x134: {  	v3 =	vadd.s32 $0x3, v3  }
0x135: {  	v3 =	vbroadcast v3, $0x0;
	_ =	sdelay $0x2  }
0x136: {  	v2 =	vmul.f32 v51, v2  }
0x137: {  	s26 =	sadd.s32 $0xFFFFFFF5, s23  }
0x138: {  	v52 =	vld [tilespmem:s22+$0xFFFFFFB0];
	[tilespmem:s22+$0xFFFFFFA0] =	vst v2;
	v2 =	vmov s26  }
0x139: {  	v2 =	vshrl.u32 v2, $0x3;
	v3 =	vld.idx.msk [tilespmem:v3+s18+$0x0], $0xffff  }
0x13a: {  	v2 =	vshll.u32 v2, v1  }
0x13b: {  	v2 =	vadd.s32 $0x4, v2  }
0x13c: {  	v2 =	vbroadcast v2, $0x0;
	_ =	sdelay $0x1  }
0x13d: {  	v3 =	vmul.f32 v52, v3  }
0x13e: {  	s28 =	sadd.s32 $0xFFFFFFF6, s23  }
0x13f: {  	[tilespmem:s22+$0xFFFFFFB0] =	vst v3;
	v3 =	vmov s28  }
0x140: {  	v53 =	vld [tilespmem:s22+$0xFFFFFFC0];
	v3 =	vshrl.u32 v3, $0x3  }
0x141: {  	v2 =	vld.idx.msk [tilespmem:v2+s18+$0x0], $0xffff;
	v3 =	vshll.u32 v3, v1  }
0x142: {  	v3 =	vadd.s32 $0x5, v3  }
0x143: {  	v3 =	vbroadcast v3, $0x0;
	_ =	sdelay $0x2  }
0x144: {  	v2 =	vmul.f32 v53, v2  }
0x145: {  	s29 =	sadd.s32 $0xFFFFFFF7, s23  }
0x146: {  	v54 =	vld [tilespmem:s22+$0xFFFFFFD0];
	[tilespmem:s22+$0xFFFFFFC0] =	vst v2;
	v2 =	vmov s29  }
0x147: {  	v2 =	vshrl.u32 v2, $0x3;
	v3 =	vld.idx.msk [tilespmem:v3+s18+$0x0], $0xffff  }
0x148: {  	v2 =	vshll.u32 v2, v1  }
0x149: {  	v2 =	vadd.s32 $0x6, v2  }
0x14a: {  	v2 =	vbroadcast v2, $0x0;
	_ =	sdelay $0x1  }
0x14b: {  	v3 =	vmul.f32 v54, v3  }
0x14c: {  	s30 =	sadd.s32 $0xFFFFFFF8, s23  }
0x14d: {  	[tilespmem:s22+$0xFFFFFFD0] =	vst v3;
	v3 =	vmov s30  }
0x14e: {  	v55 =	vld [tilespmem:s22+$0xFFFFFFE0];
	v3 =	vshrl.u32 v3, $0x3  }
0x14f: {  	v2 =	vld.idx.msk [tilespmem:v2+s18+$0x0], $0xffff;
	v3 =	vshll.u32 v3, v1  }
0x150: {  	v3 =	vadd.s32 $0x7, v3  }
0x151: {  	v3 =	vbroadcast v3, $0x0;
	_ =	sdelay $0x2  }
0x152: {  	v2 =	vmul.f32 v55, v2;
	_ =	sdelay $0x1  }
0x153: {  	v56 =	vld [tilespmem:s22+$0xFFFFFFF0];
	s31 =	sadd.s32 $0xFFFFFFF9, s23;
	[tilespmem:s22+$0xFFFFFFE0] =	vst v2  }
0x154: {  	v2 =	vld.idx.msk [tilespmem:v3+s18+$0x0], $0xffff;
	v3 =	vmov s31  }
0x155: {  	v3 =	vshrl.u32 v3, $0x3  }
0x156: {  	v3 =	vshll.u32 v3, v1  }
0x157: {  	v3 =	vbroadcast v3, $0x0;
	_ =	sdelay $0x1  }
0x158: {  	v2 =	vmul.f32 v56, v2  }
0x159: {  	s25 =	sadd.s32 $0xFFFFFFFA, s23  }
0x15a: {  	[tilespmem:s22+$0xFFFFFFF0] =	vst v2;
	v2 =	vmov s25  }
0x15b: {  	v57 =	vld [tilespmem:s22+$0x0];
	v2 =	vshrl.u32 v2, $0x3  }
0x15c: {  	v3 =	vld.idx.msk [tilespmem:v3+s18+$0x0], $0xffff;
	v2 =	vshll.u32 v2, v1  }
0x15d: {  	v2 =	vadd.s32 $0x1, v2  }
0x15e: {  	v2 =	vbroadcast v2, $0x0;
	_ =	sdelay $0x2  }
0x15f: {  	v3 =	vmul.f32 v57, v3  }
0x160: {  	s26 =	sadd.s32 $0xFFFFFFFB, s23  }
0x161: {  	v58 =	vld [tilespmem:s22+$0x10];
	[tilespmem:s22+$0x0] =	vst v3;
	v3 =	vmov s26  }
0x162: {  	v2 =	vld.idx.msk [tilespmem:v2+s18+$0x0], $0xffff;
	v3 =	vshrl.u32 v3, $0x3  }
0x163: {  	v3 =	vshll.u32 v3, v1  }
0x164: {  	v3 =	vadd.s32 $0x2, v3  }
0x165: {  	v3 =	vbroadcast v3, $0x0;
	_ =	sdelay $0x1  }
0x166: {  	v2 =	vmul.f32 v58, v2  }
0x167: {  	s28 =	sadd.s32 $0xFFFFFFFC, s23  }
0x168: {  	[tilespmem:s22+$0x10] =	vst v2;
	v2 =	vmov s28  }
0x169: {  	v59 =	vld [tilespmem:s22+$0x20];
	v2 =	vshrl.u32 v2, $0x3  }
0x16a: {  	v3 =	vld.idx.msk [tilespmem:v3+s18+$0x0], $0xffff;
	v2 =	vshll.u32 v2, v1  }
0x16b: {  	v2 =	vadd.s32 $0x3, v2  }
0x16c: {  	v2 =	vbroadcast v2, $0x0;
	_ =	sdelay $0x2  }
0x16d: {  	v3 =	vmul.f32 v59, v3  }
0x16e: {  	s29 =	sadd.s32 $0xFFFFFFFD, s23  }
0x16f: {  	v60 =	vld [tilespmem:s22+$0x30];
	[tilespmem:s22+$0x20] =	vst v3;
	v3 =	vmov s29  }
0x170: {  	v2 =	vld.idx.msk [tilespmem:v2+s18+$0x0], $0xffff;
	v3 =	vshrl.u32 v3, $0x3  }
0x171: {  	v3 =	vshll.u32 v3, v1  }
0x172: {  	v3 =	vadd.s32 $0x4, v3  }
0x173: {  	v3 =	vbroadcast v3, $0x0;
	_ =	sdelay $0x1  }
0x174: {  	v2 =	vmul.f32 v60, v2  }
0x175: {  	s30 =	sadd.s32 $0xFFFFFFFE, s23  }
0x176: {  	[tilespmem:s22+$0x30] =	vst v2;
	v2 =	vmov s30  }
0x177: {  	v61 =	vld [tilespmem:s22+$0x40];
	v2 =	vshrl.u32 v2, $0x3  }
0x178: {  	v3 =	vld.idx.msk [tilespmem:v3+s18+$0x0], $0xffff;
	v2 =	vshll.u32 v2, v1  }
0x179: {  	v2 =	vadd.s32 $0x5, v2  }
0x17a: {  	v2 =	vbroadcast v2, $0x0;
	_ =	sdelay $0x2  }
0x17b: {  	v3 =	vmul.f32 v61, v3  }
0x17c: {  	s31 =	sadd.s32 $0xFFFFFFFF, s23  }
0x17d: {  	v62 =	vld [tilespmem:s22+$0x50];
	[tilespmem:s22+$0x40] =	vst v3;
	v3 =	vmov s31  }
0x17e: {  	v2 =	vld.idx.msk [tilespmem:v2+s18+$0x0], $0xffff;
	v3 =	vshrl.u32 v3, $0x3  }
0x17f: {  	v3 =	vshll.u32 v3, v1  }
0x180: {  	v3 =	vadd.s32 $0x6, v3  }
0x181: {  	v3 =	vbroadcast v3, $0x0;
	_ =	sdelay $0x1  }
0x182: {  	v2 =	vmul.f32 v62, v2;
	_ =	sdelay $0x1  }
0x183: {  	[tilespmem:s22+$0x50] =	vst v2;
	v2 =	vmov s23  }
0x184: {  	v63 =	vld [tilespmem:s22+$0x60];
	v2 =	vshrl.u32 v2, $0x3  }
0x185: {  	v3 =	vld.idx.msk [tilespmem:v3+s18+$0x0], $0xffff;
	v2 =	vshll.u32 v2, v1  }
0x186: {  	v2 =	vadd.s32 $0x7, v2  }
0x187: {  	v2 =	vbroadcast v2, $0x0;
	_ =	sdelay $0x2  }
0x188: {  	v3 =	vmul.f32 v63, v3;
	_ =	sdelay $0x1  }
0x189: {  	[tilespmem:s22+$0x60] =	vst v3;
	v3 =	vld [tilespmem:s22+$0x70]  }
0x18a: {  	v2 =	vld.idx.msk [tilespmem:v2+s18+$0x0], $0xffff;
	_ =	sdelay $0x4  }
0x18b: {  	s21 =	sadd.s32 $0x1, s21;
	v2 =	vmul.f32 v3, v2  }
0x18c: {  	p2 =	sne.s32 s21, $0x7D  }
.Ltmp8:
0x18d: {  	[tilespmem:s22+$0x70] =	vst v2;
	(pc) =	sbr.rel @p2 .LBB2_15-.Ltmp8, $4  }
0x18e: {  	[spmem:s3] =	stream.indirect.scatter.add.f32 [tilespmem:s15], [sflag:$0x2], $0x10, s17, s17, $0xb8;
	[tilespmem:$0x1C200] =	vst v63  }
0x18f: {  	_ =	swait.ge [sflag:s16], $0x3200  }
0x190: {  	[sflag:s16] =	ssyncset.done $0x0  }
0x191: {  	[sflag:s16] =	ssyncadd.s32 $0xFFFFCE00  }
.Ltmp9:
0x192: {  	(pc) =	sbr.rel @p1 .LBB2_22-.Ltmp9, $2  }
0x193: {  	_ =	sdelay $0x1  }
0x194: {  	[bflag:$0x0] =	sbarrier.arrive $0xFFFF;
	_ =	sdelay $0x1  }
0x195: {  	p2 =	sne.s32 s9, $0x1  }
.Ltmp10:
0x196: {  	_ = 	snop;
	(pc) =	sbr.rel @!p2 .LBB2_21-.Ltmp10, $4  }
0x197: {  	s21 =	sshll.u32 s2, $0x6  }
0x198: {  	s22 =	sshrl.u32 s12, $0x3;
	s23 =	sadd.s32 $0x3200, s12;
	s21 =	sor.u32 $0x1C02, s21  }
0x199: {  	[hbm:s14], [sflag:s21] =	dma.local [spmem:s22], $0x640  }
0x19a: {  	s24 =	smov.u32 s14;
	s22 =	sadd.s32 $0xFFFFFFFF, s9;
	_ =	swait.ge [sflag:s16], $0x640  }
.LBB2_20:
0x19b: {  	[sflag:s16] =	ssyncset.done $0x0;
	s24 =	sadd.s32 $0x640, s24;
	p2 =	sne.s32 s22, $0x1  }
.Ltmp11:
0x19c: {  	s25 =	sshrl.u32 s23, $0x3;
	[sflag:s16] =	ssyncadd.s32 $0xFFFFF9C0;
	(pc) =	sbr.rel @p2 .LBB2_20-.Ltmp11, $3  }
0x19d: {  	[hbm:s24], [sflag:s21] =	dma.local [spmem:s25], $0x640  }
0x19e: {  	s22 =	sadd.s32 $0xFFFFFFFF, s22;
	_ =	sdelay $0x1  }
0x19f: {  	s23 =	sadd.s32 $0x3200, s23;
	_ =	swait.ge [sflag:s16], $0x640  }
.Ltmp12:
0x1a0: {  	_ = 	snop;
	(pc) =	sbr.rel .LBB2_21-.Ltmp12, $1  }
0x1a1: {  	_ =	sdelay $0x3  }
.LBB2_8:
0x1a2: {  	s22 =	smul.u32 $0x320, s21;
	_ =	sdelay $0x1  }
0x1a3: {  	s22 =	sadd.s32 s10, s22  }
0x1a4: {  	s22 =	sshrl.u32 s22, $0x3  }
0x1a5: {  	s23 =	sadd.s32 s7, s22  }
0x1a6: {  	[tilespmem:s4], [sflag:$0x2] =	stream.linear.gather [hbm4b:s23+s4], $0x320, $0x38;
	[tilespmem:$0x1C200] =	vst v63  }
0x1a7: {  	_ =	swait.ge [sflag:s16], $0x320  }
0x1a8: {  	[sflag:s16] =	ssyncset.done $0x0  }
0x1a9: {  	s30 =	sadd.s32 s8, s22;
	[sflag:s16] =	ssyncadd.s32 $0xFFFFFCE0  }
0x1aa: {  	[tilespmem:s17], [sflag:$0x2] =	stream.linear.gather [hbm4b:s30+s4], $0x320, $0x38;
	[tilespmem:$0x1C200] =	vst v63  }
0x1ab: {  	_ =	swait.ge [sflag:s16], $0x320  }
0x1ac: {  	s31 =	simm.s32 $0x0;
	[sflag:s16] =	ssyncset.done $0x0  }
0x1ad: {  	v2 =	vmov s31;
	s22 =	sadd.s32 s1, s22;
	[sflag:s16] =	ssyncadd.s32 $0xFFFFFCE0  }
0x1ae: {  	v2 =	vshrl.u32 v2, $0x3;
	[tilespmem:s18], [sflag:$0x2] =	stream.linear.gather [hbm4b:s22+s4], $0x320, $0x38;
	[tilespmem:$0x1C200] =	vst v63  }
0x1af: {  	v2 =	vshll.u32 v2, v1;
	_ =	swait.ge [sflag:s16], $0x320  }
0x1b0: {  	v2 =	vbroadcast v2, $0x0;
	[sflag:s16] =	ssyncset.done $0x0  }
0x1b1: {  	[sflag:s16] =	ssyncadd.s32 $0xFFFFFCE0  }
0x1b2: {  	[tilespmem:s15], [sflag:$0x1] =	stream.indirect.gather [hbm4b:s5+s17], $0x10, s4, s17, $0xb8;
	[tilespmem:$0x1C200] =	vst v63  }
0x1b3: {  	_ =	swait.ge [sflag:s19], $0x3200  }
0x1b4: {  	s23 =	simm.s32 $0x1;
	[sflag:s19] =	ssyncset.done $0x0  }
0x1b5: {  	v3 =	vmov s23;
	[sflag:s19] =	ssyncadd.s32 $0xFFFFCE00  }
0x1b6: {  	v3 =	vshrl.u32 v3, $0x3;
	s22 =	simm.s32 $0x9E0;
	v2 =	vld.idx.msk [tilespmem:v2+s18+$0x0], $0xffff  }
0x1b7: {  	v3 =	vshll.u32 v3, v1;
	v4 =	vld [tilespmem:s22+$0xFFFFFF80]  }
0x1b8: {  	v3 =	vadd.s32 $0x1, v3  }
0x1b9: {  	v3 =	vbroadcast v3, $0x0;
	_ =	sdelay $0x2  }
0x1ba: {  	v2 =	vmul.f32 v4, v2  }
0x1bb: {  	s24 =	simm.s32 $0x2  }
0x1bc: {  	v50 =	vld [tilespmem:s22+$0xFFFFFF90];
	[tilespmem:s22+$0xFFFFFF80] =	vst v2;
	v2 =	vmov s24  }
0x1bd: {  	v3 =	vld.idx.msk [tilespmem:v3+s18+$0x0], $0xffff;
	v2 =	vshrl.u32 v2, $0x3  }
0x1be: {  	v2 =	vshll.u32 v2, v1  }
0x1bf: {  	v2 =	vadd.s32 $0x2, v2  }
0x1c0: {  	v2 =	vbroadcast v2, $0x0;
	_ =	sdelay $0x1  }
0x1c1: {  	v3 =	vmul.f32 v50, v3  }
0x1c2: {  	s25 =	simm.s32 $0x3  }
0x1c3: {  	[tilespmem:s22+$0xFFFFFF90] =	vst v3;
	v3 =	vmov s25  }
0x1c4: {  	v51 =	vld [tilespmem:s22+$0xFFFFFFA0];
	v3 =	vshrl.u32 v3, $0x3  }
0x1c5: {  	v2 =	vld.idx.msk [tilespmem:v2+s18+$0x0], $0xffff;
	v3 =	vshll.u32 v3, v1  }
0x1c6: {  	v3 =	vadd.s32 $0x3, v3  }
0x1c7: {  	v3 =	vbroadcast v3, $0x0;
	_ =	sdelay $0x2  }
0x1c8: {  	v2 =	vmul.f32 v51, v2  }
0x1c9: {  	s26 =	simm.s32 $0x4  }
0x1ca: {  	v52 =	vld [tilespmem:s22+$0xFFFFFFB0];
	[tilespmem:s22+$0xFFFFFFA0] =	vst v2;
	v2 =	vmov s26  }
0x1cb: {  	v3 =	vld.idx.msk [tilespmem:v3+s18+$0x0], $0xffff;
	v2 =	vshrl.u32 v2, $0x3  }
0x1cc: {  	v2 =	vshll.u32 v2, v1  }
0x1cd: {  	v2 =	vadd.s32 $0x4, v2  }
0x1ce: {  	v2 =	vbroadcast v2, $0x0;
	_ =	sdelay $0x1  }
0x1cf: {  	v3 =	vmul.f32 v52, v3  }
0x1d0: {  	s28 =	simm.s32 $0x5  }
0x1d1: {  	[tilespmem:s22+$0xFFFFFFB0] =	vst v3;
	v3 =	vmov s28  }
0x1d2: {  	v53 =	vld [tilespmem:s22+$0xFFFFFFC0];
	v3 =	vshrl.u32 v3, $0x3  }
0x1d3: {  	v2 =	vld.idx.msk [tilespmem:v2+s18+$0x0], $0xffff;
	v3 =	vshll.u32 v3, v1  }
0x1d4: {  	v3 =	vadd.s32 $0x5, v3  }
0x1d5: {  	v3 =	vbroadcast v3, $0x0;
	_ =	sdelay $0x2  }
0x1d6: {  	v2 =	vmul.f32 v53, v2  }
0x1d7: {  	s29 =	simm.s32 $0x6  }
0x1d8: {  	v54 =	vld [tilespmem:s22+$0xFFFFFFD0];
	[tilespmem:s22+$0xFFFFFFC0] =	vst v2;
	v2 =	vmov s29  }
0x1d9: {  	v3 =	vld.idx.msk [tilespmem:v3+s18+$0x0], $0xffff;
	v2 =	vshrl.u32 v2, $0x3  }
0x1da: {  	v2 =	vshll.u32 v2, v1  }
0x1db: {  	v2 =	vadd.s32 $0x6, v2  }
0x1dc: {  	v2 =	vbroadcast v2, $0x0;
	_ =	sdelay $0x1  }
0x1dd: {  	v3 =	vmul.f32 v54, v3  }
0x1de: {  	s30 =	simm.s32 $0x7  }
0x1df: {  	[tilespmem:s22+$0xFFFFFFD0] =	vst v3;
	v3 =	vmov s30  }
0x1e0: {  	v55 =	vld [tilespmem:s22+$0xFFFFFFE0];
	v3 =	vshrl.u32 v3, $0x3  }
0x1e1: {  	v2 =	vld.idx.msk [tilespmem:v2+s18+$0x0], $0xffff;
	v3 =	vshll.u32 v3, v1  }
0x1e2: {  	v3 =	vadd.s32 $0x7, v3  }
0x1e3: {  	v3 =	vbroadcast v3, $0x0;
	_ =	sdelay $0x2  }
0x1e4: {  	v2 =	vmul.f32 v55, v2;
	_ =	sdelay $0x1  }
0x1e5: {  	s31 =	simm.s32 $0x8;
	[tilespmem:s22+$0xFFFFFFE0] =	vst v2  }
0x1e6: {  	v2 =	vld.idx.msk [tilespmem:v3+s18+$0x0], $0xffff;
	v3 =	vmov s31  }
0x1e7: {  	v56 =	vld [tilespmem:s22+$0xFFFFFFF0];
	v3 =	vshrl.u32 v3, $0x3  }
0x1e8: {  	v3 =	vshll.u32 v3, v1  }
0x1e9: {  	v3 =	vbroadcast v3, $0x0;
	_ =	sdelay $0x2  }
0x1ea: {  	v2 =	vmul.f32 v56, v2  }
0x1eb: {  	s24 =	simm.s32 $0x9  }
0x1ec: {  	v57 =	vld [tilespmem:s22+$0x0];
	[tilespmem:s22+$0xFFFFFFF0] =	vst v2;
	v2 =	vmov s24  }
0x1ed: {  	v2 =	vshrl.u32 v2, $0x3;
	v3 =	vld.idx.msk [tilespmem:v3+s18+$0x0], $0xffff  }
0x1ee: {  	v2 =	vshll.u32 v2, v1  }
0x1ef: {  	v2 =	vadd.s32 $0x1, v2  }
0x1f0: {  	v2 =	vbroadcast v2, $0x0;
	_ =	sdelay $0x1  }
0x1f1: {  	v3 =	vmul.f32 v57, v3  }
0x1f2: {  	s25 =	simm.s32 $0xA  }
0x1f3: {  	[tilespmem:s22+$0x0] =	vst v3;
	v3 =	vmov s25  }
0x1f4: {  	v58 =	vld [tilespmem:s22+$0x10];
	v3 =	vshrl.u32 v3, $0x3  }
0x1f5: {  	v2 =	vld.idx.msk [tilespmem:v2+s18+$0x0], $0xffff;
	v3 =	vshll.u32 v3, v1  }
0x1f6: {  	v3 =	vadd.s32 $0x2, v3  }
0x1f7: {  	v3 =	vbroadcast v3, $0x0;
	_ =	sdelay $0x2  }
0x1f8: {  	v2 =	vmul.f32 v58, v2  }
0x1f9: {  	s26 =	simm.s32 $0xB  }
0x1fa: {  	v59 =	vld [tilespmem:s22+$0x20];
	[tilespmem:s22+$0x10] =	vst v2;
	v2 =	vmov s26  }
0x1fb: {  	v2 =	vshrl.u32 v2, $0x3;
	v3 =	vld.idx.msk [tilespmem:v3+s18+$0x0], $0xffff  }
0x1fc: {  	v2 =	vshll.u32 v2, v1  }
0x1fd: {  	v2 =	vadd.s32 $0x3, v2  }
0x1fe: {  	v2 =	vbroadcast v2, $0x0;
	_ =	sdelay $0x1  }
0x1ff: {  	v3 =	vmul.f32 v59, v3  }
0x200: {  	s28 =	simm.s32 $0xC  }
0x201: {  	[tilespmem:s22+$0x20] =	vst v3;
	v3 =	vmov s28  }
0x202: {  	v60 =	vld [tilespmem:s22+$0x30];
	v3 =	vshrl.u32 v3, $0x3  }
0x203: {  	v2 =	vld.idx.msk [tilespmem:v2+s18+$0x0], $0xffff;
	v3 =	vshll.u32 v3, v1  }
0x204: {  	v3 =	vadd.s32 $0x4, v3  }
0x205: {  	v3 =	vbroadcast v3, $0x0;
	_ =	sdelay $0x2  }
0x206: {  	v2 =	vmul.f32 v60, v2  }
0x207: {  	s29 =	simm.s32 $0xD  }
0x208: {  	v61 =	vld [tilespmem:s22+$0x40];
	[tilespmem:s22+$0x30] =	vst v2;
	v2 =	vmov s29  }
0x209: {  	v2 =	vshrl.u32 v2, $0x3;
	v3 =	vld.idx.msk [tilespmem:v3+s18+$0x0], $0xffff  }
0x20a: {  	v2 =	vshll.u32 v2, v1  }
0x20b: {  	v2 =	vadd.s32 $0x5, v2  }
0x20c: {  	v2 =	vbroadcast v2, $0x0;
	_ =	sdelay $0x1  }
0x20d: {  	v3 =	vmul.f32 v61, v3  }
0x20e: {  	s30 =	simm.s32 $0xE  }
0x20f: {  	[tilespmem:s22+$0x40] =	vst v3;
	v3 =	vmov s30  }
0x210: {  	v62 =	vld [tilespmem:s22+$0x50];
	v3 =	vshrl.u32 v3, $0x3  }
0x211: {  	v2 =	vld.idx.msk [tilespmem:v2+s18+$0x0], $0xffff;
	v3 =	vshll.u32 v3, v1  }
0x212: {  	v3 =	vadd.s32 $0x6, v3  }
0x213: {  	v3 =	vbroadcast v3, $0x0;
	_ =	sdelay $0x2  }
0x214: {  	v2 =	vmul.f32 v62, v2;
	_ =	sdelay $0x1  }
0x215: {  	[tilespmem:s22+$0x50] =	vst v2  }
0x216: {  	v2 =	vld.idx.msk [tilespmem:v3+s18+$0x0], $0xffff  }
0x217: {  	v3 =	vld [tilespmem:s22+$0x60]  }
0x218: {  	s31 =	simm.s32 $0xF  }
0x219: {  	v63 =	vmov s31  }
0x21a: {  	v4 =	vshrl.u32 v63, $0x3  }
0x21b: {  	v4 =	vshll.u32 v4, v1  }
0x21c: {  	v3 =	vmul.f32 v3, v2;
	v2 =	vadd.s32 $0x7, v4  }
0x21d: {  	v2 =	vbroadcast v2, $0x0;
	_ =	sdelay $0x4  }
0x21e: {  	s23 =	simm.s32 $0x1F;
	s24 =	simm.s32 $0x2F;
	s25 =	simm.s32 $0x10;
	[tilespmem:s22+$0x60] =	vst v3  }
.LBB2_9:
0x21f: {  	p2 =	sne.s32 s24, $0x31F;
	v3 =	vmov s25;
	v2 =	vld.idx.msk [tilespmem:v2+s18+$0x0], $0xffff  }
0x220: {  	v3 =	vshrl.u32 v3, $0x3;
	v4 =	vld [tilespmem:s22+$0x70]  }
0x221: {  	v3 =	vshll.u32 v3, v1  }
0x222: {  	v3 =	vbroadcast v3, $0x0;
	_ =	sdelay $0x2  }
0x223: {  	v2 =	vmul.f32 v4, v2  }
0x224: {  	s25 =	sadd.s32 $0xFFFFFFF2, s23  }
0x225: {  	v4 =	vmov s25;
	[tilespmem:s22+$0x70] =	vst v2  }
0x226: {  	s22 =	sadd.s32 $0x100, s22;
	v2 =	vld.idx.msk [tilespmem:v3+s18+$0x0], $0xffff;
	v3 =	vshrl.u32 v4, $0x3  }
0x227: {  	v4 =	vld [tilespmem:s22+$0xFFFFFF80];
	v3 =	vshll.u32 v3, v1  }
0x228: {  	v3 =	vadd.s32 $0x1, v3  }
0x229: {  	v3 =	vbroadcast v3, $0x0;
	_ =	sdelay $0x2  }
0x22a: {  	v2 =	vmul.f32 v4, v2  }
0x22b: {  	s25 =	sadd.s32 $0xFFFFFFF3, s23  }
0x22c: {  	[tilespmem:s22+$0xFFFFFF80] =	vst v2;
	v2 =	vmov s25  }
0x22d: {  	v3 =	vld.idx.msk [tilespmem:v3+s18+$0x0], $0xffff;
	v2 =	vshrl.u32 v2, $0x3  }
0x22e: {  	v4 =	vld [tilespmem:s22+$0xFFFFFF90];
	v2 =	vshll.u32 v2, v1  }
0x22f: {  	v2 =	vadd.s32 $0x2, v2  }
0x230: {  	v2 =	vbroadcast v2, $0x0;
	_ =	sdelay $0x2  }
0x231: {  	v3 =	vmul.f32 v4, v3  }
0x232: {  	s25 =	sadd.s32 $0xFFFFFFF4, s23  }
0x233: {  	[tilespmem:s22+$0xFFFFFF90] =	vst v3;
	v3 =	vmov s25  }
0x234: {  	v2 =	vld.idx.msk [tilespmem:v2+s18+$0x0], $0xffff;
	v3 =	vshrl.u32 v3, $0x3  }
0x235: {  	v4 =	vld [tilespmem:s22+$0xFFFFFFA0];
	v3 =	vshll.u32 v3, v1  }
0x236: {  	v3 =	vadd.s32 $0x3, v3  }
0x237: {  	v3 =	vbroadcast v3, $0x0;
	_ =	sdelay $0x2  }
0x238: {  	v2 =	vmul.f32 v4, v2  }
0x239: {  	s25 =	sadd.s32 $0xFFFFFFF5, s23  }
0x23a: {  	[tilespmem:s22+$0xFFFFFFA0] =	vst v2;
	v2 =	vmov s25  }
0x23b: {  	v3 =	vld.idx.msk [tilespmem:v3+s18+$0x0], $0xffff;
	v2 =	vshrl.u32 v2, $0x3  }
0x23c: {  	v4 =	vld [tilespmem:s22+$0xFFFFFFB0];
	v2 =	vshll.u32 v2, v1  }
0x23d: {  	v2 =	vadd.s32 $0x4, v2  }
0x23e: {  	v2 =	vbroadcast v2, $0x0;
	_ =	sdelay $0x2  }
0x23f: {  	v3 =	vmul.f32 v4, v3  }
0x240: {  	s25 =	sadd.s32 $0xFFFFFFF6, s23  }
0x241: {  	[tilespmem:s22+$0xFFFFFFB0] =	vst v3;
	v3 =	vmov s25  }
0x242: {  	v2 =	vld.idx.msk [tilespmem:v2+s18+$0x0], $0xffff;
	v3 =	vshrl.u32 v3, $0x3  }
0x243: {  	v4 =	vld [tilespmem:s22+$0xFFFFFFC0];
	v3 =	vshll.u32 v3, v1  }
0x244: {  	v3 =	vadd.s32 $0x5, v3  }
0x245: {  	v3 =	vbroadcast v3, $0x0;
	_ =	sdelay $0x2  }
0x246: {  	v2 =	vmul.f32 v4, v2  }
0x247: {  	s25 =	sadd.s32 $0xFFFFFFF7, s23  }
0x248: {  	[tilespmem:s22+$0xFFFFFFC0] =	vst v2;
	v2 =	vmov s25  }
0x249: {  	v3 =	vld.idx.msk [tilespmem:v3+s18+$0x0], $0xffff;
	v2 =	vshrl.u32 v2, $0x3  }
0x24a: {  	v4 =	vld [tilespmem:s22+$0xFFFFFFD0];
	v2 =	vshll.u32 v2, v1  }
0x24b: {  	v2 =	vadd.s32 $0x6, v2  }
0x24c: {  	v2 =	vbroadcast v2, $0x0;
	_ =	sdelay $0x2  }
0x24d: {  	v3 =	vmul.f32 v4, v3  }
0x24e: {  	s25 =	sadd.s32 $0xFFFFFFF8, s23  }
0x24f: {  	[tilespmem:s22+$0xFFFFFFD0] =	vst v3;
	v3 =	vmov s25  }
0x250: {  	v2 =	vld.idx.msk [tilespmem:v2+s18+$0x0], $0xffff;
	v3 =	vshrl.u32 v3, $0x3  }
0x251: {  	v4 =	vld [tilespmem:s22+$0xFFFFFFE0];
	v3 =	vshll.u32 v3, v1  }
0x252: {  	v3 =	vadd.s32 $0x7, v3  }
0x253: {  	v3 =	vbroadcast v3, $0x0;
	_ =	sdelay $0x2  }
0x254: {  	v2 =	vmul.f32 v4, v2;
	_ =	sdelay $0x1  }
0x255: {  	s25 =	sadd.s32 $0xFFFFFFF9, s23;
	[tilespmem:s22+$0xFFFFFFE0] =	vst v2  }
0x256: {  	v2 =	vld.idx.msk [tilespmem:v3+s18+$0x0], $0xffff;
	v3 =	vmov s25  }
0x257: {  	v4 =	vld [tilespmem:s22+$0xFFFFFFF0];
	v3 =	vshrl.u32 v3, $0x3  }
0x258: {  	v3 =	vshll.u32 v3, v1  }
0x259: {  	v3 =	vbroadcast v3, $0x0;
	_ =	sdelay $0x2  }
0x25a: {  	v2 =	vmul.f32 v4, v2  }
0x25b: {  	s25 =	sadd.s32 $0xFFFFFFFA, s23  }
0x25c: {  	[tilespmem:s22+$0xFFFFFFF0] =	vst v2;
	v2 =	vmov s25  }
0x25d: {  	v3 =	vld.idx.msk [tilespmem:v3+s18+$0x0], $0xffff;
	v2 =	vshrl.u32 v2, $0x3  }
0x25e: {  	v4 =	vld [tilespmem:s22+$0x0];
	v2 =	vshll.u32 v2, v1  }
0x25f: {  	v2 =	vadd.s32 $0x1, v2  }
0x260: {  	v2 =	vbroadcast v2, $0x0;
	_ =	sdelay $0x2  }
0x261: {  	v3 =	vmul.f32 v4, v3  }
0x262: {  	s25 =	sadd.s32 $0xFFFFFFFB, s23  }
0x263: {  	[tilespmem:s22+$0x0] =	vst v3;
	v3 =	vmov s25  }
0x264: {  	v2 =	vld.idx.msk [tilespmem:v2+s18+$0x0], $0xffff;
	v3 =	vshrl.u32 v3, $0x3  }
0x265: {  	v4 =	vld [tilespmem:s22+$0x10];
	v3 =	vshll.u32 v3, v1  }
0x266: {  	v3 =	vadd.s32 $0x2, v3  }
0x267: {  	v3 =	vbroadcast v3, $0x0;
	_ =	sdelay $0x2  }
0x268: {  	v2 =	vmul.f32 v4, v2  }
0x269: {  	s25 =	sadd.s32 $0xFFFFFFFC, s23  }
0x26a: {  	[tilespmem:s22+$0x10] =	vst v2;
	v2 =	vmov s25  }
0x26b: {  	v3 =	vld.idx.msk [tilespmem:v3+s18+$0x0], $0xffff;
	v2 =	vshrl.u32 v2, $0x3  }
0x26c: {  	v4 =	vld [tilespmem:s22+$0x20];
	v2 =	vshll.u32 v2, v1  }
0x26d: {  	v2 =	vadd.s32 $0x3, v2  }
0x26e: {  	v2 =	vbroadcast v2, $0x0;
	_ =	sdelay $0x2  }
0x26f: {  	v3 =	vmul.f32 v4, v3  }
0x270: {  	s25 =	sadd.s32 $0xFFFFFFFD, s23  }
0x271: {  	[tilespmem:s22+$0x20] =	vst v3;
	v3 =	vmov s25  }
0x272: {  	v2 =	vld.idx.msk [tilespmem:v2+s18+$0x0], $0xffff;
	v3 =	vshrl.u32 v3, $0x3  }
0x273: {  	v4 =	vld [tilespmem:s22+$0x30];
	v3 =	vshll.u32 v3, v1  }
0x274: {  	v3 =	vadd.s32 $0x4, v3  }
0x275: {  	v3 =	vbroadcast v3, $0x0;
	_ =	sdelay $0x2  }
0x276: {  	v2 =	vmul.f32 v4, v2  }
0x277: {  	s25 =	sadd.s32 $0xFFFFFFFE, s23  }
0x278: {  	[tilespmem:s22+$0x30] =	vst v2;
	v2 =	vmov s25  }
0x279: {  	v3 =	vld.idx.msk [tilespmem:v3+s18+$0x0], $0xffff;
	v2 =	vshrl.u32 v2, $0x3  }
0x27a: {  	v4 =	vld [tilespmem:s22+$0x40];
	v2 =	vshll.u32 v2, v1  }
0x27b: {  	v2 =	vadd.s32 $0x5, v2  }
0x27c: {  	v2 =	vbroadcast v2, $0x0;
	_ =	sdelay $0x2  }
0x27d: {  	v3 =	vmul.f32 v4, v3  }
0x27e: {  	s25 =	sadd.s32 $0xFFFFFFFF, s23  }
0x27f: {  	[tilespmem:s22+$0x40] =	vst v3;
	v3 =	vmov s25  }
0x280: {  	v2 =	vld.idx.msk [tilespmem:v2+s18+$0x0], $0xffff;
	v3 =	vshrl.u32 v3, $0x3  }
0x281: {  	v4 =	vld [tilespmem:s22+$0x50];
	v3 =	vshll.u32 v3, v1  }
0x282: {  	v3 =	vadd.s32 $0x6, v3  }
0x283: {  	v3 =	vbroadcast v3, $0x0;
	_ =	sdelay $0x2  }
0x284: {  	v2 =	vmul.f32 v4, v2;
	_ =	sdelay $0x1  }
0x285: {  	[tilespmem:s22+$0x50] =	vst v2;
	v2 =	vmov s23;
	s23 =	smov.u32 s24  }
0x286: {  	v3 =	vld.idx.msk [tilespmem:v3+s18+$0x0], $0xffff;
	v2 =	vshrl.u32 v2, $0x3  }
0x287: {  	v4 =	vld [tilespmem:s22+$0x60];
	v2 =	vshll.u32 v2, v1  }
0x288: {  	v2 =	vadd.s32 $0x7, v2  }
0x289: {  	v2 =	vbroadcast v2, $0x0  }
.Ltmp13:
0x28a: {  	(pc) =	sbr.rel @p2 .LBB2_9-.Ltmp13, $3  }
0x28b: {  	_ = 	snop  }
0x28c: {  	v3 =	vmul.f32 v4, v3;
	_ =	sdelay $0x1  }
0x28d: {  	s24 =	sadd.s32 $0x10, s24;
	s25 =	sadd.s32 $0xFFFFFFF1, s23;
	[tilespmem:s22+$0x60] =	vst v3  }
0x28e: {  	_ =	sdelay $0x3  }
0x28f: {  	v3 =	vmov s25;
	v2 =	vld.idx.msk [tilespmem:v2+s18+$0x0], $0xffff  }
0x290: {  	v4 =	vld [tilespmem:s22+$0x70];
	v3 =	vshrl.u32 v3, $0x3  }
0x291: {  	v3 =	vshll.u32 v3, v1  }
0x292: {  	v3 =	vbroadcast v3, $0x0;
	_ =	sdelay $0x2  }
0x293: {  	v2 =	vmul.f32 v4, v2  }
0x294: {  	s24 =	sadd.s32 $0xFFFFFFF2, s23  }
0x295: {  	v48 =	vmov s24;
	[tilespmem:s22+$0x70] =	vst v2  }
0x296: {  	s22 =	sadd.s32 $0x100, s22;
	v2 =	vld.idx.msk [tilespmem:v3+s18+$0x0], $0xffff;
	v3 =	vshrl.u32 v48, $0x3  }
0x297: {  	v49 =	vld [tilespmem:s22+$0xFFFFFF80];
	v3 =	vshll.u32 v3, v1  }
0x298: {  	v3 =	vadd.s32 $0x1, v3  }
0x299: {  	v3 =	vbroadcast v3, $0x0;
	_ =	sdelay $0x2  }
0x29a: {  	v2 =	vmul.f32 v49, v2  }
0x29b: {  	s31 =	sadd.s32 $0xFFFFFFF3, s23  }
0x29c: {  	v50 =	vld [tilespmem:s22+$0xFFFFFF90];
	[tilespmem:s22+$0xFFFFFF80] =	vst v2;
	v2 =	vmov s31  }
0x29d: {  	v2 =	vshrl.u32 v2, $0x3;
	v3 =	vld.idx.msk [tilespmem:v3+s18+$0x0], $0xffff  }
0x29e: {  	v2 =	vshll.u32 v2, v1  }
0x29f: {  	v2 =	vadd.s32 $0x2, v2  }
0x2a0: {  	v2 =	vbroadcast v2, $0x0;
	_ =	sdelay $0x1  }
0x2a1: {  	v3 =	vmul.f32 v50, v3  }
0x2a2: {  	s25 =	sadd.s32 $0xFFFFFFF4, s23  }
0x2a3: {  	[tilespmem:s22+$0xFFFFFF90] =	vst v3;
	v3 =	vmov s25  }
0x2a4: {  	v51 =	vld [tilespmem:s22+$0xFFFFFFA0];
	v3 =	vshrl.u32 v3, $0x3  }
0x2a5: {  	v2 =	vld.idx.msk [tilespmem:v2+s18+$0x0], $0xffff;
	v3 =	vshll.u32 v3, v1  }
0x2a6: {  	v3 =	vadd.s32 $0x3, v3  }
0x2a7: {  	v3 =	vbroadcast v3, $0x0;
	_ =	sdelay $0x2  }
0x2a8: {  	v2 =	vmul.f32 v51, v2  }
0x2a9: {  	s26 =	sadd.s32 $0xFFFFFFF5, s23  }
0x2aa: {  	v52 =	vld [tilespmem:s22+$0xFFFFFFB0];
	[tilespmem:s22+$0xFFFFFFA0] =	vst v2;
	v2 =	vmov s26  }
0x2ab: {  	v2 =	vshrl.u32 v2, $0x3;
	v3 =	vld.idx.msk [tilespmem:v3+s18+$0x0], $0xffff  }
0x2ac: {  	v2 =	vshll.u32 v2, v1  }
0x2ad: {  	v2 =	vadd.s32 $0x4, v2  }
0x2ae: {  	v2 =	vbroadcast v2, $0x0;
	_ =	sdelay $0x1  }
0x2af: {  	v3 =	vmul.f32 v52, v3  }
0x2b0: {  	s28 =	sadd.s32 $0xFFFFFFF6, s23  }
0x2b1: {  	[tilespmem:s22+$0xFFFFFFB0] =	vst v3;
	v3 =	vmov s28  }
0x2b2: {  	v53 =	vld [tilespmem:s22+$0xFFFFFFC0];
	v3 =	vshrl.u32 v3, $0x3  }
0x2b3: {  	v2 =	vld.idx.msk [tilespmem:v2+s18+$0x0], $0xffff;
	v3 =	vshll.u32 v3, v1  }
0x2b4: {  	v3 =	vadd.s32 $0x5, v3  }
0x2b5: {  	v3 =	vbroadcast v3, $0x0;
	_ =	sdelay $0x2  }
0x2b6: {  	v2 =	vmul.f32 v53, v2  }
0x2b7: {  	s29 =	sadd.s32 $0xFFFFFFF7, s23  }
0x2b8: {  	v54 =	vld [tilespmem:s22+$0xFFFFFFD0];
	[tilespmem:s22+$0xFFFFFFC0] =	vst v2;
	v2 =	vmov s29  }
0x2b9: {  	v2 =	vshrl.u32 v2, $0x3;
	v3 =	vld.idx.msk [tilespmem:v3+s18+$0x0], $0xffff  }
0x2ba: {  	v2 =	vshll.u32 v2, v1  }
0x2bb: {  	v2 =	vadd.s32 $0x6, v2  }
0x2bc: {  	v2 =	vbroadcast v2, $0x0;
	_ =	sdelay $0x1  }
0x2bd: {  	v3 =	vmul.f32 v54, v3  }
0x2be: {  	s30 =	sadd.s32 $0xFFFFFFF8, s23  }
0x2bf: {  	[tilespmem:s22+$0xFFFFFFD0] =	vst v3;
	v3 =	vmov s30  }
0x2c0: {  	v55 =	vld [tilespmem:s22+$0xFFFFFFE0];
	v3 =	vshrl.u32 v3, $0x3  }
0x2c1: {  	v2 =	vld.idx.msk [tilespmem:v2+s18+$0x0], $0xffff;
	v3 =	vshll.u32 v3, v1  }
0x2c2: {  	v3 =	vadd.s32 $0x7, v3  }
0x2c3: {  	v3 =	vbroadcast v3, $0x0;
	_ =	sdelay $0x2  }
0x2c4: {  	v2 =	vmul.f32 v55, v2;
	_ =	sdelay $0x1  }
0x2c5: {  	v56 =	vld [tilespmem:s22+$0xFFFFFFF0];
	s31 =	sadd.s32 $0xFFFFFFF9, s23;
	[tilespmem:s22+$0xFFFFFFE0] =	vst v2  }
0x2c6: {  	v2 =	vld.idx.msk [tilespmem:v3+s18+$0x0], $0xffff;
	v3 =	vmov s31  }
0x2c7: {  	v3 =	vshrl.u32 v3, $0x3  }
0x2c8: {  	v3 =	vshll.u32 v3, v1  }
0x2c9: {  	v3 =	vbroadcast v3, $0x0;
	_ =	sdelay $0x1  }
0x2ca: {  	v2 =	vmul.f32 v56, v2  }
0x2cb: {  	s25 =	sadd.s32 $0xFFFFFFFA, s23  }
0x2cc: {  	[tilespmem:s22+$0xFFFFFFF0] =	vst v2;
	v2 =	vmov s25  }
0x2cd: {  	v57 =	vld [tilespmem:s22+$0x0];
	v2 =	vshrl.u32 v2, $0x3  }
0x2ce: {  	v3 =	vld.idx.msk [tilespmem:v3+s18+$0x0], $0xffff;
	v2 =	vshll.u32 v2, v1  }
0x2cf: {  	v2 =	vadd.s32 $0x1, v2  }
0x2d0: {  	v2 =	vbroadcast v2, $0x0;
	_ =	sdelay $0x2  }
0x2d1: {  	v3 =	vmul.f32 v57, v3  }
0x2d2: {  	s26 =	sadd.s32 $0xFFFFFFFB, s23  }
0x2d3: {  	v58 =	vld [tilespmem:s22+$0x10];
	[tilespmem:s22+$0x0] =	vst v3;
	v3 =	vmov s26  }
0x2d4: {  	v2 =	vld.idx.msk [tilespmem:v2+s18+$0x0], $0xffff;
	v3 =	vshrl.u32 v3, $0x3  }
0x2d5: {  	v3 =	vshll.u32 v3, v1  }
0x2d6: {  	v3 =	vadd.s32 $0x2, v3  }
0x2d7: {  	v3 =	vbroadcast v3, $0x0;
	_ =	sdelay $0x1  }
0x2d8: {  	v2 =	vmul.f32 v58, v2  }
0x2d9: {  	s28 =	sadd.s32 $0xFFFFFFFC, s23  }
0x2da: {  	[tilespmem:s22+$0x10] =	vst v2;
	v2 =	vmov s28  }
0x2db: {  	v59 =	vld [tilespmem:s22+$0x20];
	v2 =	vshrl.u32 v2, $0x3  }
0x2dc: {  	v3 =	vld.idx.msk [tilespmem:v3+s18+$0x0], $0xffff;
	v2 =	vshll.u32 v2, v1  }
0x2dd: {  	v2 =	vadd.s32 $0x3, v2  }
0x2de: {  	v2 =	vbroadcast v2, $0x0;
	_ =	sdelay $0x2  }
0x2df: {  	v3 =	vmul.f32 v59, v3  }
0x2e0: {  	s29 =	sadd.s32 $0xFFFFFFFD, s23  }
0x2e1: {  	v60 =	vld [tilespmem:s22+$0x30];
	[tilespmem:s22+$0x20] =	vst v3;
	v3 =	vmov s29  }
0x2e2: {  	v2 =	vld.idx.msk [tilespmem:v2+s18+$0x0], $0xffff;
	v3 =	vshrl.u32 v3, $0x3  }
0x2e3: {  	v3 =	vshll.u32 v3, v1  }
0x2e4: {  	v3 =	vadd.s32 $0x4, v3  }
0x2e5: {  	v3 =	vbroadcast v3, $0x0;
	_ =	sdelay $0x1  }
0x2e6: {  	v2 =	vmul.f32 v60, v2  }
0x2e7: {  	s30 =	sadd.s32 $0xFFFFFFFE, s23  }
0x2e8: {  	[tilespmem:s22+$0x30] =	vst v2;
	v2 =	vmov s30  }
0x2e9: {  	v61 =	vld [tilespmem:s22+$0x40];
	v2 =	vshrl.u32 v2, $0x3  }
0x2ea: {  	v3 =	vld.idx.msk [tilespmem:v3+s18+$0x0], $0xffff;
	v2 =	vshll.u32 v2, v1  }
0x2eb: {  	v2 =	vadd.s32 $0x5, v2  }
0x2ec: {  	v2 =	vbroadcast v2, $0x0;
	_ =	sdelay $0x2  }
0x2ed: {  	v3 =	vmul.f32 v61, v3  }
0x2ee: {  	s31 =	sadd.s32 $0xFFFFFFFF, s23  }
0x2ef: {  	v62 =	vld [tilespmem:s22+$0x50];
	[tilespmem:s22+$0x40] =	vst v3;
	v3 =	vmov s31  }
0x2f0: {  	v2 =	vld.idx.msk [tilespmem:v2+s18+$0x0], $0xffff;
	v3 =	vshrl.u32 v3, $0x3  }
0x2f1: {  	v3 =	vshll.u32 v3, v1  }
0x2f2: {  	v3 =	vadd.s32 $0x6, v3  }
0x2f3: {  	v3 =	vbroadcast v3, $0x0;
	_ =	sdelay $0x1  }
0x2f4: {  	v2 =	vmul.f32 v62, v2;
	_ =	sdelay $0x1  }
0x2f5: {  	[tilespmem:s22+$0x50] =	vst v2;
	v2 =	vmov s23  }
0x2f6: {  	v63 =	vld [tilespmem:s22+$0x60];
	v2 =	vshrl.u32 v2, $0x3  }
0x2f7: {  	v3 =	vld.idx.msk [tilespmem:v3+s18+$0x0], $0xffff;
	v2 =	vshll.u32 v2, v1  }
0x2f8: {  	v2 =	vadd.s32 $0x7, v2  }
0x2f9: {  	v2 =	vbroadcast v2, $0x0;
	_ =	sdelay $0x2  }
0x2fa: {  	v3 =	vmul.f32 v63, v3;
	_ =	sdelay $0x1  }
0x2fb: {  	[tilespmem:s22+$0x60] =	vst v3;
	v3 =	vld [tilespmem:s22+$0x70]  }
0x2fc: {  	v2 =	vld.idx.msk [tilespmem:v2+s18+$0x0], $0xffff;
	_ =	sdelay $0x4  }
0x2fd: {  	s21 =	sadd.s32 $0x1, s21;
	v2 =	vmul.f32 v3, v2  }
0x2fe: {  	p2 =	sne.s32 s21, $0x7D  }
.Ltmp14:
0x2ff: {  	[tilespmem:s22+$0x70] =	vst v2;
	(pc) =	sbr.rel @p2 .LBB2_8-.Ltmp14, $4  }
0x300: {  	[spmem:s3] =	stream.indirect.scatter.add.f32 [tilespmem:s15], [sflag:$0x2], $0x10, s17, s17, $0xb8;
	[tilespmem:$0x1C200] =	vst v63  }
0x301: {  	_ =	swait.ge [sflag:s16], $0x3200  }
0x302: {  	[sflag:s16] =	ssyncset.done $0x0  }
0x303: {  	[sflag:s16] =	ssyncadd.s32 $0xFFFFCE00  }
.Ltmp15:
0x304: {  	(pc) =	sbr.rel @p1 .LBB2_22-.Ltmp15, $2  }
0x305: {  	_ =	sdelay $0x1  }
0x306: {  	[bflag:$0x0] =	sbarrier.arrive $0xFFFF;
	_ =	sdelay $0x1  }
0x307: {  	p2 =	seq.s32 s9, $0x1  }
.Ltmp16:
0x308: {  	_ = 	snop;
	(pc) =	sbr.rel @p2 .LBB2_14-.Ltmp16, $4  }
0x309: {  	s21 =	sshll.u32 s2, $0x6  }
0x30a: {  	s22 =	sshrl.u32 s12, $0x3;
	s23 =	sadd.s32 $0x3200, s12;
	s21 =	sor.u32 $0x1C02, s21  }
0x30b: {  	[hbm:s13], [sflag:s21] =	dma.local [spmem:s22], $0x640  }
0x30c: {  	s24 =	smov.u32 s13;
	s22 =	sadd.s32 $0xFFFFFFFF, s9;
	_ =	swait.ge [sflag:s16], $0x640  }
.LBB2_13:
0x30d: {  	[sflag:s16] =	ssyncset.done $0x0;
	s24 =	sadd.s32 $0x640, s24;
	p2 =	seq.s32 s22, $0x1  }
.Ltmp17:
0x30e: {  	s25 =	sshrl.u32 s23, $0x3;
	[sflag:s16] =	ssyncadd.s32 $0xFFFFF9C0;
	(pc) =	sbr.rel @!p2 .LBB2_13-.Ltmp17, $3  }
0x30f: {  	[hbm:s24], [sflag:s21] =	dma.local [spmem:s25], $0x640  }
0x310: {  	s22 =	sadd.s32 $0xFFFFFFFF, s22;
	_ =	sdelay $0x1  }
0x311: {  	s23 =	sadd.s32 $0x3200, s23;
	_ =	swait.ge [sflag:s16], $0x640  }
.LBB2_14:
.Ltmp18:
0x312: {  	(pc) =	sbr.rel .LBB2_22-.Ltmp18, $3  }
0x313: {  	_ =	sdelay $0x1  }
0x314: {  	[sflag:s16] =	ssyncset.done $0x0  }
0x315: {  	[sflag:s16] =	ssyncadd.s32 $0xFFFFF9C0  }
.LBB2_23:
0x316: {  	_ =	sfence.sel $0x180000  }
0x317: {  	[bflag:$0x0] =	sbarrier.arrive $0xFFFF  }
0x318: {  	p0 =	sne.s32 s2, $0x0;
	_ =	strace $0x90000047  }
0x319: {  	s0 =	sadd.s32 @!p0 $0x100000, s0;
	[bflag:$0x2] =	sbarrier.arrive $0xFFFF  }
0x31a: {  	[sflag:s0] =	ssyncadd.tile.s32 @!p0 $0x1;
	_ =	shalt  }
.Lfunc_end2:
_tile_overlayer_lowered:
.L_overlay_start_2:
0x31b: {  	(tag) =	ssettag $0x2  }
0x31c: {  	s0 =	rddreg [dreg:$0x0];
	s2 =	stileid.u32  }
0x31d: {  	s1 =	rddreg [dreg:$0x1];
	p0 =	sne.s32 s2, $0x0  }
0x31e: {  	s3 =	rddreg [dreg:$0x2];
	[bflag:$0x3] =	sbarrier.arrive $0xFFFF;
	s2 =	simm.s32 @!p0 $0x1C02  }
0x31f: {  	[timem:s3], [sflag:s2] =	dma.local @!p0 [hbm:s0], s1  }
0x320: {  	s0 =	simm.s32 @!p0 $0x2  }
0x321: {  	_ =	swait.ge @!p0 [sflag:s0], s1  }
0x322: {  	s1 =	ssub.s32 @!p0 $0x0, s1;
	[sflag:s0] =	ssyncset.done @!p0 $0x0  }
0x323: {  	[sflag:s0] =	ssyncadd.s32 @!p0 s1  }
0x324: {  	[bflag:$0x3] =	sbarrier.arrive $0xFFFF  }
0x325: {  	_ =	shalt  }

// kernel: kernel.9.cloned.1.call-start
scs
__scs_entry_jumppad:
0x0: {  	(pc) =	sbr.rel $0x88, $3  }
0x1: {  	(tag) =	ssettag $0x0;
	lr =	simm.s32 $0x1  }
0x2: {  	[smem:$0x3F9A] =	sst lr;
	_ =	strace $0xD0000000  }
0x3: {  	_ = 	snop  }
0x4: {  	_ = 	snop  }
0x5: {  	_ = 	snop  }
0x6: {  	_ = 	snop  }
0x7: {  	_ = 	snop  }
__scs_overlays_trampoline_lowered:
0x8: {  	[smem:$0x3FA9] =	sst s0  }
0x9: {  	[smem:$0x3FAA] =	sst s1  }
0xa: {  	[smem:$0x3FAB] =	sst s2  }
0xb: {  	[smem:$0x3FAC] =	sst s3  }
0xc: {  	[smem:$0x3FAD] =	sst s4  }
0xd: {  	[smem:$0x3FAE] =	sst s5  }
0xe: {  	[smem:$0x3FAF] =	sst s6  }
0xf: {  	[smem:$0x3FB0] =	sst s7  }
0x10: {  	[smem:$0x3FB1] =	sst s8  }
0x11: {  	[smem:$0x3FB2] =	sst s9;
	s0 =	simm.s32 @!p0 $0x0  }
0x12: {  	s1 =	sld [smem:$0x3F98];
	s0 =	simm.s32 @p0 $0x1  }
0x13: {  	[smem:$0x3FB3] =	sst s0;
	s0 =	simm.s32 @!p1 $0x0  }
0x14: {  	s2 =	sld [smem:$0x3F97];
	s0 =	simm.s32 @p1 $0x1  }
0x15: {  	[smem:$0x3FB4] =	sst s0;
	s0 =	simm.s32 @!p2 $0x0  }
0x16: {  	s3 =	sld [smem:$0x3FDB];
	s0 =	simm.s32 @p2 $0x1  }
0x17: {  	s4 =	simm.s32 $0x1BF5;
	[smem:$0x3FB6] =	sst s0  }
0x18: {  	s0 =	sld [smem:$0x3F99];
	_ =	swait.ge [sflag:s4], $0x0  }
0x19: {  	s7 =	sld [smem:$0x3F9A]  }
0x1a: {  	s8 =	sadd.s32 $0xFFFFE003, lr  }
0x1b: {  	s9 =	sadd.s32 $0xFFFFFEF7, lr;
	s5 =	simm.s32 $0xFFFFFFFF;
	p2 =	slt.u32 s8, $0xFFFFF086  }
0x1c: {  	p1 =	slt.u32 s9, $0xF7A;
	s5 =	simm.s32 @!p2 $0x0  }
0x1d: {  	s5 =	simm.s32 @p1 $0x1;
	p0 =	seq.s32 s7, s2  }
0x1e: {  	s7 =	smul.u32 @!p0 $0xF7A, s2;
	p2 =	seq.s32 @!p0 s5, $0x0  }
0x1f: {  	s9 =	smul.u32 $0xF7A, s1;
	s8 =	simm.s32 @!p0 $0x1BF5;
	p2 =	por !p2, p0  }
0x20: {  	[sflag:s8] =	ssyncset.s32 @!p0 $0xFFFFF086;
	s6 =	sadd.s32 @!p0 s3, s7;
	s7 =	simm.s32 @!p0 $0x108  }
0x21: {  	s3 =	sadd.s32 s3, s9;
	s6 =	sadd.s32 @!p0 $0x88, s6;
	s7 =	simm.s32 @p2 $0x1082  }
0x22: {  	[simem:s7], [sflag:s8] =	dma.local @!p0 [hbm:s6], $0xF7A  }
0x23: {  	s9 =	sor.u32 $0xD0000000, s2;
	s6 =	simm.s32 $0x108;
	_ =	swait.ge @!p0 [sflag:s8], $0x0  }
0x24: {  	s3 =	sadd.s32 $0x88, s3;
	s6 =	simm.s32 @!p1 $0x1082;
	[sflag:s4] =	ssyncset.s32 $0xFFFFF086  }
0x25: {  	[simem:s6], [sflag:s4] =	dma.local [hbm:s3], $0xF7A  }
0x26: {  	[smem:$0x3F9A] =	sst s1;
	(tag) =	ssettag s2;
	_ =	strace s9  }
0x27: {  	s1 =	sld [smem:$0x3FAA]  }
0x28: {  	s2 =	sld [smem:$0x3FAB]  }
0x29: {  	s4 =	sld [smem:$0x3FAD]  }
0x2a: {  	p0 =	seq.s32 s5, $0x0;
	s5 =	sld [smem:$0x3FAE]  }
0x2b: {  	s6 =	sld [smem:$0x3FAF]  }
0x2c: {  	s7 =	sld [smem:$0x3FB0]  }
0x2d: {  	s3 =	simm.s32 $0x108;
	s8 =	sld [smem:$0x3FB1]  }
0x2e: {  	s3 =	simm.s32 @!p0 $0x1082;
	s9 =	sld [smem:$0x3FB2]  }
0x2f: {  	lr =	sadd.s32 s0, s3;
	s0 =	sld [smem:$0x3FA9]  }
0x30: {  	s3 =	sld [smem:$0x3FAC]  }
0x31: {  	[smem:$0x3FB5] =	sst s10  }
0x32: {  	s10 =	sld [smem:$0x3FB3];
	_ =	sdelay $0x3  }
0x33: {  	p0 =	seq.s32 s10, $0x1;
	s10 =	sld [smem:$0x3FB5];
	_ =	sdelay $0x3  }
0x34: {  	[smem:$0x3FB5] =	sst s10  }
0x35: {  	s10 =	sld [smem:$0x3FB4];
	_ =	sdelay $0x3  }
0x36: {  	p1 =	seq.s32 s10, $0x1;
	s10 =	sld [smem:$0x3FB5];
	_ =	sdelay $0x3  }
0x37: {  	[smem:$0x3FB5] =	sst s10  }
0x38: {  	s10 =	sld [smem:$0x3FB6]  }
0x39: {  	_ = 	snop;
	(pc) =	sbr.ind lr, $3  }
0x3a: {  	_ = 	snop  }
0x3b: {  	_ = 	snop  }
0x3c: {  	p2 =	seq.s32 s10, $0x1;
	s10 =	sld [smem:$0x3FB5]  }
0x3d: {  	_ =	shalt  }
0x3e: {  	_ =	shalt  }
0x3f: {  	_ =	shalt  }
0x40: {  	_ =	shalt  }
0x41: {  	_ =	shalt  }
0x42: {  	_ =	shalt  }
0x43: {  	_ =	shalt  }
0x44: {  	_ =	shalt  }
0x45: {  	_ =	shalt  }
0x46: {  	_ =	shalt  }
0x47: {  	_ =	shalt  }
0x48: {  	_ =	shalt  }
0x49: {  	_ =	shalt  }
0x4a: {  	_ =	shalt  }
0x4b: {  	_ =	shalt  }
0x4c: {  	_ =	shalt  }
0x4d: {  	_ =	shalt  }
0x4e: {  	_ =	shalt  }
0x4f: {  	_ =	shalt  }
0x50: {  	_ =	shalt  }
0x51: {  	_ =	shalt  }
0x52: {  	_ =	shalt  }
0x53: {  	_ =	shalt  }
0x54: {  	_ =	shalt  }
0x55: {  	_ =	shalt  }
0x56: {  	_ =	shalt  }
0x57: {  	_ =	shalt  }
0x58: {  	_ =	shalt  }
0x59: {  	_ =	shalt  }
0x5a: {  	_ =	shalt  }
0x5b: {  	_ =	shalt  }
0x5c: {  	_ =	shalt  }
0x5d: {  	_ =	shalt  }
0x5e: {  	_ =	shalt  }
0x5f: {  	_ =	shalt  }
0x60: {  	_ =	shalt  }
0x61: {  	_ =	shalt  }
0x62: {  	_ =	shalt  }
0x63: {  	_ =	shalt  }
0x64: {  	_ =	shalt  }
0x65: {  	_ =	shalt  }
0x66: {  	_ =	shalt  }
0x67: {  	_ =	shalt  }
0x68: {  	_ =	shalt  }
0x69: {  	_ =	shalt  }
0x6a: {  	_ =	shalt  }
0x6b: {  	_ =	shalt  }
0x6c: {  	_ =	shalt  }
0x6d: {  	_ =	shalt  }
0x6e: {  	_ =	shalt  }
0x6f: {  	_ =	shalt  }
0x70: {  	_ =	shalt  }
0x71: {  	_ =	shalt  }
0x72: {  	_ =	shalt  }
0x73: {  	_ =	shalt  }
0x74: {  	_ =	shalt  }
0x75: {  	_ =	shalt  }
0x76: {  	_ =	shalt  }
0x77: {  	_ =	shalt  }
0x78: {  	_ =	shalt  }
0x79: {  	_ =	shalt  }
0x7a: {  	_ =	shalt  }
0x7b: {  	_ =	shalt  }
0x7c: {  	_ =	shalt  }
0x7d: {  	_ =	shalt  }
0x7e: {  	_ =	shalt  }
0x7f: {  	_ =	shalt  }
0x80: {  	_ =	shalt  }
0x81: {  	_ =	shalt  }
0x82: {  	_ =	shalt  }
0x83: {  	_ =	shalt  }
0x84: {  	_ =	shalt  }
0x85: {  	_ =	shalt  }
0x86: {  	_ =	shalt  }
0x87: {  	_ =	shalt  }
.Lfunc_end0:
.L_simem_size_0:
called_computation.1_lowered:
.L_overlay_start_0:
0x88: {  	s2 =	sld [smem:$0x3FD9]  }
0x89: {  	s3 =	sld [smem:$0x3FFE];
	_ =	sdelay $0x1  }
0x8a: {  	s1 =	srdreg.scid  }
0x8b: {  	s0 =	sand.u32 $0x1, s1  }
0x8c: {  	s17 =	sshll.u32 s0, $0xA;
	s2 =	sadd.s32 s3, s2  }
0x8d: {  	s2 =	sadd.s32 s2, s17  }
0x8e: {  	[smem:$0x3FC1] =	sst s2  }
0x8f: {  	_ = 	snop  }
0x90: {  	s2 =	sld [smem:$0x3FC5];
	(tm) =	ssettm $0x1  }
0x91: {  	s18 =	sld [smem:$0x3FFB];
	_ =	sdelay $0x3  }
0x92: {  	_ =	strace s18  }
0x93: {  	s3 =	sld [smem:$0x3FFC];
	_ =	sdelay $0x3  }
0x94: {  	_ =	strace s3  }
0x95: {  	s3 =	sld [smem:$0x3FFD];
	_ =	sdelay $0x3  }
0x96: {  	_ =	strace s3  }
0x97: {  	_ =	strace $0x8FFFFFFF  }
0x98: {  	s19 =	sld [smem:$0x3FDB];
	_ =	sdelay $0x1  }
0x99: {  	s4 =	simm.s32 $_scs_section_size  }
0x9a: {  	s5 =	simm.s32 $_size__tile_overlayer_lowered;
	s6 =	simm.s32 $_tile_overlayer_lowered  }
0x9b: {  	s22 =	simm.s32 $0x1BFF;
	s21 =	sshll.u32 s6, $0x1;
	s3 =	sadd.s32 s4, s19  }
0x9c: {  	s7 =	simm.s32 $0x0;
	s20 =	sshll.u32 s5, $0x1;
	s5 =	sadd.s32 s21, s3  }
0x9d: {  	[timem:s7], [sflag:s22] =	dma.local [hbm:s5], s20  }
0x9e: {  	_ =	swait.ge [sflag:s22], s20  }
0x9f: {  	s4 =	ssub.s32 $0x0, s20;
	[sflag:s22] =	ssyncset.done $0x0  }
0xa0: {  	[sflag:s22] =	ssyncadd.s32 s4;
	_ =	sdelay $0x1  }
0xa1: {  	s23 =	simm.s32 $0x1B8B  }
0xa2: {  	_ =	swait.ge [sflag:s23], $0x1  }
0xa3: {  	[sflag:s23] =	ssyncset.done $0x0  }
0xa4: {  	s25 =	simm.s32 $0x1B8E;
	s24 =	sld [smem:$0x3FFE];
	[sflag:s23] =	ssyncadd.s32 $0xFFFFFFFF  }
0xa5: {  	s26 =	simm.s32 $execute0_lowered;
	[smem:$0x3FD2] =	sst s25  }
0xa6: {  	s5 =	sshll.u32 s26, $0x1;
	_ =	strace $0x80000049;
	[dreg:$0x1] =	wrdreg $0xFFFFFFFF  }
0xa7: {  	s28 =	simm.s32 $_size_execute0_lowered;
	s3 =	sadd.s32 s3, s5;
	[dreg:$0x0] =	wrdreg $0x0  }
0xa8: {  	s5 =	sshll.u32 s28, $0x1;
	[dreg:$0x2] =	wrdreg s3  }
0xa9: {  	[dreg:$0x3] =	wrdreg s5  }
0xaa: {  	[dreg:$0x4] =	wrdreg $0xC0  }
0xab: {  	_ =	task [dreg:s7], $0x5FFFF  }
0xac: {  	[dreg:$0x1] =	wrdreg $0xFFFFFFFF  }
0xad: {  	[dreg:$0x0] =	wrdreg $0x60  }
0xae: {  	[dreg:$0x2] =	wrdreg s24  }
0xaf: {  	[dreg:$0x3] =	wrdreg s2  }
0xb0: {  	[dreg:$0x4] =	wrdreg $0x3B600  }
0xb1: {  	[dreg:$0x5] =	wrdreg $0x9  }
0xb2: {  	_ =	task.clear_ibuf [dreg:s7], $0x6FFFF;
	_ =	strace $0x90000049  }
0xb3: {  	s29 =	simm.s32 $0x9;
	_ =	strace $0x8000004B  }
0xb4: {  	_ =	swait.ge [sflag:s29], $0x1  }
0xb5: {  	[sflag:s29] =	ssyncadd.s32 $0xFFFFFFFF  }
0xb6: {  	_ =	strace $0x9000004B  }
0xb7: {  	_ =	sfence  }
0xb8: {  	s30 =	sld [smem:$0x0];
	_ =	sdelay $0x2  }
0xb9: {  	s31 =	sshll.u32 s1, $0xD;
	s1 =	sshrl.u32 s1, $0x2  }
0xba: {  	s3 =	sand.u32 $0x4000, s31;
	s1 =	sadd.s32 s1, s30  }
0xbb: {  	s0 =	sor.u32 s3, s0;
	s1 =	sshll.u32 s1, $0x11  }
0xbc: {  	s0 =	sor.u32 s1, s0  }
0xbd: {  	s0 =	sadd.s32 $0x8F2B, s0  }
0xbe: {  	[sflag:s0] =	ssyncadd.remote.s32 $0x1  }
0xbf: {  	_ =	sfence.sel $0xFFFF  }
0xc0: {  	[dreg:$0x0] =	wrdreg $0xFFFFFFFF;
	(pc) =	sbr.abs _section_cstart, $3  }
0xc1: {  	[dreg:$0x1] =	wrdreg $0xFFFFFFFF  }
0xc2: {  	_ =	task.clear_ibuf [dreg:s7], $0x2FFFF;
	_ =	strace $0x9FFFFFFF  }
0xc3: {  	(tm) =	ssettm $0x7FFFFFFF  }
tec
execute0_lowered:
.L_overlay_start_1:
0x0: {  	(tag) =	ssettag $0x1  }
0x1: {  	s9 =	rddreg [dreg:$0x0]  }
0x2: {  	s1 =	rddreg [dreg:$0x1]  }
0x3: {  	s3 =	rddreg [dreg:$0x2]  }
0x4: {  	s0 =	rddreg [dreg:$0x3]  }
0x5: {  	s4 =	simm.s32 $0x0;
	s2 =	stileid.u32;
	s8 =	srdreg.scid  }
0x6: {  	s18 =	simm.s32 $0x640;
	s19 =	simm.s32 $0x1;
	s20 =	simm.s32 $0x0  }
0x7: {  	[smem:$0x7FF] =	sst s4;
	s10 =	smul.u32 $0x7D, s2;
	s5 =	sadd.s32 $0x65800, s9  }
0x8: {  	s6 =	sadd.s32 $0x96600, s9;
	s7 =	sadd.s32 $0x34A00, s9;
	s12 =	sand.u32 $0x1, s8  }
0x9: {  	s8 =	sadd.s32 $0x3C00, s9;
	_ =	strace $0x8000004A;
	s11 =	sshrl.u32 s10, $0x4  }
0xa: {  	s14 =	ssub.s32 $0x2, s12;
	p0 =	seq.s32 s12, $0x1;
	s13 =	smul.u32 $0x640, s11  }
0xb: {  	s15 =	sshrl.u32 s14, $0x1;
	s10 =	sadd.s32 $0x7D, s10;
	s16 =	smul.u32 $0xC800, s11  }
.Ltmp0:
0xc: {  	s29 =	ssub.s32 s14, s15;
	s30 =	sshrl.u32 s10, $0x4;
	(pc) =	sbr.rel .LBB2_1-.Ltmp0, $4  }
0xd: {  	s10 =	smul.u32 $0x186A0, s2;
	s15 =	simm.s32 $0x960;
	s17 =	sadd.s32 s13, s9  }
0xe: {  	s9 =	ssub.s32 s30, s11;
	s31 =	sshrl.u32 s16, $0x2;
	s11 =	smax.u32 s29, $0x1  }
0xf: {  	v1 =	vimm.s32 $0x0;
	vm0 =	vcmask $0x300;
	s16 =	simm.s32 $0x2;
	s12 =	sadd.s32 s31, s3;
	s13 =	sadd.s32 $0xC7400, s17  }
0x10: {  	v0 =	vimm.f32 $0.0e+00;
	v1 =	vsel vm0, $0x3, v1;
	s14 =	sadd.s32 $0xF8200, s17;
	p1 =	slt.s32 s9, $0x1;
	s17 =	simm.s32 $0x320  }
.LBB2_21:
0x11: {  	[sflag:s16] =	ssyncset.done $0x0  }
0x12: {  	[sflag:s16] =	ssyncadd.s32 $0xFFFFF9C0  }
.LBB2_22:
0x13: {  	s20 =	sadd.s32 $0x1, s20  }
0x14: {  	p2 =	sne.s32 s20, s11  }
.Ltmp1:
0x15: {  	_ = 	snop;
	(pc) =	sbr.rel @!p2 .LBB2_23-.Ltmp1, $1  }
0x16: {  	_ =	sdelay $0x3  }
.LBB2_1:
0x17: {  	s21 =	simm.s32 $0x40;
	s22 =	simm.s32 $0x0  }
.LBB2_2:
0x18: {  	p2 =	sne.s32 s21, $0xC7C0;
	[tilespmem:s22+$0x960] =	vst v0;
	s22 =	smov.u32 s21;
	s21 =	sadd.s32 $0x40, s21  }
.Ltmp2:
0x19: {  	(pc) =	sbr.rel @p2 .LBB2_2-.Ltmp2, $2  }
0x1a: {  	_ =	sdelay $0x2  }
0x1b: {  	s22 =	sshra.s32 s22, $0x2  }
.Ltmp3:
0x1c: {  	(pc) =	sbr.rel @p1 .LBB2_7-.Ltmp3, $2  }
0x1d: {  	_ =	sdelay $0x2  }
0x1e: {  	[tilespmem:s22+$0x960] =	vst v0  }
0x1f: {  	p2 =	sne.s32 s9, $0x1  }
.Ltmp4:
0x20: {  	_ = 	snop;
	(pc) =	sbr.rel @!p2 .LBB2_6-.Ltmp4, $4  }
0x21: {  	_ = 	snop  }
0x22: {  	[spmem:s12] =	stream.linear.scatter [tilespmem:s15], [sflag:$0x2], $0x3200, $0x38;
	[tilespmem:$0x1C200] =	vst v63  }
0x23: {  	_ =	swait.ge [sflag:s16], $0x3200  }
0x24: {  	s21 =	sadd.s32 $0xFFFFFFFF, s9;
	s22 =	smov.u32 s12;
	[sflag:s16] =	ssyncset.done $0x0  }
.LBB2_5:
0x25: {  	p2 =	sne.s32 s21, $0x1;
	[sflag:s16] =	ssyncadd.s32 $0xFFFFCE00;
	s22 =	sadd.s32 $0x3200, s22  }
.Ltmp5:
0x26: {  	s21 =	sadd.s32 $0xFFFFFFFF, s21;
	(pc) =	sbr.rel @p2 .LBB2_5-.Ltmp5, $4  }
0x27: {  	_ = 	snop  }
0x28: {  	[spmem:s22] =	stream.linear.scatter [tilespmem:s15], [sflag:$0x2], $0x3200, $0x38;
	[tilespmem:$0x1C200] =	vst v63  }
0x29: {  	_ =	swait.ge [sflag:s16], $0x3200  }
0x2a: {  	[sflag:s16] =	ssyncset.done $0x0  }
.LBB2_6:
0x2b: {  	[sflag:s16] =	ssyncadd.s32 $0xFFFFCE00  }
.LBB2_7:
.Ltmp6:
0x2c: {  	(pc) =	sbr.rel @!p0 .LBB2_8-.Ltmp6, $3  }
0x2d: {  	_ =	sdelay $0x1  }
0x2e: {  	[bflag:$0x0] =	sbarrier.arrive $0xFFFF  }
0x2f: {  	s21 =	simm.s32 $0x0  }
.LBB2_15:
0x30: {  	s22 =	smul.u32 $0x320, s21;
	_ =	sdelay $0x1  }
0x31: {  	s22 =	sadd.s32 s10, s22  }
0x32: {  	s22 =	sshrl.u32 s22, $0x3  }
0x33: {  	s23 =	sadd.s32 s7, s22  }
0x34: {  	[tilespmem:s4], [sflag:$0x2] =	stream.linear.gather [hbm4b:s23+s4], $0x320, $0x38;
	[tilespmem:$0x1C200] =	vst v63  }
0x35: {  	_ =	swait.ge [sflag:s16], $0x320  }
0x36: {  	[sflag:s16] =	ssyncset.done $0x0  }
0x37: {  	s30 =	sadd.s32 s8, s22;
	[sflag:s16] =	ssyncadd.s32 $0xFFFFFCE0  }
0x38: {  	[tilespmem:s17], [sflag:$0x2] =	stream.linear.gather [hbm4b:s30+s4], $0x320, $0x38;
	[tilespmem:$0x1C200] =	vst v63  }
0x39: {  	_ =	swait.ge [sflag:s16], $0x320  }
0x3a: {  	s31 =	simm.s32 $0x0;
	[sflag:s16] =	ssyncset.done $0x0  }
0x3b: {  	v2 =	vmov s31;
	s22 =	sadd.s32 s1, s22;
	[sflag:s16] =	ssyncadd.s32 $0xFFFFFCE0  }
0x3c: {  	v2 =	vshrl.u32 v2, $0x3;
	[tilespmem:s18], [sflag:$0x2] =	stream.linear.gather [hbm4b:s22+s4], $0x320, $0x38;
	[tilespmem:$0x1C200] =	vst v63  }
0x3d: {  	v2 =	vshll.u32 v2, v1;
	_ =	swait.ge [sflag:s16], $0x320  }
0x3e: {  	v2 =	vbroadcast v2, $0x0;
	[sflag:s16] =	ssyncset.done $0x0  }
0x3f: {  	[sflag:s16] =	ssyncadd.s32 $0xFFFFFCE0  }
0x40: {  	[tilespmem:s15], [sflag:$0x1] =	stream.indirect.gather [hbm4b:s6+s17], $0x10, s4, s17, $0xb8;
	[tilespmem:$0x1C200] =	vst v63  }
0x41: {  	_ =	swait.ge [sflag:s19], $0x3200  }
0x42: {  	s23 =	simm.s32 $0x1;
	[sflag:s19] =	ssyncset.done $0x0  }
0x43: {  	v3 =	vmov s23;
	[sflag:s19] =	ssyncadd.s32 $0xFFFFCE00  }
0x44: {  	v3 =	vshrl.u32 v3, $0x3;
	s22 =	simm.s32 $0x9E0;
	v2 =	vld.idx.msk [tilespmem:v2+s18+$0x0], $0xffff  }
0x45: {  	v3 =	vshll.u32 v3, v1;
	v4 =	vld [tilespmem:s22+$0xFFFFFF80]  }
0x46: {  	v3 =	vadd.s32 $0x1, v3  }
0x47: {  	v3 =	vbroadcast v3, $0x0;
	_ =	sdelay $0x2  }
0x48: {  	v2 =	vmul.f32 v4, v2  }
0x49: {  	s24 =	simm.s32 $0x2  }
0x4a: {  	v50 =	vld [tilespmem:s22+$0xFFFFFF90];
	[tilespmem:s22+$0xFFFFFF80] =	vst v2;
	v2 =	vmov s24  }
0x4b: {  	v3 =	vld.idx.msk [tilespmem:v3+s18+$0x0], $0xffff;
	v2 =	vshrl.u32 v2, $0x3  }
0x4c: {  	v2 =	vshll.u32 v2, v1  }
0x4d: {  	v2 =	vadd.s32 $0x2, v2  }
0x4e: {  	v2 =	vbroadcast v2, $0x0;
	_ =	sdelay $0x1  }
0x4f: {  	v3 =	vmul.f32 v50, v3  }
0x50: {  	s25 =	simm.s32 $0x3  }
0x51: {  	[tilespmem:s22+$0xFFFFFF90] =	vst v3;
	v3 =	vmov s25  }
0x52: {  	v51 =	vld [tilespmem:s22+$0xFFFFFFA0];
	v3 =	vshrl.u32 v3, $0x3  }
0x53: {  	v2 =	vld.idx.msk [tilespmem:v2+s18+$0x0], $0xffff;
	v3 =	vshll.u32 v3, v1  }
0x54: {  	v3 =	vadd.s32 $0x3, v3  }
0x55: {  	v3 =	vbroadcast v3, $0x0;
	_ =	sdelay $0x2  }
0x56: {  	v2 =	vmul.f32 v51, v2  }
0x57: {  	s26 =	simm.s32 $0x4  }
0x58: {  	v52 =	vld [tilespmem:s22+$0xFFFFFFB0];
	[tilespmem:s22+$0xFFFFFFA0] =	vst v2;
	v2 =	vmov s26  }
0x59: {  	v3 =	vld.idx.msk [tilespmem:v3+s18+$0x0], $0xffff;
	v2 =	vshrl.u32 v2, $0x3  }
0x5a: {  	v2 =	vshll.u32 v2, v1  }
0x5b: {  	v2 =	vadd.s32 $0x4, v2  }
0x5c: {  	v2 =	vbroadcast v2, $0x0;
	_ =	sdelay $0x1  }
0x5d: {  	v3 =	vmul.f32 v52, v3  }
0x5e: {  	s28 =	simm.s32 $0x5  }
0x5f: {  	[tilespmem:s22+$0xFFFFFFB0] =	vst v3;
	v3 =	vmov s28  }
0x60: {  	v53 =	vld [tilespmem:s22+$0xFFFFFFC0];
	v3 =	vshrl.u32 v3, $0x3  }
0x61: {  	v2 =	vld.idx.msk [tilespmem:v2+s18+$0x0], $0xffff;
	v3 =	vshll.u32 v3, v1  }
0x62: {  	v3 =	vadd.s32 $0x5, v3  }
0x63: {  	v3 =	vbroadcast v3, $0x0;
	_ =	sdelay $0x2  }
0x64: {  	v2 =	vmul.f32 v53, v2  }
0x65: {  	s29 =	simm.s32 $0x6  }
0x66: {  	v54 =	vld [tilespmem:s22+$0xFFFFFFD0];
	[tilespmem:s22+$0xFFFFFFC0] =	vst v2;
	v2 =	vmov s29  }
0x67: {  	v3 =	vld.idx.msk [tilespmem:v3+s18+$0x0], $0xffff;
	v2 =	vshrl.u32 v2, $0x3  }
0x68: {  	v2 =	vshll.u32 v2, v1  }
0x69: {  	v2 =	vadd.s32 $0x6, v2  }
0x6a: {  	v2 =	vbroadcast v2, $0x0;
	_ =	sdelay $0x1  }
0x6b: {  	v3 =	vmul.f32 v54, v3  }
0x6c: {  	s30 =	simm.s32 $0x7  }
0x6d: {  	[tilespmem:s22+$0xFFFFFFD0] =	vst v3;
	v3 =	vmov s30  }
0x6e: {  	v55 =	vld [tilespmem:s22+$0xFFFFFFE0];
	v3 =	vshrl.u32 v3, $0x3  }
0x6f: {  	v2 =	vld.idx.msk [tilespmem:v2+s18+$0x0], $0xffff;
	v3 =	vshll.u32 v3, v1  }
0x70: {  	v3 =	vadd.s32 $0x7, v3  }
0x71: {  	v3 =	vbroadcast v3, $0x0;
	_ =	sdelay $0x2  }
0x72: {  	v2 =	vmul.f32 v55, v2;
	_ =	sdelay $0x1  }
0x73: {  	s31 =	simm.s32 $0x8;
	[tilespmem:s22+$0xFFFFFFE0] =	vst v2  }
0x74: {  	v2 =	vld.idx.msk [tilespmem:v3+s18+$0x0], $0xffff;
	v3 =	vmov s31  }
0x75: {  	v56 =	vld [tilespmem:s22+$0xFFFFFFF0];
	v3 =	vshrl.u32 v3, $0x3  }
0x76: {  	v3 =	vshll.u32 v3, v1  }
0x77: {  	v3 =	vbroadcast v3, $0x0;
	_ =	sdelay $0x2  }
0x78: {  	v2 =	vmul.f32 v56, v2  }
0x79: {  	s24 =	simm.s32 $0x9  }
0x7a: {  	v57 =	vld [tilespmem:s22+$0x0];
	[tilespmem:s22+$0xFFFFFFF0] =	vst v2;
	v2 =	vmov s24  }
0x7b: {  	v2 =	vshrl.u32 v2, $0x3;
	v3 =	vld.idx.msk [tilespmem:v3+s18+$0x0], $0xffff  }
0x7c: {  	v2 =	vshll.u32 v2, v1  }
0x7d: {  	v2 =	vadd.s32 $0x1, v2  }
0x7e: {  	v2 =	vbroadcast v2, $0x0;
	_ =	sdelay $0x1  }
0x7f: {  	v3 =	vmul.f32 v57, v3  }
0x80: {  	s25 =	simm.s32 $0xA  }
0x81: {  	[tilespmem:s22+$0x0] =	vst v3;
	v3 =	vmov s25  }
0x82: {  	v58 =	vld [tilespmem:s22+$0x10];
	v3 =	vshrl.u32 v3, $0x3  }
0x83: {  	v2 =	vld.idx.msk [tilespmem:v2+s18+$0x0], $0xffff;
	v3 =	vshll.u32 v3, v1  }
0x84: {  	v3 =	vadd.s32 $0x2, v3  }
0x85: {  	v3 =	vbroadcast v3, $0x0;
	_ =	sdelay $0x2  }
0x86: {  	v2 =	vmul.f32 v58, v2  }
0x87: {  	s26 =	simm.s32 $0xB  }
0x88: {  	v59 =	vld [tilespmem:s22+$0x20];
	[tilespmem:s22+$0x10] =	vst v2;
	v2 =	vmov s26  }
0x89: {  	v2 =	vshrl.u32 v2, $0x3;
	v3 =	vld.idx.msk [tilespmem:v3+s18+$0x0], $0xffff  }
0x8a: {  	v2 =	vshll.u32 v2, v1  }
0x8b: {  	v2 =	vadd.s32 $0x3, v2  }
0x8c: {  	v2 =	vbroadcast v2, $0x0;
	_ =	sdelay $0x1  }
0x8d: {  	v3 =	vmul.f32 v59, v3  }
0x8e: {  	s28 =	simm.s32 $0xC  }
0x8f: {  	[tilespmem:s22+$0x20] =	vst v3;
	v3 =	vmov s28  }
0x90: {  	v60 =	vld [tilespmem:s22+$0x30];
	v3 =	vshrl.u32 v3, $0x3  }
0x91: {  	v2 =	vld.idx.msk [tilespmem:v2+s18+$0x0], $0xffff;
	v3 =	vshll.u32 v3, v1  }
0x92: {  	v3 =	vadd.s32 $0x4, v3  }
0x93: {  	v3 =	vbroadcast v3, $0x0;
	_ =	sdelay $0x2  }
0x94: {  	v2 =	vmul.f32 v60, v2  }
0x95: {  	s29 =	simm.s32 $0xD  }
0x96: {  	v61 =	vld [tilespmem:s22+$0x40];
	[tilespmem:s22+$0x30] =	vst v2;
	v2 =	vmov s29  }
0x97: {  	v2 =	vshrl.u32 v2, $0x3;
	v3 =	vld.idx.msk [tilespmem:v3+s18+$0x0], $0xffff  }
0x98: {  	v2 =	vshll.u32 v2, v1  }
0x99: {  	v2 =	vadd.s32 $0x5, v2  }
0x9a: {  	v2 =	vbroadcast v2, $0x0;
	_ =	sdelay $0x1  }
0x9b: {  	v3 =	vmul.f32 v61, v3  }
0x9c: {  	s30 =	simm.s32 $0xE  }
0x9d: {  	[tilespmem:s22+$0x40] =	vst v3;
	v3 =	vmov s30  }
0x9e: {  	v62 =	vld [tilespmem:s22+$0x50];
	v3 =	vshrl.u32 v3, $0x3  }
0x9f: {  	v2 =	vld.idx.msk [tilespmem:v2+s18+$0x0], $0xffff;
	v3 =	vshll.u32 v3, v1  }
0xa0: {  	v3 =	vadd.s32 $0x6, v3  }
0xa1: {  	v3 =	vbroadcast v3, $0x0;
	_ =	sdelay $0x2  }
0xa2: {  	v2 =	vmul.f32 v62, v2;
	_ =	sdelay $0x1  }
0xa3: {  	[tilespmem:s22+$0x50] =	vst v2  }
0xa4: {  	v2 =	vld.idx.msk [tilespmem:v3+s18+$0x0], $0xffff  }
0xa5: {  	v3 =	vld [tilespmem:s22+$0x60]  }
0xa6: {  	s31 =	simm.s32 $0xF  }
0xa7: {  	v63 =	vmov s31  }
0xa8: {  	v4 =	vshrl.u32 v63, $0x3  }
0xa9: {  	v4 =	vshll.u32 v4, v1  }
0xaa: {  	v3 =	vmul.f32 v3, v2;
	v2 =	vadd.s32 $0x7, v4  }
0xab: {  	v2 =	vbroadcast v2, $0x0;
	_ =	sdelay $0x4  }
0xac: {  	s23 =	simm.s32 $0x1F;
	s24 =	simm.s32 $0x2F;
	s25 =	simm.s32 $0x10;
	[tilespmem:s22+$0x60] =	vst v3  }
.LBB2_16:
0xad: {  	p2 =	sne.s32 s24, $0x31F;
	v3 =	vmov s25;
	v2 =	vld.idx.msk [tilespmem:v2+s18+$0x0], $0xffff  }
0xae: {  	v3 =	vshrl.u32 v3, $0x3;
	v4 =	vld [tilespmem:s22+$0x70]  }
0xaf: {  	v3 =	vshll.u32 v3, v1  }
0xb0: {  	v3 =	vbroadcast v3, $0x0;
	_ =	sdelay $0x2  }
0xb1: {  	v2 =	vmul.f32 v4, v2  }
0xb2: {  	s25 =	sadd.s32 $0xFFFFFFF2, s23  }
0xb3: {  	v4 =	vmov s25;
	[tilespmem:s22+$0x70] =	vst v2  }
0xb4: {  	s22 =	sadd.s32 $0x100, s22;
	v2 =	vld.idx.msk [tilespmem:v3+s18+$0x0], $0xffff;
	v3 =	vshrl.u32 v4, $0x3  }
0xb5: {  	v4 =	vld [tilespmem:s22+$0xFFFFFF80];
	v3 =	vshll.u32 v3, v1  }
0xb6: {  	v3 =	vadd.s32 $0x1, v3  }
0xb7: {  	v3 =	vbroadcast v3, $0x0;
	_ =	sdelay $0x2  }
0xb8: {  	v2 =	vmul.f32 v4, v2  }
0xb9: {  	s25 =	sadd.s32 $0xFFFFFFF3, s23  }
0xba: {  	[tilespmem:s22+$0xFFFFFF80] =	vst v2;
	v2 =	vmov s25  }
0xbb: {  	v3 =	vld.idx.msk [tilespmem:v3+s18+$0x0], $0xffff;
	v2 =	vshrl.u32 v2, $0x3  }
0xbc: {  	v4 =	vld [tilespmem:s22+$0xFFFFFF90];
	v2 =	vshll.u32 v2, v1  }
0xbd: {  	v2 =	vadd.s32 $0x2, v2  }
0xbe: {  	v2 =	vbroadcast v2, $0x0;
	_ =	sdelay $0x2  }
0xbf: {  	v3 =	vmul.f32 v4, v3  }
0xc0: {  	s25 =	sadd.s32 $0xFFFFFFF4, s23  }
0xc1: {  	[tilespmem:s22+$0xFFFFFF90] =	vst v3;
	v3 =	vmov s25  }
0xc2: {  	v2 =	vld.idx.msk [tilespmem:v2+s18+$0x0], $0xffff;
	v3 =	vshrl.u32 v3, $0x3  }
0xc3: {  	v4 =	vld [tilespmem:s22+$0xFFFFFFA0];
	v3 =	vshll.u32 v3, v1  }
0xc4: {  	v3 =	vadd.s32 $0x3, v3  }
0xc5: {  	v3 =	vbroadcast v3, $0x0;
	_ =	sdelay $0x2  }
0xc6: {  	v2 =	vmul.f32 v4, v2  }
0xc7: {  	s25 =	sadd.s32 $0xFFFFFFF5, s23  }
0xc8: {  	[tilespmem:s22+$0xFFFFFFA0] =	vst v2;
	v2 =	vmov s25  }
0xc9: {  	v3 =	vld.idx.msk [tilespmem:v3+s18+$0x0], $0xffff;
	v2 =	vshrl.u32 v2, $0x3  }
0xca: {  	v4 =	vld [tilespmem:s22+$0xFFFFFFB0];
	v2 =	vshll.u32 v2, v1  }
0xcb: {  	v2 =	vadd.s32 $0x4, v2  }
0xcc: {  	v2 =	vbroadcast v2, $0x0;
	_ =	sdelay $0x2  }
0xcd: {  	v3 =	vmul.f32 v4, v3  }
0xce: {  	s25 =	sadd.s32 $0xFFFFFFF6, s23  }
0xcf: {  	[tilespmem:s22+$0xFFFFFFB0] =	vst v3;
	v3 =	vmov s25  }
0xd0: {  	v2 =	vld.idx.msk [tilespmem:v2+s18+$0x0], $0xffff;
	v3 =	vshrl.u32 v3, $0x3  }
0xd1: {  	v4 =	vld [tilespmem:s22+$0xFFFFFFC0];
	v3 =	vshll.u32 v3, v1  }
0xd2: {  	v3 =	vadd.s32 $0x5, v3  }
0xd3: {  	v3 =	vbroadcast v3, $0x0;
	_ =	sdelay $0x2  }
0xd4: {  	v2 =	vmul.f32 v4, v2  }
0xd5: {  	s25 =	sadd.s32 $0xFFFFFFF7, s23  }
0xd6: {  	[tilespmem:s22+$0xFFFFFFC0] =	vst v2;
	v2 =	vmov s25  }
0xd7: {  	v3 =	vld.idx.msk [tilespmem:v3+s18+$0x0], $0xffff;
	v2 =	vshrl.u32 v2, $0x3  }
0xd8: {  	v4 =	vld [tilespmem:s22+$0xFFFFFFD0];
	v2 =	vshll.u32 v2, v1  }
0xd9: {  	v2 =	vadd.s32 $0x6, v2  }
0xda: {  	v2 =	vbroadcast v2, $0x0;
	_ =	sdelay $0x2  }
0xdb: {  	v3 =	vmul.f32 v4, v3  }
0xdc: {  	s25 =	sadd.s32 $0xFFFFFFF8, s23  }
0xdd: {  	[tilespmem:s22+$0xFFFFFFD0] =	vst v3;
	v3 =	vmov s25  }
0xde: {  	v2 =	vld.idx.msk [tilespmem:v2+s18+$0x0], $0xffff;
	v3 =	vshrl.u32 v3, $0x3  }
0xdf: {  	v4 =	vld [tilespmem:s22+$0xFFFFFFE0];
	v3 =	vshll.u32 v3, v1  }
0xe0: {  	v3 =	vadd.s32 $0x7, v3  }
0xe1: {  	v3 =	vbroadcast v3, $0x0;
	_ =	sdelay $0x2  }
0xe2: {  	v2 =	vmul.f32 v4, v2;
	_ =	sdelay $0x1  }
0xe3: {  	s25 =	sadd.s32 $0xFFFFFFF9, s23;
	[tilespmem:s22+$0xFFFFFFE0] =	vst v2  }
0xe4: {  	v2 =	vld.idx.msk [tilespmem:v3+s18+$0x0], $0xffff;
	v3 =	vmov s25  }
0xe5: {  	v4 =	vld [tilespmem:s22+$0xFFFFFFF0];
	v3 =	vshrl.u32 v3, $0x3  }
0xe6: {  	v3 =	vshll.u32 v3, v1  }
0xe7: {  	v3 =	vbroadcast v3, $0x0;
	_ =	sdelay $0x2  }
0xe8: {  	v2 =	vmul.f32 v4, v2  }
0xe9: {  	s25 =	sadd.s32 $0xFFFFFFFA, s23  }
0xea: {  	[tilespmem:s22+$0xFFFFFFF0] =	vst v2;
	v2 =	vmov s25  }
0xeb: {  	v3 =	vld.idx.msk [tilespmem:v3+s18+$0x0], $0xffff;
	v2 =	vshrl.u32 v2, $0x3  }
0xec: {  	v4 =	vld [tilespmem:s22+$0x0];
	v2 =	vshll.u32 v2, v1  }
0xed: {  	v2 =	vadd.s32 $0x1, v2  }
0xee: {  	v2 =	vbroadcast v2, $0x0;
	_ =	sdelay $0x2  }
0xef: {  	v3 =	vmul.f32 v4, v3  }
0xf0: {  	s25 =	sadd.s32 $0xFFFFFFFB, s23  }
0xf1: {  	[tilespmem:s22+$0x0] =	vst v3;
	v3 =	vmov s25  }
0xf2: {  	v2 =	vld.idx.msk [tilespmem:v2+s18+$0x0], $0xffff;
	v3 =	vshrl.u32 v3, $0x3  }
0xf3: {  	v4 =	vld [tilespmem:s22+$0x10];
	v3 =	vshll.u32 v3, v1  }
0xf4: {  	v3 =	vadd.s32 $0x2, v3  }
0xf5: {  	v3 =	vbroadcast v3, $0x0;
	_ =	sdelay $0x2  }
0xf6: {  	v2 =	vmul.f32 v4, v2  }
0xf7: {  	s25 =	sadd.s32 $0xFFFFFFFC, s23  }
0xf8: {  	[tilespmem:s22+$0x10] =	vst v2;
	v2 =	vmov s25  }
0xf9: {  	v3 =	vld.idx.msk [tilespmem:v3+s18+$0x0], $0xffff;
	v2 =	vshrl.u32 v2, $0x3  }
0xfa: {  	v4 =	vld [tilespmem:s22+$0x20];
	v2 =	vshll.u32 v2, v1  }
0xfb: {  	v2 =	vadd.s32 $0x3, v2  }
0xfc: {  	v2 =	vbroadcast v2, $0x0;
	_ =	sdelay $0x2  }
0xfd: {  	v3 =	vmul.f32 v4, v3  }
0xfe: {  	s25 =	sadd.s32 $0xFFFFFFFD, s23  }
0xff: {  	[tilespmem:s22+$0x20] =	vst v3;
	v3 =	vmov s25  }
0x100: {  	v2 =	vld.idx.msk [tilespmem:v2+s18+$0x0], $0xffff;
	v3 =	vshrl.u32 v3, $0x3  }
0x101: {  	v4 =	vld [tilespmem:s22+$0x30];
	v3 =	vshll.u32 v3, v1  }
0x102: {  	v3 =	vadd.s32 $0x4, v3  }
0x103: {  	v3 =	vbroadcast v3, $0x0;
	_ =	sdelay $0x2  }
0x104: {  	v2 =	vmul.f32 v4, v2  }
0x105: {  	s25 =	sadd.s32 $0xFFFFFFFE, s23  }
0x106: {  	[tilespmem:s22+$0x30] =	vst v2;
	v2 =	vmov s25  }
0x107: {  	v3 =	vld.idx.msk [tilespmem:v3+s18+$0x0], $0xffff;
	v2 =	vshrl.u32 v2, $0x3  }
0x108: {  	v4 =	vld [tilespmem:s22+$0x40];
	v2 =	vshll.u32 v2, v1  }
0x109: {  	v2 =	vadd.s32 $0x5, v2  }
0x10a: {  	v2 =	vbroadcast v2, $0x0;
	_ =	sdelay $0x2  }
0x10b: {  	v3 =	vmul.f32 v4, v3  }
0x10c: {  	s25 =	sadd.s32 $0xFFFFFFFF, s23  }
0x10d: {  	[tilespmem:s22+$0x40] =	vst v3;
	v3 =	vmov s25  }
0x10e: {  	v2 =	vld.idx.msk [tilespmem:v2+s18+$0x0], $0xffff;
	v3 =	vshrl.u32 v3, $0x3  }
0x10f: {  	v4 =	vld [tilespmem:s22+$0x50];
	v3 =	vshll.u32 v3, v1  }
0x110: {  	v3 =	vadd.s32 $0x6, v3  }
0x111: {  	v3 =	vbroadcast v3, $0x0;
	_ =	sdelay $0x2  }
0x112: {  	v2 =	vmul.f32 v4, v2;
	_ =	sdelay $0x1  }
0x113: {  	[tilespmem:s22+$0x50] =	vst v2;
	v2 =	vmov s23;
	s23 =	smov.u32 s24  }
0x114: {  	v3 =	vld.idx.msk [tilespmem:v3+s18+$0x0], $0xffff;
	v2 =	vshrl.u32 v2, $0x3  }
0x115: {  	v4 =	vld [tilespmem:s22+$0x60];
	v2 =	vshll.u32 v2, v1  }
0x116: {  	v2 =	vadd.s32 $0x7, v2  }
0x117: {  	v2 =	vbroadcast v2, $0x0  }
.Ltmp7:
0x118: {  	(pc) =	sbr.rel @p2 .LBB2_16-.Ltmp7, $3  }
0x119: {  	_ = 	snop  }
0x11a: {  	v3 =	vmul.f32 v4, v3;
	_ =	sdelay $0x1  }
0x11b: {  	s24 =	sadd.s32 $0x10, s24;
	s25 =	sadd.s32 $0xFFFFFFF1, s23;
	[tilespmem:s22+$0x60] =	vst v3  }
0x11c: {  	_ =	sdelay $0x3  }
0x11d: {  	v3 =	vmov s25;
	v2 =	vld.idx.msk [tilespmem:v2+s18+$0x0], $0xffff  }
0x11e: {  	v4 =	vld [tilespmem:s22+$0x70];
	v3 =	vshrl.u32 v3, $0x3  }
0x11f: {  	v3 =	vshll.u32 v3, v1  }
0x120: {  	v3 =	vbroadcast v3, $0x0;
	_ =	sdelay $0x2  }
0x121: {  	v2 =	vmul.f32 v4, v2  }
0x122: {  	s24 =	sadd.s32 $0xFFFFFFF2, s23  }
0x123: {  	v48 =	vmov s24;
	[tilespmem:s22+$0x70] =	vst v2  }
0x124: {  	s22 =	sadd.s32 $0x100, s22;
	v2 =	vld.idx.msk [tilespmem:v3+s18+$0x0], $0xffff;
	v3 =	vshrl.u32 v48, $0x3  }
0x125: {  	v49 =	vld [tilespmem:s22+$0xFFFFFF80];
	v3 =	vshll.u32 v3, v1  }
0x126: {  	v3 =	vadd.s32 $0x1, v3  }
0x127: {  	v3 =	vbroadcast v3, $0x0;
	_ =	sdelay $0x2  }
0x128: {  	v2 =	vmul.f32 v49, v2  }
0x129: {  	s31 =	sadd.s32 $0xFFFFFFF3, s23  }
0x12a: {  	v50 =	vld [tilespmem:s22+$0xFFFFFF90];
	[tilespmem:s22+$0xFFFFFF80] =	vst v2;
	v2 =	vmov s31  }
0x12b: {  	v2 =	vshrl.u32 v2, $0x3;
	v3 =	vld.idx.msk [tilespmem:v3+s18+$0x0], $0xffff  }
0x12c: {  	v2 =	vshll.u32 v2, v1  }
0x12d: {  	v2 =	vadd.s32 $0x2, v2  }
0x12e: {  	v2 =	vbroadcast v2, $0x0;
	_ =	sdelay $0x1  }
0x12f: {  	v3 =	vmul.f32 v50, v3  }
0x130: {  	s25 =	sadd.s32 $0xFFFFFFF4, s23  }
0x131: {  	[tilespmem:s22+$0xFFFFFF90] =	vst v3;
	v3 =	vmov s25  }
0x132: {  	v51 =	vld [tilespmem:s22+$0xFFFFFFA0];
	v3 =	vshrl.u32 v3, $0x3  }
0x133: {  	v2 =	vld.idx.msk [tilespmem:v2+s18+$0x0], $0xffff;
	v3 =	vshll.u32 v3, v1  }
0x134: {  	v3 =	vadd.s32 $0x3, v3  }
0x135: {  	v3 =	vbroadcast v3, $0x0;
	_ =	sdelay $0x2  }
0x136: {  	v2 =	vmul.f32 v51, v2  }
0x137: {  	s26 =	sadd.s32 $0xFFFFFFF5, s23  }
0x138: {  	v52 =	vld [tilespmem:s22+$0xFFFFFFB0];
	[tilespmem:s22+$0xFFFFFFA0] =	vst v2;
	v2 =	vmov s26  }
0x139: {  	v2 =	vshrl.u32 v2, $0x3;
	v3 =	vld.idx.msk [tilespmem:v3+s18+$0x0], $0xffff  }
0x13a: {  	v2 =	vshll.u32 v2, v1  }
0x13b: {  	v2 =	vadd.s32 $0x4, v2  }
0x13c: {  	v2 =	vbroadcast v2, $0x0;
	_ =	sdelay $0x1  }
0x13d: {  	v3 =	vmul.f32 v52, v3  }
0x13e: {  	s28 =	sadd.s32 $0xFFFFFFF6, s23  }
0x13f: {  	[tilespmem:s22+$0xFFFFFFB0] =	vst v3;
	v3 =	vmov s28  }
0x140: {  	v53 =	vld [tilespmem:s22+$0xFFFFFFC0];
	v3 =	vshrl.u32 v3, $0x3  }
0x141: {  	v2 =	vld.idx.msk [tilespmem:v2+s18+$0x0], $0xffff;
	v3 =	vshll.u32 v3, v1  }
0x142: {  	v3 =	vadd.s32 $0x5, v3  }
0x143: {  	v3 =	vbroadcast v3, $0x0;
	_ =	sdelay $0x2  }
0x144: {  	v2 =	vmul.f32 v53, v2  }
0x145: {  	s29 =	sadd.s32 $0xFFFFFFF7, s23  }
0x146: {  	v54 =	vld [tilespmem:s22+$0xFFFFFFD0];
	[tilespmem:s22+$0xFFFFFFC0] =	vst v2;
	v2 =	vmov s29  }
0x147: {  	v2 =	vshrl.u32 v2, $0x3;
	v3 =	vld.idx.msk [tilespmem:v3+s18+$0x0], $0xffff  }
0x148: {  	v2 =	vshll.u32 v2, v1  }
0x149: {  	v2 =	vadd.s32 $0x6, v2  }
0x14a: {  	v2 =	vbroadcast v2, $0x0;
	_ =	sdelay $0x1  }
0x14b: {  	v3 =	vmul.f32 v54, v3  }
0x14c: {  	s30 =	sadd.s32 $0xFFFFFFF8, s23  }
0x14d: {  	[tilespmem:s22+$0xFFFFFFD0] =	vst v3;
	v3 =	vmov s30  }
0x14e: {  	v55 =	vld [tilespmem:s22+$0xFFFFFFE0];
	v3 =	vshrl.u32 v3, $0x3  }
0x14f: {  	v2 =	vld.idx.msk [tilespmem:v2+s18+$0x0], $0xffff;
	v3 =	vshll.u32 v3, v1  }
0x150: {  	v3 =	vadd.s32 $0x7, v3  }
0x151: {  	v3 =	vbroadcast v3, $0x0;
	_ =	sdelay $0x2  }
0x152: {  	v2 =	vmul.f32 v55, v2;
	_ =	sdelay $0x1  }
0x153: {  	v56 =	vld [tilespmem:s22+$0xFFFFFFF0];
	s31 =	sadd.s32 $0xFFFFFFF9, s23;
	[tilespmem:s22+$0xFFFFFFE0] =	vst v2  }
0x154: {  	v2 =	vld.idx.msk [tilespmem:v3+s18+$0x0], $0xffff;
	v3 =	vmov s31  }
0x155: {  	v3 =	vshrl.u32 v3, $0x3  }
0x156: {  	v3 =	vshll.u32 v3, v1  }
0x157: {  	v3 =	vbroadcast v3, $0x0;
	_ =	sdelay $0x1  }
0x158: {  	v2 =	vmul.f32 v56, v2  }
0x159: {  	s25 =	sadd.s32 $0xFFFFFFFA, s23  }
0x15a: {  	[tilespmem:s22+$0xFFFFFFF0] =	vst v2;
	v2 =	vmov s25  }
0x15b: {  	v57 =	vld [tilespmem:s22+$0x0];
	v2 =	vshrl.u32 v2, $0x3  }
0x15c: {  	v3 =	vld.idx.msk [tilespmem:v3+s18+$0x0], $0xffff;
	v2 =	vshll.u32 v2, v1  }
0x15d: {  	v2 =	vadd.s32 $0x1, v2  }
0x15e: {  	v2 =	vbroadcast v2, $0x0;
	_ =	sdelay $0x2  }
0x15f: {  	v3 =	vmul.f32 v57, v3  }
0x160: {  	s26 =	sadd.s32 $0xFFFFFFFB, s23  }
0x161: {  	v58 =	vld [tilespmem:s22+$0x10];
	[tilespmem:s22+$0x0] =	vst v3;
	v3 =	vmov s26  }
0x162: {  	v2 =	vld.idx.msk [tilespmem:v2+s18+$0x0], $0xffff;
	v3 =	vshrl.u32 v3, $0x3  }
0x163: {  	v3 =	vshll.u32 v3, v1  }
0x164: {  	v3 =	vadd.s32 $0x2, v3  }
0x165: {  	v3 =	vbroadcast v3, $0x0;
	_ =	sdelay $0x1  }
0x166: {  	v2 =	vmul.f32 v58, v2  }
0x167: {  	s28 =	sadd.s32 $0xFFFFFFFC, s23  }
0x168: {  	[tilespmem:s22+$0x10] =	vst v2;
	v2 =	vmov s28  }
0x169: {  	v59 =	vld [tilespmem:s22+$0x20];
	v2 =	vshrl.u32 v2, $0x3  }
0x16a: {  	v3 =	vld.idx.msk [tilespmem:v3+s18+$0x0], $0xffff;
	v2 =	vshll.u32 v2, v1  }
0x16b: {  	v2 =	vadd.s32 $0x3, v2  }
0x16c: {  	v2 =	vbroadcast v2, $0x0;
	_ =	sdelay $0x2  }
0x16d: {  	v3 =	vmul.f32 v59, v3  }
0x16e: {  	s29 =	sadd.s32 $0xFFFFFFFD, s23  }
0x16f: {  	v60 =	vld [tilespmem:s22+$0x30];
	[tilespmem:s22+$0x20] =	vst v3;
	v3 =	vmov s29  }
0x170: {  	v2 =	vld.idx.msk [tilespmem:v2+s18+$0x0], $0xffff;
	v3 =	vshrl.u32 v3, $0x3  }
0x171: {  	v3 =	vshll.u32 v3, v1  }
0x172: {  	v3 =	vadd.s32 $0x4, v3  }
0x173: {  	v3 =	vbroadcast v3, $0x0;
	_ =	sdelay $0x1  }
0x174: {  	v2 =	vmul.f32 v60, v2  }
0x175: {  	s30 =	sadd.s32 $0xFFFFFFFE, s23  }
0x176: {  	[tilespmem:s22+$0x30] =	vst v2;
	v2 =	vmov s30  }
0x177: {  	v61 =	vld [tilespmem:s22+$0x40];
	v2 =	vshrl.u32 v2, $0x3  }
0x178: {  	v3 =	vld.idx.msk [tilespmem:v3+s18+$0x0], $0xffff;
	v2 =	vshll.u32 v2, v1  }
0x179: {  	v2 =	vadd.s32 $0x5, v2  }
0x17a: {  	v2 =	vbroadcast v2, $0x0;
	_ =	sdelay $0x2  }
0x17b: {  	v3 =	vmul.f32 v61, v3  }
0x17c: {  	s31 =	sadd.s32 $0xFFFFFFFF, s23  }
0x17d: {  	v62 =	vld [tilespmem:s22+$0x50];
	[tilespmem:s22+$0x40] =	vst v3;
	v3 =	vmov s31  }
0x17e: {  	v2 =	vld.idx.msk [tilespmem:v2+s18+$0x0], $0xffff;
	v3 =	vshrl.u32 v3, $0x3  }
0x17f: {  	v3 =	vshll.u32 v3, v1  }
0x180: {  	v3 =	vadd.s32 $0x6, v3  }
0x181: {  	v3 =	vbroadcast v3, $0x0;
	_ =	sdelay $0x1  }
0x182: {  	v2 =	vmul.f32 v62, v2;
	_ =	sdelay $0x1  }
0x183: {  	[tilespmem:s22+$0x50] =	vst v2;
	v2 =	vmov s23  }
0x184: {  	v63 =	vld [tilespmem:s22+$0x60];
	v2 =	vshrl.u32 v2, $0x3  }
0x185: {  	v3 =	vld.idx.msk [tilespmem:v3+s18+$0x0], $0xffff;
	v2 =	vshll.u32 v2, v1  }
0x186: {  	v2 =	vadd.s32 $0x7, v2  }
0x187: {  	v2 =	vbroadcast v2, $0x0;
	_ =	sdelay $0x2  }
0x188: {  	v3 =	vmul.f32 v63, v3;
	_ =	sdelay $0x1  }
0x189: {  	[tilespmem:s22+$0x60] =	vst v3;
	v3 =	vld [tilespmem:s22+$0x70]  }
0x18a: {  	v2 =	vld.idx.msk [tilespmem:v2+s18+$0x0], $0xffff;
	_ =	sdelay $0x4  }
0x18b: {  	s21 =	sadd.s32 $0x1, s21;
	v2 =	vmul.f32 v3, v2  }
0x18c: {  	p2 =	sne.s32 s21, $0x7D  }
.Ltmp8:
0x18d: {  	[tilespmem:s22+$0x70] =	vst v2;
	(pc) =	sbr.rel @p2 .LBB2_15-.Ltmp8, $4  }
0x18e: {  	[spmem:s3] =	stream.indirect.scatter.add.f32 [tilespmem:s15], [sflag:$0x2], $0x10, s17, s17, $0xb8;
	[tilespmem:$0x1C200] =	vst v63  }
0x18f: {  	_ =	swait.ge [sflag:s16], $0x3200  }
0x190: {  	[sflag:s16] =	ssyncset.done $0x0  }
0x191: {  	[sflag:s16] =	ssyncadd.s32 $0xFFFFCE00  }
.Ltmp9:
0x192: {  	(pc) =	sbr.rel @p1 .LBB2_22-.Ltmp9, $2  }
0x193: {  	_ =	sdelay $0x1  }
0x194: {  	[bflag:$0x0] =	sbarrier.arrive $0xFFFF;
	_ =	sdelay $0x1  }
0x195: {  	p2 =	sne.s32 s9, $0x1  }
.Ltmp10:
0x196: {  	_ = 	snop;
	(pc) =	sbr.rel @!p2 .LBB2_21-.Ltmp10, $4  }
0x197: {  	s21 =	sshll.u32 s2, $0x6  }
0x198: {  	s22 =	sshrl.u32 s12, $0x3;
	s23 =	sadd.s32 $0x3200, s12;
	s21 =	sor.u32 $0x1C02, s21  }
0x199: {  	[hbm:s14], [sflag:s21] =	dma.local [spmem:s22], $0x640  }
0x19a: {  	s24 =	smov.u32 s14;
	s22 =	sadd.s32 $0xFFFFFFFF, s9;
	_ =	swait.ge [sflag:s16], $0x640  }
.LBB2_20:
0x19b: {  	[sflag:s16] =	ssyncset.done $0x0;
	s24 =	sadd.s32 $0x640, s24;
	p2 =	sne.s32 s22, $0x1  }
.Ltmp11:
0x19c: {  	s25 =	sshrl.u32 s23, $0x3;
	[sflag:s16] =	ssyncadd.s32 $0xFFFFF9C0;
	(pc) =	sbr.rel @p2 .LBB2_20-.Ltmp11, $3  }
0x19d: {  	[hbm:s24], [sflag:s21] =	dma.local [spmem:s25], $0x640  }
0x19e: {  	s22 =	sadd.s32 $0xFFFFFFFF, s22;
	_ =	sdelay $0x1  }
0x19f: {  	s23 =	sadd.s32 $0x3200, s23;
	_ =	swait.ge [sflag:s16], $0x640  }
.Ltmp12:
0x1a0: {  	_ = 	snop;
	(pc) =	sbr.rel .LBB2_21-.Ltmp12, $1  }
0x1a1: {  	_ =	sdelay $0x3  }
.LBB2_8:
0x1a2: {  	s22 =	smul.u32 $0x320, s21;
	_ =	sdelay $0x1  }
0x1a3: {  	s22 =	sadd.s32 s10, s22  }
0x1a4: {  	s22 =	sshrl.u32 s22, $0x3  }
0x1a5: {  	s23 =	sadd.s32 s7, s22  }
0x1a6: {  	[tilespmem:s4], [sflag:$0x2] =	stream.linear.gather [hbm4b:s23+s4], $0x320, $0x38;
	[tilespmem:$0x1C200] =	vst v63  }
0x1a7: {  	_ =	swait.ge [sflag:s16], $0x320  }
0x1a8: {  	[sflag:s16] =	ssyncset.done $0x0  }
0x1a9: {  	s30 =	sadd.s32 s8, s22;
	[sflag:s16] =	ssyncadd.s32 $0xFFFFFCE0  }
0x1aa: {  	[tilespmem:s17], [sflag:$0x2] =	stream.linear.gather [hbm4b:s30+s4], $0x320, $0x38;
	[tilespmem:$0x1C200] =	vst v63  }
0x1ab: {  	_ =	swait.ge [sflag:s16], $0x320  }
0x1ac: {  	s31 =	simm.s32 $0x0;
	[sflag:s16] =	ssyncset.done $0x0  }
0x1ad: {  	v2 =	vmov s31;
	s22 =	sadd.s32 s1, s22;
	[sflag:s16] =	ssyncadd.s32 $0xFFFFFCE0  }
0x1ae: {  	v2 =	vshrl.u32 v2, $0x3;
	[tilespmem:s18], [sflag:$0x2] =	stream.linear.gather [hbm4b:s22+s4], $0x320, $0x38;
	[tilespmem:$0x1C200] =	vst v63  }
0x1af: {  	v2 =	vshll.u32 v2, v1;
	_ =	swait.ge [sflag:s16], $0x320  }
0x1b0: {  	v2 =	vbroadcast v2, $0x0;
	[sflag:s16] =	ssyncset.done $0x0  }
0x1b1: {  	[sflag:s16] =	ssyncadd.s32 $0xFFFFFCE0  }
0x1b2: {  	[tilespmem:s15], [sflag:$0x1] =	stream.indirect.gather [hbm4b:s5+s17], $0x10, s4, s17, $0xb8;
	[tilespmem:$0x1C200] =	vst v63  }
0x1b3: {  	_ =	swait.ge [sflag:s19], $0x3200  }
0x1b4: {  	s23 =	simm.s32 $0x1;
	[sflag:s19] =	ssyncset.done $0x0  }
0x1b5: {  	v3 =	vmov s23;
	[sflag:s19] =	ssyncadd.s32 $0xFFFFCE00  }
0x1b6: {  	v3 =	vshrl.u32 v3, $0x3;
	s22 =	simm.s32 $0x9E0;
	v2 =	vld.idx.msk [tilespmem:v2+s18+$0x0], $0xffff  }
0x1b7: {  	v3 =	vshll.u32 v3, v1;
	v4 =	vld [tilespmem:s22+$0xFFFFFF80]  }
0x1b8: {  	v3 =	vadd.s32 $0x1, v3  }
0x1b9: {  	v3 =	vbroadcast v3, $0x0;
	_ =	sdelay $0x2  }
0x1ba: {  	v2 =	vmul.f32 v4, v2  }
0x1bb: {  	s24 =	simm.s32 $0x2  }
0x1bc: {  	v50 =	vld [tilespmem:s22+$0xFFFFFF90];
	[tilespmem:s22+$0xFFFFFF80] =	vst v2;
	v2 =	vmov s24  }
0x1bd: {  	v3 =	vld.idx.msk [tilespmem:v3+s18+$0x0], $0xffff;
	v2 =	vshrl.u32 v2, $0x3  }
0x1be: {  	v2 =	vshll.u32 v2, v1  }
0x1bf: {  	v2 =	vadd.s32 $0x2, v2  }
0x1c0: {  	v2 =	vbroadcast v2, $0x0;
	_ =	sdelay $0x1  }
0x1c1: {  	v3 =	vmul.f32 v50, v3  }
0x1c2: {  	s25 =	simm.s32 $0x3  }
0x1c3: {  	[tilespmem:s22+$0xFFFFFF90] =	vst v3;
	v3 =	vmov s25  }
0x1c4: {  	v51 =	vld [tilespmem:s22+$0xFFFFFFA0];
	v3 =	vshrl.u32 v3, $0x3  }
0x1c5: {  	v2 =	vld.idx.msk [tilespmem:v2+s18+$0x0], $0xffff;
	v3 =	vshll.u32 v3, v1  }
0x1c6: {  	v3 =	vadd.s32 $0x3, v3  }
0x1c7: {  	v3 =	vbroadcast v3, $0x0;
	_ =	sdelay $0x2  }
0x1c8: {  	v2 =	vmul.f32 v51, v2  }
0x1c9: {  	s26 =	simm.s32 $0x4  }
0x1ca: {  	v52 =	vld [tilespmem:s22+$0xFFFFFFB0];
	[tilespmem:s22+$0xFFFFFFA0] =	vst v2;
	v2 =	vmov s26  }
0x1cb: {  	v3 =	vld.idx.msk [tilespmem:v3+s18+$0x0], $0xffff;
	v2 =	vshrl.u32 v2, $0x3  }
0x1cc: {  	v2 =	vshll.u32 v2, v1  }
0x1cd: {  	v2 =	vadd.s32 $0x4, v2  }
0x1ce: {  	v2 =	vbroadcast v2, $0x0;
	_ =	sdelay $0x1  }
0x1cf: {  	v3 =	vmul.f32 v52, v3  }
0x1d0: {  	s28 =	simm.s32 $0x5  }
0x1d1: {  	[tilespmem:s22+$0xFFFFFFB0] =	vst v3;
	v3 =	vmov s28  }
0x1d2: {  	v53 =	vld [tilespmem:s22+$0xFFFFFFC0];
	v3 =	vshrl.u32 v3, $0x3  }
0x1d3: {  	v2 =	vld.idx.msk [tilespmem:v2+s18+$0x0], $0xffff;
	v3 =	vshll.u32 v3, v1  }
0x1d4: {  	v3 =	vadd.s32 $0x5, v3  }
0x1d5: {  	v3 =	vbroadcast v3, $0x0;
	_ =	sdelay $0x2  }
0x1d6: {  	v2 =	vmul.f32 v53, v2  }
0x1d7: {  	s29 =	simm.s32 $0x6  }
0x1d8: {  	v54 =	vld [tilespmem:s22+$0xFFFFFFD0];
	[tilespmem:s22+$0xFFFFFFC0] =	vst v2;
	v2 =	vmov s29  }
0x1d9: {  	v3 =	vld.idx.msk [tilespmem:v3+s18+$0x0], $0xffff;
	v2 =	vshrl.u32 v2, $0x3  }
0x1da: {  	v2 =	vshll.u32 v2, v1  }
0x1db: {  	v2 =	vadd.s32 $0x6, v2  }
0x1dc: {  	v2 =	vbroadcast v2, $0x0;
	_ =	sdelay $0x1  }
0x1dd: {  	v3 =	vmul.f32 v54, v3  }
0x1de: {  	s30 =	simm.s32 $0x7  }
0x1df: {  	[tilespmem:s22+$0xFFFFFFD0] =	vst v3;
	v3 =	vmov s30  }
0x1e0: {  	v55 =	vld [tilespmem:s22+$0xFFFFFFE0];
	v3 =	vshrl.u32 v3, $0x3  }
0x1e1: {  	v2 =	vld.idx.msk [tilespmem:v2+s18+$0x0], $0xffff;
	v3 =	vshll.u32 v3, v1  }
0x1e2: {  	v3 =	vadd.s32 $0x7, v3  }
0x1e3: {  	v3 =	vbroadcast v3, $0x0;
	_ =	sdelay $0x2  }
0x1e4: {  	v2 =	vmul.f32 v55, v2;
	_ =	sdelay $0x1  }
0x1e5: {  	s31 =	simm.s32 $0x8;
	[tilespmem:s22+$0xFFFFFFE0] =	vst v2  }
0x1e6: {  	v2 =	vld.idx.msk [tilespmem:v3+s18+$0x0], $0xffff;
	v3 =	vmov s31  }
0x1e7: {  	v56 =	vld [tilespmem:s22+$0xFFFFFFF0];
	v3 =	vshrl.u32 v3, $0x3  }
0x1e8: {  	v3 =	vshll.u32 v3, v1  }
0x1e9: {  	v3 =	vbroadcast v3, $0x0;
	_ =	sdelay $0x2  }
0x1ea: {  	v2 =	vmul.f32 v56, v2  }
0x1eb: {  	s24 =	simm.s32 $0x9  }
0x1ec: {  	v57 =	vld [tilespmem:s22+$0x0];
	[tilespmem:s22+$0xFFFFFFF0] =	vst v2;
	v2 =	vmov s24  }
0x1ed: {  	v2 =	vshrl.u32 v2, $0x3;
	v3 =	vld.idx.msk [tilespmem:v3+s18+$0x0], $0xffff  }
0x1ee: {  	v2 =	vshll.u32 v2, v1  }
0x1ef: {  	v2 =	vadd.s32 $0x1, v2  }
0x1f0: {  	v2 =	vbroadcast v2, $0x0;
	_ =	sdelay $0x1  }
0x1f1: {  	v3 =	vmul.f32 v57, v3  }
0x1f2: {  	s25 =	simm.s32 $0xA  }
0x1f3: {  	[tilespmem:s22+$0x0] =	vst v3;
	v3 =	vmov s25  }
0x1f4: {  	v58 =	vld [tilespmem:s22+$0x10];
	v3 =	vshrl.u32 v3, $0x3  }
0x1f5: {  	v2 =	vld.idx.msk [tilespmem:v2+s18+$0x0], $0xffff;
	v3 =	vshll.u32 v3, v1  }
0x1f6: {  	v3 =	vadd.s32 $0x2, v3  }
0x1f7: {  	v3 =	vbroadcast v3, $0x0;
	_ =	sdelay $0x2  }
0x1f8: {  	v2 =	vmul.f32 v58, v2  }
0x1f9: {  	s26 =	simm.s32 $0xB  }
0x1fa: {  	v59 =	vld [tilespmem:s22+$0x20];
	[tilespmem:s22+$0x10] =	vst v2;
	v2 =	vmov s26  }
0x1fb: {  	v2 =	vshrl.u32 v2, $0x3;
	v3 =	vld.idx.msk [tilespmem:v3+s18+$0x0], $0xffff  }
0x1fc: {  	v2 =	vshll.u32 v2, v1  }
0x1fd: {  	v2 =	vadd.s32 $0x3, v2  }
0x1fe: {  	v2 =	vbroadcast v2, $0x0;
	_ =	sdelay $0x1  }
0x1ff: {  	v3 =	vmul.f32 v59, v3  }
0x200: {  	s28 =	simm.s32 $0xC  }
0x201: {  	[tilespmem:s22+$0x20] =	vst v3;
	v3 =	vmov s28  }
0x202: {  	v60 =	vld [tilespmem:s22+$0x30];
	v3 =	vshrl.u32 v3, $0x3  }
0x203: {  	v2 =	vld.idx.msk [tilespmem:v2+s18+$0x0], $0xffff;
	v3 =	vshll.u32 v3, v1  }
0x204: {  	v3 =	vadd.s32 $0x4, v3  }
0x205: {  	v3 =	vbroadcast v3, $0x0;
	_ =	sdelay $0x2  }
0x206: {  	v2 =	vmul.f32 v60, v2  }
0x207: {  	s29 =	simm.s32 $0xD  }
0x208: {  	v61 =	vld [tilespmem:s22+$0x40];
	[tilespmem:s22+$0x30] =	vst v2;
	v2 =	vmov s29  }
0x209: {  	v2 =	vshrl.u32 v2, $0x3;
	v3 =	vld.idx.msk [tilespmem:v3+s18+$0x0], $0xffff  }
0x20a: {  	v2 =	vshll.u32 v2, v1  }
0x20b: {  	v2 =	vadd.s32 $0x5, v2  }
0x20c: {  	v2 =	vbroadcast v2, $0x0;
	_ =	sdelay $0x1  }
0x20d: {  	v3 =	vmul.f32 v61, v3  }
0x20e: {  	s30 =	simm.s32 $0xE  }
0x20f: {  	[tilespmem:s22+$0x40] =	vst v3;
	v3 =	vmov s30  }
0x210: {  	v62 =	vld [tilespmem:s22+$0x50];
	v3 =	vshrl.u32 v3, $0x3  }
0x211: {  	v2 =	vld.idx.msk [tilespmem:v2+s18+$0x0], $0xffff;
	v3 =	vshll.u32 v3, v1  }
0x212: {  	v3 =	vadd.s32 $0x6, v3  }
0x213: {  	v3 =	vbroadcast v3, $0x0;
	_ =	sdelay $0x2  }
0x214: {  	v2 =	vmul.f32 v62, v2;
	_ =	sdelay $0x1  }
0x215: {  	[tilespmem:s22+$0x50] =	vst v2  }
0x216: {  	v2 =	vld.idx.msk [tilespmem:v3+s18+$0x0], $0xffff  }
0x217: {  	v3 =	vld [tilespmem:s22+$0x60]  }
0x218: {  	s31 =	simm.s32 $0xF  }
0x219: {  	v63 =	vmov s31  }
0x21a: {  	v4 =	vshrl.u32 v63, $0x3  }
0x21b: {  	v4 =	vshll.u32 v4, v1  }
0x21c: {  	v3 =	vmul.f32 v3, v2;
	v2 =	vadd.s32 $0x7, v4  }
0x21d: {  	v2 =	vbroadcast v2, $0x0;
	_ =	sdelay $0x4  }
0x21e: {  	s23 =	simm.s32 $0x1F;
	s24 =	simm.s32 $0x2F;
	s25 =	simm.s32 $0x10;
	[tilespmem:s22+$0x60] =	vst v3  }
.LBB2_9:
0x21f: {  	p2 =	sne.s32 s24, $0x31F;
	v3 =	vmov s25;
	v2 =	vld.idx.msk [tilespmem:v2+s18+$0x0], $0xffff  }
0x220: {  	v3 =	vshrl.u32 v3, $0x3;
	v4 =	vld [tilespmem:s22+$0x70]  }
0x221: {  	v3 =	vshll.u32 v3, v1  }
0x222: {  	v3 =	vbroadcast v3, $0x0;
	_ =	sdelay $0x2  }
0x223: {  	v2 =	vmul.f32 v4, v2  }
0x224: {  	s25 =	sadd.s32 $0xFFFFFFF2, s23  }
0x225: {  	v4 =	vmov s25;
	[tilespmem:s22+$0x70] =	vst v2  }
0x226: {  	s22 =	sadd.s32 $0x100, s22;
	v2 =	vld.idx.msk [tilespmem:v3+s18+$0x0], $0xffff;
	v3 =	vshrl.u32 v4, $0x3  }
0x227: {  	v4 =	vld [tilespmem:s22+$0xFFFFFF80];
	v3 =	vshll.u32 v3, v1  }
0x228: {  	v3 =	vadd.s32 $0x1, v3  }
0x229: {  	v3 =	vbroadcast v3, $0x0;
	_ =	sdelay $0x2  }
0x22a: {  	v2 =	vmul.f32 v4, v2  }
0x22b: {  	s25 =	sadd.s32 $0xFFFFFFF3, s23  }
0x22c: {  	[tilespmem:s22+$0xFFFFFF80] =	vst v2;
	v2 =	vmov s25  }
0x22d: {  	v3 =	vld.idx.msk [tilespmem:v3+s18+$0x0], $0xffff;
	v2 =	vshrl.u32 v2, $0x3  }
0x22e: {  	v4 =	vld [tilespmem:s22+$0xFFFFFF90];
	v2 =	vshll.u32 v2, v1  }
0x22f: {  	v2 =	vadd.s32 $0x2, v2  }
0x230: {  	v2 =	vbroadcast v2, $0x0;
	_ =	sdelay $0x2  }
0x231: {  	v3 =	vmul.f32 v4, v3  }
0x232: {  	s25 =	sadd.s32 $0xFFFFFFF4, s23  }
0x233: {  	[tilespmem:s22+$0xFFFFFF90] =	vst v3;
	v3 =	vmov s25  }
0x234: {  	v2 =	vld.idx.msk [tilespmem:v2+s18+$0x0], $0xffff;
	v3 =	vshrl.u32 v3, $0x3  }
0x235: {  	v4 =	vld [tilespmem:s22+$0xFFFFFFA0];
	v3 =	vshll.u32 v3, v1  }
0x236: {  	v3 =	vadd.s32 $0x3, v3  }
0x237: {  	v3 =	vbroadcast v3, $0x0;
	_ =	sdelay $0x2  }
0x238: {  	v2 =	vmul.f32 v4, v2  }
0x239: {  	s25 =	sadd.s32 $0xFFFFFFF5, s23  }
0x23a: {  	[tilespmem:s22+$0xFFFFFFA0] =	vst v2;
	v2 =	vmov s25  }
0x23b: {  	v3 =	vld.idx.msk [tilespmem:v3+s18+$0x0], $0xffff;
	v2 =	vshrl.u32 v2, $0x3  }
0x23c: {  	v4 =	vld [tilespmem:s22+$0xFFFFFFB0];
	v2 =	vshll.u32 v2, v1  }
0x23d: {  	v2 =	vadd.s32 $0x4, v2  }
0x23e: {  	v2 =	vbroadcast v2, $0x0;
	_ =	sdelay $0x2  }
0x23f: {  	v3 =	vmul.f32 v4, v3  }
0x240: {  	s25 =	sadd.s32 $0xFFFFFFF6, s23  }
0x241: {  	[tilespmem:s22+$0xFFFFFFB0] =	vst v3;
	v3 =	vmov s25  }
0x242: {  	v2 =	vld.idx.msk [tilespmem:v2+s18+$0x0], $0xffff;
	v3 =	vshrl.u32 v3, $0x3  }
0x243: {  	v4 =	vld [tilespmem:s22+$0xFFFFFFC0];
	v3 =	vshll.u32 v3, v1  }
0x244: {  	v3 =	vadd.s32 $0x5, v3  }
0x245: {  	v3 =	vbroadcast v3, $0x0;
	_ =	sdelay $0x2  }
0x246: {  	v2 =	vmul.f32 v4, v2  }
0x247: {  	s25 =	sadd.s32 $0xFFFFFFF7, s23  }
0x248: {  	[tilespmem:s22+$0xFFFFFFC0] =	vst v2;
	v2 =	vmov s25  }
0x249: {  	v3 =	vld.idx.msk [tilespmem:v3+s18+$0x0], $0xffff;
	v2 =	vshrl.u32 v2, $0x3  }
0x24a: {  	v4 =	vld [tilespmem:s22+$0xFFFFFFD0];
	v2 =	vshll.u32 v2, v1  }
0x24b: {  	v2 =	vadd.s32 $0x6, v2  }
0x24c: {  	v2 =	vbroadcast v2, $0x0;
	_ =	sdelay $0x2  }
0x24d: {  	v3 =	vmul.f32 v4, v3  }
0x24e: {  	s25 =	sadd.s32 $0xFFFFFFF8, s23  }
0x24f: {  	[tilespmem:s22+$0xFFFFFFD0] =	vst v3;
	v3 =	vmov s25  }
0x250: {  	v2 =	vld.idx.msk [tilespmem:v2+s18+$0x0], $0xffff;
	v3 =	vshrl.u32 v3, $0x3  }
0x251: {  	v4 =	vld [tilespmem:s22+$0xFFFFFFE0];
	v3 =	vshll.u32 v3, v1  }
0x252: {  	v3 =	vadd.s32 $0x7, v3  }
0x253: {  	v3 =	vbroadcast v3, $0x0;
	_ =	sdelay $0x2  }
0x254: {  	v2 =	vmul.f32 v4, v2;
	_ =	sdelay $0x1  }
0x255: {  	s25 =	sadd.s32 $0xFFFFFFF9, s23;
	[tilespmem:s22+$0xFFFFFFE0] =	vst v2  }
0x256: {  	v2 =	vld.idx.msk [tilespmem:v3+s18+$0x0], $0xffff;
	v3 =	vmov s25  }
0x257: {  	v4 =	vld [tilespmem:s22+$0xFFFFFFF0];
	v3 =	vshrl.u32 v3, $0x3  }
0x258: {  	v3 =	vshll.u32 v3, v1  }
0x259: {  	v3 =	vbroadcast v3, $0x0;
	_ =	sdelay $0x2  }
0x25a: {  	v2 =	vmul.f32 v4, v2  }
0x25b: {  	s25 =	sadd.s32 $0xFFFFFFFA, s23  }
0x25c: {  	[tilespmem:s22+$0xFFFFFFF0] =	vst v2;
	v2 =	vmov s25  }
0x25d: {  	v3 =	vld.idx.msk [tilespmem:v3+s18+$0x0], $0xffff;
	v2 =	vshrl.u32 v2, $0x3  }
0x25e: {  	v4 =	vld [tilespmem:s22+$0x0];
	v2 =	vshll.u32 v2, v1  }
0x25f: {  	v2 =	vadd.s32 $0x1, v2  }
0x260: {  	v2 =	vbroadcast v2, $0x0;
	_ =	sdelay $0x2  }
0x261: {  	v3 =	vmul.f32 v4, v3  }
0x262: {  	s25 =	sadd.s32 $0xFFFFFFFB, s23  }
0x263: {  	[tilespmem:s22+$0x0] =	vst v3;
	v3 =	vmov s25  }
0x264: {  	v2 =	vld.idx.msk [tilespmem:v2+s18+$0x0], $0xffff;
	v3 =	vshrl.u32 v3, $0x3  }
0x265: {  	v4 =	vld [tilespmem:s22+$0x10];
	v3 =	vshll.u32 v3, v1  }
0x266: {  	v3 =	vadd.s32 $0x2, v3  }
0x267: {  	v3 =	vbroadcast v3, $0x0;
	_ =	sdelay $0x2  }
0x268: {  	v2 =	vmul.f32 v4, v2  }
0x269: {  	s25 =	sadd.s32 $0xFFFFFFFC, s23  }
0x26a: {  	[tilespmem:s22+$0x10] =	vst v2;
	v2 =	vmov s25  }
0x26b: {  	v3 =	vld.idx.msk [tilespmem:v3+s18+$0x0], $0xffff;
	v2 =	vshrl.u32 v2, $0x3  }
0x26c: {  	v4 =	vld [tilespmem:s22+$0x20];
	v2 =	vshll.u32 v2, v1  }
0x26d: {  	v2 =	vadd.s32 $0x3, v2  }
0x26e: {  	v2 =	vbroadcast v2, $0x0;
	_ =	sdelay $0x2  }
0x26f: {  	v3 =	vmul.f32 v4, v3  }
0x270: {  	s25 =	sadd.s32 $0xFFFFFFFD, s23  }
0x271: {  	[tilespmem:s22+$0x20] =	vst v3;
	v3 =	vmov s25  }
0x272: {  	v2 =	vld.idx.msk [tilespmem:v2+s18+$0x0], $0xffff;
	v3 =	vshrl.u32 v3, $0x3  }
0x273: {  	v4 =	vld [tilespmem:s22+$0x30];
	v3 =	vshll.u32 v3, v1  }
0x274: {  	v3 =	vadd.s32 $0x4, v3  }
0x275: {  	v3 =	vbroadcast v3, $0x0;
	_ =	sdelay $0x2  }
0x276: {  	v2 =	vmul.f32 v4, v2  }
0x277: {  	s25 =	sadd.s32 $0xFFFFFFFE, s23  }
0x278: {  	[tilespmem:s22+$0x30] =	vst v2;
	v2 =	vmov s25  }
0x279: {  	v3 =	vld.idx.msk [tilespmem:v3+s18+$0x0], $0xffff;
	v2 =	vshrl.u32 v2, $0x3  }
0x27a: {  	v4 =	vld [tilespmem:s22+$0x40];
	v2 =	vshll.u32 v2, v1  }
0x27b: {  	v2 =	vadd.s32 $0x5, v2  }
0x27c: {  	v2 =	vbroadcast v2, $0x0;
	_ =	sdelay $0x2  }
0x27d: {  	v3 =	vmul.f32 v4, v3  }
0x27e: {  	s25 =	sadd.s32 $0xFFFFFFFF, s23  }
0x27f: {  	[tilespmem:s22+$0x40] =	vst v3;
	v3 =	vmov s25  }
0x280: {  	v2 =	vld.idx.msk [tilespmem:v2+s18+$0x0], $0xffff;
	v3 =	vshrl.u32 v3, $0x3  }
0x281: {  	v4 =	vld [tilespmem:s22+$0x50];
	v3 =	vshll.u32 v3, v1  }
0x282: {  	v3 =	vadd.s32 $0x6, v3  }
0x283: {  	v3 =	vbroadcast v3, $0x0;
	_ =	sdelay $0x2  }
0x284: {  	v2 =	vmul.f32 v4, v2;
	_ =	sdelay $0x1  }
0x285: {  	[tilespmem:s22+$0x50] =	vst v2;
	v2 =	vmov s23;
	s23 =	smov.u32 s24  }
0x286: {  	v3 =	vld.idx.msk [tilespmem:v3+s18+$0x0], $0xffff;
	v2 =	vshrl.u32 v2, $0x3  }
0x287: {  	v4 =	vld [tilespmem:s22+$0x60];
	v2 =	vshll.u32 v2, v1  }
0x288: {  	v2 =	vadd.s32 $0x7, v2  }
0x289: {  	v2 =	vbroadcast v2, $0x0  }
.Ltmp13:
0x28a: {  	(pc) =	sbr.rel @p2 .LBB2_9-.Ltmp13, $3  }
0x28b: {  	_ = 	snop  }
0x28c: {  	v3 =	vmul.f32 v4, v3;
	_ =	sdelay $0x1  }
0x28d: {  	s24 =	sadd.s32 $0x10, s24;
	s25 =	sadd.s32 $0xFFFFFFF1, s23;
	[tilespmem:s22+$0x60] =	vst v3  }
0x28e: {  	_ =	sdelay $0x3  }
0x28f: {  	v3 =	vmov s25;
	v2 =	vld.idx.msk [tilespmem:v2+s18+$0x0], $0xffff  }
0x290: {  	v4 =	vld [tilespmem:s22+$0x70];
	v3 =	vshrl.u32 v3, $0x3  }
0x291: {  	v3 =	vshll.u32 v3, v1  }
0x292: {  	v3 =	vbroadcast v3, $0x0;
	_ =	sdelay $0x2  }
0x293: {  	v2 =	vmul.f32 v4, v2  }
0x294: {  	s24 =	sadd.s32 $0xFFFFFFF2, s23  }
0x295: {  	v48 =	vmov s24;
	[tilespmem:s22+$0x70] =	vst v2  }
0x296: {  	s22 =	sadd.s32 $0x100, s22;
	v2 =	vld.idx.msk [tilespmem:v3+s18+$0x0], $0xffff;
	v3 =	vshrl.u32 v48, $0x3  }
0x297: {  	v49 =	vld [tilespmem:s22+$0xFFFFFF80];
	v3 =	vshll.u32 v3, v1  }
0x298: {  	v3 =	vadd.s32 $0x1, v3  }
0x299: {  	v3 =	vbroadcast v3, $0x0;
	_ =	sdelay $0x2  }
0x29a: {  	v2 =	vmul.f32 v49, v2  }
0x29b: {  	s31 =	sadd.s32 $0xFFFFFFF3, s23  }
0x29c: {  	v50 =	vld [tilespmem:s22+$0xFFFFFF90];
	[tilespmem:s22+$0xFFFFFF80] =	vst v2;
	v2 =	vmov s31  }
0x29d: {  	v2 =	vshrl.u32 v2, $0x3;
	v3 =	vld.idx.msk [tilespmem:v3+s18+$0x0], $0xffff  }
0x29e: {  	v2 =	vshll.u32 v2, v1  }
0x29f: {  	v2 =	vadd.s32 $0x2, v2  }
0x2a0: {  	v2 =	vbroadcast v2, $0x0;
	_ =	sdelay $0x1  }
0x2a1: {  	v3 =	vmul.f32 v50, v3  }
0x2a2: {  	s25 =	sadd.s32 $0xFFFFFFF4, s23  }
0x2a3: {  	[tilespmem:s22+$0xFFFFFF90] =	vst v3;
	v3 =	vmov s25  }
0x2a4: {  	v51 =	vld [tilespmem:s22+$0xFFFFFFA0];
	v3 =	vshrl.u32 v3, $0x3  }
0x2a5: {  	v2 =	vld.idx.msk [tilespmem:v2+s18+$0x0], $0xffff;
	v3 =	vshll.u32 v3, v1  }
0x2a6: {  	v3 =	vadd.s32 $0x3, v3  }
0x2a7: {  	v3 =	vbroadcast v3, $0x0;
	_ =	sdelay $0x2  }
0x2a8: {  	v2 =	vmul.f32 v51, v2  }
0x2a9: {  	s26 =	sadd.s32 $0xFFFFFFF5, s23  }
0x2aa: {  	v52 =	vld [tilespmem:s22+$0xFFFFFFB0];
	[tilespmem:s22+$0xFFFFFFA0] =	vst v2;
	v2 =	vmov s26  }
0x2ab: {  	v2 =	vshrl.u32 v2, $0x3;
	v3 =	vld.idx.msk [tilespmem:v3+s18+$0x0], $0xffff  }
0x2ac: {  	v2 =	vshll.u32 v2, v1  }
0x2ad: {  	v2 =	vadd.s32 $0x4, v2  }
0x2ae: {  	v2 =	vbroadcast v2, $0x0;
	_ =	sdelay $0x1  }
0x2af: {  	v3 =	vmul.f32 v52, v3  }
0x2b0: {  	s28 =	sadd.s32 $0xFFFFFFF6, s23  }
0x2b1: {  	[tilespmem:s22+$0xFFFFFFB0] =	vst v3;
	v3 =	vmov s28  }
0x2b2: {  	v53 =	vld [tilespmem:s22+$0xFFFFFFC0];
	v3 =	vshrl.u32 v3, $0x3  }
0x2b3: {  	v2 =	vld.idx.msk [tilespmem:v2+s18+$0x0], $0xffff;
	v3 =	vshll.u32 v3, v1  }
0x2b4: {  	v3 =	vadd.s32 $0x5, v3  }
0x2b5: {  	v3 =	vbroadcast v3, $0x0;
	_ =	sdelay $0x2  }
0x2b6: {  	v2 =	vmul.f32 v53, v2  }
0x2b7: {  	s29 =	sadd.s32 $0xFFFFFFF7, s23  }
0x2b8: {  	v54 =	vld [tilespmem:s22+$0xFFFFFFD0];
	[tilespmem:s22+$0xFFFFFFC0] =	vst v2;
	v2 =	vmov s29  }
0x2b9: {  	v2 =	vshrl.u32 v2, $0x3;
	v3 =	vld.idx.msk [tilespmem:v3+s18+$0x0], $0xffff  }
0x2ba: {  	v2 =	vshll.u32 v2, v1  }
0x2bb: {  	v2 =	vadd.s32 $0x6, v2  }
0x2bc: {  	v2 =	vbroadcast v2, $0x0;
	_ =	sdelay $0x1  }
0x2bd: {  	v3 =	vmul.f32 v54, v3  }
0x2be: {  	s30 =	sadd.s32 $0xFFFFFFF8, s23  }
0x2bf: {  	[tilespmem:s22+$0xFFFFFFD0] =	vst v3;
	v3 =	vmov s30  }
0x2c0: {  	v55 =	vld [tilespmem:s22+$0xFFFFFFE0];
	v3 =	vshrl.u32 v3, $0x3  }
0x2c1: {  	v2 =	vld.idx.msk [tilespmem:v2+s18+$0x0], $0xffff;
	v3 =	vshll.u32 v3, v1  }
0x2c2: {  	v3 =	vadd.s32 $0x7, v3  }
0x2c3: {  	v3 =	vbroadcast v3, $0x0;
	_ =	sdelay $0x2  }
0x2c4: {  	v2 =	vmul.f32 v55, v2;
	_ =	sdelay $0x1  }
0x2c5: {  	v56 =	vld [tilespmem:s22+$0xFFFFFFF0];
	s31 =	sadd.s32 $0xFFFFFFF9, s23;
	[tilespmem:s22+$0xFFFFFFE0] =	vst v2  }
0x2c6: {  	v2 =	vld.idx.msk [tilespmem:v3+s18+$0x0], $0xffff;
	v3 =	vmov s31  }
0x2c7: {  	v3 =	vshrl.u32 v3, $0x3  }
0x2c8: {  	v3 =	vshll.u32 v3, v1  }
0x2c9: {  	v3 =	vbroadcast v3, $0x0;
	_ =	sdelay $0x1  }
0x2ca: {  	v2 =	vmul.f32 v56, v2  }
0x2cb: {  	s25 =	sadd.s32 $0xFFFFFFFA, s23  }
0x2cc: {  	[tilespmem:s22+$0xFFFFFFF0] =	vst v2;
	v2 =	vmov s25  }
0x2cd: {  	v57 =	vld [tilespmem:s22+$0x0];
	v2 =	vshrl.u32 v2, $0x3  }
0x2ce: {  	v3 =	vld.idx.msk [tilespmem:v3+s18+$0x0], $0xffff;
	v2 =	vshll.u32 v2, v1  }
0x2cf: {  	v2 =	vadd.s32 $0x1, v2  }
0x2d0: {  	v2 =	vbroadcast v2, $0x0;
	_ =	sdelay $0x2  }
0x2d1: {  	v3 =	vmul.f32 v57, v3  }
0x2d2: {  	s26 =	sadd.s32 $0xFFFFFFFB, s23  }
0x2d3: {  	v58 =	vld [tilespmem:s22+$0x10];
	[tilespmem:s22+$0x0] =	vst v3;
	v3 =	vmov s26  }
0x2d4: {  	v2 =	vld.idx.msk [tilespmem:v2+s18+$0x0], $0xffff;
	v3 =	vshrl.u32 v3, $0x3  }
0x2d5: {  	v3 =	vshll.u32 v3, v1  }
0x2d6: {  	v3 =	vadd.s32 $0x2, v3  }
0x2d7: {  	v3 =	vbroadcast v3, $0x0;
	_ =	sdelay $0x1  }
0x2d8: {  	v2 =	vmul.f32 v58, v2  }
0x2d9: {  	s28 =	sadd.s32 $0xFFFFFFFC, s23  }
0x2da: {  	[tilespmem:s22+$0x10] =	vst v2;
	v2 =	vmov s28  }
0x2db: {  	v59 =	vld [tilespmem:s22+$0x20];
	v2 =	vshrl.u32 v2, $0x3  }
0x2dc: {  	v3 =	vld.idx.msk [tilespmem:v3+s18+$0x0], $0xffff;
	v2 =	vshll.u32 v2, v1  }
0x2dd: {  	v2 =	vadd.s32 $0x3, v2  }
0x2de: {  	v2 =	vbroadcast v2, $0x0;
	_ =	sdelay $0x2  }
0x2df: {  	v3 =	vmul.f32 v59, v3  }
0x2e0: {  	s29 =	sadd.s32 $0xFFFFFFFD, s23  }
0x2e1: {  	v60 =	vld [tilespmem:s22+$0x30];
	[tilespmem:s22+$0x20] =	vst v3;
	v3 =	vmov s29  }
0x2e2: {  	v2 =	vld.idx.msk [tilespmem:v2+s18+$0x0], $0xffff;
	v3 =	vshrl.u32 v3, $0x3  }
0x2e3: {  	v3 =	vshll.u32 v3, v1  }
0x2e4: {  	v3 =	vadd.s32 $0x4, v3  }
0x2e5: {  	v3 =	vbroadcast v3, $0x0;
	_ =	sdelay $0x1  }
0x2e6: {  	v2 =	vmul.f32 v60, v2  }
0x2e7: {  	s30 =	sadd.s32 $0xFFFFFFFE, s23  }
0x2e8: {  	[tilespmem:s22+$0x30] =	vst v2;
	v2 =	vmov s30  }
0x2e9: {  	v61 =	vld [tilespmem:s22+$0x40];
	v2 =	vshrl.u32 v2, $0x3  }
0x2ea: {  	v3 =	vld.idx.msk [tilespmem:v3+s18+$0x0], $0xffff;
	v2 =	vshll.u32 v2, v1  }
0x2eb: {  	v2 =	vadd.s32 $0x5, v2  }
0x2ec: {  	v2 =	vbroadcast v2, $0x0;
	_ =	sdelay $0x2  }
0x2ed: {  	v3 =	vmul.f32 v61, v3  }
0x2ee: {  	s31 =	sadd.s32 $0xFFFFFFFF, s23  }
0x2ef: {  	v62 =	vld [tilespmem:s22+$0x50];
	[tilespmem:s22+$0x40] =	vst v3;
	v3 =	vmov s31  }
0x2f0: {  	v2 =	vld.idx.msk [tilespmem:v2+s18+$0x0], $0xffff;
	v3 =	vshrl.u32 v3, $0x3  }
0x2f1: {  	v3 =	vshll.u32 v3, v1  }
0x2f2: {  	v3 =	vadd.s32 $0x6, v3  }
0x2f3: {  	v3 =	vbroadcast v3, $0x0;
	_ =	sdelay $0x1  }
0x2f4: {  	v2 =	vmul.f32 v62, v2;
	_ =	sdelay $0x1  }
0x2f5: {  	[tilespmem:s22+$0x50] =	vst v2;
	v2 =	vmov s23  }
0x2f6: {  	v63 =	vld [tilespmem:s22+$0x60];
	v2 =	vshrl.u32 v2, $0x3  }
0x2f7: {  	v3 =	vld.idx.msk [tilespmem:v3+s18+$0x0], $0xffff;
	v2 =	vshll.u32 v2, v1  }
0x2f8: {  	v2 =	vadd.s32 $0x7, v2  }
0x2f9: {  	v2 =	vbroadcast v2, $0x0;
	_ =	sdelay $0x2  }
0x2fa: {  	v3 =	vmul.f32 v63, v3;
	_ =	sdelay $0x1  }
0x2fb: {  	[tilespmem:s22+$0x60] =	vst v3;
	v3 =	vld [tilespmem:s22+$0x70]  }
0x2fc: {  	v2 =	vld.idx.msk [tilespmem:v2+s18+$0x0], $0xffff;
	_ =	sdelay $0x4  }
0x2fd: {  	s21 =	sadd.s32 $0x1, s21;
	v2 =	vmul.f32 v3, v2  }
0x2fe: {  	p2 =	sne.s32 s21, $0x7D  }
.Ltmp14:
0x2ff: {  	[tilespmem:s22+$0x70] =	vst v2;
	(pc) =	sbr.rel @p2 .LBB2_8-.Ltmp14, $4  }
0x300: {  	[spmem:s3] =	stream.indirect.scatter.add.f32 [tilespmem:s15], [sflag:$0x2], $0x10, s17, s17, $0xb8;
	[tilespmem:$0x1C200] =	vst v63  }
0x301: {  	_ =	swait.ge [sflag:s16], $0x3200  }
0x302: {  	[sflag:s16] =	ssyncset.done $0x0  }
0x303: {  	[sflag:s16] =	ssyncadd.s32 $0xFFFFCE00  }
.Ltmp15:
0x304: {  	(pc) =	sbr.rel @p1 .LBB2_22-.Ltmp15, $2  }
0x305: {  	_ =	sdelay $0x1  }
0x306: {  	[bflag:$0x0] =	sbarrier.arrive $0xFFFF;
	_ =	sdelay $0x1  }
0x307: {  	p2 =	seq.s32 s9, $0x1  }
.Ltmp16:
0x308: {  	_ = 	snop;
	(pc) =	sbr.rel @p2 .LBB2_14-.Ltmp16, $4  }
0x309: {  	s21 =	sshll.u32 s2, $0x6  }
0x30a: {  	s22 =	sshrl.u32 s12, $0x3;
	s23 =	sadd.s32 $0x3200, s12;
	s21 =	sor.u32 $0x1C02, s21  }
0x30b: {  	[hbm:s13], [sflag:s21] =	dma.local [spmem:s22], $0x640  }
0x30c: {  	s24 =	smov.u32 s13;
	s22 =	sadd.s32 $0xFFFFFFFF, s9;
	_ =	swait.ge [sflag:s16], $0x640  }
.LBB2_13:
0x30d: {  	[sflag:s16] =	ssyncset.done $0x0;
	s24 =	sadd.s32 $0x640, s24;
	p2 =	seq.s32 s22, $0x1  }
.Ltmp17:
0x30e: {  	s25 =	sshrl.u32 s23, $0x3;
	[sflag:s16] =	ssyncadd.s32 $0xFFFFF9C0;
	(pc) =	sbr.rel @!p2 .LBB2_13-.Ltmp17, $3  }
0x30f: {  	[hbm:s24], [sflag:s21] =	dma.local [spmem:s25], $0x640  }
0x310: {  	s22 =	sadd.s32 $0xFFFFFFFF, s22;
	_ =	sdelay $0x1  }
0x311: {  	s23 =	sadd.s32 $0x3200, s23;
	_ =	swait.ge [sflag:s16], $0x640  }
.LBB2_14:
.Ltmp18:
0x312: {  	(pc) =	sbr.rel .LBB2_22-.Ltmp18, $3  }
0x313: {  	_ =	sdelay $0x1  }
0x314: {  	[sflag:s16] =	ssyncset.done $0x0  }
0x315: {  	[sflag:s16] =	ssyncadd.s32 $0xFFFFF9C0  }
.LBB2_23:
0x316: {  	_ =	sfence.sel $0x180000  }
0x317: {  	[bflag:$0x0] =	sbarrier.arrive $0xFFFF  }
0x318: {  	p0 =	sne.s32 s2, $0x0;
	_ =	strace $0x9000004A  }
0x319: {  	s0 =	sadd.s32 @!p0 $0x100000, s0;
	[bflag:$0x2] =	sbarrier.arrive $0xFFFF  }
0x31a: {  	[sflag:s0] =	ssyncadd.tile.s32 @!p0 $0x1;
	_ =	shalt  }
.Lfunc_end2:
_tile_overlayer_lowered:
.L_overlay_start_2:
0x31b: {  	(tag) =	ssettag $0x2  }
0x31c: {  	s0 =	rddreg [dreg:$0x0];
	s2 =	stileid.u32  }
0x31d: {  	s1 =	rddreg [dreg:$0x1];
	p0 =	sne.s32 s2, $0x0  }
0x31e: {  	s3 =	rddreg [dreg:$0x2];
	[bflag:$0x3] =	sbarrier.arrive $0xFFFF;
	s2 =	simm.s32 @!p0 $0x1C02  }
0x31f: {  	[timem:s3], [sflag:s2] =	dma.local @!p0 [hbm:s0], s1  }
0x320: {  	s0 =	simm.s32 @!p0 $0x2  }
0x321: {  	_ =	swait.ge @!p0 [sflag:s0], s1  }
0x322: {  	s1 =	ssub.s32 @!p0 $0x0, s1;
	[sflag:s0] =	ssyncset.done @!p0 $0x0  }
0x323: {  	[sflag:s0] =	ssyncadd.s32 @!p0 s1  }
0x324: {  	[bflag:$0x3] =	sbarrier.arrive $0xFFFF  }
0x325: {  	_ =	shalt  }

</sc_bundles>
